<compile_context>
chip_gen: v7x
topology: tpu7x:2x2x1
jax: 0.10.2.dev20260603
libtpu: 0.0.44.dev20260713+nightly
codegen_flags: <defaults>
</compile_context>

<pallas_src>
import functools

import numpy as np
import jax
import jax.numpy as jnp
from jax import lax
from jax.experimental import pallas as pl
from jax.experimental.pallas import tpu as pltpu
from jax.experimental.pallas import tpu_sc as plsc

_N = 10000
_NP = 10240
_E = 160000
_F_IN = 128
_EMB = 16
_HID = 32
_VOCAB = 12
_K = 33

_NW = 32
_NT = 16
_CH = 128
_BE = 1600


def _expansion_consts(out_ch):
    s = np.zeros((32, _K * out_ch), np.float32)
    for k in range(32):
        s[k, k * out_ch:(k + 1) * out_ch] = 1.0
    c = np.zeros((1, _K * out_ch), np.float32)
    c[0, 32 * out_ch:] = 1.0
    r = np.zeros((_K * out_ch, 128), np.float32)
    for k in range(_K):
        for o in range(out_ch):
            r[k * out_ch + o, o] = 1.0
    return s, c, r


_S1_np, _C1_np, _R1_np = _expansion_consts(_EMB)
_S2_np, _C2_np, _R2_np = _expansion_consts(_HID)
_E16_np = np.zeros((1, 128), np.float32)
_E16_np[0, 16] = 1.0



_NBUF = 4
_NBUF_SC = 2


def _sc_gather(table, idx, d):
    e = idx.shape[0]
    n_chunks = e // _CH
    iters = (n_chunks + _NW - 1) // _NW
    full = n_chunks // _NW
    ss = full // _NBUF
    mesh = plsc.VectorSubcoreMesh(core_axis_name="c", subcore_axis_name="s")

    @functools.partial(
        pl.kernel,
        out_type=jax.ShapeDtypeStruct((e, d), jnp.float32),
        mesh=mesh,
        scratch_types=[
            pltpu.VMEM((_NBUF, _CH), jnp.int32),
            pltpu.VMEM((_NBUF, _CH, d), jnp.float32),
            pltpu.SemaphoreType.DMA,
            pltpu.SemaphoreType.DMA,
            pltpu.SemaphoreType.DMA,
        ],
    )
    def gk(table_hbm, idx_hbm, out_hbm, idx_b, rows_b, isem, gsem, wsem):
        wid = lax.axis_index("s") * 2 + lax.axis_index("c")

        def superstep(s, carry):
            i0 = s * _NBUF

            def base(j):
                return ((i0 + j) * _NW + wid) * _CH

            for j in range(_NBUF):
                pltpu.async_copy(idx_hbm.at[pl.ds(base(j), _CH)],
                                 idx_b.at[j], isem)
            for j in range(_NBUF):
                pltpu.make_async_copy(idx_hbm.at[pl.ds(base(j), _CH)],
                                      idx_b.at[j], isem).wait()
            for j in range(_NBUF):
                pltpu.async_copy(table_hbm.at[idx_b.at[j]], rows_b.at[j],
                                 gsem)
            for j in range(_NBUF):
                pltpu.make_async_copy(table_hbm.at[idx_b.at[j]],
                                      rows_b.at[j], gsem).wait()
            for j in range(_NBUF):
                pltpu.async_copy(rows_b.at[j],
                                 out_hbm.at[pl.ds(base(j), _CH)], wsem)
            for j in range(_NBUF):
                pltpu.make_async_copy(rows_b.at[j],
                                      out_hbm.at[pl.ds(base(j), _CH)],
                                      wsem).wait()
            return carry

        lax.fori_loop(0, ss, superstep, 0)

        def tail(i, carry):
            c = i * _NW + wid

            @pl.when(c < n_chunks)
            def _():
                b = c * _CH
                pltpu.sync_copy(idx_hbm.at[pl.ds(b, _CH)], idx_b.at[0])
                pltpu.async_copy(table_hbm.at[idx_b.at[0]], rows_b.at[0],
                                 gsem).wait()
                pltpu.sync_copy(rows_b.at[0], out_hbm.at[pl.ds(b, _CH)])

            return carry

        lax.fori_loop(ss * _NBUF, iters, tail, 0)

    return gk(table, idx)


def _sc_scatter_add(vals, idx, zeros_init):
    e = vals.shape[0]
    n_chunks = e // _CH
    iters = (n_chunks + _NW - 1) // _NW
    rpt = _NP // _NT
    mesh = plsc.VectorSubcoreMesh(core_axis_name="c", subcore_axis_name="s")

    @functools.partial(
        pl.kernel,
        out_type=jax.ShapeDtypeStruct((2 * _NP, 128), jnp.float32),
        mesh=mesh,
        scratch_types=[
            pltpu.VMEM((_NBUF_SC, _CH), jnp.int32),
            pltpu.VMEM((_NBUF_SC, _CH, 128), jnp.float32),
            pltpu.VMEM_SHARED((_NP, 128), jnp.float32),
            pltpu.SemaphoreType.DMA,
            pltpu.SemaphoreType.DMA,
            pltpu.SemaphoreType.DMA,
        ],
    )
    def sk(vals_hbm, idx_hbm, zeros_hbm, out_hbm, idx_b, rows_b, acc_sh,
           isem, vsem, ssem):
        nbuf = _NBUF_SC
        cid = lax.axis_index("c")
        sid = lax.axis_index("s")
        wid = sid * 2 + cid

        pltpu.sync_copy(zeros_hbm.at[pl.ds(sid * rpt, rpt)],
                        acc_sh.at[pl.ds(sid * rpt, rpt)])
        plsc.subcore_barrier()

        full = n_chunks // _NW
        ss = full // nbuf

        def superstep(s, carry):
            i0 = s * nbuf

            def base(j):
                return ((i0 + j) * _NW + wid) * _CH

            for j in range(nbuf):
                pltpu.async_copy(idx_hbm.at[pl.ds(base(j), _CH)],
                                 idx_b.at[j], isem)
                pltpu.async_copy(vals_hbm.at[pl.ds(base(j), _CH)],
                                 rows_b.at[j], vsem)
            for j in range(nbuf):
                pltpu.make_async_copy(idx_hbm.at[pl.ds(base(j), _CH)],
                                      idx_b.at[j], isem).wait()
                pltpu.make_async_copy(vals_hbm.at[pl.ds(base(j), _CH)],
                                      rows_b.at[j], vsem).wait()
            for j in range(nbuf):
                pltpu.async_copy(rows_b.at[j], acc_sh.at[idx_b.at[j]],
                                 ssem, add=True)
            for j in range(nbuf):
                pltpu.make_async_copy(rows_b.at[j], acc_sh.at[idx_b.at[j]],
                                      ssem).wait()
            return carry

        lax.fori_loop(0, ss, superstep, 0)

        def tail(i, carry):
            c = i * _NW + wid

            @pl.when(c < n_chunks)
            def _():
                b = c * _CH
                pltpu.sync_copy(idx_hbm.at[pl.ds(b, _CH)], idx_b.at[0])
                pltpu.sync_copy(vals_hbm.at[pl.ds(b, _CH)], rows_b.at[0])
                pltpu.sync_copy(rows_b.at[0], acc_sh.at[idx_b.at[0]],
                                add=True)

            return carry

        lax.fori_loop(ss * nbuf, iters, tail, 0)
        plsc.subcore_barrier()
        pltpu.sync_copy(acc_sh.at[pl.ds(sid * rpt, rpt)],
                        out_hbm.at[pl.ds(cid * _NP + sid * rpt, rpt)])

    return sk(vals, idx, zeros_init)



def _edge1_body(xj_ref, ea_ref, w1a_ref, b1a_ref, w1p_ref, s1_ref, c1_ref,
                r1_ref, e16_ref, out_ref):
    h = jnp.maximum(
        jnp.dot(ea_ref[...], w1a_ref[...],
                preferred_element_type=jnp.float32) + b1a_ref[...], 0.0)
    t = jnp.dot(xj_ref[...].astype(jnp.bfloat16), w1p_ref[...],
                preferred_element_type=jnp.float32)
    hh = jnp.dot(h.astype(jnp.bfloat16), s1_ref[...],
                 preferred_element_type=jnp.float32) + c1_ref[...]
    out_ref[...] = jnp.dot((t * hh).astype(jnp.bfloat16), r1_ref[...],
                           preferred_element_type=jnp.float32) + e16_ref[...]


def _edge2_body(hj_ref, ea_ref, w2a_ref, b2a_ref, w2p_ref, s2_ref, c2_ref,
                r2_ref, out_ref):
    h = jnp.maximum(
        jnp.dot(ea_ref[...], w2a_ref[...],
                preferred_element_type=jnp.float32) + b2a_ref[...], 0.0)
    t = jnp.dot(hj_ref[:, 0:_EMB].astype(jnp.bfloat16), w2p_ref[...],
                preferred_element_type=jnp.float32)
    hh = jnp.dot(h.astype(jnp.bfloat16), s2_ref[...],
                 preferred_element_type=jnp.float32) + c2_ref[...]
    out_ref[...] = jnp.dot((t * hh).astype(jnp.bfloat16), r2_ref[...],
                           preferred_element_type=jnp.float32)


def _edge_combine1(xj, ea, w1a, b1a, w1p, s1, c1, r1, e16):
    grid = (_E // _BE,)
    return pl.pallas_call(
        _edge1_body,
        grid=grid,
        in_specs=[
            pl.BlockSpec((_BE, _F_IN), lambda i: (i, 0)),
            pl.BlockSpec((_BE, 16), lambda i: (i, 0)),
            pl.BlockSpec((16, 32), lambda i: (0, 0)),
            pl.BlockSpec((1, 32), lambda i: (0, 0)),
            pl.BlockSpec((_F_IN, _K * _EMB), lambda i: (0, 0)),
            pl.BlockSpec((32, _K * _EMB), lambda i: (0, 0)),
            pl.BlockSpec((1, _K * _EMB), lambda i: (0, 0)),
            pl.BlockSpec((_K * _EMB, 128), lambda i: (0, 0)),
            pl.BlockSpec((1, 128), lambda i: (0, 0)),
        ],
        out_specs=pl.BlockSpec((_BE, 128), lambda i: (i, 0)),
        out_shape=jax.ShapeDtypeStruct((_E, 128), jnp.float32),
    )(xj, ea, w1a, b1a, w1p, s1, c1, r1, e16)


def _edge_combine2(hj, ea, w2a, b2a, w2p, s2, c2, r2):
    grid = (_E // _BE,)
    return pl.pallas_call(
        _edge2_body,
        grid=grid,
        in_specs=[
            pl.BlockSpec((_BE, _F_IN), lambda i: (i, 0)),
            pl.BlockSpec((_BE, 16), lambda i: (i, 0)),
            pl.BlockSpec((16, 32), lambda i: (0, 0)),
            pl.BlockSpec((1, 32), lambda i: (0, 0)),
            pl.BlockSpec((_EMB, _K * _HID), lambda i: (0, 0)),
            pl.BlockSpec((32, _K * _HID), lambda i: (0, 0)),
            pl.BlockSpec((1, _K * _HID), lambda i: (0, 0)),
            pl.BlockSpec((_K * _HID, 128), lambda i: (0, 0)),
        ],
        out_specs=pl.BlockSpec((_BE, 128), lambda i: (i, 0)),
        out_shape=jax.ShapeDtypeStruct((_E, 128), jnp.float32),
    )(hj, ea, w2a, b2a, w2p, s2, c2, r2)


def _node1_body(x_ref, p_ref, w1_ref, rb1_ref, hid_ref, deg_ref):
    acc = p_ref[0:_N, 0:32] + p_ref[_NP:_NP + _N, 0:32]
    deg = jnp.maximum(acc[:, 16:17], 1.0)
    mean = acc[:, 0:_EMB] / deg
    h = jnp.maximum(
        jnp.dot(x_ref[...], w1_ref[...],
                preferred_element_type=jnp.float32) + mean + rb1_ref[...], 0.0)
    hid_ref[...] = jnp.concatenate(
        [h, jnp.zeros((_N, _F_IN - _EMB), jnp.float32)], axis=1)
    deg_ref[...] = deg


def _node_update1(x, p1, w1, rb1):
    return pl.pallas_call(
        _node1_body,
        out_shape=(jax.ShapeDtypeStruct((_N, _F_IN), jnp.float32),
                   jax.ShapeDtypeStruct((_N, 1), jnp.float32)),
    )(x, p1, w1, rb1)


def _final_body(hid_ref, p_ref, deg_ref, w2_ref, rb2_ref, wl_ref, bl_ref,
                out_ref):
    acc = p_ref[0:_N, 0:32] + p_ref[_NP:_NP + _N, 0:32]
    mean = acc / deg_ref[...]
    h = jnp.maximum(
        jnp.dot(hid_ref[:, 0:_EMB], w2_ref[...],
                preferred_element_type=jnp.float32) + mean + rb2_ref[...], 0.0)
    pooled = jnp.sum(h, axis=0, keepdims=True) * (1.0 / _N)
    logits = jnp.dot(pooled, wl_ref[...],
                     preferred_element_type=jnp.float32) + bl_ref[...]
    m = jnp.max(logits, axis=1, keepdims=True)
    lse = jnp.log(jnp.sum(jnp.exp(logits - m), axis=1, keepdims=True)) + m
    out_ref[...] = logits - lse


def _final(hid, p2, deg, w2, rb2, wl, bl):
    return pl.pallas_call(
        _final_body,
        out_shape=jax.ShapeDtypeStruct((1, _VOCAB), jnp.float32),
    )(hid, p2, deg, w2, rb2, wl, bl)



def kernel(x, edge_index, edge_attr, w1a, b1a, w1b, b1b, W1, rb1,
           w2a, b2a, w2b, b2b, W2, rb2, Wl, bl):
    src = edge_index[0]
    dst = edge_index[1]

    w1p = jnp.concatenate(
        [w1b.reshape(32, _F_IN, _EMB).transpose(1, 0, 2).reshape(_F_IN, 32 * _EMB),
         b1b.reshape(_F_IN, _EMB)], axis=1)
    w2p = jnp.concatenate(
        [w2b.reshape(32, _EMB, _HID).transpose(1, 0, 2).reshape(_EMB, 32 * _HID),
         b2b.reshape(_EMB, _HID)], axis=1)

    s1 = jnp.asarray(_S1_np)
    c1 = jnp.asarray(_C1_np)
    r1 = jnp.asarray(_R1_np)
    s2 = jnp.asarray(_S2_np)
    c2 = jnp.asarray(_C2_np)
    r2 = jnp.asarray(_R2_np)
    e16 = jnp.asarray(_E16_np)
    zeros_init = jnp.zeros((_NP, 128), jnp.float32)

    xj = _sc_gather(x, src, _F_IN)
    msg1 = _edge_combine1(xj, edge_attr, w1a, b1a.reshape(1, 32),
                          w1p.astype(jnp.bfloat16), s1.astype(jnp.bfloat16),
                          c1, r1.astype(jnp.bfloat16), e16)
    p1 = _sc_scatter_add(msg1, dst, zeros_init)
    hid, deg = _node_update1(x, p1, W1, rb1.reshape(1, _EMB))
    hj = _sc_gather(hid, src, _F_IN)
    msg2 = _edge_combine2(hj, edge_attr, w2a, b2a.reshape(1, 32),
                          w2p.astype(jnp.bfloat16), s2.astype(jnp.bfloat16),
                          c2, r2.astype(jnp.bfloat16))
    p2 = _sc_scatter_add(msg2, dst, zeros_init)
    return _final(hid, p2, deg, W2, rb2.reshape(1, _HID), Wl,
                  bl.reshape(1, _VOCAB))

# --- scband reference (transcript-rebuilt; emitter-appended) ---
"""Pipeline reference for scband-graph-sender-43447889166782 (READ-ONLY COPY).

The authoritative reference and input builder live on the scoring server;
editing this copy changes nothing except your own understanding.
"""

import jax, jax.numpy as jnp
import numpy as np

N = 10000
E = 160000
F_IN = 128
EMB = 16
HID = 32
VOCAB = 12
EDIM = 16
TEMP = 1.0


def _nnconv(x, edge_index, edge_attr, wa, ba, wb, bb, Wroot, rbias, in_ch, out_ch):
    src = edge_index[0]
    dst = edge_index[1]
    h = jax.nn.relu(edge_attr @ wa + ba)
    We = (h @ wb + bb).reshape(-1, in_ch, out_ch)
    xj = jnp.take(x, src, axis=0)
    msg = jnp.einsum('ei,eio->eo', xj, We)
    ssum = jax.ops.segment_sum(msg, dst, num_segments=x.shape[0])
    cnt = jax.ops.segment_sum(jnp.ones((msg.shape[0],), dtype=msg.dtype), dst, num_segments=x.shape[0])
    mean = ssum / jnp.clip(cnt, 1.0)[:, None]
    return x @ Wroot + mean + rbias


def setup_inputs(seed: int = 0):
    key = jax.random.key(seed)
    ks = jax.random.split(key, 12)
    inp = {}
    inp['x'] = jax.random.normal(ks[0], (N, F_IN), dtype=jnp.float32)
    inp['edge_index'] = jax.random.randint(ks[1], (2, E), 0, N, dtype=jnp.int32)
    inp['edge_attr'] = jax.random.normal(ks[2], (E, EDIM), dtype=jnp.float32)
    inp['w1a'] = jax.random.normal(ks[3], (EDIM, 32), dtype=jnp.float32) * 0.1
    inp['b1a'] = jnp.zeros((32,), dtype=jnp.float32)
    inp['w1b'] = jax.random.normal(ks[4], (32, F_IN * EMB), dtype=jnp.float32) * 0.05
    inp['b1b'] = jnp.zeros((F_IN * EMB,), dtype=jnp.float32)
    inp['W1'] = jax.random.normal(ks[5], (F_IN, EMB), dtype=jnp.float32) * 0.05
    inp['rb1'] = jnp.zeros((EMB,), dtype=jnp.float32)
    inp['w2a'] = jax.random.normal(ks[6], (EDIM, 32), dtype=jnp.float32) * 0.1
    inp['b2a'] = jnp.zeros((32,), dtype=jnp.float32)
    inp['w2b'] = jax.random.normal(ks[7], (32, EMB * HID), dtype=jnp.float32) * 0.05
    inp['b2b'] = jnp.zeros((EMB * HID,), dtype=jnp.float32)
    inp['W2'] = jax.random.normal(ks[8], (EMB, HID), dtype=jnp.float32) * 0.05
    inp['rb2'] = jnp.zeros((HID,), dtype=jnp.float32)
    inp['Wl'] = jax.random.normal(ks[9], (HID, VOCAB), dtype=jnp.float32) * 0.1
    inp['bl'] = jnp.zeros((VOCAB,), dtype=jnp.float32)
    return inp


def reference(x, edge_index, edge_attr, w1a, b1a, w1b, b1b, W1, rb1, w2a, b2a, w2b, b2b, W2, rb2, Wl, bl):
    h = _nnconv(x, edge_index, edge_attr, w1a, b1a, w1b, b1b, W1, rb1, F_IN, EMB)
    h = jax.nn.relu(h)
    h = _nnconv(h, edge_index, edge_attr, w2a, b2a, w2b, b2b, W2, rb2, EMB, HID)
    h = jax.nn.relu(h)
    pooled = h.mean(axis=0, keepdims=True)
    logits = (pooled @ Wl + bl) / TEMP
    return jax.nn.log_softmax(logits, axis=1)

if __name__ == "__main__":
    import jax
    _d = setup_inputs()
    print(jax.jit(kernel)(*tuple(_d.values())))

</pallas_src>

<mosaic_0001>
#map = affine_map<(d0, d1) -> (0, 0)>
#map1 = affine_map<(d0, d1) -> (0)>
module attributes {stable_mosaic.version = 14 : i64} {
  func.func @sk(%arg0: i32, %arg1: i32, %arg2: memref<160000x128xf32, #tpu.memory_space<hbm>>, %arg3: memref<160000xi32, #tpu.memory_space<hbm>>, %arg4: memref<10240x128xf32, #tpu.memory_space<hbm>>, %arg5: memref<20480x128xf32, #tpu.memory_space<hbm>>, %arg6: memref<2x128xi32, #tpu.memory_space<vmem>>, %arg7: memref<2x128x128xf32, #tpu.memory_space<vmem>>, %arg8: memref<10240x128xf32, #tpu.memory_space<vmem_shared>>, %arg9: memref<!tpu.dma_semaphore, #tpu.memory_space<semaphore_mem>>, %arg10: memref<!tpu.dma_semaphore, #tpu.memory_space<semaphore_mem>>, %arg11: memref<!tpu.dma_semaphore, #tpu.memory_space<semaphore_mem>>) attributes {dimension_semantics = [#tpu.dimension_semantics<core_parallel>, #tpu.dimension_semantics<subcore_parallel>], iteration_bounds = array<i64: 2, 16>, scalar_prefetch = 0 : i64, scratch_operands = 6 : i64, tpu.core_type = #tpu.core_type<sc_vector_subcore>, window_params = [{transform_indices = #map}, {transform_indices = #map1}, {transform_indices = #map}, {transform_indices = #map}]} {
    %mul3A = arith.constant 2 : i32
    %mul3A_0 = arith.muli %arg1, %mul3A : i32
    %add3A = arith.addi %mul3A_0, %arg0 : i32
    %mul3A_1 = arith.constant 640 : i32
    %mul3A_2 = arith.muli %arg1, %mul3A_1 : i32
    %mul3A_3 = arith.constant 640 : i32
    %mul3A_4 = arith.muli %arg1, %mul3A_3 : i32
    "tpu.region"() ({
      %run_scoped3A = tpu.sem_alloc : memref<!tpu.dma_semaphore, #tpu.memory_space<semaphore_mem>>
      %dma_start3A = arith.constant 0 : i32
      %dma_start3A_24 = tpu.memref_slice %arg8[%mul3A_4, %dma_start3A] : memref<10240x128xf32, #tpu.memory_space<vmem_shared>> -> memref<640x128xf32, #tpu.memory_space<vmem_shared>>
      %dma_start3A_25 = arith.constant 0 : i32
      %dma_start3A_26 = tpu.memref_slice %arg4[%mul3A_2, %dma_start3A_25] : memref<10240x128xf32, #tpu.memory_space<hbm>> -> memref<640x128xf32, #tpu.memory_space<hbm>>
      tpu.enqueue_dma source(%dma_start3A_26 : memref<640x128xf32, #tpu.memory_space<hbm>>) target(%dma_start3A_24 : memref<640x128xf32, #tpu.memory_space<vmem_shared>>) target_semaphore(%run_scoped3A : memref<!tpu.dma_semaphore, #tpu.memory_space<semaphore_mem>>)
      %dma_wait3A = arith.constant 0 : i32
      %dma_wait3A_27 = tpu.memref_slice %arg8[%mul3A_4, %dma_wait3A] : memref<10240x128xf32, #tpu.memory_space<vmem_shared>> -> memref<640x128xf32, #tpu.memory_space<vmem_shared>>
      %dma_wait3A_28 = arith.constant 0 : i32
      %dma_wait3A_29 = tpu.memref_slice %arg4[%mul3A_2, %dma_wait3A_28] : memref<10240x128xf32, #tpu.memory_space<hbm>> -> memref<640x128xf32, #tpu.memory_space<hbm>>
      tpu.wait_dma2 semaphore(%run_scoped3A : memref<!tpu.dma_semaphore, #tpu.memory_space<semaphore_mem>>) src(%dma_wait3A_29 : memref<640x128xf32, #tpu.memory_space<hbm>>) dst(%dma_wait3A_27 : memref<640x128xf32, #tpu.memory_space<vmem_shared>>)
      tpu.yield
    }) : () -> ()
    %barrier3A = arith.constant 0 : index
    tpu.barrier barrier_id(%barrier3A)
    %scan3A = arith.constant 0 : i32
    %scan3A_5 = arith.constant 0 : i32
    %scan3A_6 = arith.constant 19 : i32
    %scan3A_7 = arith.addi %scan3A_5, %scan3A_6 : i32
    %scan3A_8 = arith.constant 1 : i32
    scf.for %scan3A_24 = %scan3A_5 to %scan3A_7 step %scan3A_8  : i32 {
      %mul3A_25 = arith.constant 2 : i32
      %mul3A_26 = arith.muli %scan3A_24, %mul3A_25 : i32
      %add3A_27 = arith.constant 0 : i32
      %add3A_28 = arith.addi %mul3A_26, %add3A_27 : i32
      %mul3A_29 = arith.constant 32 : i32
      %mul3A_30 = arith.muli %add3A_28, %mul3A_29 : i32
      %add3A_31 = arith.addi %mul3A_30, %add3A : i32
      %mul3A_32 = arith.constant 128 : i32
      %mul3A_33 = arith.muli %add3A_31, %mul3A_32 : i32
      %dma_start3A = arith.constant 0 : i32
      %dma_start3A_34 = arith.constant 0 : i32
      %dma_start3A_35 = tpu.memref_slice %arg6[%dma_start3A, %dma_start3A_34] : memref<2x128xi32, #tpu.memory_space<vmem>> -> memref<1x128xi32, #tpu.memory_space<vmem>>
      %dma_start3A_36 = tpu.memref_squeeze %dma_start3A_35 : memref<1x128xi32, #tpu.memory_space<vmem>> -> memref<128xi32, #tpu.memory_space<vmem>>
      %dma_start3A_37 = tpu.memref_slice %arg3[%mul3A_33] : memref<160000xi32, #tpu.memory_space<hbm>> -> memref<128xi32, #tpu.memory_space<hbm>>
      %dma_start3A_38 = arith.constant 0 : i32
      %dma_start3A_39 = tpu.memref_slice %arg6[%dma_start3A, %dma_start3A_38] : memref<2x128xi32, #tpu.memory_space<vmem>> -> memref<1x128xi32, #tpu.memory_space<vmem>>
      %dma_start3A_40 = tpu.memref_squeeze %dma_start3A_39 : memref<1x128xi32, #tpu.memory_space<vmem>> -> memref<128xi32, #tpu.memory_space<vmem>>
      %dma_start3A_41 = tpu.memref_slice %arg3[%mul3A_33] : memref<160000xi32, #tpu.memory_space<hbm>> -> memref<128xi32, #tpu.memory_space<hbm>>
      tpu.enqueue_dma source(%dma_start3A_41 : memref<128xi32, #tpu.memory_space<hbm>>) target(%dma_start3A_40 : memref<128xi32, #tpu.memory_space<vmem>>) target_semaphore(%arg9 : memref<!tpu.dma_semaphore, #tpu.memory_space<semaphore_mem>>)
      %add3A_42 = arith.constant 0 : i32
      %add3A_43 = arith.addi %mul3A_26, %add3A_42 : i32
      %mul3A_44 = arith.constant 32 : i32
      %mul3A_45 = arith.muli %add3A_43, %mul3A_44 : i32
      %add3A_46 = arith.addi %mul3A_45, %add3A : i32
      %mul3A_47 = arith.constant 128 : i32
      %mul3A_48 = arith.muli %add3A_46, %mul3A_47 : i32
      %dma_start3A_49 = arith.constant 0 : i32
      %dma_start3A_50 = arith.constant 0 : i32
      %dma_start3A_51 = arith.constant 0 : i32
      %dma_start3A_52 = tpu.memref_slice %arg7[%dma_start3A_49, %dma_start3A_50, %dma_start3A_51] : memref<2x128x128xf32, #tpu.memory_space<vmem>> -> memref<1x128x128xf32, #tpu.memory_space<vmem>>
      %dma_start3A_53 = tpu.memref_squeeze %dma_start3A_52 : memref<1x128x128xf32, #tpu.memory_space<vmem>> -> memref<128x128xf32, #tpu.memory_space<vmem>>
      %dma_start3A_54 = arith.constant 0 : i32
      %dma_start3A_55 = tpu.memref_slice %arg2[%mul3A_48, %dma_start3A_54] : memref<160000x128xf32, #tpu.memory_space<hbm>> -> memref<128x128xf32, #tpu.memory_space<hbm>>
      %dma_start3A_56 = arith.constant 0 : i32
      %dma_start3A_57 = arith.constant 0 : i32
      %dma_start3A_58 = tpu.memref_slice %arg7[%dma_start3A_49, %dma_start3A_56, %dma_start3A_57] : memref<2x128x128xf32, #tpu.memory_space<vmem>> -> memref<1x128x128xf32, #tpu.memory_space<vmem>>
      %dma_start3A_59 = tpu.memref_squeeze %dma_start3A_58 : memref<1x128x128xf32, #tpu.memory_space<vmem>> -> memref<128x128xf32, #tpu.memory_space<vmem>>
      %dma_start3A_60 = arith.constant 0 : i32
      %dma_start3A_61 = tpu.memref_slice %arg2[%mul3A_48, %dma_start3A_60] : memref<160000x128xf32, #tpu.memory_space<hbm>> -> memref<128x128xf32, #tpu.memory_space<hbm>>
      tpu.enqueue_dma source(%dma_start3A_61 : memref<128x128xf32, #tpu.memory_space<hbm>>) target(%dma_start3A_59 : memref<128x128xf32, #tpu.memory_space<vmem>>) target_semaphore(%arg10 : memref<!tpu.dma_semaphore, #tpu.memory_space<semaphore_mem>>)
      %add3A_62 = arith.constant 1 : i32
      %add3A_63 = arith.addi %mul3A_26, %add3A_62 : i32
      %mul3A_64 = arith.constant 32 : i32
      %mul3A_65 = arith.muli %add3A_63, %mul3A_64 : i32
      %add3A_66 = arith.addi %mul3A_65, %add3A : i32
      %mul3A_67 = arith.constant 128 : i32
      %mul3A_68 = arith.muli %add3A_66, %mul3A_67 : i32
      %dma_start3A_69 = arith.constant 1 : i32
      %dma_start3A_70 = arith.constant 0 : i32
      %dma_start3A_71 = tpu.memref_slice %arg6[%dma_start3A_69, %dma_start3A_70] : memref<2x128xi32, #tpu.memory_space<vmem>> -> memref<1x128xi32, #tpu.memory_space<vmem>>
      %dma_start3A_72 = tpu.memref_squeeze %dma_start3A_71 : memref<1x128xi32, #tpu.memory_space<vmem>> -> memref<128xi32, #tpu.memory_space<vmem>>
      %dma_start3A_73 = tpu.memref_slice %arg3[%mul3A_68] : memref<160000xi32, #tpu.memory_space<hbm>> -> memref<128xi32, #tpu.memory_space<hbm>>
      %dma_start3A_74 = arith.constant 0 : i32
      %dma_start3A_75 = tpu.memref_slice %arg6[%dma_start3A_69, %dma_start3A_74] : memref<2x128xi32, #tpu.memory_space<vmem>> -> memref<1x128xi32, #tpu.memory_space<vmem>>
      %dma_start3A_76 = tpu.memref_squeeze %dma_start3A_75 : memref<1x128xi32, #tpu.memory_space<vmem>> -> memref<128xi32, #tpu.memory_space<vmem>>
      %dma_start3A_77 = tpu.memref_slice %arg3[%mul3A_68] : memref<160000xi32, #tpu.memory_space<hbm>> -> memref<128xi32, #tpu.memory_space<hbm>>
      tpu.enqueue_dma source(%dma_start3A_77 : memref<128xi32, #tpu.memory_space<hbm>>) target(%dma_start3A_76 : memref<128xi32, #tpu.memory_space<vmem>>) target_semaphore(%arg9 : memref<!tpu.dma_semaphore, #tpu.memory_space<semaphore_mem>>)
      %add3A_78 = arith.constant 1 : i32
      %add3A_79 = arith.addi %mul3A_26, %add3A_78 : i32
      %mul3A_80 = arith.constant 32 : i32
      %mul3A_81 = arith.muli %add3A_79, %mul3A_80 : i32
      %add3A_82 = arith.addi %mul3A_81, %add3A : i32
      %mul3A_83 = arith.constant 128 : i32
      %mul3A_84 = arith.muli %add3A_82, %mul3A_83 : i32
      %dma_start3A_85 = arith.constant 1 : i32
      %dma_start3A_86 = arith.constant 0 : i32
      %dma_start3A_87 = arith.constant 0 : i32
      %dma_start3A_88 = tpu.memref_slice %arg7[%dma_start3A_85, %dma_start3A_86, %dma_start3A_87] : memref<2x128x128xf32, #tpu.memory_space<vmem>> -> memref<1x128x128xf32, #tpu.memory_space<vmem>>
      %dma_start3A_89 = tpu.memref_squeeze %dma_start3A_88 : memref<1x128x128xf32, #tpu.memory_space<vmem>> -> memref<128x128xf32, #tpu.memory_space<vmem>>
      %dma_start3A_90 = arith.constant 0 : i32
      %dma_start3A_91 = tpu.memref_slice %arg2[%mul3A_84, %dma_start3A_90] : memref<160000x128xf32, #tpu.memory_space<hbm>> -> memref<128x128xf32, #tpu.memory_space<hbm>>
      %dma_start3A_92 = arith.constant 0 : i32
      %dma_start3A_93 = arith.constant 0 : i32
      %dma_start3A_94 = tpu.memref_slice %arg7[%dma_start3A_85, %dma_start3A_92, %dma_start3A_93] : memref<2x128x128xf32, #tpu.memory_space<vmem>> -> memref<1x128x128xf32, #tpu.memory_space<vmem>>
      %dma_start3A_95 = tpu.memref_squeeze %dma_start3A_94 : memref<1x128x128xf32, #tpu.memory_space<vmem>> -> memref<128x128xf32, #tpu.memory_space<vmem>>
      %dma_start3A_96 = arith.constant 0 : i32
      %dma_start3A_97 = tpu.memref_slice %arg2[%mul3A_84, %dma_start3A_96] : memref<160000x128xf32, #tpu.memory_space<hbm>> -> memref<128x128xf32, #tpu.memory_space<hbm>>
      tpu.enqueue_dma source(%dma_start3A_97 : memref<128x128xf32, #tpu.memory_space<hbm>>) target(%dma_start3A_95 : memref<128x128xf32, #tpu.memory_space<vmem>>) target_semaphore(%arg10 : memref<!tpu.dma_semaphore, #tpu.memory_space<semaphore_mem>>)
      %add3A_98 = arith.constant 0 : i32
      %add3A_99 = arith.addi %mul3A_26, %add3A_98 : i32
      %mul3A_100 = arith.constant 32 : i32
      %mul3A_101 = arith.muli %add3A_99, %mul3A_100 : i32
      %add3A_102 = arith.addi %mul3A_101, %add3A : i32
      %mul3A_103 = arith.constant 128 : i32
      %mul3A_104 = arith.muli %add3A_102, %mul3A_103 : i32
      %dma_wait3A = arith.constant 0 : i32
      %dma_wait3A_105 = arith.constant 0 : i32
      %dma_wait3A_106 = tpu.memref_slice %arg6[%dma_wait3A, %dma_wait3A_105] : memref<2x128xi32, #tpu.memory_space<vmem>> -> memref<1x128xi32, #tpu.memory_space<vmem>>
      %dma_wait3A_107 = tpu.memref_squeeze %dma_wait3A_106 : memref<1x128xi32, #tpu.memory_space<vmem>> -> memref<128xi32, #tpu.memory_space<vmem>>
      %dma_wait3A_108 = tpu.memref_slice %arg3[%mul3A_104] : memref<160000xi32, #tpu.memory_space<hbm>> -> memref<128xi32, #tpu.memory_space<hbm>>
      %dma_wait3A_109 = arith.constant 0 : i32
      %dma_wait3A_110 = tpu.memref_slice %arg6[%dma_wait3A, %dma_wait3A_109] : memref<2x128xi32, #tpu.memory_space<vmem>> -> memref<1x128xi32, #tpu.memory_space<vmem>>
      %dma_wait3A_111 = tpu.memref_squeeze %dma_wait3A_110 : memref<1x128xi32, #tpu.memory_space<vmem>> -> memref<128xi32, #tpu.memory_space<vmem>>
      %dma_wait3A_112 = tpu.memref_slice %arg3[%mul3A_104] : memref<160000xi32, #tpu.memory_space<hbm>> -> memref<128xi32, #tpu.memory_space<hbm>>
      tpu.wait_dma2 semaphore(%arg9 : memref<!tpu.dma_semaphore, #tpu.memory_space<semaphore_mem>>) src(%dma_wait3A_112 : memref<128xi32, #tpu.memory_space<hbm>>) dst(%dma_wait3A_111 : memref<128xi32, #tpu.memory_space<vmem>>)
      %add3A_113 = arith.constant 0 : i32
      %add3A_114 = arith.addi %mul3A_26, %add3A_113 : i32
      %mul3A_115 = arith.constant 32 : i32
      %mul3A_116 = arith.muli %add3A_114, %mul3A_115 : i32
      %add3A_117 = arith.addi %mul3A_116, %add3A : i32
      %mul3A_118 = arith.constant 128 : i32
      %mul3A_119 = arith.muli %add3A_117, %mul3A_118 : i32
      %dma_wait3A_120 = arith.constant 0 : i32
      %dma_wait3A_121 = arith.constant 0 : i32
      %dma_wait3A_122 = arith.constant 0 : i32
      %dma_wait3A_123 = tpu.memref_slice %arg7[%dma_wait3A_120, %dma_wait3A_121, %dma_wait3A_122] : memref<2x128x128xf32, #tpu.memory_space<vmem>> -> memref<1x128x128xf32, #tpu.memory_space<vmem>>
      %dma_wait3A_124 = tpu.memref_squeeze %dma_wait3A_123 : memref<1x128x128xf32, #tpu.memory_space<vmem>> -> memref<128x128xf32, #tpu.memory_space<vmem>>
      %dma_wait3A_125 = arith.constant 0 : i32
      %dma_wait3A_126 = tpu.memref_slice %arg2[%mul3A_119, %dma_wait3A_125] : memref<160000x128xf32, #tpu.memory_space<hbm>> -> memref<128x128xf32, #tpu.memory_space<hbm>>
      %dma_wait3A_127 = arith.constant 0 : i32
      %dma_wait3A_128 = arith.constant 0 : i32
      %dma_wait3A_129 = tpu.memref_slice %arg7[%dma_wait3A_120, %dma_wait3A_127, %dma_wait3A_128] : memref<2x128x128xf32, #tpu.memory_space<vmem>> -> memref<1x128x128xf32, #tpu.memory_space<vmem>>
      %dma_wait3A_130 = tpu.memref_squeeze %dma_wait3A_129 : memref<1x128x128xf32, #tpu.memory_space<vmem>> -> memref<128x128xf32, #tpu.memory_space<vmem>>
      %dma_wait3A_131 = arith.constant 0 : i32
      %dma_wait3A_132 = tpu.memref_slice %arg2[%mul3A_119, %dma_wait3A_131] : memref<160000x128xf32, #tpu.memory_space<hbm>> -> memref<128x128xf32, #tpu.memory_space<hbm>>
      tpu.wait_dma2 semaphore(%arg10 : memref<!tpu.dma_semaphore, #tpu.memory_space<semaphore_mem>>) src(%dma_wait3A_132 : memref<128x128xf32, #tpu.memory_space<hbm>>) dst(%dma_wait3A_130 : memref<128x128xf32, #tpu.memory_space<vmem>>)
      %add3A_133 = arith.constant 1 : i32
      %add3A_134 = arith.addi %mul3A_26, %add3A_133 : i32
      %mul3A_135 = arith.constant 32 : i32
      %mul3A_136 = arith.muli %add3A_134, %mul3A_135 : i32
      %add3A_137 = arith.addi %mul3A_136, %add3A : i32
      %mul3A_138 = arith.constant 128 : i32
      %mul3A_139 = arith.muli %add3A_137, %mul3A_138 : i32
      %dma_wait3A_140 = arith.constant 1 : i32
      %dma_wait3A_141 = arith.constant 0 : i32
      %dma_wait3A_142 = tpu.memref_slice %arg6[%dma_wait3A_140, %dma_wait3A_141] : memref<2x128xi32, #tpu.memory_space<vmem>> -> memref<1x128xi32, #tpu.memory_space<vmem>>
      %dma_wait3A_143 = tpu.memref_squeeze %dma_wait3A_142 : memref<1x128xi32, #tpu.memory_space<vmem>> -> memref<128xi32, #tpu.memory_space<vmem>>
      %dma_wait3A_144 = tpu.memref_slice %arg3[%mul3A_139] : memref<160000xi32, #tpu.memory_space<hbm>> -> memref<128xi32, #tpu.memory_space<hbm>>
      %dma_wait3A_145 = arith.constant 0 : i32
      %dma_wait3A_146 = tpu.memref_slice %arg6[%dma_wait3A_140, %dma_wait3A_145] : memref<2x128xi32, #tpu.memory_space<vmem>> -> memref<1x128xi32, #tpu.memory_space<vmem>>
      %dma_wait3A_147 = tpu.memref_squeeze %dma_wait3A_146 : memref<1x128xi32, #tpu.memory_space<vmem>> -> memref<128xi32, #tpu.memory_space<vmem>>
      %dma_wait3A_148 = tpu.memref_slice %arg3[%mul3A_139] : memref<160000xi32, #tpu.memory_space<hbm>> -> memref<128xi32, #tpu.memory_space<hbm>>
      tpu.wait_dma2 semaphore(%arg9 : memref<!tpu.dma_semaphore, #tpu.memory_space<semaphore_mem>>) src(%dma_wait3A_148 : memref<128xi32, #tpu.memory_space<hbm>>) dst(%dma_wait3A_147 : memref<128xi32, #tpu.memory_space<vmem>>)
      %add3A_149 = arith.constant 1 : i32
      %add3A_150 = arith.addi %mul3A_26, %add3A_149 : i32
      %mul3A_151 = arith.constant 32 : i32
      %mul3A_152 = arith.muli %add3A_150, %mul3A_151 : i32
      %add3A_153 = arith.addi %mul3A_152, %add3A : i32
      %mul3A_154 = arith.constant 128 : i32
      %mul3A_155 = arith.muli %add3A_153, %mul3A_154 : i32
      %dma_wait3A_156 = arith.constant 1 : i32
      %dma_wait3A_157 = arith.constant 0 : i32
      %dma_wait3A_158 = arith.constant 0 : i32
      %dma_wait3A_159 = tpu.memref_slice %arg7[%dma_wait3A_156, %dma_wait3A_157, %dma_wait3A_158] : memref<2x128x128xf32, #tpu.memory_space<vmem>> -> memref<1x128x128xf32, #tpu.memory_space<vmem>>
      %dma_wait3A_160 = tpu.memref_squeeze %dma_wait3A_159 : memref<1x128x128xf32, #tpu.memory_space<vmem>> -> memref<128x128xf32, #tpu.memory_space<vmem>>
      %dma_wait3A_161 = arith.constant 0 : i32
      %dma_wait3A_162 = tpu.memref_slice %arg2[%mul3A_155, %dma_wait3A_161] : memref<160000x128xf32, #tpu.memory_space<hbm>> -> memref<128x128xf32, #tpu.memory_space<hbm>>
      %dma_wait3A_163 = arith.constant 0 : i32
      %dma_wait3A_164 = arith.constant 0 : i32
      %dma_wait3A_165 = tpu.memref_slice %arg7[%dma_wait3A_156, %dma_wait3A_163, %dma_wait3A_164] : memref<2x128x128xf32, #tpu.memory_space<vmem>> -> memref<1x128x128xf32, #tpu.memory_space<vmem>>
      %dma_wait3A_166 = tpu.memref_squeeze %dma_wait3A_165 : memref<1x128x128xf32, #tpu.memory_space<vmem>> -> memref<128x128xf32, #tpu.memory_space<vmem>>
      %dma_wait3A_167 = arith.constant 0 : i32
      %dma_wait3A_168 = tpu.memref_slice %arg2[%mul3A_155, %dma_wait3A_167] : memref<160000x128xf32, #tpu.memory_space<hbm>> -> memref<128x128xf32, #tpu.memory_space<hbm>>
      tpu.wait_dma2 semaphore(%arg10 : memref<!tpu.dma_semaphore, #tpu.memory_space<semaphore_mem>>) src(%dma_wait3A_168 : memref<128x128xf32, #tpu.memory_space<hbm>>) dst(%dma_wait3A_166 : memref<128x128xf32, #tpu.memory_space<vmem>>)
      %dma_start3A_169 = arith.constant 0 : i32
      %dma_start3A_170 = arith.constant 0 : i32
      %dma_start3A_171 = arith.constant 0 : i32
      %dma_start3A_172 = arith.constant 0 : i32
      %dma_start3A_173 = tpu.memref_slice %arg7[%dma_start3A_169, %dma_start3A_171, %dma_start3A_172] : memref<2x128x128xf32, #tpu.memory_space<vmem>> -> memref<1x128x128xf32, #tpu.memory_space<vmem>>
      %dma_start3A_174 = tpu.memref_squeeze %dma_start3A_173 : memref<1x128x128xf32, #tpu.memory_space<vmem>> -> memref<128x128xf32, #tpu.memory_space<vmem>>
      %dma_start3A_175 = arith.constant 0 : i32
      %dma_start3A_176 = tpu.memref_slice %arg6[%dma_start3A_170, %dma_start3A_175] : memref<2x128xi32, #tpu.memory_space<vmem>> -> memref<1x128xi32, #tpu.memory_space<vmem>>
      %dma_start3A_177 = tpu.memref_squeeze %dma_start3A_176 : memref<1x128xi32, #tpu.memory_space<vmem>> -> memref<128xi32, #tpu.memory_space<vmem>>
      %dma_start3A_178 = arith.constant 0 : i32
      %dma_start3A_179 = arith.constant 0 : i32
      %dma_start3A_180 = tpu.memref_slice %arg8[%dma_start3A_178, %dma_start3A_179] : memref<10240x128xf32, #tpu.memory_space<vmem_shared>> -> memref<10240x128xf32, #tpu.memory_space<vmem_shared>>
      tpu.enqueue_indirect_dma source(%dma_start3A_174 : memref<128x128xf32, #tpu.memory_space<vmem>>) target(%dma_start3A_180 : memref<10240x128xf32, #tpu.memory_space<vmem_shared>>) offsets(%dma_start3A_177 : memref<128xi32, #tpu.memory_space<vmem>>) semaphore(%arg11 : memref<!tpu.dma_semaphore, #tpu.memory_space<semaphore_mem>>) {add = true}
      %dma_start3A_181 = arith.constant 1 : i32
      %dma_start3A_182 = arith.constant 1 : i32
      %dma_start3A_183 = arith.constant 0 : i32
      %dma_start3A_184 = arith.constant 0 : i32
      %dma_start3A_185 = tpu.memref_slice %arg7[%dma_start3A_181, %dma_start3A_183, %dma_start3A_184] : memref<2x128x128xf32, #tpu.memory_space<vmem>> -> memref<1x128x128xf32, #tpu.memory_space<vmem>>
      %dma_start3A_186 = tpu.memref_squeeze %dma_start3A_185 : memref<1x128x128xf32, #tpu.memory_space<vmem>> -> memref<128x128xf32, #tpu.memory_space<vmem>>
      %dma_start3A_187 = arith.constant 0 : i32
      %dma_start3A_188 = tpu.memref_slice %arg6[%dma_start3A_182, %dma_start3A_187] : memref<2x128xi32, #tpu.memory_space<vmem>> -> memref<1x128xi32, #tpu.memory_space<vmem>>
      %dma_start3A_189 = tpu.memref_squeeze %dma_start3A_188 : memref<1x128xi32, #tpu.memory_space<vmem>> -> memref<128xi32, #tpu.memory_space<vmem>>
      %dma_start3A_190 = arith.constant 0 : i32
      %dma_start3A_191 = arith.constant 0 : i32
      %dma_start3A_192 = tpu.memref_slice %arg8[%dma_start3A_190, %dma_start3A_191] : memref<10240x128xf32, #tpu.memory_space<vmem_shared>> -> memref<10240x128xf32, #tpu.memory_space<vmem_shared>>
      tpu.enqueue_indirect_dma source(%dma_start3A_186 : memref<128x128xf32, #tpu.memory_space<vmem>>) target(%dma_start3A_192 : memref<10240x128xf32, #tpu.memory_space<vmem_shared>>) offsets(%dma_start3A_189 : memref<128xi32, #tpu.memory_space<vmem>>) semaphore(%arg11 : memref<!tpu.dma_semaphore, #tpu.memory_space<semaphore_mem>>) {add = true}
      %dma_wait3A_193 = arith.constant 0 : i32
      %dma_wait3A_194 = arith.constant 0 : i32
      %dma_wait3A_195 = arith.constant 0 : i32
      %dma_wait3A_196 = arith.constant 0 : i32
      %dma_wait3A_197 = tpu.memref_slice %arg7[%dma_wait3A_193, %dma_wait3A_195, %dma_wait3A_196] : memref<2x128x128xf32, #tpu.memory_space<vmem>> -> memref<1x128x128xf32, #tpu.memory_space<vmem>>
      %dma_wait3A_198 = tpu.memref_squeeze %dma_wait3A_197 : memref<1x128x128xf32, #tpu.memory_space<vmem>> -> memref<128x128xf32, #tpu.memory_space<vmem>>
      %dma_wait3A_199 = arith.constant 0 : i32
      %dma_wait3A_200 = tpu.memref_slice %arg6[%dma_wait3A_194, %dma_wait3A_199] : memref<2x128xi32, #tpu.memory_space<vmem>> -> memref<1x128xi32, #tpu.memory_space<vmem>>
      %dma_wait3A_201 = tpu.memref_squeeze %dma_wait3A_200 : memref<1x128xi32, #tpu.memory_space<vmem>> -> memref<128xi32, #tpu.memory_space<vmem>>
      %dma_wait3A_202 = arith.constant 0 : i32
      %dma_wait3A_203 = arith.constant 0 : i32
      %dma_wait3A_204 = tpu.memref_slice %arg8[%dma_wait3A_202, %dma_wait3A_203] : memref<10240x128xf32, #tpu.memory_space<vmem_shared>> -> memref<10240x128xf32, #tpu.memory_space<vmem_shared>>
      tpu.wait_indirect_dma semaphore(%arg11 : memref<!tpu.dma_semaphore, #tpu.memory_space<semaphore_mem>>) src(%dma_wait3A_198 : memref<128x128xf32, #tpu.memory_space<vmem>>) dst(%dma_wait3A_204 : memref<10240x128xf32, #tpu.memory_space<vmem_shared>>)
      %dma_wait3A_205 = arith.constant 1 : i32
      %dma_wait3A_206 = arith.constant 1 : i32
      %dma_wait3A_207 = arith.constant 0 : i32
      %dma_wait3A_208 = arith.constant 0 : i32
      %dma_wait3A_209 = tpu.memref_slice %arg7[%dma_wait3A_205, %dma_wait3A_207, %dma_wait3A_208] : memref<2x128x128xf32, #tpu.memory_space<vmem>> -> memref<1x128x128xf32, #tpu.memory_space<vmem>>
      %dma_wait3A_210 = tpu.memref_squeeze %dma_wait3A_209 : memref<1x128x128xf32, #tpu.memory_space<vmem>> -> memref<128x128xf32, #tpu.memory_space<vmem>>
      %dma_wait3A_211 = arith.constant 0 : i32
      %dma_wait3A_212 = tpu.memref_slice %arg6[%dma_wait3A_206, %dma_wait3A_211] : memref<2x128xi32, #tpu.memory_space<vmem>> -> memref<1x128xi32, #tpu.memory_space<vmem>>
      %dma_wait3A_213 = tpu.memref_squeeze %dma_wait3A_212 : memref<1x128xi32, #tpu.memory_space<vmem>> -> memref<128xi32, #tpu.memory_space<vmem>>
      %dma_wait3A_214 = arith.constant 0 : i32
      %dma_wait3A_215 = arith.constant 0 : i32
      %dma_wait3A_216 = tpu.memref_slice %arg8[%dma_wait3A_214, %dma_wait3A_215] : memref<10240x128xf32, #tpu.memory_space<vmem_shared>> -> memref<10240x128xf32, #tpu.memory_space<vmem_shared>>
      tpu.wait_indirect_dma semaphore(%arg11 : memref<!tpu.dma_semaphore, #tpu.memory_space<semaphore_mem>>) src(%dma_wait3A_210 : memref<128x128xf32, #tpu.memory_space<vmem>>) dst(%dma_wait3A_216 : memref<10240x128xf32, #tpu.memory_space<vmem_shared>>)
    }
    %scan3A_9 = arith.constant 19 : i32
    %scan3A_10 = arith.constant 0 : i32
    %scan3A_11 = arith.constant 38 : i32
    %scan3A_12 = arith.constant 2 : i32
    %scan3A_13 = arith.addi %scan3A_11, %scan3A_12 : i32
    %scan3A_14 = arith.constant 1 : i32
    scf.for %scan3A_24 = %scan3A_11 to %scan3A_13 step %scan3A_14  : i32 {
      %mul3A_25 = arith.constant 32 : i32
      %mul3A_26 = arith.muli %scan3A_24, %mul3A_25 : i32
      %add3A_27 = arith.addi %mul3A_26, %add3A : i32
      %lt3A = arith.constant 1250 : i32
      %lt3A_28 = arith.cmpi slt, %add3A_27, %lt3A : i32
      %convert_element_type3A = arith.extui %lt3A_28 : i1 to i32
      %cond3A = arith.constant 0 : i32
      %cond3A_29 = arith.cmpi ne, %convert_element_type3A, %cond3A : i32
      scf.if %cond3A_29 {
        %mul3A_30 = arith.constant 128 : i32
        %mul3A_31 = arith.muli %add3A_27, %mul3A_30 : i32
        %run_scoped3A = arith.constant 0 : i32
        "tpu.region"() ({
          %run_scoped3A_35 = tpu.sem_alloc : memref<!tpu.dma_semaphore, #tpu.memory_space<semaphore_mem>>
          %dma_start3A = arith.constant 0 : i32
          %dma_start3A_36 = tpu.memref_slice %arg6[%run_scoped3A, %dma_start3A] : memref<2x128xi32, #tpu.memory_space<vmem>> -> memref<1x128xi32, #tpu.memory_space<vmem>>
          %dma_start3A_37 = tpu.memref_squeeze %dma_start3A_36 : memref<1x128xi32, #tpu.memory_space<vmem>> -> memref<128xi32, #tpu.memory_space<vmem>>
          %dma_start3A_38 = tpu.memref_slice %arg3[%mul3A_31] : memref<160000xi32, #tpu.memory_space<hbm>> -> memref<128xi32, #tpu.memory_space<hbm>>
          %dma_start3A_39 = arith.constant 0 : i32
          %dma_start3A_40 = tpu.memref_slice %arg6[%run_scoped3A, %dma_start3A_39] : memref<2x128xi32, #tpu.memory_space<vmem>> -> memref<1x128xi32, #tpu.memory_space<vmem>>
          %dma_start3A_41 = tpu.memref_squeeze %dma_start3A_40 : memref<1x128xi32, #tpu.memory_space<vmem>> -> memref<128xi32, #tpu.memory_space<vmem>>
          %dma_start3A_42 = tpu.memref_slice %arg3[%mul3A_31] : memref<160000xi32, #tpu.memory_space<hbm>> -> memref<128xi32, #tpu.memory_space<hbm>>
          tpu.enqueue_dma source(%dma_start3A_42 : memref<128xi32, #tpu.memory_space<hbm>>) target(%dma_start3A_41 : memref<128xi32, #tpu.memory_space<vmem>>) target_semaphore(%run_scoped3A_35 : memref<!tpu.dma_semaphore, #tpu.memory_space<semaphore_mem>>)
          %dma_wait3A = arith.constant 0 : i32
          %dma_wait3A_43 = tpu.memref_slice %arg6[%run_scoped3A, %dma_wait3A] : memref<2x128xi32, #tpu.memory_space<vmem>> -> memref<1x128xi32, #tpu.memory_space<vmem>>
          %dma_wait3A_44 = tpu.memref_squeeze %dma_wait3A_43 : memref<1x128xi32, #tpu.memory_space<vmem>> -> memref<128xi32, #tpu.memory_space<vmem>>
          %dma_wait3A_45 = tpu.memref_slice %arg3[%mul3A_31] : memref<160000xi32, #tpu.memory_space<hbm>> -> memref<128xi32, #tpu.memory_space<hbm>>
          %dma_wait3A_46 = arith.constant 0 : i32
          %dma_wait3A_47 = tpu.memref_slice %arg6[%run_scoped3A, %dma_wait3A_46] : memref<2x128xi32, #tpu.memory_space<vmem>> -> memref<1x128xi32, #tpu.memory_space<vmem>>
          %dma_wait3A_48 = tpu.memref_squeeze %dma_wait3A_47 : memref<1x128xi32, #tpu.memory_space<vmem>> -> memref<128xi32, #tpu.memory_space<vmem>>
          %dma_wait3A_49 = tpu.memref_slice %arg3[%mul3A_31] : memref<160000xi32, #tpu.memory_space<hbm>> -> memref<128xi32, #tpu.memory_space<hbm>>
          tpu.wait_dma2 semaphore(%run_scoped3A_35 : memref<!tpu.dma_semaphore, #tpu.memory_space<semaphore_mem>>) src(%dma_wait3A_49 : memref<128xi32, #tpu.memory_space<hbm>>) dst(%dma_wait3A_48 : memref<128xi32, #tpu.memory_space<vmem>>)
          tpu.yield
        }) : () -> ()
        %run_scoped3A_32 = arith.constant 0 : i32
        "tpu.region"() ({
          %run_scoped3A_35 = tpu.sem_alloc : memref<!tpu.dma_semaphore, #tpu.memory_space<semaphore_mem>>
          %dma_start3A = arith.constant 0 : i32
          %dma_start3A_36 = arith.constant 0 : i32
          %dma_start3A_37 = tpu.memref_slice %arg7[%run_scoped3A_32, %dma_start3A, %dma_start3A_36] : memref<2x128x128xf32, #tpu.memory_space<vmem>> -> memref<1x128x128xf32, #tpu.memory_space<vmem>>
          %dma_start3A_38 = tpu.memref_squeeze %dma_start3A_37 : memref<1x128x128xf32, #tpu.memory_space<vmem>> -> memref<128x128xf32, #tpu.memory_space<vmem>>
          %dma_start3A_39 = arith.constant 0 : i32
          %dma_start3A_40 = tpu.memref_slice %arg2[%mul3A_31, %dma_start3A_39] : memref<160000x128xf32, #tpu.memory_space<hbm>> -> memref<128x128xf32, #tpu.memory_space<hbm>>
          %dma_start3A_41 = arith.constant 0 : i32
          %dma_start3A_42 = arith.constant 0 : i32
          %dma_start3A_43 = tpu.memref_slice %arg7[%run_scoped3A_32, %dma_start3A_41, %dma_start3A_42] : memref<2x128x128xf32, #tpu.memory_space<vmem>> -> memref<1x128x128xf32, #tpu.memory_space<vmem>>
          %dma_start3A_44 = tpu.memref_squeeze %dma_start3A_43 : memref<1x128x128xf32, #tpu.memory_space<vmem>> -> memref<128x128xf32, #tpu.memory_space<vmem>>
          %dma_start3A_45 = arith.constant 0 : i32
          %dma_start3A_46 = tpu.memref_slice %arg2[%mul3A_31, %dma_start3A_45] : memref<160000x128xf32, #tpu.memory_space<hbm>> -> memref<128x128xf32, #tpu.memory_space<hbm>>
          tpu.enqueue_dma source(%dma_start3A_46 : memref<128x128xf32, #tpu.memory_space<hbm>>) target(%dma_start3A_44 : memref<128x128xf32, #tpu.memory_space<vmem>>) target_semaphore(%run_scoped3A_35 : memref<!tpu.dma_semaphore, #tpu.memory_space<semaphore_mem>>)
          %dma_wait3A = arith.constant 0 : i32
          %dma_wait3A_47 = arith.constant 0 : i32
          %dma_wait3A_48 = tpu.memref_slice %arg7[%run_scoped3A_32, %dma_wait3A, %dma_wait3A_47] : memref<2x128x128xf32, #tpu.memory_space<vmem>> -> memref<1x128x128xf32, #tpu.memory_space<vmem>>
          %dma_wait3A_49 = tpu.memref_squeeze %dma_wait3A_48 : memref<1x128x128xf32, #tpu.memory_space<vmem>> -> memref<128x128xf32, #tpu.memory_space<vmem>>
          %dma_wait3A_50 = arith.constant 0 : i32
          %dma_wait3A_51 = tpu.memref_slice %arg2[%mul3A_31, %dma_wait3A_50] : memref<160000x128xf32, #tpu.memory_space<hbm>> -> memref<128x128xf32, #tpu.memory_space<hbm>>
          %dma_wait3A_52 = arith.constant 0 : i32
          %dma_wait3A_53 = arith.constant 0 : i32
          %dma_wait3A_54 = tpu.memref_slice %arg7[%run_scoped3A_32, %dma_wait3A_52, %dma_wait3A_53] : memref<2x128x128xf32, #tpu.memory_space<vmem>> -> memref<1x128x128xf32, #tpu.memory_space<vmem>>
          %dma_wait3A_55 = tpu.memref_squeeze %dma_wait3A_54 : memref<1x128x128xf32, #tpu.memory_space<vmem>> -> memref<128x128xf32, #tpu.memory_space<vmem>>
          %dma_wait3A_56 = arith.constant 0 : i32
          %dma_wait3A_57 = tpu.memref_slice %arg2[%mul3A_31, %dma_wait3A_56] : memref<160000x128xf32, #tpu.memory_space<hbm>> -> memref<128x128xf32, #tpu.memory_space<hbm>>
          tpu.wait_dma2 semaphore(%run_scoped3A_35 : memref<!tpu.dma_semaphore, #tpu.memory_space<semaphore_mem>>) src(%dma_wait3A_57 : memref<128x128xf32, #tpu.memory_space<hbm>>) dst(%dma_wait3A_55 : memref<128x128xf32, #tpu.memory_space<vmem>>)
          tpu.yield
        }) : () -> ()
        %run_scoped3A_33 = arith.constant 0 : i32
        %run_scoped3A_34 = arith.constant 0 : i32
        "tpu.region"() ({
          %run_scoped3A_35 = tpu.sem_alloc : memref<!tpu.dma_semaphore, #tpu.memory_space<semaphore_mem>>
          %dma_start3A = arith.constant 0 : i32
          %dma_start3A_36 = arith.constant 0 : i32
          %dma_start3A_37 = tpu.memref_slice %arg7[%run_scoped3A_33, %dma_start3A, %dma_start3A_36] : memref<2x128x128xf32, #tpu.memory_space<vmem>> -> memref<1x128x128xf32, #tpu.memory_space<vmem>>
          %dma_start3A_38 = tpu.memref_squeeze %dma_start3A_37 : memref<1x128x128xf32, #tpu.memory_space<vmem>> -> memref<128x128xf32, #tpu.memory_space<vmem>>
          %dma_start3A_39 = arith.constant 0 : i32
          %dma_start3A_40 = tpu.memref_slice %arg6[%run_scoped3A_34, %dma_start3A_39] : memref<2x128xi32, #tpu.memory_space<vmem>> -> memref<1x128xi32, #tpu.memory_space<vmem>>
          %dma_start3A_41 = tpu.memref_squeeze %dma_start3A_40 : memref<1x128xi32, #tpu.memory_space<vmem>> -> memref<128xi32, #tpu.memory_space<vmem>>
          %dma_start3A_42 = arith.constant 0 : i32
          %dma_start3A_43 = arith.constant 0 : i32
          %dma_start3A_44 = tpu.memref_slice %arg8[%dma_start3A_42, %dma_start3A_43] : memref<10240x128xf32, #tpu.memory_space<vmem_shared>> -> memref<10240x128xf32, #tpu.memory_space<vmem_shared>>
          tpu.enqueue_indirect_dma source(%dma_start3A_38 : memref<128x128xf32, #tpu.memory_space<vmem>>) target(%dma_start3A_44 : memref<10240x128xf32, #tpu.memory_space<vmem_shared>>) offsets(%dma_start3A_41 : memref<128xi32, #tpu.memory_space<vmem>>) semaphore(%run_scoped3A_35 : memref<!tpu.dma_semaphore, #tpu.memory_space<semaphore_mem>>) {add = true}
          %dma_wait3A = arith.constant 0 : i32
          %dma_wait3A_45 = arith.constant 0 : i32
          %dma_wait3A_46 = tpu.memref_slice %arg7[%run_scoped3A_33, %dma_wait3A, %dma_wait3A_45] : memref<2x128x128xf32, #tpu.memory_space<vmem>> -> memref<1x128x128xf32, #tpu.memory_space<vmem>>
          %dma_wait3A_47 = tpu.memref_squeeze %dma_wait3A_46 : memref<1x128x128xf32, #tpu.memory_space<vmem>> -> memref<128x128xf32, #tpu.memory_space<vmem>>
          %dma_wait3A_48 = arith.constant 0 : i32
          %dma_wait3A_49 = tpu.memref_slice %arg6[%run_scoped3A_34, %dma_wait3A_48] : memref<2x128xi32, #tpu.memory_space<vmem>> -> memref<1x128xi32, #tpu.memory_space<vmem>>
          %dma_wait3A_50 = tpu.memref_squeeze %dma_wait3A_49 : memref<1x128xi32, #tpu.memory_space<vmem>> -> memref<128xi32, #tpu.memory_space<vmem>>
          %dma_wait3A_51 = arith.constant 0 : i32
          %dma_wait3A_52 = arith.constant 0 : i32
          %dma_wait3A_53 = tpu.memref_slice %arg8[%dma_wait3A_51, %dma_wait3A_52] : memref<10240x128xf32, #tpu.memory_space<vmem_shared>> -> memref<10240x128xf32, #tpu.memory_space<vmem_shared>>
          tpu.wait_indirect_dma semaphore(%run_scoped3A_35 : memref<!tpu.dma_semaphore, #tpu.memory_space<semaphore_mem>>) src(%dma_wait3A_47 : memref<128x128xf32, #tpu.memory_space<vmem>>) dst(%dma_wait3A_53 : memref<10240x128xf32, #tpu.memory_space<vmem_shared>>)
          tpu.yield
        }) : () -> ()
      } else {
      }
    }
    %scan3A_15 = arith.constant 2 : i32
    %barrier3A_16 = arith.constant 0 : index
    tpu.barrier barrier_id(%barrier3A_16)
    %mul3A_17 = arith.constant 640 : i32
    %mul3A_18 = arith.muli %arg1, %mul3A_17 : i32
    %mul3A_19 = arith.constant 10240 : i32
    %mul3A_20 = arith.muli %arg0, %mul3A_19 : i32
    %mul3A_21 = arith.constant 640 : i32
    %mul3A_22 = arith.muli %arg1, %mul3A_21 : i32
    %add3A_23 = arith.addi %mul3A_20, %mul3A_22 : i32
    "tpu.region"() ({
      %run_scoped3A = tpu.sem_alloc : memref<!tpu.dma_semaphore, #tpu.memory_space<semaphore_mem>>
      %dma_start3A = arith.constant 0 : i32
      %dma_start3A_24 = tpu.memref_slice %arg5[%add3A_23, %dma_start3A] : memref<20480x128xf32, #tpu.memory_space<hbm>> -> memref<640x128xf32, #tpu.memory_space<hbm>>
      %dma_start3A_25 = arith.constant 0 : i32
      %dma_start3A_26 = tpu.memref_slice %arg8[%mul3A_18, %dma_start3A_25] : memref<10240x128xf32, #tpu.memory_space<vmem_shared>> -> memref<640x128xf32, #tpu.memory_space<vmem_shared>>
      tpu.enqueue_dma source(%dma_start3A_26 : memref<640x128xf32, #tpu.memory_space<vmem_shared>>) target(%dma_start3A_24 : memref<640x128xf32, #tpu.memory_space<hbm>>) target_semaphore(%run_scoped3A : memref<!tpu.dma_semaphore, #tpu.memory_space<semaphore_mem>>)
      %dma_wait3A = arith.constant 0 : i32
      %dma_wait3A_27 = tpu.memref_slice %arg5[%add3A_23, %dma_wait3A] : memref<20480x128xf32, #tpu.memory_space<hbm>> -> memref<640x128xf32, #tpu.memory_space<hbm>>
      %dma_wait3A_28 = arith.constant 0 : i32
      %dma_wait3A_29 = tpu.memref_slice %arg8[%mul3A_18, %dma_wait3A_28] : memref<10240x128xf32, #tpu.memory_space<vmem_shared>> -> memref<640x128xf32, #tpu.memory_space<vmem_shared>>
      tpu.wait_dma2 semaphore(%run_scoped3A : memref<!tpu.dma_semaphore, #tpu.memory_space<semaphore_mem>>) src(%dma_wait3A_29 : memref<640x128xf32, #tpu.memory_space<vmem_shared>>) dst(%dma_wait3A_27 : memref<640x128xf32, #tpu.memory_space<hbm>>)
      tpu.yield
    }) : () -> ()
    return
  }
}

#map = affine_map<(d0, d1) -> (0, 0)>
#map1 = affine_map<(d0, d1) -> (0)>
module attributes {stable_mosaic.version = 14 : i64} {
  func.func @gk(%arg0: i32, %arg1: i32, %arg2: memref<10000x128xf32, #tpu.memory_space<hbm>>, %arg3: memref<160000xi32, #tpu.memory_space<hbm>>, %arg4: memref<160000x128xf32, #tpu.memory_space<hbm>>, %arg5: memref<4x128xi32, #tpu.memory_space<vmem>>, %arg6: memref<4x128x128xf32, #tpu.memory_space<vmem>>, %arg7: memref<!tpu.dma_semaphore, #tpu.memory_space<semaphore_mem>>, %arg8: memref<!tpu.dma_semaphore, #tpu.memory_space<semaphore_mem>>, %arg9: memref<!tpu.dma_semaphore, #tpu.memory_space<semaphore_mem>>) attributes {dimension_semantics = [#tpu.dimension_semantics<core_parallel>, #tpu.dimension_semantics<subcore_parallel>], iteration_bounds = array<i64: 2, 16>, scalar_prefetch = 0 : i64, scratch_operands = 5 : i64, tpu.core_type = #tpu.core_type<sc_vector_subcore>, window_params = [{transform_indices = #map}, {transform_indices = #map1}, {transform_indices = #map}]} {
    %mul3A = arith.constant 2 : i32
    %mul3A_0 = arith.muli %arg1, %mul3A : i32
    %add3A = arith.addi %mul3A_0, %arg0 : i32
    %scan3A = arith.constant 0 : i32
    %scan3A_1 = arith.constant 0 : i32
    %scan3A_2 = arith.constant 9 : i32
    %scan3A_3 = arith.addi %scan3A_1, %scan3A_2 : i32
    %scan3A_4 = arith.constant 1 : i32
    scf.for %scan3A_12 = %scan3A_1 to %scan3A_3 step %scan3A_4  : i32 {
      %mul3A_13 = arith.constant 4 : i32
      %mul3A_14 = arith.muli %scan3A_12, %mul3A_13 : i32
      %add3A_15 = arith.constant 0 : i32
      %add3A_16 = arith.addi %mul3A_14, %add3A_15 : i32
      %mul3A_17 = arith.constant 32 : i32
      %mul3A_18 = arith.muli %add3A_16, %mul3A_17 : i32
      %add3A_19 = arith.addi %mul3A_18, %add3A : i32
      %mul3A_20 = arith.constant 128 : i32
      %mul3A_21 = arith.muli %add3A_19, %mul3A_20 : i32
      %dma_start3A = arith.constant 0 : i32
      %dma_start3A_22 = arith.constant 0 : i32
      %dma_start3A_23 = tpu.memref_slice %arg5[%dma_start3A, %dma_start3A_22] : memref<4x128xi32, #tpu.memory_space<vmem>> -> memref<1x128xi32, #tpu.memory_space<vmem>>
      %dma_start3A_24 = tpu.memref_squeeze %dma_start3A_23 : memref<1x128xi32, #tpu.memory_space<vmem>> -> memref<128xi32, #tpu.memory_space<vmem>>
      %dma_start3A_25 = tpu.memref_slice %arg3[%mul3A_21] : memref<160000xi32, #tpu.memory_space<hbm>> -> memref<128xi32, #tpu.memory_space<hbm>>
      %dma_start3A_26 = arith.constant 0 : i32
      %dma_start3A_27 = tpu.memref_slice %arg5[%dma_start3A, %dma_start3A_26] : memref<4x128xi32, #tpu.memory_space<vmem>> -> memref<1x128xi32, #tpu.memory_space<vmem>>
      %dma_start3A_28 = tpu.memref_squeeze %dma_start3A_27 : memref<1x128xi32, #tpu.memory_space<vmem>> -> memref<128xi32, #tpu.memory_space<vmem>>
      %dma_start3A_29 = tpu.memref_slice %arg3[%mul3A_21] : memref<160000xi32, #tpu.memory_space<hbm>> -> memref<128xi32, #tpu.memory_space<hbm>>
      tpu.enqueue_dma source(%dma_start3A_29 : memref<128xi32, #tpu.memory_space<hbm>>) target(%dma_start3A_28 : memref<128xi32, #tpu.memory_space<vmem>>) target_semaphore(%arg7 : memref<!tpu.dma_semaphore, #tpu.memory_space<semaphore_mem>>)
      %add3A_30 = arith.constant 1 : i32
      %add3A_31 = arith.addi %mul3A_14, %add3A_30 : i32
      %mul3A_32 = arith.constant 32 : i32
      %mul3A_33 = arith.muli %add3A_31, %mul3A_32 : i32
      %add3A_34 = arith.addi %mul3A_33, %add3A : i32
      %mul3A_35 = arith.constant 128 : i32
      %mul3A_36 = arith.muli %add3A_34, %mul3A_35 : i32
      %dma_start3A_37 = arith.constant 1 : i32
      %dma_start3A_38 = arith.constant 0 : i32
      %dma_start3A_39 = tpu.memref_slice %arg5[%dma_start3A_37, %dma_start3A_38] : memref<4x128xi32, #tpu.memory_space<vmem>> -> memref<1x128xi32, #tpu.memory_space<vmem>>
      %dma_start3A_40 = tpu.memref_squeeze %dma_start3A_39 : memref<1x128xi32, #tpu.memory_space<vmem>> -> memref<128xi32, #tpu.memory_space<vmem>>
      %dma_start3A_41 = tpu.memref_slice %arg3[%mul3A_36] : memref<160000xi32, #tpu.memory_space<hbm>> -> memref<128xi32, #tpu.memory_space<hbm>>
      %dma_start3A_42 = arith.constant 0 : i32
      %dma_start3A_43 = tpu.memref_slice %arg5[%dma_start3A_37, %dma_start3A_42] : memref<4x128xi32, #tpu.memory_space<vmem>> -> memref<1x128xi32, #tpu.memory_space<vmem>>
      %dma_start3A_44 = tpu.memref_squeeze %dma_start3A_43 : memref<1x128xi32, #tpu.memory_space<vmem>> -> memref<128xi32, #tpu.memory_space<vmem>>
      %dma_start3A_45 = tpu.memref_slice %arg3[%mul3A_36] : memref<160000xi32, #tpu.memory_space<hbm>> -> memref<128xi32, #tpu.memory_space<hbm>>
      tpu.enqueue_dma source(%dma_start3A_45 : memref<128xi32, #tpu.memory_space<hbm>>) target(%dma_start3A_44 : memref<128xi32, #tpu.memory_space<vmem>>) target_semaphore(%arg7 : memref<!tpu.dma_semaphore, #tpu.memory_space<semaphore_mem>>)
      %add3A_46 = arith.constant 2 : i32
      %add3A_47 = arith.addi %mul3A_14, %add3A_46 : i32
      %mul3A_48 = arith.constant 32 : i32
      %mul3A_49 = arith.muli %add3A_47, %mul3A_48 : i32
      %add3A_50 = arith.addi %mul3A_49, %add3A : i32
      %mul3A_51 = arith.constant 128 : i32
      %mul3A_52 = arith.muli %add3A_50, %mul3A_51 : i32
      %dma_start3A_53 = arith.constant 2 : i32
      %dma_start3A_54 = arith.constant 0 : i32
      %dma_start3A_55 = tpu.memref_slice %arg5[%dma_start3A_53, %dma_start3A_54] : memref<4x128xi32, #tpu.memory_space<vmem>> -> memref<1x128xi32, #tpu.memory_space<vmem>>
      %dma_start3A_56 = tpu.memref_squeeze %dma_start3A_55 : memref<1x128xi32, #tpu.memory_space<vmem>> -> memref<128xi32, #tpu.memory_space<vmem>>
      %dma_start3A_57 = tpu.memref_slice %arg3[%mul3A_52] : memref<160000xi32, #tpu.memory_space<hbm>> -> memref<128xi32, #tpu.memory_space<hbm>>
      %dma_start3A_58 = arith.constant 0 : i32
      %dma_start3A_59 = tpu.memref_slice %arg5[%dma_start3A_53, %dma_start3A_58] : memref<4x128xi32, #tpu.memory_space<vmem>> -> memref<1x128xi32, #tpu.memory_space<vmem>>
      %dma_start3A_60 = tpu.memref_squeeze %dma_start3A_59 : memref<1x128xi32, #tpu.memory_space<vmem>> -> memref<128xi32, #tpu.memory_space<vmem>>
      %dma_start3A_61 = tpu.memref_slice %arg3[%mul3A_52] : memref<160000xi32, #tpu.memory_space<hbm>> -> memref<128xi32, #tpu.memory_space<hbm>>
      tpu.enqueue_dma source(%dma_start3A_61 : memref<128xi32, #tpu.memory_space<hbm>>) target(%dma_start3A_60 : memref<128xi32, #tpu.memory_space<vmem>>) target_semaphore(%arg7 : memref<!tpu.dma_semaphore, #tpu.memory_space<semaphore_mem>>)
      %add3A_62 = arith.constant 3 : i32
      %add3A_63 = arith.addi %mul3A_14, %add3A_62 : i32
      %mul3A_64 = arith.constant 32 : i32
      %mul3A_65 = arith.muli %add3A_63, %mul3A_64 : i32
      %add3A_66 = arith.addi %mul3A_65, %add3A : i32
      %mul3A_67 = arith.constant 128 : i32
      %mul3A_68 = arith.muli %add3A_66, %mul3A_67 : i32
      %dma_start3A_69 = arith.constant 3 : i32
      %dma_start3A_70 = arith.constant 0 : i32
      %dma_start3A_71 = tpu.memref_slice %arg5[%dma_start3A_69, %dma_start3A_70] : memref<4x128xi32, #tpu.memory_space<vmem>> -> memref<1x128xi32, #tpu.memory_space<vmem>>
      %dma_start3A_72 = tpu.memref_squeeze %dma_start3A_71 : memref<1x128xi32, #tpu.memory_space<vmem>> -> memref<128xi32, #tpu.memory_space<vmem>>
      %dma_start3A_73 = tpu.memref_slice %arg3[%mul3A_68] : memref<160000xi32, #tpu.memory_space<hbm>> -> memref<128xi32, #tpu.memory_space<hbm>>
      %dma_start3A_74 = arith.constant 0 : i32
      %dma_start3A_75 = tpu.memref_slice %arg5[%dma_start3A_69, %dma_start3A_74] : memref<4x128xi32, #tpu.memory_space<vmem>> -> memref<1x128xi32, #tpu.memory_space<vmem>>
      %dma_start3A_76 = tpu.memref_squeeze %dma_start3A_75 : memref<1x128xi32, #tpu.memory_space<vmem>> -> memref<128xi32, #tpu.memory_space<vmem>>
      %dma_start3A_77 = tpu.memref_slice %arg3[%mul3A_68] : memref<160000xi32, #tpu.memory_space<hbm>> -> memref<128xi32, #tpu.memory_space<hbm>>
      tpu.enqueue_dma source(%dma_start3A_77 : memref<128xi32, #tpu.memory_space<hbm>>) target(%dma_start3A_76 : memref<128xi32, #tpu.memory_space<vmem>>) target_semaphore(%arg7 : memref<!tpu.dma_semaphore, #tpu.memory_space<semaphore_mem>>)
      %add3A_78 = arith.constant 0 : i32
      %add3A_79 = arith.addi %mul3A_14, %add3A_78 : i32
      %mul3A_80 = arith.constant 32 : i32
      %mul3A_81 = arith.muli %add3A_79, %mul3A_80 : i32
      %add3A_82 = arith.addi %mul3A_81, %add3A : i32
      %mul3A_83 = arith.constant 128 : i32
      %mul3A_84 = arith.muli %add3A_82, %mul3A_83 : i32
      %dma_wait3A = arith.constant 0 : i32
      %dma_wait3A_85 = arith.constant 0 : i32
      %dma_wait3A_86 = tpu.memref_slice %arg5[%dma_wait3A, %dma_wait3A_85] : memref<4x128xi32, #tpu.memory_space<vmem>> -> memref<1x128xi32, #tpu.memory_space<vmem>>
      %dma_wait3A_87 = tpu.memref_squeeze %dma_wait3A_86 : memref<1x128xi32, #tpu.memory_space<vmem>> -> memref<128xi32, #tpu.memory_space<vmem>>
      %dma_wait3A_88 = tpu.memref_slice %arg3[%mul3A_84] : memref<160000xi32, #tpu.memory_space<hbm>> -> memref<128xi32, #tpu.memory_space<hbm>>
      %dma_wait3A_89 = arith.constant 0 : i32
      %dma_wait3A_90 = tpu.memref_slice %arg5[%dma_wait3A, %dma_wait3A_89] : memref<4x128xi32, #tpu.memory_space<vmem>> -> memref<1x128xi32, #tpu.memory_space<vmem>>
      %dma_wait3A_91 = tpu.memref_squeeze %dma_wait3A_90 : memref<1x128xi32, #tpu.memory_space<vmem>> -> memref<128xi32, #tpu.memory_space<vmem>>
      %dma_wait3A_92 = tpu.memref_slice %arg3[%mul3A_84] : memref<160000xi32, #tpu.memory_space<hbm>> -> memref<128xi32, #tpu.memory_space<hbm>>
      tpu.wait_dma2 semaphore(%arg7 : memref<!tpu.dma_semaphore, #tpu.memory_space<semaphore_mem>>) src(%dma_wait3A_92 : memref<128xi32, #tpu.memory_space<hbm>>) dst(%dma_wait3A_91 : memref<128xi32, #tpu.memory_space<vmem>>)
      %add3A_93 = arith.constant 1 : i32
      %add3A_94 = arith.addi %mul3A_14, %add3A_93 : i32
      %mul3A_95 = arith.constant 32 : i32
      %mul3A_96 = arith.muli %add3A_94, %mul3A_95 : i32
      %add3A_97 = arith.addi %mul3A_96, %add3A : i32
      %mul3A_98 = arith.constant 128 : i32
      %mul3A_99 = arith.muli %add3A_97, %mul3A_98 : i32
      %dma_wait3A_100 = arith.constant 1 : i32
      %dma_wait3A_101 = arith.constant 0 : i32
      %dma_wait3A_102 = tpu.memref_slice %arg5[%dma_wait3A_100, %dma_wait3A_101] : memref<4x128xi32, #tpu.memory_space<vmem>> -> memref<1x128xi32, #tpu.memory_space<vmem>>
      %dma_wait3A_103 = tpu.memref_squeeze %dma_wait3A_102 : memref<1x128xi32, #tpu.memory_space<vmem>> -> memref<128xi32, #tpu.memory_space<vmem>>
      %dma_wait3A_104 = tpu.memref_slice %arg3[%mul3A_99] : memref<160000xi32, #tpu.memory_space<hbm>> -> memref<128xi32, #tpu.memory_space<hbm>>
      %dma_wait3A_105 = arith.constant 0 : i32
      %dma_wait3A_106 = tpu.memref_slice %arg5[%dma_wait3A_100, %dma_wait3A_105] : memref<4x128xi32, #tpu.memory_space<vmem>> -> memref<1x128xi32, #tpu.memory_space<vmem>>
      %dma_wait3A_107 = tpu.memref_squeeze %dma_wait3A_106 : memref<1x128xi32, #tpu.memory_space<vmem>> -> memref<128xi32, #tpu.memory_space<vmem>>
      %dma_wait3A_108 = tpu.memref_slice %arg3[%mul3A_99] : memref<160000xi32, #tpu.memory_space<hbm>> -> memref<128xi32, #tpu.memory_space<hbm>>
      tpu.wait_dma2 semaphore(%arg7 : memref<!tpu.dma_semaphore, #tpu.memory_space<semaphore_mem>>) src(%dma_wait3A_108 : memref<128xi32, #tpu.memory_space<hbm>>) dst(%dma_wait3A_107 : memref<128xi32, #tpu.memory_space<vmem>>)
      %add3A_109 = arith.constant 2 : i32
      %add3A_110 = arith.addi %mul3A_14, %add3A_109 : i32
      %mul3A_111 = arith.constant 32 : i32
      %mul3A_112 = arith.muli %add3A_110, %mul3A_111 : i32
      %add3A_113 = arith.addi %mul3A_112, %add3A : i32
      %mul3A_114 = arith.constant 128 : i32
      %mul3A_115 = arith.muli %add3A_113, %mul3A_114 : i32
      %dma_wait3A_116 = arith.constant 2 : i32
      %dma_wait3A_117 = arith.constant 0 : i32
      %dma_wait3A_118 = tpu.memref_slice %arg5[%dma_wait3A_116, %dma_wait3A_117] : memref<4x128xi32, #tpu.memory_space<vmem>> -> memref<1x128xi32, #tpu.memory_space<vmem>>
      %dma_wait3A_119 = tpu.memref_squeeze %dma_wait3A_118 : memref<1x128xi32, #tpu.memory_space<vmem>> -> memref<128xi32, #tpu.memory_space<vmem>>
      %dma_wait3A_120 = tpu.memref_slice %arg3[%mul3A_115] : memref<160000xi32, #tpu.memory_space<hbm>> -> memref<128xi32, #tpu.memory_space<hbm>>
      %dma_wait3A_121 = arith.constant 0 : i32
      %dma_wait3A_122 = tpu.memref_slice %arg5[%dma_wait3A_116, %dma_wait3A_121] : memref<4x128xi32, #tpu.memory_space<vmem>> -> memref<1x128xi32, #tpu.memory_space<vmem>>
      %dma_wait3A_123 = tpu.memref_squeeze %dma_wait3A_122 : memref<1x128xi32, #tpu.memory_space<vmem>> -> memref<128xi32, #tpu.memory_space<vmem>>
      %dma_wait3A_124 = tpu.memref_slice %arg3[%mul3A_115] : memref<160000xi32, #tpu.memory_space<hbm>> -> memref<128xi32, #tpu.memory_space<hbm>>
      tpu.wait_dma2 semaphore(%arg7 : memref<!tpu.dma_semaphore, #tpu.memory_space<semaphore_mem>>) src(%dma_wait3A_124 : memref<128xi32, #tpu.memory_space<hbm>>) dst(%dma_wait3A_123 : memref<128xi32, #tpu.memory_space<vmem>>)
      %add3A_125 = arith.constant 3 : i32
      %add3A_126 = arith.addi %mul3A_14, %add3A_125 : i32
      %mul3A_127 = arith.constant 32 : i32
      %mul3A_128 = arith.muli %add3A_126, %mul3A_127 : i32
      %add3A_129 = arith.addi %mul3A_128, %add3A : i32
      %mul3A_130 = arith.constant 128 : i32
      %mul3A_131 = arith.muli %add3A_129, %mul3A_130 : i32
      %dma_wait3A_132 = arith.constant 3 : i32
      %dma_wait3A_133 = arith.constant 0 : i32
      %dma_wait3A_134 = tpu.memref_slice %arg5[%dma_wait3A_132, %dma_wait3A_133] : memref<4x128xi32, #tpu.memory_space<vmem>> -> memref<1x128xi32, #tpu.memory_space<vmem>>
      %dma_wait3A_135 = tpu.memref_squeeze %dma_wait3A_134 : memref<1x128xi32, #tpu.memory_space<vmem>> -> memref<128xi32, #tpu.memory_space<vmem>>
      %dma_wait3A_136 = tpu.memref_slice %arg3[%mul3A_131] : memref<160000xi32, #tpu.memory_space<hbm>> -> memref<128xi32, #tpu.memory_space<hbm>>
      %dma_wait3A_137 = arith.constant 0 : i32
      %dma_wait3A_138 = tpu.memref_slice %arg5[%dma_wait3A_132, %dma_wait3A_137] : memref<4x128xi32, #tpu.memory_space<vmem>> -> memref<1x128xi32, #tpu.memory_space<vmem>>
      %dma_wait3A_139 = tpu.memref_squeeze %dma_wait3A_138 : memref<1x128xi32, #tpu.memory_space<vmem>> -> memref<128xi32, #tpu.memory_space<vmem>>
      %dma_wait3A_140 = tpu.memref_slice %arg3[%mul3A_131] : memref<160000xi32, #tpu.memory_space<hbm>> -> memref<128xi32, #tpu.memory_space<hbm>>
      tpu.wait_dma2 semaphore(%arg7 : memref<!tpu.dma_semaphore, #tpu.memory_space<semaphore_mem>>) src(%dma_wait3A_140 : memref<128xi32, #tpu.memory_space<hbm>>) dst(%dma_wait3A_139 : memref<128xi32, #tpu.memory_space<vmem>>)
      %dma_start3A_141 = arith.constant 0 : i32
      %dma_start3A_142 = arith.constant 0 : i32
      %dma_start3A_143 = arith.constant 0 : i32
      %dma_start3A_144 = arith.constant 0 : i32
      %dma_start3A_145 = tpu.memref_slice %arg6[%dma_start3A_142, %dma_start3A_143, %dma_start3A_144] : memref<4x128x128xf32, #tpu.memory_space<vmem>> -> memref<1x128x128xf32, #tpu.memory_space<vmem>>
      %dma_start3A_146 = tpu.memref_squeeze %dma_start3A_145 : memref<1x128x128xf32, #tpu.memory_space<vmem>> -> memref<128x128xf32, #tpu.memory_space<vmem>>
      %dma_start3A_147 = arith.constant 0 : i32
      %dma_start3A_148 = tpu.memref_slice %arg5[%dma_start3A_141, %dma_start3A_147] : memref<4x128xi32, #tpu.memory_space<vmem>> -> memref<1x128xi32, #tpu.memory_space<vmem>>
      %dma_start3A_149 = tpu.memref_squeeze %dma_start3A_148 : memref<1x128xi32, #tpu.memory_space<vmem>> -> memref<128xi32, #tpu.memory_space<vmem>>
      %dma_start3A_150 = arith.constant 0 : i32
      %dma_start3A_151 = arith.constant 0 : i32
      %dma_start3A_152 = tpu.memref_slice %arg2[%dma_start3A_150, %dma_start3A_151] : memref<10000x128xf32, #tpu.memory_space<hbm>> -> memref<10000x128xf32, #tpu.memory_space<hbm>>
      tpu.enqueue_indirect_dma source(%dma_start3A_152 : memref<10000x128xf32, #tpu.memory_space<hbm>>) target(%dma_start3A_146 : memref<128x128xf32, #tpu.memory_space<vmem>>) offsets(%dma_start3A_149 : memref<128xi32, #tpu.memory_space<vmem>>) semaphore(%arg8 : memref<!tpu.dma_semaphore, #tpu.memory_space<semaphore_mem>>)
      %dma_start3A_153 = arith.constant 1 : i32
      %dma_start3A_154 = arith.constant 1 : i32
      %dma_start3A_155 = arith.constant 0 : i32
      %dma_start3A_156 = arith.constant 0 : i32
      %dma_start3A_157 = tpu.memref_slice %arg6[%dma_start3A_154, %dma_start3A_155, %dma_start3A_156] : memref<4x128x128xf32, #tpu.memory_space<vmem>> -> memref<1x128x128xf32, #tpu.memory_space<vmem>>
      %dma_start3A_158 = tpu.memref_squeeze %dma_start3A_157 : memref<1x128x128xf32, #tpu.memory_space<vmem>> -> memref<128x128xf32, #tpu.memory_space<vmem>>
      %dma_start3A_159 = arith.constant 0 : i32
      %dma_start3A_160 = tpu.memref_slice %arg5[%dma_start3A_153, %dma_start3A_159] : memref<4x128xi32, #tpu.memory_space<vmem>> -> memref<1x128xi32, #tpu.memory_space<vmem>>
      %dma_start3A_161 = tpu.memref_squeeze %dma_start3A_160 : memref<1x128xi32, #tpu.memory_space<vmem>> -> memref<128xi32, #tpu.memory_space<vmem>>
      %dma_start3A_162 = arith.constant 0 : i32
      %dma_start3A_163 = arith.constant 0 : i32
      %dma_start3A_164 = tpu.memref_slice %arg2[%dma_start3A_162, %dma_start3A_163] : memref<10000x128xf32, #tpu.memory_space<hbm>> -> memref<10000x128xf32, #tpu.memory_space<hbm>>
      tpu.enqueue_indirect_dma source(%dma_start3A_164 : memref<10000x128xf32, #tpu.memory_space<hbm>>) target(%dma_start3A_158 : memref<128x128xf32, #tpu.memory_space<vmem>>) offsets(%dma_start3A_161 : memref<128xi32, #tpu.memory_space<vmem>>) semaphore(%arg8 : memref<!tpu.dma_semaphore, #tpu.memory_space<semaphore_mem>>)
      %dma_start3A_165 = arith.constant 2 : i32
      %dma_start3A_166 = arith.constant 2 : i32
      %dma_start3A_167 = arith.constant 0 : i32
      %dma_start3A_168 = arith.constant 0 : i32
      %dma_start3A_169 = tpu.memref_slice %arg6[%dma_start3A_166, %dma_start3A_167, %dma_start3A_168] : memref<4x128x128xf32, #tpu.memory_space<vmem>> -> memref<1x128x128xf32, #tpu.memory_space<vmem>>
      %dma_start3A_170 = tpu.memref_squeeze %dma_start3A_169 : memref<1x128x128xf32, #tpu.memory_space<vmem>> -> memref<128x128xf32, #tpu.memory_space<vmem>>
      %dma_start3A_171 = arith.constant 0 : i32
      %dma_start3A_172 = tpu.memref_slice %arg5[%dma_start3A_165, %dma_start3A_171] : memref<4x128xi32, #tpu.memory_space<vmem>> -> memref<1x128xi32, #tpu.memory_space<vmem>>
      %dma_start3A_173 = tpu.memref_squeeze %dma_start3A_172 : memref<1x128xi32, #tpu.memory_space<vmem>> -> memref<128xi32, #tpu.memory_space<vmem>>
      %dma_start3A_174 = arith.constant 0 : i32
      %dma_start3A_175 = arith.constant 0 : i32
      %dma_start3A_176 = tpu.memref_slice %arg2[%dma_start3A_174, %dma_start3A_175] : memref<10000x128xf32, #tpu.memory_space<hbm>> -> memref<10000x128xf32, #tpu.memory_space<hbm>>
      tpu.enqueue_indirect_dma source(%dma_start3A_176 : memref<10000x128xf32, #tpu.memory_space<hbm>>) target(%dma_start3A_170 : memref<128x128xf32, #tpu.memory_space<vmem>>) offsets(%dma_start3A_173 : memref<128xi32, #tpu.memory_space<vmem>>) semaphore(%arg8 : memref<!tpu.dma_semaphore, #tpu.memory_space<semaphore_mem>>)
      %dma_start3A_177 = arith.constant 3 : i32
      %dma_start3A_178 = arith.constant 3 : i32
      %dma_start3A_179 = arith.constant 0 : i32
      %dma_start3A_180 = arith.constant 0 : i32
      %dma_start3A_181 = tpu.memref_slice %arg6[%dma_start3A_178, %dma_start3A_179, %dma_start3A_180] : memref<4x128x128xf32, #tpu.memory_space<vmem>> -> memref<1x128x128xf32, #tpu.memory_space<vmem>>
      %dma_start3A_182 = tpu.memref_squeeze %dma_start3A_181 : memref<1x128x128xf32, #tpu.memory_space<vmem>> -> memref<128x128xf32, #tpu.memory_space<vmem>>
      %dma_start3A_183 = arith.constant 0 : i32
      %dma_start3A_184 = tpu.memref_slice %arg5[%dma_start3A_177, %dma_start3A_183] : memref<4x128xi32, #tpu.memory_space<vmem>> -> memref<1x128xi32, #tpu.memory_space<vmem>>
      %dma_start3A_185 = tpu.memref_squeeze %dma_start3A_184 : memref<1x128xi32, #tpu.memory_space<vmem>> -> memref<128xi32, #tpu.memory_space<vmem>>
      %dma_start3A_186 = arith.constant 0 : i32
      %dma_start3A_187 = arith.constant 0 : i32
      %dma_start3A_188 = tpu.memref_slice %arg2[%dma_start3A_186, %dma_start3A_187] : memref<10000x128xf32, #tpu.memory_space<hbm>> -> memref<10000x128xf32, #tpu.memory_space<hbm>>
      tpu.enqueue_indirect_dma source(%dma_start3A_188 : memref<10000x128xf32, #tpu.memory_space<hbm>>) target(%dma_start3A_182 : memref<128x128xf32, #tpu.memory_space<vmem>>) offsets(%dma_start3A_185 : memref<128xi32, #tpu.memory_space<vmem>>) semaphore(%arg8 : memref<!tpu.dma_semaphore, #tpu.memory_space<semaphore_mem>>)
      %dma_wait3A_189 = arith.constant 0 : i32
      %dma_wait3A_190 = arith.constant 0 : i32
      %dma_wait3A_191 = arith.constant 0 : i32
      %dma_wait3A_192 = arith.constant 0 : i32
      %dma_wait3A_193 = tpu.memref_slice %arg6[%dma_wait3A_190, %dma_wait3A_191, %dma_wait3A_192] : memref<4x128x128xf32, #tpu.memory_space<vmem>> -> memref<1x128x128xf32, #tpu.memory_space<vmem>>
      %dma_wait3A_194 = tpu.memref_squeeze %dma_wait3A_193 : memref<1x128x128xf32, #tpu.memory_space<vmem>> -> memref<128x128xf32, #tpu.memory_space<vmem>>
      %dma_wait3A_195 = arith.constant 0 : i32
      %dma_wait3A_196 = tpu.memref_slice %arg5[%dma_wait3A_189, %dma_wait3A_195] : memref<4x128xi32, #tpu.memory_space<vmem>> -> memref<1x128xi32, #tpu.memory_space<vmem>>
      %dma_wait3A_197 = tpu.memref_squeeze %dma_wait3A_196 : memref<1x128xi32, #tpu.memory_space<vmem>> -> memref<128xi32, #tpu.memory_space<vmem>>
      %dma_wait3A_198 = arith.constant 0 : i32
      %dma_wait3A_199 = arith.constant 0 : i32
      %dma_wait3A_200 = tpu.memref_slice %arg2[%dma_wait3A_198, %dma_wait3A_199] : memref<10000x128xf32, #tpu.memory_space<hbm>> -> memref<10000x128xf32, #tpu.memory_space<hbm>>
      tpu.wait_indirect_dma semaphore(%arg8 : memref<!tpu.dma_semaphore, #tpu.memory_space<semaphore_mem>>) src(%dma_wait3A_200 : memref<10000x128xf32, #tpu.memory_space<hbm>>) dst(%dma_wait3A_194 : memref<128x128xf32, #tpu.memory_space<vmem>>)
      %dma_wait3A_201 = arith.constant 1 : i32
      %dma_wait3A_202 = arith.constant 1 : i32
      %dma_wait3A_203 = arith.constant 0 : i32
      %dma_wait3A_204 = arith.constant 0 : i32
      %dma_wait3A_205 = tpu.memref_slice %arg6[%dma_wait3A_202, %dma_wait3A_203, %dma_wait3A_204] : memref<4x128x128xf32, #tpu.memory_space<vmem>> -> memref<1x128x128xf32, #tpu.memory_space<vmem>>
      %dma_wait3A_206 = tpu.memref_squeeze %dma_wait3A_205 : memref<1x128x128xf32, #tpu.memory_space<vmem>> -> memref<128x128xf32, #tpu.memory_space<vmem>>
      %dma_wait3A_207 = arith.constant 0 : i32
      %dma_wait3A_208 = tpu.memref_slice %arg5[%dma_wait3A_201, %dma_wait3A_207] : memref<4x128xi32, #tpu.memory_space<vmem>> -> memref<1x128xi32, #tpu.memory_space<vmem>>
      %dma_wait3A_209 = tpu.memref_squeeze %dma_wait3A_208 : memref<1x128xi32, #tpu.memory_space<vmem>> -> memref<128xi32, #tpu.memory_space<vmem>>
      %dma_wait3A_210 = arith.constant 0 : i32
      %dma_wait3A_211 = arith.constant 0 : i32
      %dma_wait3A_212 = tpu.memref_slice %arg2[%dma_wait3A_210, %dma_wait3A_211] : memref<10000x128xf32, #tpu.memory_space<hbm>> -> memref<10000x128xf32, #tpu.memory_space<hbm>>
      tpu.wait_indirect_dma semaphore(%arg8 : memref<!tpu.dma_semaphore, #tpu.memory_space<semaphore_mem>>) src(%dma_wait3A_212 : memref<10000x128xf32, #tpu.memory_space<hbm>>) dst(%dma_wait3A_206 : memref<128x128xf32, #tpu.memory_space<vmem>>)
      %dma_wait3A_213 = arith.constant 2 : i32
      %dma_wait3A_214 = arith.constant 2 : i32
      %dma_wait3A_215 = arith.constant 0 : i32
      %dma_wait3A_216 = arith.constant 0 : i32
      %dma_wait3A_217 = tpu.memref_slice %arg6[%dma_wait3A_214, %dma_wait3A_215, %dma_wait3A_216] : memref<4x128x128xf32, #tpu.memory_space<vmem>> -> memref<1x128x128xf32, #tpu.memory_space<vmem>>
      %dma_wait3A_218 = tpu.memref_squeeze %dma_wait3A_217 : memref<1x128x128xf32, #tpu.memory_space<vmem>> -> memref<128x128xf32, #tpu.memory_space<vmem>>
      %dma_wait3A_219 = arith.constant 0 : i32
      %dma_wait3A_220 = tpu.memref_slice %arg5[%dma_wait3A_213, %dma_wait3A_219] : memref<4x128xi32, #tpu.memory_space<vmem>> -> memref<1x128xi32, #tpu.memory_space<vmem>>
      %dma_wait3A_221 = tpu.memref_squeeze %dma_wait3A_220 : memref<1x128xi32, #tpu.memory_space<vmem>> -> memref<128xi32, #tpu.memory_space<vmem>>
      %dma_wait3A_222 = arith.constant 0 : i32
      %dma_wait3A_223 = arith.constant 0 : i32
      %dma_wait3A_224 = tpu.memref_slice %arg2[%dma_wait3A_222, %dma_wait3A_223] : memref<10000x128xf32, #tpu.memory_space<hbm>> -> memref<10000x128xf32, #tpu.memory_space<hbm>>
      tpu.wait_indirect_dma semaphore(%arg8 : memref<!tpu.dma_semaphore, #tpu.memory_space<semaphore_mem>>) src(%dma_wait3A_224 : memref<10000x128xf32, #tpu.memory_space<hbm>>) dst(%dma_wait3A_218 : memref<128x128xf32, #tpu.memory_space<vmem>>)
      %dma_wait3A_225 = arith.constant 3 : i32
      %dma_wait3A_226 = arith.constant 3 : i32
      %dma_wait3A_227 = arith.constant 0 : i32
      %dma_wait3A_228 = arith.constant 0 : i32
      %dma_wait3A_229 = tpu.memref_slice %arg6[%dma_wait3A_226, %dma_wait3A_227, %dma_wait3A_228] : memref<4x128x128xf32, #tpu.memory_space<vmem>> -> memref<1x128x128xf32, #tpu.memory_space<vmem>>
      %dma_wait3A_230 = tpu.memref_squeeze %dma_wait3A_229 : memref<1x128x128xf32, #tpu.memory_space<vmem>> -> memref<128x128xf32, #tpu.memory_space<vmem>>
      %dma_wait3A_231 = arith.constant 0 : i32
      %dma_wait3A_232 = tpu.memref_slice %arg5[%dma_wait3A_225, %dma_wait3A_231] : memref<4x128xi32, #tpu.memory_space<vmem>> -> memref<1x128xi32, #tpu.memory_space<vmem>>
      %dma_wait3A_233 = tpu.memref_squeeze %dma_wait3A_232 : memref<1x128xi32, #tpu.memory_space<vmem>> -> memref<128xi32, #tpu.memory_space<vmem>>
      %dma_wait3A_234 = arith.constant 0 : i32
      %dma_wait3A_235 = arith.constant 0 : i32
      %dma_wait3A_236 = tpu.memref_slice %arg2[%dma_wait3A_234, %dma_wait3A_235] : memref<10000x128xf32, #tpu.memory_space<hbm>> -> memref<10000x128xf32, #tpu.memory_space<hbm>>
      tpu.wait_indirect_dma semaphore(%arg8 : memref<!tpu.dma_semaphore, #tpu.memory_space<semaphore_mem>>) src(%dma_wait3A_236 : memref<10000x128xf32, #tpu.memory_space<hbm>>) dst(%dma_wait3A_230 : memref<128x128xf32, #tpu.memory_space<vmem>>)
      %add3A_237 = arith.constant 0 : i32
      %add3A_238 = arith.addi %mul3A_14, %add3A_237 : i32
      %mul3A_239 = arith.constant 32 : i32
      %mul3A_240 = arith.muli %add3A_238, %mul3A_239 : i32
      %add3A_241 = arith.addi %mul3A_240, %add3A : i32
      %mul3A_242 = arith.constant 128 : i32
      %mul3A_243 = arith.muli %add3A_241, %mul3A_242 : i32
      %dma_start3A_244 = arith.constant 0 : i32
      %dma_start3A_245 = arith.constant 0 : i32
      %dma_start3A_246 = arith.constant 0 : i32
      %dma_start3A_247 = tpu.memref_slice %arg6[%dma_start3A_244, %dma_start3A_245, %dma_start3A_246] : memref<4x128x128xf32, #tpu.memory_space<vmem>> -> memref<1x128x128xf32, #tpu.memory_space<vmem>>
      %dma_start3A_248 = tpu.memref_squeeze %dma_start3A_247 : memref<1x128x128xf32, #tpu.memory_space<vmem>> -> memref<128x128xf32, #tpu.memory_space<vmem>>
      %dma_start3A_249 = arith.constant 0 : i32
      %dma_start3A_250 = tpu.memref_slice %arg4[%mul3A_243, %dma_start3A_249] : memref<160000x128xf32, #tpu.memory_space<hbm>> -> memref<128x128xf32, #tpu.memory_space<hbm>>
      %dma_start3A_251 = arith.constant 0 : i32
      %dma_start3A_252 = tpu.memref_slice %arg4[%mul3A_243, %dma_start3A_251] : memref<160000x128xf32, #tpu.memory_space<hbm>> -> memref<128x128xf32, #tpu.memory_space<hbm>>
      %dma_start3A_253 = arith.constant 0 : i32
      %dma_start3A_254 = arith.constant 0 : i32
      %dma_start3A_255 = tpu.memref_slice %arg6[%dma_start3A_244, %dma_start3A_253, %dma_start3A_254] : memref<4x128x128xf32, #tpu.memory_space<vmem>> -> memref<1x128x128xf32, #tpu.memory_space<vmem>>
      %dma_start3A_256 = tpu.memref_squeeze %dma_start3A_255 : memref<1x128x128xf32, #tpu.memory_space<vmem>> -> memref<128x128xf32, #tpu.memory_space<vmem>>
      tpu.enqueue_dma source(%dma_start3A_256 : memref<128x128xf32, #tpu.memory_space<vmem>>) target(%dma_start3A_252 : memref<128x128xf32, #tpu.memory_space<hbm>>) target_semaphore(%arg9 : memref<!tpu.dma_semaphore, #tpu.memory_space<semaphore_mem>>)
      %add3A_257 = arith.constant 1 : i32
      %add3A_258 = arith.addi %mul3A_14, %add3A_257 : i32
      %mul3A_259 = arith.constant 32 : i32
      %mul3A_260 = arith.muli %add3A_258, %mul3A_259 : i32
      %add3A_261 = arith.addi %mul3A_260, %add3A : i32
      %mul3A_262 = arith.constant 128 : i32
      %mul3A_263 = arith.muli %add3A_261, %mul3A_262 : i32
      %dma_start3A_264 = arith.constant 1 : i32
      %dma_start3A_265 = arith.constant 0 : i32
      %dma_start3A_266 = arith.constant 0 : i32
      %dma_start3A_267 = tpu.memref_slice %arg6[%dma_start3A_264, %dma_start3A_265, %dma_start3A_266] : memref<4x128x128xf32, #tpu.memory_space<vmem>> -> memref<1x128x128xf32, #tpu.memory_space<vmem>>
      %dma_start3A_268 = tpu.memref_squeeze %dma_start3A_267 : memref<1x128x128xf32, #tpu.memory_space<vmem>> -> memref<128x128xf32, #tpu.memory_space<vmem>>
      %dma_start3A_269 = arith.constant 0 : i32
      %dma_start3A_270 = tpu.memref_slice %arg4[%mul3A_263, %dma_start3A_269] : memref<160000x128xf32, #tpu.memory_space<hbm>> -> memref<128x128xf32, #tpu.memory_space<hbm>>
      %dma_start3A_271 = arith.constant 0 : i32
      %dma_start3A_272 = tpu.memref_slice %arg4[%mul3A_263, %dma_start3A_271] : memref<160000x128xf32, #tpu.memory_space<hbm>> -> memref<128x128xf32, #tpu.memory_space<hbm>>
      %dma_start3A_273 = arith.constant 0 : i32
      %dma_start3A_274 = arith.constant 0 : i32
      %dma_start3A_275 = tpu.memref_slice %arg6[%dma_start3A_264, %dma_start3A_273, %dma_start3A_274] : memref<4x128x128xf32, #tpu.memory_space<vmem>> -> memref<1x128x128xf32, #tpu.memory_space<vmem>>
      %dma_start3A_276 = tpu.memref_squeeze %dma_start3A_275 : memref<1x128x128xf32, #tpu.memory_space<vmem>> -> memref<128x128xf32, #tpu.memory_space<vmem>>
      tpu.enqueue_dma source(%dma_start3A_276 : memref<128x128xf32, #tpu.memory_space<vmem>>) target(%dma_start3A_272 : memref<128x128xf32, #tpu.memory_space<hbm>>) target_semaphore(%arg9 : memref<!tpu.dma_semaphore, #tpu.memory_space<semaphore_mem>>)
      %add3A_277 = arith.constant 2 : i32
      %add3A_278 = arith.addi %mul3A_14, %add3A_277 : i32
      %mul3A_279 = arith.constant 32 : i32
      %mul3A_280 = arith.muli %add3A_278, %mul3A_279 : i32
      %add3A_281 = arith.addi %mul3A_280, %add3A : i32
      %mul3A_282 = arith.constant 128 : i32
      %mul3A_283 = arith.muli %add3A_281, %mul3A_282 : i32
      %dma_start3A_284 = arith.constant 2 : i32
      %dma_start3A_285 = arith.constant 0 : i32
      %dma_start3A_286 = arith.constant 0 : i32
      %dma_start3A_287 = tpu.memref_slice %arg6[%dma_start3A_284, %dma_start3A_285, %dma_start3A_286] : memref<4x128x128xf32, #tpu.memory_space<vmem>> -> memref<1x128x128xf32, #tpu.memory_space<vmem>>
      %dma_start3A_288 = tpu.memref_squeeze %dma_start3A_287 : memref<1x128x128xf32, #tpu.memory_space<vmem>> -> memref<128x128xf32, #tpu.memory_space<vmem>>
      %dma_start3A_289 = arith.constant 0 : i32
      %dma_start3A_290 = tpu.memref_slice %arg4[%mul3A_283, %dma_start3A_289] : memref<160000x128xf32, #tpu.memory_space<hbm>> -> memref<128x128xf32, #tpu.memory_space<hbm>>
      %dma_start3A_291 = arith.constant 0 : i32
      %dma_start3A_292 = tpu.memref_slice %arg4[%mul3A_283, %dma_start3A_291] : memref<160000x128xf32, #tpu.memory_space<hbm>> -> memref<128x128xf32, #tpu.memory_space<hbm>>
      %dma_start3A_293 = arith.constant 0 : i32
      %dma_start3A_294 = arith.constant 0 : i32
      %dma_start3A_295 = tpu.memref_slice %arg6[%dma_start3A_284, %dma_start3A_293, %dma_start3A_294] : memref<4x128x128xf32, #tpu.memory_space<vmem>> -> memref<1x128x128xf32, #tpu.memory_space<vmem>>
      %dma_start3A_296 = tpu.memref_squeeze %dma_start3A_295 : memref<1x128x128xf32, #tpu.memory_space<vmem>> -> memref<128x128xf32, #tpu.memory_space<vmem>>
      tpu.enqueue_dma source(%dma_start3A_296 : memref<128x128xf32, #tpu.memory_space<vmem>>) target(%dma_start3A_292 : memref<128x128xf32, #tpu.memory_space<hbm>>) target_semaphore(%arg9 : memref<!tpu.dma_semaphore, #tpu.memory_space<semaphore_mem>>)
      %add3A_297 = arith.constant 3 : i32
      %add3A_298 = arith.addi %mul3A_14, %add3A_297 : i32
      %mul3A_299 = arith.constant 32 : i32
      %mul3A_300 = arith.muli %add3A_298, %mul3A_299 : i32
      %add3A_301 = arith.addi %mul3A_300, %add3A : i32
      %mul3A_302 = arith.constant 128 : i32
      %mul3A_303 = arith.muli %add3A_301, %mul3A_302 : i32
      %dma_start3A_304 = arith.constant 3 : i32
      %dma_start3A_305 = arith.constant 0 : i32
      %dma_start3A_306 = arith.constant 0 : i32
      %dma_start3A_307 = tpu.memref_slice %arg6[%dma_start3A_304, %dma_start3A_305, %dma_start3A_306] : memref<4x128x128xf32, #tpu.memory_space<vmem>> -> memref<1x128x128xf32, #tpu.memory_space<vmem>>
      %dma_start3A_308 = tpu.memref_squeeze %dma_start3A_307 : memref<1x128x128xf32, #tpu.memory_space<vmem>> -> memref<128x128xf32, #tpu.memory_space<vmem>>
      %dma_start3A_309 = arith.constant 0 : i32
      %dma_start3A_310 = tpu.memref_slice %arg4[%mul3A_303, %dma_start3A_309] : memref<160000x128xf32, #tpu.memory_space<hbm>> -> memref<128x128xf32, #tpu.memory_space<hbm>>
      %dma_start3A_311 = arith.constant 0 : i32
      %dma_start3A_312 = tpu.memref_slice %arg4[%mul3A_303, %dma_start3A_311] : memref<160000x128xf32, #tpu.memory_space<hbm>> -> memref<128x128xf32, #tpu.memory_space<hbm>>
      %dma_start3A_313 = arith.constant 0 : i32
      %dma_start3A_314 = arith.constant 0 : i32
      %dma_start3A_315 = tpu.memref_slice %arg6[%dma_start3A_304, %dma_start3A_313, %dma_start3A_314] : memref<4x128x128xf32, #tpu.memory_space<vmem>> -> memref<1x128x128xf32, #tpu.memory_space<vmem>>
      %dma_start3A_316 = tpu.memref_squeeze %dma_start3A_315 : memref<1x128x128xf32, #tpu.memory_space<vmem>> -> memref<128x128xf32, #tpu.memory_space<vmem>>
      tpu.enqueue_dma source(%dma_start3A_316 : memref<128x128xf32, #tpu.memory_space<vmem>>) target(%dma_start3A_312 : memref<128x128xf32, #tpu.memory_space<hbm>>) target_semaphore(%arg9 : memref<!tpu.dma_semaphore, #tpu.memory_space<semaphore_mem>>)
      %add3A_317 = arith.constant 0 : i32
      %add3A_318 = arith.addi %mul3A_14, %add3A_317 : i32
      %mul3A_319 = arith.constant 32 : i32
      %mul3A_320 = arith.muli %add3A_318, %mul3A_319 : i32
      %add3A_321 = arith.addi %mul3A_320, %add3A : i32
      %mul3A_322 = arith.constant 128 : i32
      %mul3A_323 = arith.muli %add3A_321, %mul3A_322 : i32
      %dma_wait3A_324 = arith.constant 0 : i32
      %dma_wait3A_325 = arith.constant 0 : i32
      %dma_wait3A_326 = arith.constant 0 : i32
      %dma_wait3A_327 = tpu.memref_slice %arg6[%dma_wait3A_324, %dma_wait3A_325, %dma_wait3A_326] : memref<4x128x128xf32, #tpu.memory_space<vmem>> -> memref<1x128x128xf32, #tpu.memory_space<vmem>>
      %dma_wait3A_328 = tpu.memref_squeeze %dma_wait3A_327 : memref<1x128x128xf32, #tpu.memory_space<vmem>> -> memref<128x128xf32, #tpu.memory_space<vmem>>
      %dma_wait3A_329 = arith.constant 0 : i32
      %dma_wait3A_330 = tpu.memref_slice %arg4[%mul3A_323, %dma_wait3A_329] : memref<160000x128xf32, #tpu.memory_space<hbm>> -> memref<128x128xf32, #tpu.memory_space<hbm>>
      %dma_wait3A_331 = arith.constant 0 : i32
      %dma_wait3A_332 = tpu.memref_slice %arg4[%mul3A_323, %dma_wait3A_331] : memref<160000x128xf32, #tpu.memory_space<hbm>> -> memref<128x128xf32, #tpu.memory_space<hbm>>
      %dma_wait3A_333 = arith.constant 0 : i32
      %dma_wait3A_334 = arith.constant 0 : i32
      %dma_wait3A_335 = tpu.memref_slice %arg6[%dma_wait3A_324, %dma_wait3A_333, %dma_wait3A_334] : memref<4x128x128xf32, #tpu.memory_space<vmem>> -> memref<1x128x128xf32, #tpu.memory_space<vmem>>
      %dma_wait3A_336 = tpu.memref_squeeze %dma_wait3A_335 : memref<1x128x128xf32, #tpu.memory_space<vmem>> -> memref<128x128xf32, #tpu.memory_space<vmem>>
      tpu.wait_dma2 semaphore(%arg9 : memref<!tpu.dma_semaphore, #tpu.memory_space<semaphore_mem>>) src(%dma_wait3A_336 : memref<128x128xf32, #tpu.memory_space<vmem>>) dst(%dma_wait3A_332 : memref<128x128xf32, #tpu.memory_space<hbm>>)
      %add3A_337 = arith.constant 1 : i32
      %add3A_338 = arith.addi %mul3A_14, %add3A_337 : i32
      %mul3A_339 = arith.constant 32 : i32
      %mul3A_340 = arith.muli %add3A_338, %mul3A_339 : i32
      %add3A_341 = arith.addi %mul3A_340, %add3A : i32
      %mul3A_342 = arith.constant 128 : i32
      %mul3A_343 = arith.muli %add3A_341, %mul3A_342 : i32
      %dma_wait3A_344 = arith.constant 1 : i32
      %dma_wait3A_345 = arith.constant 0 : i32
      %dma_wait3A_346 = arith.constant 0 : i32
      %dma_wait3A_347 = tpu.memref_slice %arg6[%dma_wait3A_344, %dma_wait3A_345, %dma_wait3A_346] : memref<4x128x128xf32, #tpu.memory_space<vmem>> -> memref<1x128x128xf32, #tpu.memory_space<vmem>>
      %dma_wait3A_348 = tpu.memref_squeeze %dma_wait3A_347 : memref<1x128x128xf32, #tpu.memory_space<vmem>> -> memref<128x128xf32, #tpu.memory_space<vmem>>
      %dma_wait3A_349 = arith.constant 0 : i32
      %dma_wait3A_350 = tpu.memref_slice %arg4[%mul3A_343, %dma_wait3A_349] : memref<160000x128xf32, #tpu.memory_space<hbm>> -> memref<128x128xf32, #tpu.memory_space<hbm>>
      %dma_wait3A_351 = arith.constant 0 : i32
      %dma_wait3A_352 = tpu.memref_slice %arg4[%mul3A_343, %dma_wait3A_351] : memref<160000x128xf32, #tpu.memory_space<hbm>> -> memref<128x128xf32, #tpu.memory_space<hbm>>
      %dma_wait3A_353 = arith.constant 0 : i32
      %dma_wait3A_354 = arith.constant 0 : i32
      %dma_wait3A_355 = tpu.memref_slice %arg6[%dma_wait3A_344, %dma_wait3A_353, %dma_wait3A_354] : memref<4x128x128xf32, #tpu.memory_space<vmem>> -> memref<1x128x128xf32, #tpu.memory_space<vmem>>
      %dma_wait3A_356 = tpu.memref_squeeze %dma_wait3A_355 : memref<1x128x128xf32, #tpu.memory_space<vmem>> -> memref<128x128xf32, #tpu.memory_space<vmem>>
      tpu.wait_dma2 semaphore(%arg9 : memref<!tpu.dma_semaphore, #tpu.memory_space<semaphore_mem>>) src(%dma_wait3A_356 : memref<128x128xf32, #tpu.memory_space<vmem>>) dst(%dma_wait3A_352 : memref<128x128xf32, #tpu.memory_space<hbm>>)
      %add3A_357 = arith.constant 2 : i32
      %add3A_358 = arith.addi %mul3A_14, %add3A_357 : i32
      %mul3A_359 = arith.constant 32 : i32
      %mul3A_360 = arith.muli %add3A_358, %mul3A_359 : i32
      %add3A_361 = arith.addi %mul3A_360, %add3A : i32
      %mul3A_362 = arith.constant 128 : i32
      %mul3A_363 = arith.muli %add3A_361, %mul3A_362 : i32
      %dma_wait3A_364 = arith.constant 2 : i32
      %dma_wait3A_365 = arith.constant 0 : i32
      %dma_wait3A_366 = arith.constant 0 : i32
      %dma_wait3A_367 = tpu.memref_slice %arg6[%dma_wait3A_364, %dma_wait3A_365, %dma_wait3A_366] : memref<4x128x128xf32, #tpu.memory_space<vmem>> -> memref<1x128x128xf32, #tpu.memory_space<vmem>>
      %dma_wait3A_368 = tpu.memref_squeeze %dma_wait3A_367 : memref<1x128x128xf32, #tpu.memory_space<vmem>> -> memref<128x128xf32, #tpu.memory_space<vmem>>
      %dma_wait3A_369 = arith.constant 0 : i32
      %dma_wait3A_370 = tpu.memref_slice %arg4[%mul3A_363, %dma_wait3A_369] : memref<160000x128xf32, #tpu.memory_space<hbm>> -> memref<128x128xf32, #tpu.memory_space<hbm>>
      %dma_wait3A_371 = arith.constant 0 : i32
      %dma_wait3A_372 = tpu.memref_slice %arg4[%mul3A_363, %dma_wait3A_371] : memref<160000x128xf32, #tpu.memory_space<hbm>> -> memref<128x128xf32, #tpu.memory_space<hbm>>
      %dma_wait3A_373 = arith.constant 0 : i32
      %dma_wait3A_374 = arith.constant 0 : i32
      %dma_wait3A_375 = tpu.memref_slice %arg6[%dma_wait3A_364, %dma_wait3A_373, %dma_wait3A_374] : memref<4x128x128xf32, #tpu.memory_space<vmem>> -> memref<1x128x128xf32, #tpu.memory_space<vmem>>
      %dma_wait3A_376 = tpu.memref_squeeze %dma_wait3A_375 : memref<1x128x128xf32, #tpu.memory_space<vmem>> -> memref<128x128xf32, #tpu.memory_space<vmem>>
      tpu.wait_dma2 semaphore(%arg9 : memref<!tpu.dma_semaphore, #tpu.memory_space<semaphore_mem>>) src(%dma_wait3A_376 : memref<128x128xf32, #tpu.memory_space<vmem>>) dst(%dma_wait3A_372 : memref<128x128xf32, #tpu.memory_space<hbm>>)
      %add3A_377 = arith.constant 3 : i32
      %add3A_378 = arith.addi %mul3A_14, %add3A_377 : i32
      %mul3A_379 = arith.constant 32 : i32
      %mul3A_380 = arith.muli %add3A_378, %mul3A_379 : i32
      %add3A_381 = arith.addi %mul3A_380, %add3A : i32
      %mul3A_382 = arith.constant 128 : i32
      %mul3A_383 = arith.muli %add3A_381, %mul3A_382 : i32
      %dma_wait3A_384 = arith.constant 3 : i32
      %dma_wait3A_385 = arith.constant 0 : i32
      %dma_wait3A_386 = arith.constant 0 : i32
      %dma_wait3A_387 = tpu.memref_slice %arg6[%dma_wait3A_384, %dma_wait3A_385, %dma_wait3A_386] : memref<4x128x128xf32, #tpu.memory_space<vmem>> -> memref<1x128x128xf32, #tpu.memory_space<vmem>>
      %dma_wait3A_388 = tpu.memref_squeeze %dma_wait3A_387 : memref<1x128x128xf32, #tpu.memory_space<vmem>> -> memref<128x128xf32, #tpu.memory_space<vmem>>
      %dma_wait3A_389 = arith.constant 0 : i32
      %dma_wait3A_390 = tpu.memref_slice %arg4[%mul3A_383, %dma_wait3A_389] : memref<160000x128xf32, #tpu.memory_space<hbm>> -> memref<128x128xf32, #tpu.memory_space<hbm>>
      %dma_wait3A_391 = arith.constant 0 : i32
      %dma_wait3A_392 = tpu.memref_slice %arg4[%mul3A_383, %dma_wait3A_391] : memref<160000x128xf32, #tpu.memory_space<hbm>> -> memref<128x128xf32, #tpu.memory_space<hbm>>
      %dma_wait3A_393 = arith.constant 0 : i32
      %dma_wait3A_394 = arith.constant 0 : i32
      %dma_wait3A_395 = tpu.memref_slice %arg6[%dma_wait3A_384, %dma_wait3A_393, %dma_wait3A_394] : memref<4x128x128xf32, #tpu.memory_space<vmem>> -> memref<1x128x128xf32, #tpu.memory_space<vmem>>
      %dma_wait3A_396 = tpu.memref_squeeze %dma_wait3A_395 : memref<1x128x128xf32, #tpu.memory_space<vmem>> -> memref<128x128xf32, #tpu.memory_space<vmem>>
      tpu.wait_dma2 semaphore(%arg9 : memref<!tpu.dma_semaphore, #tpu.memory_space<semaphore_mem>>) src(%dma_wait3A_396 : memref<128x128xf32, #tpu.memory_space<vmem>>) dst(%dma_wait3A_392 : memref<128x128xf32, #tpu.memory_space<hbm>>)
    }
    %scan3A_5 = arith.constant 9 : i32
    %scan3A_6 = arith.constant 0 : i32
    %scan3A_7 = arith.constant 36 : i32
    %scan3A_8 = arith.constant 4 : i32
    %scan3A_9 = arith.addi %scan3A_7, %scan3A_8 : i32
    %scan3A_10 = arith.constant 1 : i32
    scf.for %scan3A_12 = %scan3A_7 to %scan3A_9 step %scan3A_10  : i32 {
      %mul3A_13 = arith.constant 32 : i32
      %mul3A_14 = arith.muli %scan3A_12, %mul3A_13 : i32
      %add3A_15 = arith.addi %mul3A_14, %add3A : i32
      %lt3A = arith.constant 1250 : i32
      %lt3A_16 = arith.cmpi slt, %add3A_15, %lt3A : i32
      %convert_element_type3A = arith.extui %lt3A_16 : i1 to i32
      %cond3A = arith.constant 0 : i32
      %cond3A_17 = arith.cmpi ne, %convert_element_type3A, %cond3A : i32
      scf.if %cond3A_17 {
        %mul3A_18 = arith.constant 128 : i32
        %mul3A_19 = arith.muli %add3A_15, %mul3A_18 : i32
        %run_scoped3A = arith.constant 0 : i32
        "tpu.region"() ({
          %run_scoped3A_43 = tpu.sem_alloc : memref<!tpu.dma_semaphore, #tpu.memory_space<semaphore_mem>>
          %dma_start3A_44 = arith.constant 0 : i32
          %dma_start3A_45 = tpu.memref_slice %arg5[%run_scoped3A, %dma_start3A_44] : memref<4x128xi32, #tpu.memory_space<vmem>> -> memref<1x128xi32, #tpu.memory_space<vmem>>
          %dma_start3A_46 = tpu.memref_squeeze %dma_start3A_45 : memref<1x128xi32, #tpu.memory_space<vmem>> -> memref<128xi32, #tpu.memory_space<vmem>>
          %dma_start3A_47 = tpu.memref_slice %arg3[%mul3A_19] : memref<160000xi32, #tpu.memory_space<hbm>> -> memref<128xi32, #tpu.memory_space<hbm>>
          %dma_start3A_48 = arith.constant 0 : i32
          %dma_start3A_49 = tpu.memref_slice %arg5[%run_scoped3A, %dma_start3A_48] : memref<4x128xi32, #tpu.memory_space<vmem>> -> memref<1x128xi32, #tpu.memory_space<vmem>>
          %dma_start3A_50 = tpu.memref_squeeze %dma_start3A_49 : memref<1x128xi32, #tpu.memory_space<vmem>> -> memref<128xi32, #tpu.memory_space<vmem>>
          %dma_start3A_51 = tpu.memref_slice %arg3[%mul3A_19] : memref<160000xi32, #tpu.memory_space<hbm>> -> memref<128xi32, #tpu.memory_space<hbm>>
          tpu.enqueue_dma source(%dma_start3A_51 : memref<128xi32, #tpu.memory_space<hbm>>) target(%dma_start3A_50 : memref<128xi32, #tpu.memory_space<vmem>>) target_semaphore(%run_scoped3A_43 : memref<!tpu.dma_semaphore, #tpu.memory_space<semaphore_mem>>)
          %dma_wait3A_52 = arith.constant 0 : i32
          %dma_wait3A_53 = tpu.memref_slice %arg5[%run_scoped3A, %dma_wait3A_52] : memref<4x128xi32, #tpu.memory_space<vmem>> -> memref<1x128xi32, #tpu.memory_space<vmem>>
          %dma_wait3A_54 = tpu.memref_squeeze %dma_wait3A_53 : memref<1x128xi32, #tpu.memory_space<vmem>> -> memref<128xi32, #tpu.memory_space<vmem>>
          %dma_wait3A_55 = tpu.memref_slice %arg3[%mul3A_19] : memref<160000xi32, #tpu.memory_space<hbm>> -> memref<128xi32, #tpu.memory_space<hbm>>
          %dma_wait3A_56 = arith.constant 0 : i32
          %dma_wait3A_57 = tpu.memref_slice %arg5[%run_scoped3A, %dma_wait3A_56] : memref<4x128xi32, #tpu.memory_space<vmem>> -> memref<1x128xi32, #tpu.memory_space<vmem>>
          %dma_wait3A_58 = tpu.memref_squeeze %dma_wait3A_57 : memref<1x128xi32, #tpu.memory_space<vmem>> -> memref<128xi32, #tpu.memory_space<vmem>>
          %dma_wait3A_59 = tpu.memref_slice %arg3[%mul3A_19] : memref<160000xi32, #tpu.memory_space<hbm>> -> memref<128xi32, #tpu.memory_space<hbm>>
          tpu.wait_dma2 semaphore(%run_scoped3A_43 : memref<!tpu.dma_semaphore, #tpu.memory_space<semaphore_mem>>) src(%dma_wait3A_59 : memref<128xi32, #tpu.memory_space<hbm>>) dst(%dma_wait3A_58 : memref<128xi32, #tpu.memory_space<vmem>>)
          tpu.yield
        }) : () -> ()
        %dma_start3A = arith.constant 0 : i32
        %dma_start3A_20 = arith.constant 0 : i32
        %dma_start3A_21 = arith.constant 0 : i32
        %dma_start3A_22 = arith.constant 0 : i32
        %dma_start3A_23 = tpu.memref_slice %arg6[%dma_start3A_20, %dma_start3A_21, %dma_start3A_22] : memref<4x128x128xf32, #tpu.memory_space<vmem>> -> memref<1x128x128xf32, #tpu.memory_space<vmem>>
        %dma_start3A_24 = tpu.memref_squeeze %dma_start3A_23 : memref<1x128x128xf32, #tpu.memory_space<vmem>> -> memref<128x128xf32, #tpu.memory_space<vmem>>
        %dma_start3A_25 = arith.constant 0 : i32
        %dma_start3A_26 = tpu.memref_slice %arg5[%dma_start3A, %dma_start3A_25] : memref<4x128xi32, #tpu.memory_space<vmem>> -> memref<1x128xi32, #tpu.memory_space<vmem>>
        %dma_start3A_27 = tpu.memref_squeeze %dma_start3A_26 : memref<1x128xi32, #tpu.memory_space<vmem>> -> memref<128xi32, #tpu.memory_space<vmem>>
        %dma_start3A_28 = arith.constant 0 : i32
        %dma_start3A_29 = arith.constant 0 : i32
        %dma_start3A_30 = tpu.memref_slice %arg2[%dma_start3A_28, %dma_start3A_29] : memref<10000x128xf32, #tpu.memory_space<hbm>> -> memref<10000x128xf32, #tpu.memory_space<hbm>>
        tpu.enqueue_indirect_dma source(%dma_start3A_30 : memref<10000x128xf32, #tpu.memory_space<hbm>>) target(%dma_start3A_24 : memref<128x128xf32, #tpu.memory_space<vmem>>) offsets(%dma_start3A_27 : memref<128xi32, #tpu.memory_space<vmem>>) semaphore(%arg8 : memref<!tpu.dma_semaphore, #tpu.memory_space<semaphore_mem>>)
        %dma_wait3A = arith.constant 0 : i32
        %dma_wait3A_31 = arith.constant 0 : i32
        %dma_wait3A_32 = arith.constant 0 : i32
        %dma_wait3A_33 = arith.constant 0 : i32
        %dma_wait3A_34 = tpu.memref_slice %arg6[%dma_wait3A_31, %dma_wait3A_32, %dma_wait3A_33] : memref<4x128x128xf32, #tpu.memory_space<vmem>> -> memref<1x128x128xf32, #tpu.memory_space<vmem>>
        %dma_wait3A_35 = tpu.memref_squeeze %dma_wait3A_34 : memref<1x128x128xf32, #tpu.memory_space<vmem>> -> memref<128x128xf32, #tpu.memory_space<vmem>>
        %dma_wait3A_36 = arith.constant 0 : i32
        %dma_wait3A_37 = tpu.memref_slice %arg5[%dma_wait3A, %dma_wait3A_36] : memref<4x128xi32, #tpu.memory_space<vmem>> -> memref<1x128xi32, #tpu.memory_space<vmem>>
        %dma_wait3A_38 = tpu.memref_squeeze %dma_wait3A_37 : memref<1x128xi32, #tpu.memory_space<vmem>> -> memref<128xi32, #tpu.memory_space<vmem>>
        %dma_wait3A_39 = arith.constant 0 : i32
        %dma_wait3A_40 = arith.constant 0 : i32
        %dma_wait3A_41 = tpu.memref_slice %arg2[%dma_wait3A_39, %dma_wait3A_40] : memref<10000x128xf32, #tpu.memory_space<hbm>> -> memref<10000x128xf32, #tpu.memory_space<hbm>>
        tpu.wait_indirect_dma semaphore(%arg8 : memref<!tpu.dma_semaphore, #tpu.memory_space<semaphore_mem>>) src(%dma_wait3A_41 : memref<10000x128xf32, #tpu.memory_space<hbm>>) dst(%dma_wait3A_35 : memref<128x128xf32, #tpu.memory_space<vmem>>)
        %run_scoped3A_42 = arith.constant 0 : i32
        "tpu.region"() ({
          %run_scoped3A_43 = tpu.sem_alloc : memref<!tpu.dma_semaphore, #tpu.memory_space<semaphore_mem>>
          %dma_start3A_44 = arith.constant 0 : i32
          %dma_start3A_45 = arith.constant 0 : i32
          %dma_start3A_46 = tpu.memref_slice %arg6[%run_scoped3A_42, %dma_start3A_44, %dma_start3A_45] : memref<4x128x128xf32, #tpu.memory_space<vmem>> -> memref<1x128x128xf32, #tpu.memory_space<vmem>>
          %dma_start3A_47 = tpu.memref_squeeze %dma_start3A_46 : memref<1x128x128xf32, #tpu.memory_space<vmem>> -> memref<128x128xf32, #tpu.memory_space<vmem>>
          %dma_start3A_48 = arith.constant 0 : i32
          %dma_start3A_49 = tpu.memref_slice %arg4[%mul3A_19, %dma_start3A_48] : memref<160000x128xf32, #tpu.memory_space<hbm>> -> memref<128x128xf32, #tpu.memory_space<hbm>>
          %dma_start3A_50 = arith.constant 0 : i32
          %dma_start3A_51 = tpu.memref_slice %arg4[%mul3A_19, %dma_start3A_50] : memref<160000x128xf32, #tpu.memory_space<hbm>> -> memref<128x128xf32, #tpu.memory_space<hbm>>
          %dma_start3A_52 = arith.constant 0 : i32
          %dma_start3A_53 = arith.constant 0 : i32
          %dma_start3A_54 = tpu.memref_slice %arg6[%run_scoped3A_42, %dma_start3A_52, %dma_start3A_53] : memref<4x128x128xf32, #tpu.memory_space<vmem>> -> memref<1x128x128xf32, #tpu.memory_space<vmem>>
          %dma_start3A_55 = tpu.memref_squeeze %dma_start3A_54 : memref<1x128x128xf32, #tpu.memory_space<vmem>> -> memref<128x128xf32, #tpu.memory_space<vmem>>
          tpu.enqueue_dma source(%dma_start3A_55 : memref<128x128xf32, #tpu.memory_space<vmem>>) target(%dma_start3A_51 : memref<128x128xf32, #tpu.memory_space<hbm>>) target_semaphore(%run_scoped3A_43 : memref<!tpu.dma_semaphore, #tpu.memory_space<semaphore_mem>>)
          %dma_wait3A_56 = arith.constant 0 : i32
          %dma_wait3A_57 = arith.constant 0 : i32
          %dma_wait3A_58 = tpu.memref_slice %arg6[%run_scoped3A_42, %dma_wait3A_56, %dma_wait3A_57] : memref<4x128x128xf32, #tpu.memory_space<vmem>> -> memref<1x128x128xf32, #tpu.memory_space<vmem>>
          %dma_wait3A_59 = tpu.memref_squeeze %dma_wait3A_58 : memref<1x128x128xf32, #tpu.memory_space<vmem>> -> memref<128x128xf32, #tpu.memory_space<vmem>>
          %dma_wait3A_60 = arith.constant 0 : i32
          %dma_wait3A_61 = tpu.memref_slice %arg4[%mul3A_19, %dma_wait3A_60] : memref<160000x128xf32, #tpu.memory_space<hbm>> -> memref<128x128xf32, #tpu.memory_space<hbm>>
          %dma_wait3A_62 = arith.constant 0 : i32
          %dma_wait3A_63 = tpu.memref_slice %arg4[%mul3A_19, %dma_wait3A_62] : memref<160000x128xf32, #tpu.memory_space<hbm>> -> memref<128x128xf32, #tpu.memory_space<hbm>>
          %dma_wait3A_64 = arith.constant 0 : i32
          %dma_wait3A_65 = arith.constant 0 : i32
          %dma_wait3A_66 = tpu.memref_slice %arg6[%run_scoped3A_42, %dma_wait3A_64, %dma_wait3A_65] : memref<4x128x128xf32, #tpu.memory_space<vmem>> -> memref<1x128x128xf32, #tpu.memory_space<vmem>>
          %dma_wait3A_67 = tpu.memref_squeeze %dma_wait3A_66 : memref<1x128x128xf32, #tpu.memory_space<vmem>> -> memref<128x128xf32, #tpu.memory_space<vmem>>
          tpu.wait_dma2 semaphore(%run_scoped3A_43 : memref<!tpu.dma_semaphore, #tpu.memory_space<semaphore_mem>>) src(%dma_wait3A_67 : memref<128x128xf32, #tpu.memory_space<vmem>>) dst(%dma_wait3A_63 : memref<128x128xf32, #tpu.memory_space<hbm>>)
          tpu.yield
        }) : () -> ()
      } else {
      }
    }
    %scan3A_11 = arith.constant 4 : i32
    return
  }
}

#map = affine_map<(d0, d1) -> (0, 0)>
#map1 = affine_map<(d0, d1) -> (0)>
module attributes {stable_mosaic.version = 14 : i64} {
  func.func @gk(%arg0: i32, %arg1: i32, %arg2: memref<10000x128xf32, #tpu.memory_space<hbm>>, %arg3: memref<160000xi32, #tpu.memory_space<hbm>>, %arg4: memref<160000x128xf32, #tpu.memory_space<hbm>>, %arg5: memref<4x128xi32, #tpu.memory_space<vmem>>, %arg6: memref<4x128x128xf32, #tpu.memory_space<vmem>>, %arg7: memref<!tpu.dma_semaphore, #tpu.memory_space<semaphore_mem>>, %arg8: memref<!tpu.dma_semaphore, #tpu.memory_space<semaphore_mem>>, %arg9: memref<!tpu.dma_semaphore, #tpu.memory_space<semaphore_mem>>) attributes {dimension_semantics = [#tpu.dimension_semantics<core_parallel>, #tpu.dimension_semantics<subcore_parallel>], iteration_bounds = array<i64: 2, 16>, scalar_prefetch = 0 : i64, scratch_operands = 5 : i64, tpu.core_type = #tpu.core_type<sc_vector_subcore>, window_params = [{transform_indices = #map}, {transform_indices = #map1}, {transform_indices = #map}]} {
    %mul3A = arith.constant 2 : i32
    %mul3A_0 = arith.muli %arg1, %mul3A : i32
    %add3A = arith.addi %mul3A_0, %arg0 : i32
    %scan3A = arith.constant 0 : i32
    %scan3A_1 = arith.constant 0 : i32
    %scan3A_2 = arith.constant 9 : i32
    %scan3A_3 = arith.addi %scan3A_1, %scan3A_2 : i32
    %scan3A_4 = arith.constant 1 : i32
    scf.for %scan3A_12 = %scan3A_1 to %scan3A_3 step %scan3A_4  : i32 {
      %mul3A_13 = arith.constant 4 : i32
      %mul3A_14 = arith.muli %scan3A_12, %mul3A_13 : i32
      %add3A_15 = arith.constant 0 : i32
      %add3A_16 = arith.addi %mul3A_14, %add3A_15 : i32
      %mul3A_17 = arith.constant 32 : i32
      %mul3A_18 = arith.muli %add3A_16, %mul3A_17 : i32
      %add3A_19 = arith.addi %mul3A_18, %add3A : i32
      %mul3A_20 = arith.constant 128 : i32
      %mul3A_21 = arith.muli %add3A_19, %mul3A_20 : i32
      %dma_start3A = arith.constant 0 : i32
      %dma_start3A_22 = arith.constant 0 : i32
      %dma_start3A_23 = tpu.memref_slice %arg5[%dma_start3A, %dma_start3A_22] : memref<4x128xi32, #tpu.memory_space<vmem>> -> memref<1x128xi32, #tpu.memory_space<vmem>>
      %dma_start3A_24 = tpu.memref_squeeze %dma_start3A_23 : memref<1x128xi32, #tpu.memory_space<vmem>> -> memref<128xi32, #tpu.memory_space<vmem>>
      %dma_start3A_25 = tpu.memref_slice %arg3[%mul3A_21] : memref<160000xi32, #tpu.memory_space<hbm>> -> memref<128xi32, #tpu.memory_space<hbm>>
      %dma_start3A_26 = arith.constant 0 : i32
      %dma_start3A_27 = tpu.memref_slice %arg5[%dma_start3A, %dma_start3A_26] : memref<4x128xi32, #tpu.memory_space<vmem>> -> memref<1x128xi32, #tpu.memory_space<vmem>>
      %dma_start3A_28 = tpu.memref_squeeze %dma_start3A_27 : memref<1x128xi32, #tpu.memory_space<vmem>> -> memref<128xi32, #tpu.memory_space<vmem>>
      %dma_start3A_29 = tpu.memref_slice %arg3[%mul3A_21] : memref<160000xi32, #tpu.memory_space<hbm>> -> memref<128xi32, #tpu.memory_space<hbm>>
      tpu.enqueue_dma source(%dma_start3A_29 : memref<128xi32, #tpu.memory_space<hbm>>) target(%dma_start3A_28 : memref<128xi32, #tpu.memory_space<vmem>>) target_semaphore(%arg7 : memref<!tpu.dma_semaphore, #tpu.memory_space<semaphore_mem>>)
      %add3A_30 = arith.constant 1 : i32
      %add3A_31 = arith.addi %mul3A_14, %add3A_30 : i32
      %mul3A_32 = arith.constant 32 : i32
      %mul3A_33 = arith.muli %add3A_31, %mul3A_32 : i32
      %add3A_34 = arith.addi %mul3A_33, %add3A : i32
      %mul3A_35 = arith.constant 128 : i32
      %mul3A_36 = arith.muli %add3A_34, %mul3A_35 : i32
      %dma_start3A_37 = arith.constant 1 : i32
      %dma_start3A_38 = arith.constant 0 : i32
      %dma_start3A_39 = tpu.memref_slice %arg5[%dma_start3A_37, %dma_start3A_38] : memref<4x128xi32, #tpu.memory_space<vmem>> -> memref<1x128xi32, #tpu.memory_space<vmem>>
      %dma_start3A_40 = tpu.memref_squeeze %dma_start3A_39 : memref<1x128xi32, #tpu.memory_space<vmem>> -> memref<128xi32, #tpu.memory_space<vmem>>
      %dma_start3A_41 = tpu.memref_slice %arg3[%mul3A_36] : memref<160000xi32, #tpu.memory_space<hbm>> -> memref<128xi32, #tpu.memory_space<hbm>>
      %dma_start3A_42 = arith.constant 0 : i32
      %dma_start3A_43 = tpu.memref_slice %arg5[%dma_start3A_37, %dma_start3A_42] : memref<4x128xi32, #tpu.memory_space<vmem>> -> memref<1x128xi32, #tpu.memory_space<vmem>>
      %dma_start3A_44 = tpu.memref_squeeze %dma_start3A_43 : memref<1x128xi32, #tpu.memory_space<vmem>> -> memref<128xi32, #tpu.memory_space<vmem>>
      %dma_start3A_45 = tpu.memref_slice %arg3[%mul3A_36] : memref<160000xi32, #tpu.memory_space<hbm>> -> memref<128xi32, #tpu.memory_space<hbm>>
      tpu.enqueue_dma source(%dma_start3A_45 : memref<128xi32, #tpu.memory_space<hbm>>) target(%dma_start3A_44 : memref<128xi32, #tpu.memory_space<vmem>>) target_semaphore(%arg7 : memref<!tpu.dma_semaphore, #tpu.memory_space<semaphore_mem>>)
      %add3A_46 = arith.constant 2 : i32
      %add3A_47 = arith.addi %mul3A_14, %add3A_46 : i32
      %mul3A_48 = arith.constant 32 : i32
      %mul3A_49 = arith.muli %add3A_47, %mul3A_48 : i32
      %add3A_50 = arith.addi %mul3A_49, %add3A : i32
      %mul3A_51 = arith.constant 128 : i32
      %mul3A_52 = arith.muli %add3A_50, %mul3A_51 : i32
      %dma_start3A_53 = arith.constant 2 : i32
      %dma_start3A_54 = arith.constant 0 : i32
      %dma_start3A_55 = tpu.memref_slice %arg5[%dma_start3A_53, %dma_start3A_54] : memref<4x128xi32, #tpu.memory_space<vmem>> -> memref<1x128xi32, #tpu.memory_space<vmem>>
      %dma_start3A_56 = tpu.memref_squeeze %dma_start3A_55 : memref<1x128xi32, #tpu.memory_space<vmem>> -> memref<128xi32, #tpu.memory_space<vmem>>
      %dma_start3A_57 = tpu.memref_slice %arg3[%mul3A_52] : memref<160000xi32, #tpu.memory_space<hbm>> -> memref<128xi32, #tpu.memory_space<hbm>>
      %dma_start3A_58 = arith.constant 0 : i32
      %dma_start3A_59 = tpu.memref_slice %arg5[%dma_start3A_53, %dma_start3A_58] : memref<4x128xi32, #tpu.memory_space<vmem>> -> memref<1x128xi32, #tpu.memory_space<vmem>>
      %dma_start3A_60 = tpu.memref_squeeze %dma_start3A_59 : memref<1x128xi32, #tpu.memory_space<vmem>> -> memref<128xi32, #tpu.memory_space<vmem>>
      %dma_start3A_61 = tpu.memref_slice %arg3[%mul3A_52] : memref<160000xi32, #tpu.memory_space<hbm>> -> memref<128xi32, #tpu.memory_space<hbm>>
      tpu.enqueue_dma source(%dma_start3A_61 : memref<128xi32, #tpu.memory_space<hbm>>) target(%dma_start3A_60 : memref<128xi32, #tpu.memory_space<vmem>>) target_semaphore(%arg7 : memref<!tpu.dma_semaphore, #tpu.memory_space<semaphore_mem>>)
      %add3A_62 = arith.constant 3 : i32
      %add3A_63 = arith.addi %mul3A_14, %add3A_62 : i32
      %mul3A_64 = arith.constant 32 : i32
      %mul3A_65 = arith.muli %add3A_63, %mul3A_64 : i32
      %add3A_66 = arith.addi %mul3A_65, %add3A : i32
      %mul3A_67 = arith.constant 128 : i32
      %mul3A_68 = arith.muli %add3A_66, %mul3A_67 : i32
      %dma_start3A_69 = arith.constant 3 : i32
      %dma_start3A_70 = arith.constant 0 : i32
      %dma_start3A_71 = tpu.memref_slice %arg5[%dma_start3A_69, %dma_start3A_70] : memref<4x128xi32, #tpu.memory_space<vmem>> -> memref<1x128xi32, #tpu.memory_space<vmem>>
      %dma_start3A_72 = tpu.memref_squeeze %dma_start3A_71 : memref<1x128xi32, #tpu.memory_space<vmem>> -> memref<128xi32, #tpu.memory_space<vmem>>
      %dma_start3A_73 = tpu.memref_slice %arg3[%mul3A_68] : memref<160000xi32, #tpu.memory_space<hbm>> -> memref<128xi32, #tpu.memory_space<hbm>>
      %dma_start3A_74 = arith.constant 0 : i32
      %dma_start3A_75 = tpu.memref_slice %arg5[%dma_start3A_69, %dma_start3A_74] : memref<4x128xi32, #tpu.memory_space<vmem>> -> memref<1x128xi32, #tpu.memory_space<vmem>>
      %dma_start3A_76 = tpu.memref_squeeze %dma_start3A_75 : memref<1x128xi32, #tpu.memory_space<vmem>> -> memref<128xi32, #tpu.memory_space<vmem>>
      %dma_start3A_77 = tpu.memref_slice %arg3[%mul3A_68] : memref<160000xi32, #tpu.memory_space<hbm>> -> memref<128xi32, #tpu.memory_space<hbm>>
      tpu.enqueue_dma source(%dma_start3A_77 : memref<128xi32, #tpu.memory_space<hbm>>) target(%dma_start3A_76 : memref<128xi32, #tpu.memory_space<vmem>>) target_semaphore(%arg7 : memref<!tpu.dma_semaphore, #tpu.memory_space<semaphore_mem>>)
      %add3A_78 = arith.constant 0 : i32
      %add3A_79 = arith.addi %mul3A_14, %add3A_78 : i32
      %mul3A_80 = arith.constant 32 : i32
      %mul3A_81 = arith.muli %add3A_79, %mul3A_80 : i32
      %add3A_82 = arith.addi %mul3A_81, %add3A : i32
      %mul3A_83 = arith.constant 128 : i32
      %mul3A_84 = arith.muli %add3A_82, %mul3A_83 : i32
      %dma_wait3A = arith.constant 0 : i32
      %dma_wait3A_85 = arith.constant 0 : i32
      %dma_wait3A_86 = tpu.memref_slice %arg5[%dma_wait3A, %dma_wait3A_85] : memref<4x128xi32, #tpu.memory_space<vmem>> -> memref<1x128xi32, #tpu.memory_space<vmem>>
      %dma_wait3A_87 = tpu.memref_squeeze %dma_wait3A_86 : memref<1x128xi32, #tpu.memory_space<vmem>> -> memref<128xi32, #tpu.memory_space<vmem>>
      %dma_wait3A_88 = tpu.memref_slice %arg3[%mul3A_84] : memref<160000xi32, #tpu.memory_space<hbm>> -> memref<128xi32, #tpu.memory_space<hbm>>
      %dma_wait3A_89 = arith.constant 0 : i32
      %dma_wait3A_90 = tpu.memref_slice %arg5[%dma_wait3A, %dma_wait3A_89] : memref<4x128xi32, #tpu.memory_space<vmem>> -> memref<1x128xi32, #tpu.memory_space<vmem>>
      %dma_wait3A_91 = tpu.memref_squeeze %dma_wait3A_90 : memref<1x128xi32, #tpu.memory_space<vmem>> -> memref<128xi32, #tpu.memory_space<vmem>>
      %dma_wait3A_92 = tpu.memref_slice %arg3[%mul3A_84] : memref<160000xi32, #tpu.memory_space<hbm>> -> memref<128xi32, #tpu.memory_space<hbm>>
      tpu.wait_dma2 semaphore(%arg7 : memref<!tpu.dma_semaphore, #tpu.memory_space<semaphore_mem>>) src(%dma_wait3A_92 : memref<128xi32, #tpu.memory_space<hbm>>) dst(%dma_wait3A_91 : memref<128xi32, #tpu.memory_space<vmem>>)
      %add3A_93 = arith.constant 1 : i32
      %add3A_94 = arith.addi %mul3A_14, %add3A_93 : i32
      %mul3A_95 = arith.constant 32 : i32
      %mul3A_96 = arith.muli %add3A_94, %mul3A_95 : i32
      %add3A_97 = arith.addi %mul3A_96, %add3A : i32
      %mul3A_98 = arith.constant 128 : i32
      %mul3A_99 = arith.muli %add3A_97, %mul3A_98 : i32
      %dma_wait3A_100 = arith.constant 1 : i32
      %dma_wait3A_101 = arith.constant 0 : i32
      %dma_wait3A_102 = tpu.memref_slice %arg5[%dma_wait3A_100, %dma_wait3A_101] : memref<4x128xi32, #tpu.memory_space<vmem>> -> memref<1x128xi32, #tpu.memory_space<vmem>>
      %dma_wait3A_103 = tpu.memref_squeeze %dma_wait3A_102 : memref<1x128xi32, #tpu.memory_space<vmem>> -> memref<128xi32, #tpu.memory_space<vmem>>
      %dma_wait3A_104 = tpu.memref_slice %arg3[%mul3A_99] : memref<160000xi32, #tpu.memory_space<hbm>> -> memref<128xi32, #tpu.memory_space<hbm>>
      %dma_wait3A_105 = arith.constant 0 : i32
      %dma_wait3A_106 = tpu.memref_slice %arg5[%dma_wait3A_100, %dma_wait3A_105] : memref<4x128xi32, #tpu.memory_space<vmem>> -> memref<1x128xi32, #tpu.memory_space<vmem>>
      %dma_wait3A_107 = tpu.memref_squeeze %dma_wait3A_106 : memref<1x128xi32, #tpu.memory_space<vmem>> -> memref<128xi32, #tpu.memory_space<vmem>>
      %dma_wait3A_108 = tpu.memref_slice %arg3[%mul3A_99] : memref<160000xi32, #tpu.memory_space<hbm>> -> memref<128xi32, #tpu.memory_space<hbm>>
      tpu.wait_dma2 semaphore(%arg7 : memref<!tpu.dma_semaphore, #tpu.memory_space<semaphore_mem>>) src(%dma_wait3A_108 : memref<128xi32, #tpu.memory_space<hbm>>) dst(%dma_wait3A_107 : memref<128xi32, #tpu.memory_space<vmem>>)
      %add3A_109 = arith.constant 2 : i32
      %add3A_110 = arith.addi %mul3A_14, %add3A_109 : i32
      %mul3A_111 = arith.constant 32 : i32
      %mul3A_112 = arith.muli %add3A_110, %mul3A_111 : i32
      %add3A_113 = arith.addi %mul3A_112, %add3A : i32
      %mul3A_114 = arith.constant 128 : i32
      %mul3A_115 = arith.muli %add3A_113, %mul3A_114 : i32
      %dma_wait3A_116 = arith.constant 2 : i32
      %dma_wait3A_117 = arith.constant 0 : i32
      %dma_wait3A_118 = tpu.memref_slice %arg5[%dma_wait3A_116, %dma_wait3A_117] : memref<4x128xi32, #tpu.memory_space<vmem>> -> memref<1x128xi32, #tpu.memory_space<vmem>>
      %dma_wait3A_119 = tpu.memref_squeeze %dma_wait3A_118 : memref<1x128xi32, #tpu.memory_space<vmem>> -> memref<128xi32, #tpu.memory_space<vmem>>
      %dma_wait3A_120 = tpu.memref_slice %arg3[%mul3A_115] : memref<160000xi32, #tpu.memory_space<hbm>> -> memref<128xi32, #tpu.memory_space<hbm>>
      %dma_wait3A_121 = arith.constant 0 : i32
      %dma_wait3A_122 = tpu.memref_slice %arg5[%dma_wait3A_116, %dma_wait3A_121] : memref<4x128xi32, #tpu.memory_space<vmem>> -> memref<1x128xi32, #tpu.memory_space<vmem>>
      %dma_wait3A_123 = tpu.memref_squeeze %dma_wait3A_122 : memref<1x128xi32, #tpu.memory_space<vmem>> -> memref<128xi32, #tpu.memory_space<vmem>>
      %dma_wait3A_124 = tpu.memref_slice %arg3[%mul3A_115] : memref<160000xi32, #tpu.memory_space<hbm>> -> memref<128xi32, #tpu.memory_space<hbm>>
      tpu.wait_dma2 semaphore(%arg7 : memref<!tpu.dma_semaphore, #tpu.memory_space<semaphore_mem>>) src(%dma_wait3A_124 : memref<128xi32, #tpu.memory_space<hbm>>) dst(%dma_wait3A_123 : memref<128xi32, #tpu.memory_space<vmem>>)
      %add3A_125 = arith.constant 3 : i32
      %add3A_126 = arith.addi %mul3A_14, %add3A_125 : i32
      %mul3A_127 = arith.constant 32 : i32
      %mul3A_128 = arith.muli %add3A_126, %mul3A_127 : i32
      %add3A_129 = arith.addi %mul3A_128, %add3A : i32
      %mul3A_130 = arith.constant 128 : i32
      %mul3A_131 = arith.muli %add3A_129, %mul3A_130 : i32
      %dma_wait3A_132 = arith.constant 3 : i32
      %dma_wait3A_133 = arith.constant 0 : i32
      %dma_wait3A_134 = tpu.memref_slice %arg5[%dma_wait3A_132, %dma_wait3A_133] : memref<4x128xi32, #tpu.memory_space<vmem>> -> memref<1x128xi32, #tpu.memory_space<vmem>>
      %dma_wait3A_135 = tpu.memref_squeeze %dma_wait3A_134 : memref<1x128xi32, #tpu.memory_space<vmem>> -> memref<128xi32, #tpu.memory_space<vmem>>
      %dma_wait3A_136 = tpu.memref_slice %arg3[%mul3A_131] : memref<160000xi32, #tpu.memory_space<hbm>> -> memref<128xi32, #tpu.memory_space<hbm>>
      %dma_wait3A_137 = arith.constant 0 : i32
      %dma_wait3A_138 = tpu.memref_slice %arg5[%dma_wait3A_132, %dma_wait3A_137] : memref<4x128xi32, #tpu.memory_space<vmem>> -> memref<1x128xi32, #tpu.memory_space<vmem>>
      %dma_wait3A_139 = tpu.memref_squeeze %dma_wait3A_138 : memref<1x128xi32, #tpu.memory_space<vmem>> -> memref<128xi32, #tpu.memory_space<vmem>>
      %dma_wait3A_140 = tpu.memref_slice %arg3[%mul3A_131] : memref<160000xi32, #tpu.memory_space<hbm>> -> memref<128xi32, #tpu.memory_space<hbm>>
      tpu.wait_dma2 semaphore(%arg7 : memref<!tpu.dma_semaphore, #tpu.memory_space<semaphore_mem>>) src(%dma_wait3A_140 : memref<128xi32, #tpu.memory_space<hbm>>) dst(%dma_wait3A_139 : memref<128xi32, #tpu.memory_space<vmem>>)
      %dma_start3A_141 = arith.constant 0 : i32
      %dma_start3A_142 = arith.constant 0 : i32
      %dma_start3A_143 = arith.constant 0 : i32
      %dma_start3A_144 = arith.constant 0 : i32
      %dma_start3A_145 = tpu.memref_slice %arg6[%dma_start3A_142, %dma_start3A_143, %dma_start3A_144] : memref<4x128x128xf32, #tpu.memory_space<vmem>> -> memref<1x128x128xf32, #tpu.memory_space<vmem>>
      %dma_start3A_146 = tpu.memref_squeeze %dma_start3A_145 : memref<1x128x128xf32, #tpu.memory_space<vmem>> -> memref<128x128xf32, #tpu.memory_space<vmem>>
      %dma_start3A_147 = arith.constant 0 : i32
      %dma_start3A_148 = tpu.memref_slice %arg5[%dma_start3A_141, %dma_start3A_147] : memref<4x128xi32, #tpu.memory_space<vmem>> -> memref<1x128xi32, #tpu.memory_space<vmem>>
      %dma_start3A_149 = tpu.memref_squeeze %dma_start3A_148 : memref<1x128xi32, #tpu.memory_space<vmem>> -> memref<128xi32, #tpu.memory_space<vmem>>
      %dma_start3A_150 = arith.constant 0 : i32
      %dma_start3A_151 = arith.constant 0 : i32
      %dma_start3A_152 = tpu.memref_slice %arg2[%dma_start3A_150, %dma_start3A_151] : memref<10000x128xf32, #tpu.memory_space<hbm>> -> memref<10000x128xf32, #tpu.memory_space<hbm>>
      tpu.enqueue_indirect_dma source(%dma_start3A_152 : memref<10000x128xf32, #tpu.memory_space<hbm>>) target(%dma_start3A_146 : memref<128x128xf32, #tpu.memory_space<vmem>>) offsets(%dma_start3A_149 : memref<128xi32, #tpu.memory_space<vmem>>) semaphore(%arg8 : memref<!tpu.dma_semaphore, #tpu.memory_space<semaphore_mem>>)
      %dma_start3A_153 = arith.constant 1 : i32
      %dma_start3A_154 = arith.constant 1 : i32
      %dma_start3A_155 = arith.constant 0 : i32
      %dma_start3A_156 = arith.constant 0 : i32
      %dma_start3A_157 = tpu.memref_slice %arg6[%dma_start3A_154, %dma_start3A_155, %dma_start3A_156] : memref<4x128x128xf32, #tpu.memory_space<vmem>> -> memref<1x128x128xf32, #tpu.memory_space<vmem>>
      %dma_start3A_158 = tpu.memref_squeeze %dma_start3A_157 : memref<1x128x128xf32, #tpu.memory_space<vmem>> -> memref<128x128xf32, #tpu.memory_space<vmem>>
      %dma_start3A_159 = arith.constant 0 : i32
      %dma_start3A_160 = tpu.memref_slice %arg5[%dma_start3A_153, %dma_start3A_159] : memref<4x128xi32, #tpu.memory_space<vmem>> -> memref<1x128xi32, #tpu.memory_space<vmem>>
      %dma_start3A_161 = tpu.memref_squeeze %dma_start3A_160 : memref<1x128xi32, #tpu.memory_space<vmem>> -> memref<128xi32, #tpu.memory_space<vmem>>
      %dma_start3A_162 = arith.constant 0 : i32
      %dma_start3A_163 = arith.constant 0 : i32
      %dma_start3A_164 = tpu.memref_slice %arg2[%dma_start3A_162, %dma_start3A_163] : memref<10000x128xf32, #tpu.memory_space<hbm>> -> memref<10000x128xf32, #tpu.memory_space<hbm>>
      tpu.enqueue_indirect_dma source(%dma_start3A_164 : memref<10000x128xf32, #tpu.memory_space<hbm>>) target(%dma_start3A_158 : memref<128x128xf32, #tpu.memory_space<vmem>>) offsets(%dma_start3A_161 : memref<128xi32, #tpu.memory_space<vmem>>) semaphore(%arg8 : memref<!tpu.dma_semaphore, #tpu.memory_space<semaphore_mem>>)
      %dma_start3A_165 = arith.constant 2 : i32
      %dma_start3A_166 = arith.constant 2 : i32
      %dma_start3A_167 = arith.constant 0 : i32
      %dma_start3A_168 = arith.constant 0 : i32
      %dma_start3A_169 = tpu.memref_slice %arg6[%dma_start3A_166, %dma_start3A_167, %dma_start3A_168] : memref<4x128x128xf32, #tpu.memory_space<vmem>> -> memref<1x128x128xf32, #tpu.memory_space<vmem>>
      %dma_start3A_170 = tpu.memref_squeeze %dma_start3A_169 : memref<1x128x128xf32, #tpu.memory_space<vmem>> -> memref<128x128xf32, #tpu.memory_space<vmem>>
      %dma_start3A_171 = arith.constant 0 : i32
      %dma_start3A_172 = tpu.memref_slice %arg5[%dma_start3A_165, %dma_start3A_171] : memref<4x128xi32, #tpu.memory_space<vmem>> -> memref<1x128xi32, #tpu.memory_space<vmem>>
      %dma_start3A_173 = tpu.memref_squeeze %dma_start3A_172 : memref<1x128xi32, #tpu.memory_space<vmem>> -> memref<128xi32, #tpu.memory_space<vmem>>
      %dma_start3A_174 = arith.constant 0 : i32
      %dma_start3A_175 = arith.constant 0 : i32
      %dma_start3A_176 = tpu.memref_slice %arg2[%dma_start3A_174, %dma_start3A_175] : memref<10000x128xf32, #tpu.memory_space<hbm>> -> memref<10000x128xf32, #tpu.memory_space<hbm>>
      tpu.enqueue_indirect_dma source(%dma_start3A_176 : memref<10000x128xf32, #tpu.memory_space<hbm>>) target(%dma_start3A_170 : memref<128x128xf32, #tpu.memory_space<vmem>>) offsets(%dma_start3A_173 : memref<128xi32, #tpu.memory_space<vmem>>) semaphore(%arg8 : memref<!tpu.dma_semaphore, #tpu.memory_space<semaphore_mem>>)
      %dma_start3A_177 = arith.constant 3 : i32
      %dma_start3A_178 = arith.constant 3 : i32
      %dma_start3A_179 = arith.constant 0 : i32
      %dma_start3A_180 = arith.constant 0 : i32
      %dma_start3A_181 = tpu.memref_slice %arg6[%dma_start3A_178, %dma_start3A_179, %dma_start3A_180] : memref<4x128x128xf32, #tpu.memory_space<vmem>> -> memref<1x128x128xf32, #tpu.memory_space<vmem>>
      %dma_start3A_182 = tpu.memref_squeeze %dma_start3A_181 : memref<1x128x128xf32, #tpu.memory_space<vmem>> -> memref<128x128xf32, #tpu.memory_space<vmem>>
      %dma_start3A_183 = arith.constant 0 : i32
      %dma_start3A_184 = tpu.memref_slice %arg5[%dma_start3A_177, %dma_start3A_183] : memref<4x128xi32, #tpu.memory_space<vmem>> -> memref<1x128xi32, #tpu.memory_space<vmem>>
      %dma_start3A_185 = tpu.memref_squeeze %dma_start3A_184 : memref<1x128xi32, #tpu.memory_space<vmem>> -> memref<128xi32, #tpu.memory_space<vmem>>
      %dma_start3A_186 = arith.constant 0 : i32
      %dma_start3A_187 = arith.constant 0 : i32
      %dma_start3A_188 = tpu.memref_slice %arg2[%dma_start3A_186, %dma_start3A_187] : memref<10000x128xf32, #tpu.memory_space<hbm>> -> memref<10000x128xf32, #tpu.memory_space<hbm>>
      tpu.enqueue_indirect_dma source(%dma_start3A_188 : memref<10000x128xf32, #tpu.memory_space<hbm>>) target(%dma_start3A_182 : memref<128x128xf32, #tpu.memory_space<vmem>>) offsets(%dma_start3A_185 : memref<128xi32, #tpu.memory_space<vmem>>) semaphore(%arg8 : memref<!tpu.dma_semaphore, #tpu.memory_space<semaphore_mem>>)
      %dma_wait3A_189 = arith.constant 0 : i32
      %dma_wait3A_190 = arith.constant 0 : i32
      %dma_wait3A_191 = arith.constant 0 : i32
      %dma_wait3A_192 = arith.constant 0 : i32
      %dma_wait3A_193 = tpu.memref_slice %arg6[%dma_wait3A_190, %dma_wait3A_191, %dma_wait3A_192] : memref<4x128x128xf32, #tpu.memory_space<vmem>> -> memref<1x128x128xf32, #tpu.memory_space<vmem>>
      %dma_wait3A_194 = tpu.memref_squeeze %dma_wait3A_193 : memref<1x128x128xf32, #tpu.memory_space<vmem>> -> memref<128x128xf32, #tpu.memory_space<vmem>>
      %dma_wait3A_195 = arith.constant 0 : i32
      %dma_wait3A_196 = tpu.memref_slice %arg5[%dma_wait3A_189, %dma_wait3A_195] : memref<4x128xi32, #tpu.memory_space<vmem>> -> memref<1x128xi32, #tpu.memory_space<vmem>>
      %dma_wait3A_197 = tpu.memref_squeeze %dma_wait3A_196 : memref<1x128xi32, #tpu.memory_space<vmem>> -> memref<128xi32, #tpu.memory_space<vmem>>
      %dma_wait3A_198 = arith.constant 0 : i32
      %dma_wait3A_199 = arith.constant 0 : i32
      %dma_wait3A_200 = tpu.memref_slice %arg2[%dma_wait3A_198, %dma_wait3A_199] : memref<10000x128xf32, #tpu.memory_space<hbm>> -> memref<10000x128xf32, #tpu.memory_space<hbm>>
      tpu.wait_indirect_dma semaphore(%arg8 : memref<!tpu.dma_semaphore, #tpu.memory_space<semaphore_mem>>) src(%dma_wait3A_200 : memref<10000x128xf32, #tpu.memory_space<hbm>>) dst(%dma_wait3A_194 : memref<128x128xf32, #tpu.memory_space<vmem>>)
      %dma_wait3A_201 = arith.constant 1 : i32
      %dma_wait3A_202 = arith.constant 1 : i32
      %dma_wait3A_203 = arith.constant 0 : i32
      %dma_wait3A_204 = arith.constant 0 : i32
      %dma_wait3A_205 = tpu.memref_slice %arg6[%dma_wait3A_202, %dma_wait3A_203, %dma_wait3A_204] : memref<4x128x128xf32, #tpu.memory_space<vmem>> -> memref<1x128x128xf32, #tpu.memory_space<vmem>>
      %dma_wait3A_206 = tpu.memref_squeeze %dma_wait3A_205 : memref<1x128x128xf32, #tpu.memory_space<vmem>> -> memref<128x128xf32, #tpu.memory_space<vmem>>
      %dma_wait3A_207 = arith.constant 0 : i32
      %dma_wait3A_208 = tpu.memref_slice %arg5[%dma_wait3A_201, %dma_wait3A_207] : memref<4x128xi32, #tpu.memory_space<vmem>> -> memref<1x128xi32, #tpu.memory_space<vmem>>
      %dma_wait3A_209 = tpu.memref_squeeze %dma_wait3A_208 : memref<1x128xi32, #tpu.memory_space<vmem>> -> memref<128xi32, #tpu.memory_space<vmem>>
      %dma_wait3A_210 = arith.constant 0 : i32
      %dma_wait3A_211 = arith.constant 0 : i32
      %dma_wait3A_212 = tpu.memref_slice %arg2[%dma_wait3A_210, %dma_wait3A_211] : memref<10000x128xf32, #tpu.memory_space<hbm>> -> memref<10000x128xf32, #tpu.memory_space<hbm>>
      tpu.wait_indirect_dma semaphore(%arg8 : memref<!tpu.dma_semaphore, #tpu.memory_space<semaphore_mem>>) src(%dma_wait3A_212 : memref<10000x128xf32, #tpu.memory_space<hbm>>) dst(%dma_wait3A_206 : memref<128x128xf32, #tpu.memory_space<vmem>>)
      %dma_wait3A_213 = arith.constant 2 : i32
      %dma_wait3A_214 = arith.constant 2 : i32
      %dma_wait3A_215 = arith.constant 0 : i32
      %dma_wait3A_216 = arith.constant 0 : i32
      %dma_wait3A_217 = tpu.memref_slice %arg6[%dma_wait3A_214, %dma_wait3A_215, %dma_wait3A_216] : memref<4x128x128xf32, #tpu.memory_space<vmem>> -> memref<1x128x128xf32, #tpu.memory_space<vmem>>
      %dma_wait3A_218 = tpu.memref_squeeze %dma_wait3A_217 : memref<1x128x128xf32, #tpu.memory_space<vmem>> -> memref<128x128xf32, #tpu.memory_space<vmem>>
      %dma_wait3A_219 = arith.constant 0 : i32
      %dma_wait3A_220 = tpu.memref_slice %arg5[%dma_wait3A_213, %dma_wait3A_219] : memref<4x128xi32, #tpu.memory_space<vmem>> -> memref<1x128xi32, #tpu.memory_space<vmem>>
      %dma_wait3A_221 = tpu.memref_squeeze %dma_wait3A_220 : memref<1x128xi32, #tpu.memory_space<vmem>> -> memref<128xi32, #tpu.memory_space<vmem>>
      %dma_wait3A_222 = arith.constant 0 : i32
      %dma_wait3A_223 = arith.constant 0 : i32
      %dma_wait3A_224 = tpu.memref_slice %arg2[%dma_wait3A_222, %dma_wait3A_223] : memref<10000x128xf32, #tpu.memory_space<hbm>> -> memref<10000x128xf32, #tpu.memory_space<hbm>>
      tpu.wait_indirect_dma semaphore(%arg8 : memref<!tpu.dma_semaphore, #tpu.memory_space<semaphore_mem>>) src(%dma_wait3A_224 : memref<10000x128xf32, #tpu.memory_space<hbm>>) dst(%dma_wait3A_218 : memref<128x128xf32, #tpu.memory_space<vmem>>)
      %dma_wait3A_225 = arith.constant 3 : i32
      %dma_wait3A_226 = arith.constant 3 : i32
      %dma_wait3A_227 = arith.constant 0 : i32
      %dma_wait3A_228 = arith.constant 0 : i32
      %dma_wait3A_229 = tpu.memref_slice %arg6[%dma_wait3A_226, %dma_wait3A_227, %dma_wait3A_228] : memref<4x128x128xf32, #tpu.memory_space<vmem>> -> memref<1x128x128xf32, #tpu.memory_space<vmem>>
      %dma_wait3A_230 = tpu.memref_squeeze %dma_wait3A_229 : memref<1x128x128xf32, #tpu.memory_space<vmem>> -> memref<128x128xf32, #tpu.memory_space<vmem>>
      %dma_wait3A_231 = arith.constant 0 : i32
      %dma_wait3A_232 = tpu.memref_slice %arg5[%dma_wait3A_225, %dma_wait3A_231] : memref<4x128xi32, #tpu.memory_space<vmem>> -> memref<1x128xi32, #tpu.memory_space<vmem>>
      %dma_wait3A_233 = tpu.memref_squeeze %dma_wait3A_232 : memref<1x128xi32, #tpu.memory_space<vmem>> -> memref<128xi32, #tpu.memory_space<vmem>>
      %dma_wait3A_234 = arith.constant 0 : i32
      %dma_wait3A_235 = arith.constant 0 : i32
      %dma_wait3A_236 = tpu.memref_slice %arg2[%dma_wait3A_234, %dma_wait3A_235] : memref<10000x128xf32, #tpu.memory_space<hbm>> -> memref<10000x128xf32, #tpu.memory_space<hbm>>
      tpu.wait_indirect_dma semaphore(%arg8 : memref<!tpu.dma_semaphore, #tpu.memory_space<semaphore_mem>>) src(%dma_wait3A_236 : memref<10000x128xf32, #tpu.memory_space<hbm>>) dst(%dma_wait3A_230 : memref<128x128xf32, #tpu.memory_space<vmem>>)
      %add3A_237 = arith.constant 0 : i32
      %add3A_238 = arith.addi %mul3A_14, %add3A_237 : i32
      %mul3A_239 = arith.constant 32 : i32
      %mul3A_240 = arith.muli %add3A_238, %mul3A_239 : i32
      %add3A_241 = arith.addi %mul3A_240, %add3A : i32
      %mul3A_242 = arith.constant 128 : i32
      %mul3A_243 = arith.muli %add3A_241, %mul3A_242 : i32
      %dma_start3A_244 = arith.constant 0 : i32
      %dma_start3A_245 = arith.constant 0 : i32
      %dma_start3A_246 = arith.constant 0 : i32
      %dma_start3A_247 = tpu.memref_slice %arg6[%dma_start3A_244, %dma_start3A_245, %dma_start3A_246] : memref<4x128x128xf32, #tpu.memory_space<vmem>> -> memref<1x128x128xf32, #tpu.memory_space<vmem>>
      %dma_start3A_248 = tpu.memref_squeeze %dma_start3A_247 : memref<1x128x128xf32, #tpu.memory_space<vmem>> -> memref<128x128xf32, #tpu.memory_space<vmem>>
      %dma_start3A_249 = arith.constant 0 : i32
      %dma_start3A_250 = tpu.memref_slice %arg4[%mul3A_243, %dma_start3A_249] : memref<160000x128xf32, #tpu.memory_space<hbm>> -> memref<128x128xf32, #tpu.memory_space<hbm>>
      %dma_start3A_251 = arith.constant 0 : i32
      %dma_start3A_252 = tpu.memref_slice %arg4[%mul3A_243, %dma_start3A_251] : memref<160000x128xf32, #tpu.memory_space<hbm>> -> memref<128x128xf32, #tpu.memory_space<hbm>>
      %dma_start3A_253 = arith.constant 0 : i32
      %dma_start3A_254 = arith.constant 0 : i32
      %dma_start3A_255 = tpu.memref_slice %arg6[%dma_start3A_244, %dma_start3A_253, %dma_start3A_254] : memref<4x128x128xf32, #tpu.memory_space<vmem>> -> memref<1x128x128xf32, #tpu.memory_space<vmem>>
      %dma_start3A_256 = tpu.memref_squeeze %dma_start3A_255 : memref<1x128x128xf32, #tpu.memory_space<vmem>> -> memref<128x128xf32, #tpu.memory_space<vmem>>
      tpu.enqueue_dma source(%dma_start3A_256 : memref<128x128xf32, #tpu.memory_space<vmem>>) target(%dma_start3A_252 : memref<128x128xf32, #tpu.memory_space<hbm>>) target_semaphore(%arg9 : memref<!tpu.dma_semaphore, #tpu.memory_space<semaphore_mem>>)
      %add3A_257 = arith.constant 1 : i32
      %add3A_258 = arith.addi %mul3A_14, %add3A_257 : i32
      %mul3A_259 = arith.constant 32 : i32
      %mul3A_260 = arith.muli %add3A_258, %mul3A_259 : i32
      %add3A_261 = arith.addi %mul3A_260, %add3A : i32
      %mul3A_262 = arith.constant 128 : i32
      %mul3A_263 = arith.muli %add3A_261, %mul3A_262 : i32
      %dma_start3A_264 = arith.constant 1 : i32
      %dma_start3A_265 = arith.constant 0 : i32
      %dma_start3A_266 = arith.constant 0 : i32
      %dma_start3A_267 = tpu.memref_slice %arg6[%dma_start3A_264, %dma_start3A_265, %dma_start3A_266] : memref<4x128x128xf32, #tpu.memory_space<vmem>> -> memref<1x128x128xf32, #tpu.memory_space<vmem>>
      %dma_start3A_268 = tpu.memref_squeeze %dma_start3A_267 : memref<1x128x128xf32, #tpu.memory_space<vmem>> -> memref<128x128xf32, #tpu.memory_space<vmem>>
      %dma_start3A_269 = arith.constant 0 : i32
      %dma_start3A_270 = tpu.memref_slice %arg4[%mul3A_263, %dma_start3A_269] : memref<160000x128xf32, #tpu.memory_space<hbm>> -> memref<128x128xf32, #tpu.memory_space<hbm>>
      %dma_start3A_271 = arith.constant 0 : i32
      %dma_start3A_272 = tpu.memref_slice %arg4[%mul3A_263, %dma_start3A_271] : memref<160000x128xf32, #tpu.memory_space<hbm>> -> memref<128x128xf32, #tpu.memory_space<hbm>>
      %dma_start3A_273 = arith.constant 0 : i32
      %dma_start3A_274 = arith.constant 0 : i32
      %dma_start3A_275 = tpu.memref_slice %arg6[%dma_start3A_264, %dma_start3A_273, %dma_start3A_274] : memref<4x128x128xf32, #tpu.memory_space<vmem>> -> memref<1x128x128xf32, #tpu.memory_space<vmem>>
      %dma_start3A_276 = tpu.memref_squeeze %dma_start3A_275 : memref<1x128x128xf32, #tpu.memory_space<vmem>> -> memref<128x128xf32, #tpu.memory_space<vmem>>
      tpu.enqueue_dma source(%dma_start3A_276 : memref<128x128xf32, #tpu.memory_space<vmem>>) target(%dma_start3A_272 : memref<128x128xf32, #tpu.memory_space<hbm>>) target_semaphore(%arg9 : memref<!tpu.dma_semaphore, #tpu.memory_space<semaphore_mem>>)
      %add3A_277 = arith.constant 2 : i32
      %add3A_278 = arith.addi %mul3A_14, %add3A_277 : i32
      %mul3A_279 = arith.constant 32 : i32
      %mul3A_280 = arith.muli %add3A_278, %mul3A_279 : i32
      %add3A_281 = arith.addi %mul3A_280, %add3A : i32
      %mul3A_282 = arith.constant 128 : i32
      %mul3A_283 = arith.muli %add3A_281, %mul3A_282 : i32
      %dma_start3A_284 = arith.constant 2 : i32
      %dma_start3A_285 = arith.constant 0 : i32
      %dma_start3A_286 = arith.constant 0 : i32
      %dma_start3A_287 = tpu.memref_slice %arg6[%dma_start3A_284, %dma_start3A_285, %dma_start3A_286] : memref<4x128x128xf32, #tpu.memory_space<vmem>> -> memref<1x128x128xf32, #tpu.memory_space<vmem>>
      %dma_start3A_288 = tpu.memref_squeeze %dma_start3A_287 : memref<1x128x128xf32, #tpu.memory_space<vmem>> -> memref<128x128xf32, #tpu.memory_space<vmem>>
      %dma_start3A_289 = arith.constant 0 : i32
      %dma_start3A_290 = tpu.memref_slice %arg4[%mul3A_283, %dma_start3A_289] : memref<160000x128xf32, #tpu.memory_space<hbm>> -> memref<128x128xf32, #tpu.memory_space<hbm>>
      %dma_start3A_291 = arith.constant 0 : i32
      %dma_start3A_292 = tpu.memref_slice %arg4[%mul3A_283, %dma_start3A_291] : memref<160000x128xf32, #tpu.memory_space<hbm>> -> memref<128x128xf32, #tpu.memory_space<hbm>>
      %dma_start3A_293 = arith.constant 0 : i32
      %dma_start3A_294 = arith.constant 0 : i32
      %dma_start3A_295 = tpu.memref_slice %arg6[%dma_start3A_284, %dma_start3A_293, %dma_start3A_294] : memref<4x128x128xf32, #tpu.memory_space<vmem>> -> memref<1x128x128xf32, #tpu.memory_space<vmem>>
      %dma_start3A_296 = tpu.memref_squeeze %dma_start3A_295 : memref<1x128x128xf32, #tpu.memory_space<vmem>> -> memref<128x128xf32, #tpu.memory_space<vmem>>
      tpu.enqueue_dma source(%dma_start3A_296 : memref<128x128xf32, #tpu.memory_space<vmem>>) target(%dma_start3A_292 : memref<128x128xf32, #tpu.memory_space<hbm>>) target_semaphore(%arg9 : memref<!tpu.dma_semaphore, #tpu.memory_space<semaphore_mem>>)
      %add3A_297 = arith.constant 3 : i32
      %add3A_298 = arith.addi %mul3A_14, %add3A_297 : i32
      %mul3A_299 = arith.constant 32 : i32
      %mul3A_300 = arith.muli %add3A_298, %mul3A_299 : i32
      %add3A_301 = arith.addi %mul3A_300, %add3A : i32
      %mul3A_302 = arith.constant 128 : i32
      %mul3A_303 = arith.muli %add3A_301, %mul3A_302 : i32
      %dma_start3A_304 = arith.constant 3 : i32
      %dma_start3A_305 = arith.constant 0 : i32
      %dma_start3A_306 = arith.constant 0 : i32
      %dma_start3A_307 = tpu.memref_slice %arg6[%dma_start3A_304, %dma_start3A_305, %dma_start3A_306] : memref<4x128x128xf32, #tpu.memory_space<vmem>> -> memref<1x128x128xf32, #tpu.memory_space<vmem>>
      %dma_start3A_308 = tpu.memref_squeeze %dma_start3A_307 : memref<1x128x128xf32, #tpu.memory_space<vmem>> -> memref<128x128xf32, #tpu.memory_space<vmem>>
      %dma_start3A_309 = arith.constant 0 : i32
      %dma_start3A_310 = tpu.memref_slice %arg4[%mul3A_303, %dma_start3A_309] : memref<160000x128xf32, #tpu.memory_space<hbm>> -> memref<128x128xf32, #tpu.memory_space<hbm>>
      %dma_start3A_311 = arith.constant 0 : i32
      %dma_start3A_312 = tpu.memref_slice %arg4[%mul3A_303, %dma_start3A_311] : memref<160000x128xf32, #tpu.memory_space<hbm>> -> memref<128x128xf32, #tpu.memory_space<hbm>>
      %dma_start3A_313 = arith.constant 0 : i32
      %dma_start3A_314 = arith.constant 0 : i32
      %dma_start3A_315 = tpu.memref_slice %arg6[%dma_start3A_304, %dma_start3A_313, %dma_start3A_314] : memref<4x128x128xf32, #tpu.memory_space<vmem>> -> memref<1x128x128xf32, #tpu.memory_space<vmem>>
      %dma_start3A_316 = tpu.memref_squeeze %dma_start3A_315 : memref<1x128x128xf32, #tpu.memory_space<vmem>> -> memref<128x128xf32, #tpu.memory_space<vmem>>
      tpu.enqueue_dma source(%dma_start3A_316 : memref<128x128xf32, #tpu.memory_space<vmem>>) target(%dma_start3A_312 : memref<128x128xf32, #tpu.memory_space<hbm>>) target_semaphore(%arg9 : memref<!tpu.dma_semaphore, #tpu.memory_space<semaphore_mem>>)
      %add3A_317 = arith.constant 0 : i32
      %add3A_318 = arith.addi %mul3A_14, %add3A_317 : i32
      %mul3A_319 = arith.constant 32 : i32
      %mul3A_320 = arith.muli %add3A_318, %mul3A_319 : i32
      %add3A_321 = arith.addi %mul3A_320, %add3A : i32
      %mul3A_322 = arith.constant 128 : i32
      %mul3A_323 = arith.muli %add3A_321, %mul3A_322 : i32
      %dma_wait3A_324 = arith.constant 0 : i32
      %dma_wait3A_325 = arith.constant 0 : i32
      %dma_wait3A_326 = arith.constant 0 : i32
      %dma_wait3A_327 = tpu.memref_slice %arg6[%dma_wait3A_324, %dma_wait3A_325, %dma_wait3A_326] : memref<4x128x128xf32, #tpu.memory_space<vmem>> -> memref<1x128x128xf32, #tpu.memory_space<vmem>>
      %dma_wait3A_328 = tpu.memref_squeeze %dma_wait3A_327 : memref<1x128x128xf32, #tpu.memory_space<vmem>> -> memref<128x128xf32, #tpu.memory_space<vmem>>
      %dma_wait3A_329 = arith.constant 0 : i32
      %dma_wait3A_330 = tpu.memref_slice %arg4[%mul3A_323, %dma_wait3A_329] : memref<160000x128xf32, #tpu.memory_space<hbm>> -> memref<128x128xf32, #tpu.memory_space<hbm>>
      %dma_wait3A_331 = arith.constant 0 : i32
      %dma_wait3A_332 = tpu.memref_slice %arg4[%mul3A_323, %dma_wait3A_331] : memref<160000x128xf32, #tpu.memory_space<hbm>> -> memref<128x128xf32, #tpu.memory_space<hbm>>
      %dma_wait3A_333 = arith.constant 0 : i32
      %dma_wait3A_334 = arith.constant 0 : i32
      %dma_wait3A_335 = tpu.memref_slice %arg6[%dma_wait3A_324, %dma_wait3A_333, %dma_wait3A_334] : memref<4x128x128xf32, #tpu.memory_space<vmem>> -> memref<1x128x128xf32, #tpu.memory_space<vmem>>
      %dma_wait3A_336 = tpu.memref_squeeze %dma_wait3A_335 : memref<1x128x128xf32, #tpu.memory_space<vmem>> -> memref<128x128xf32, #tpu.memory_space<vmem>>
      tpu.wait_dma2 semaphore(%arg9 : memref<!tpu.dma_semaphore, #tpu.memory_space<semaphore_mem>>) src(%dma_wait3A_336 : memref<128x128xf32, #tpu.memory_space<vmem>>) dst(%dma_wait3A_332 : memref<128x128xf32, #tpu.memory_space<hbm>>)
      %add3A_337 = arith.constant 1 : i32
      %add3A_338 = arith.addi %mul3A_14, %add3A_337 : i32
      %mul3A_339 = arith.constant 32 : i32
      %mul3A_340 = arith.muli %add3A_338, %mul3A_339 : i32
      %add3A_341 = arith.addi %mul3A_340, %add3A : i32
      %mul3A_342 = arith.constant 128 : i32
      %mul3A_343 = arith.muli %add3A_341, %mul3A_342 : i32
      %dma_wait3A_344 = arith.constant 1 : i32
      %dma_wait3A_345 = arith.constant 0 : i32
      %dma_wait3A_346 = arith.constant 0 : i32
      %dma_wait3A_347 = tpu.memref_slice %arg6[%dma_wait3A_344, %dma_wait3A_345, %dma_wait3A_346] : memref<4x128x128xf32, #tpu.memory_space<vmem>> -> memref<1x128x128xf32, #tpu.memory_space<vmem>>
      %dma_wait3A_348 = tpu.memref_squeeze %dma_wait3A_347 : memref<1x128x128xf32, #tpu.memory_space<vmem>> -> memref<128x128xf32, #tpu.memory_space<vmem>>
      %dma_wait3A_349 = arith.constant 0 : i32
      %dma_wait3A_350 = tpu.memref_slice %arg4[%mul3A_343, %dma_wait3A_349] : memref<160000x128xf32, #tpu.memory_space<hbm>> -> memref<128x128xf32, #tpu.memory_space<hbm>>
      %dma_wait3A_351 = arith.constant 0 : i32
      %dma_wait3A_352 = tpu.memref_slice %arg4[%mul3A_343, %dma_wait3A_351] : memref<160000x128xf32, #tpu.memory_space<hbm>> -> memref<128x128xf32, #tpu.memory_space<hbm>>
      %dma_wait3A_353 = arith.constant 0 : i32
      %dma_wait3A_354 = arith.constant 0 : i32
      %dma_wait3A_355 = tpu.memref_slice %arg6[%dma_wait3A_344, %dma_wait3A_353, %dma_wait3A_354] : memref<4x128x128xf32, #tpu.memory_space<vmem>> -> memref<1x128x128xf32, #tpu.memory_space<vmem>>
      %dma_wait3A_356 = tpu.memref_squeeze %dma_wait3A_355 : memref<1x128x128xf32, #tpu.memory_space<vmem>> -> memref<128x128xf32, #tpu.memory_space<vmem>>
      tpu.wait_dma2 semaphore(%arg9 : memref<!tpu.dma_semaphore, #tpu.memory_space<semaphore_mem>>) src(%dma_wait3A_356 : memref<128x128xf32, #tpu.memory_space<vmem>>) dst(%dma_wait3A_352 : memref<128x128xf32, #tpu.memory_space<hbm>>)
      %add3A_357 = arith.constant 2 : i32
      %add3A_358 = arith.addi %mul3A_14, %add3A_357 : i32
      %mul3A_359 = arith.constant 32 : i32
      %mul3A_360 = arith.muli %add3A_358, %mul3A_359 : i32
      %add3A_361 = arith.addi %mul3A_360, %add3A : i32
      %mul3A_362 = arith.constant 128 : i32
      %mul3A_363 = arith.muli %add3A_361, %mul3A_362 : i32
      %dma_wait3A_364 = arith.constant 2 : i32
      %dma_wait3A_365 = arith.constant 0 : i32
      %dma_wait3A_366 = arith.constant 0 : i32
      %dma_wait3A_367 = tpu.memref_slice %arg6[%dma_wait3A_364, %dma_wait3A_365, %dma_wait3A_366] : memref<4x128x128xf32, #tpu.memory_space<vmem>> -> memref<1x128x128xf32, #tpu.memory_space<vmem>>
      %dma_wait3A_368 = tpu.memref_squeeze %dma_wait3A_367 : memref<1x128x128xf32, #tpu.memory_space<vmem>> -> memref<128x128xf32, #tpu.memory_space<vmem>>
      %dma_wait3A_369 = arith.constant 0 : i32
      %dma_wait3A_370 = tpu.memref_slice %arg4[%mul3A_363, %dma_wait3A_369] : memref<160000x128xf32, #tpu.memory_space<hbm>> -> memref<128x128xf32, #tpu.memory_space<hbm>>
      %dma_wait3A_371 = arith.constant 0 : i32
      %dma_wait3A_372 = tpu.memref_slice %arg4[%mul3A_363, %dma_wait3A_371] : memref<160000x128xf32, #tpu.memory_space<hbm>> -> memref<128x128xf32, #tpu.memory_space<hbm>>
      %dma_wait3A_373 = arith.constant 0 : i32
      %dma_wait3A_374 = arith.constant 0 : i32
      %dma_wait3A_375 = tpu.memref_slice %arg6[%dma_wait3A_364, %dma_wait3A_373, %dma_wait3A_374] : memref<4x128x128xf32, #tpu.memory_space<vmem>> -> memref<1x128x128xf32, #tpu.memory_space<vmem>>
      %dma_wait3A_376 = tpu.memref_squeeze %dma_wait3A_375 : memref<1x128x128xf32, #tpu.memory_space<vmem>> -> memref<128x128xf32, #tpu.memory_space<vmem>>
      tpu.wait_dma2 semaphore(%arg9 : memref<!tpu.dma_semaphore, #tpu.memory_space<semaphore_mem>>) src(%dma_wait3A_376 : memref<128x128xf32, #tpu.memory_space<vmem>>) dst(%dma_wait3A_372 : memref<128x128xf32, #tpu.memory_space<hbm>>)
      %add3A_377 = arith.constant 3 : i32
      %add3A_378 = arith.addi %mul3A_14, %add3A_377 : i32
      %mul3A_379 = arith.constant 32 : i32
      %mul3A_380 = arith.muli %add3A_378, %mul3A_379 : i32
      %add3A_381 = arith.addi %mul3A_380, %add3A : i32
      %mul3A_382 = arith.constant 128 : i32
      %mul3A_383 = arith.muli %add3A_381, %mul3A_382 : i32
      %dma_wait3A_384 = arith.constant 3 : i32
      %dma_wait3A_385 = arith.constant 0 : i32
      %dma_wait3A_386 = arith.constant 0 : i32
      %dma_wait3A_387 = tpu.memref_slice %arg6[%dma_wait3A_384, %dma_wait3A_385, %dma_wait3A_386] : memref<4x128x128xf32, #tpu.memory_space<vmem>> -> memref<1x128x128xf32, #tpu.memory_space<vmem>>
      %dma_wait3A_388 = tpu.memref_squeeze %dma_wait3A_387 : memref<1x128x128xf32, #tpu.memory_space<vmem>> -> memref<128x128xf32, #tpu.memory_space<vmem>>
      %dma_wait3A_389 = arith.constant 0 : i32
      %dma_wait3A_390 = tpu.memref_slice %arg4[%mul3A_383, %dma_wait3A_389] : memref<160000x128xf32, #tpu.memory_space<hbm>> -> memref<128x128xf32, #tpu.memory_space<hbm>>
      %dma_wait3A_391 = arith.constant 0 : i32
      %dma_wait3A_392 = tpu.memref_slice %arg4[%mul3A_383, %dma_wait3A_391] : memref<160000x128xf32, #tpu.memory_space<hbm>> -> memref<128x128xf32, #tpu.memory_space<hbm>>
      %dma_wait3A_393 = arith.constant 0 : i32
      %dma_wait3A_394 = arith.constant 0 : i32
      %dma_wait3A_395 = tpu.memref_slice %arg6[%dma_wait3A_384, %dma_wait3A_393, %dma_wait3A_394] : memref<4x128x128xf32, #tpu.memory_space<vmem>> -> memref<1x128x128xf32, #tpu.memory_space<vmem>>
      %dma_wait3A_396 = tpu.memref_squeeze %dma_wait3A_395 : memref<1x128x128xf32, #tpu.memory_space<vmem>> -> memref<128x128xf32, #tpu.memory_space<vmem>>
      tpu.wait_dma2 semaphore(%arg9 : memref<!tpu.dma_semaphore, #tpu.memory_space<semaphore_mem>>) src(%dma_wait3A_396 : memref<128x128xf32, #tpu.memory_space<vmem>>) dst(%dma_wait3A_392 : memref<128x128xf32, #tpu.memory_space<hbm>>)
    }
    %scan3A_5 = arith.constant 9 : i32
    %scan3A_6 = arith.constant 0 : i32
    %scan3A_7 = arith.constant 36 : i32
    %scan3A_8 = arith.constant 4 : i32
    %scan3A_9 = arith.addi %scan3A_7, %scan3A_8 : i32
    %scan3A_10 = arith.constant 1 : i32
    scf.for %scan3A_12 = %scan3A_7 to %scan3A_9 step %scan3A_10  : i32 {
      %mul3A_13 = arith.constant 32 : i32
      %mul3A_14 = arith.muli %scan3A_12, %mul3A_13 : i32
      %add3A_15 = arith.addi %mul3A_14, %add3A : i32
      %lt3A = arith.constant 1250 : i32
      %lt3A_16 = arith.cmpi slt, %add3A_15, %lt3A : i32
      %convert_element_type3A = arith.extui %lt3A_16 : i1 to i32
      %cond3A = arith.constant 0 : i32
      %cond3A_17 = arith.cmpi ne, %convert_element_type3A, %cond3A : i32
      scf.if %cond3A_17 {
        %mul3A_18 = arith.constant 128 : i32
        %mul3A_19 = arith.muli %add3A_15, %mul3A_18 : i32
        %run_scoped3A = arith.constant 0 : i32
        "tpu.region"() ({
          %run_scoped3A_43 = tpu.sem_alloc : memref<!tpu.dma_semaphore, #tpu.memory_space<semaphore_mem>>
          %dma_start3A_44 = arith.constant 0 : i32
          %dma_start3A_45 = tpu.memref_slice %arg5[%run_scoped3A, %dma_start3A_44] : memref<4x128xi32, #tpu.memory_space<vmem>> -> memref<1x128xi32, #tpu.memory_space<vmem>>
          %dma_start3A_46 = tpu.memref_squeeze %dma_start3A_45 : memref<1x128xi32, #tpu.memory_space<vmem>> -> memref<128xi32, #tpu.memory_space<vmem>>
          %dma_start3A_47 = tpu.memref_slice %arg3[%mul3A_19] : memref<160000xi32, #tpu.memory_space<hbm>> -> memref<128xi32, #tpu.memory_space<hbm>>
          %dma_start3A_48 = arith.constant 0 : i32
          %dma_start3A_49 = tpu.memref_slice %arg5[%run_scoped3A, %dma_start3A_48] : memref<4x128xi32, #tpu.memory_space<vmem>> -> memref<1x128xi32, #tpu.memory_space<vmem>>
          %dma_start3A_50 = tpu.memref_squeeze %dma_start3A_49 : memref<1x128xi32, #tpu.memory_space<vmem>> -> memref<128xi32, #tpu.memory_space<vmem>>
          %dma_start3A_51 = tpu.memref_slice %arg3[%mul3A_19] : memref<160000xi32, #tpu.memory_space<hbm>> -> memref<128xi32, #tpu.memory_space<hbm>>
          tpu.enqueue_dma source(%dma_start3A_51 : memref<128xi32, #tpu.memory_space<hbm>>) target(%dma_start3A_50 : memref<128xi32, #tpu.memory_space<vmem>>) target_semaphore(%run_scoped3A_43 : memref<!tpu.dma_semaphore, #tpu.memory_space<semaphore_mem>>)
          %dma_wait3A_52 = arith.constant 0 : i32
          %dma_wait3A_53 = tpu.memref_slice %arg5[%run_scoped3A, %dma_wait3A_52] : memref<4x128xi32, #tpu.memory_space<vmem>> -> memref<1x128xi32, #tpu.memory_space<vmem>>
          %dma_wait3A_54 = tpu.memref_squeeze %dma_wait3A_53 : memref<1x128xi32, #tpu.memory_space<vmem>> -> memref<128xi32, #tpu.memory_space<vmem>>
          %dma_wait3A_55 = tpu.memref_slice %arg3[%mul3A_19] : memref<160000xi32, #tpu.memory_space<hbm>> -> memref<128xi32, #tpu.memory_space<hbm>>
          %dma_wait3A_56 = arith.constant 0 : i32
          %dma_wait3A_57 = tpu.memref_slice %arg5[%run_scoped3A, %dma_wait3A_56] : memref<4x128xi32, #tpu.memory_space<vmem>> -> memref<1x128xi32, #tpu.memory_space<vmem>>
          %dma_wait3A_58 = tpu.memref_squeeze %dma_wait3A_57 : memref<1x128xi32, #tpu.memory_space<vmem>> -> memref<128xi32, #tpu.memory_space<vmem>>
          %dma_wait3A_59 = tpu.memref_slice %arg3[%mul3A_19] : memref<160000xi32, #tpu.memory_space<hbm>> -> memref<128xi32, #tpu.memory_space<hbm>>
          tpu.wait_dma2 semaphore(%run_scoped3A_43 : memref<!tpu.dma_semaphore, #tpu.memory_space<semaphore_mem>>) src(%dma_wait3A_59 : memref<128xi32, #tpu.memory_space<hbm>>) dst(%dma_wait3A_58 : memref<128xi32, #tpu.memory_space<vmem>>)
          tpu.yield
        }) : () -> ()
        %dma_start3A = arith.constant 0 : i32
        %dma_start3A_20 = arith.constant 0 : i32
        %dma_start3A_21 = arith.constant 0 : i32
        %dma_start3A_22 = arith.constant 0 : i32
        %dma_start3A_23 = tpu.memref_slice %arg6[%dma_start3A_20, %dma_start3A_21, %dma_start3A_22] : memref<4x128x128xf32, #tpu.memory_space<vmem>> -> memref<1x128x128xf32, #tpu.memory_space<vmem>>
        %dma_start3A_24 = tpu.memref_squeeze %dma_start3A_23 : memref<1x128x128xf32, #tpu.memory_space<vmem>> -> memref<128x128xf32, #tpu.memory_space<vmem>>
        %dma_start3A_25 = arith.constant 0 : i32
        %dma_start3A_26 = tpu.memref_slice %arg5[%dma_start3A, %dma_start3A_25] : memref<4x128xi32, #tpu.memory_space<vmem>> -> memref<1x128xi32, #tpu.memory_space<vmem>>
        %dma_start3A_27 = tpu.memref_squeeze %dma_start3A_26 : memref<1x128xi32, #tpu.memory_space<vmem>> -> memref<128xi32, #tpu.memory_space<vmem>>
        %dma_start3A_28 = arith.constant 0 : i32
        %dma_start3A_29 = arith.constant 0 : i32
        %dma_start3A_30 = tpu.memref_slice %arg2[%dma_start3A_28, %dma_start3A_29] : memref<10000x128xf32, #tpu.memory_space<hbm>> -> memref<10000x128xf32, #tpu.memory_space<hbm>>
        tpu.enqueue_indirect_dma source(%dma_start3A_30 : memref<10000x128xf32, #tpu.memory_space<hbm>>) target(%dma_start3A_24 : memref<128x128xf32, #tpu.memory_space<vmem>>) offsets(%dma_start3A_27 : memref<128xi32, #tpu.memory_space<vmem>>) semaphore(%arg8 : memref<!tpu.dma_semaphore, #tpu.memory_space<semaphore_mem>>)
        %dma_wait3A = arith.constant 0 : i32
        %dma_wait3A_31 = arith.constant 0 : i32
        %dma_wait3A_32 = arith.constant 0 : i32
        %dma_wait3A_33 = arith.constant 0 : i32
        %dma_wait3A_34 = tpu.memref_slice %arg6[%dma_wait3A_31, %dma_wait3A_32, %dma_wait3A_33] : memref<4x128x128xf32, #tpu.memory_space<vmem>> -> memref<1x128x128xf32, #tpu.memory_space<vmem>>
        %dma_wait3A_35 = tpu.memref_squeeze %dma_wait3A_34 : memref<1x128x128xf32, #tpu.memory_space<vmem>> -> memref<128x128xf32, #tpu.memory_space<vmem>>
        %dma_wait3A_36 = arith.constant 0 : i32
        %dma_wait3A_37 = tpu.memref_slice %arg5[%dma_wait3A, %dma_wait3A_36] : memref<4x128xi32, #tpu.memory_space<vmem>> -> memref<1x128xi32, #tpu.memory_space<vmem>>
        %dma_wait3A_38 = tpu.memref_squeeze %dma_wait3A_37 : memref<1x128xi32, #tpu.memory_space<vmem>> -> memref<128xi32, #tpu.memory_space<vmem>>
        %dma_wait3A_39 = arith.constant 0 : i32
        %dma_wait3A_40 = arith.constant 0 : i32
        %dma_wait3A_41 = tpu.memref_slice %arg2[%dma_wait3A_39, %dma_wait3A_40] : memref<10000x128xf32, #tpu.memory_space<hbm>> -> memref<10000x128xf32, #tpu.memory_space<hbm>>
        tpu.wait_indirect_dma semaphore(%arg8 : memref<!tpu.dma_semaphore, #tpu.memory_space<semaphore_mem>>) src(%dma_wait3A_41 : memref<10000x128xf32, #tpu.memory_space<hbm>>) dst(%dma_wait3A_35 : memref<128x128xf32, #tpu.memory_space<vmem>>)
        %run_scoped3A_42 = arith.constant 0 : i32
        "tpu.region"() ({
          %run_scoped3A_43 = tpu.sem_alloc : memref<!tpu.dma_semaphore, #tpu.memory_space<semaphore_mem>>
          %dma_start3A_44 = arith.constant 0 : i32
          %dma_start3A_45 = arith.constant 0 : i32
          %dma_start3A_46 = tpu.memref_slice %arg6[%run_scoped3A_42, %dma_start3A_44, %dma_start3A_45] : memref<4x128x128xf32, #tpu.memory_space<vmem>> -> memref<1x128x128xf32, #tpu.memory_space<vmem>>
          %dma_start3A_47 = tpu.memref_squeeze %dma_start3A_46 : memref<1x128x128xf32, #tpu.memory_space<vmem>> -> memref<128x128xf32, #tpu.memory_space<vmem>>
          %dma_start3A_48 = arith.constant 0 : i32
          %dma_start3A_49 = tpu.memref_slice %arg4[%mul3A_19, %dma_start3A_48] : memref<160000x128xf32, #tpu.memory_space<hbm>> -> memref<128x128xf32, #tpu.memory_space<hbm>>
          %dma_start3A_50 = arith.constant 0 : i32
          %dma_start3A_51 = tpu.memref_slice %arg4[%mul3A_19, %dma_start3A_50] : memref<160000x128xf32, #tpu.memory_space<hbm>> -> memref<128x128xf32, #tpu.memory_space<hbm>>
          %dma_start3A_52 = arith.constant 0 : i32
          %dma_start3A_53 = arith.constant 0 : i32
          %dma_start3A_54 = tpu.memref_slice %arg6[%run_scoped3A_42, %dma_start3A_52, %dma_start3A_53] : memref<4x128x128xf32, #tpu.memory_space<vmem>> -> memref<1x128x128xf32, #tpu.memory_space<vmem>>
          %dma_start3A_55 = tpu.memref_squeeze %dma_start3A_54 : memref<1x128x128xf32, #tpu.memory_space<vmem>> -> memref<128x128xf32, #tpu.memory_space<vmem>>
          tpu.enqueue_dma source(%dma_start3A_55 : memref<128x128xf32, #tpu.memory_space<vmem>>) target(%dma_start3A_51 : memref<128x128xf32, #tpu.memory_space<hbm>>) target_semaphore(%run_scoped3A_43 : memref<!tpu.dma_semaphore, #tpu.memory_space<semaphore_mem>>)
          %dma_wait3A_56 = arith.constant 0 : i32
          %dma_wait3A_57 = arith.constant 0 : i32
          %dma_wait3A_58 = tpu.memref_slice %arg6[%run_scoped3A_42, %dma_wait3A_56, %dma_wait3A_57] : memref<4x128x128xf32, #tpu.memory_space<vmem>> -> memref<1x128x128xf32, #tpu.memory_space<vmem>>
          %dma_wait3A_59 = tpu.memref_squeeze %dma_wait3A_58 : memref<1x128x128xf32, #tpu.memory_space<vmem>> -> memref<128x128xf32, #tpu.memory_space<vmem>>
          %dma_wait3A_60 = arith.constant 0 : i32
          %dma_wait3A_61 = tpu.memref_slice %arg4[%mul3A_19, %dma_wait3A_60] : memref<160000x128xf32, #tpu.memory_space<hbm>> -> memref<128x128xf32, #tpu.memory_space<hbm>>
          %dma_wait3A_62 = arith.constant 0 : i32
          %dma_wait3A_63 = tpu.memref_slice %arg4[%mul3A_19, %dma_wait3A_62] : memref<160000x128xf32, #tpu.memory_space<hbm>> -> memref<128x128xf32, #tpu.memory_space<hbm>>
          %dma_wait3A_64 = arith.constant 0 : i32
          %dma_wait3A_65 = arith.constant 0 : i32
          %dma_wait3A_66 = tpu.memref_slice %arg6[%run_scoped3A_42, %dma_wait3A_64, %dma_wait3A_65] : memref<4x128x128xf32, #tpu.memory_space<vmem>> -> memref<1x128x128xf32, #tpu.memory_space<vmem>>
          %dma_wait3A_67 = tpu.memref_squeeze %dma_wait3A_66 : memref<1x128x128xf32, #tpu.memory_space<vmem>> -> memref<128x128xf32, #tpu.memory_space<vmem>>
          tpu.wait_dma2 semaphore(%run_scoped3A_43 : memref<!tpu.dma_semaphore, #tpu.memory_space<semaphore_mem>>) src(%dma_wait3A_67 : memref<128x128xf32, #tpu.memory_space<vmem>>) dst(%dma_wait3A_63 : memref<128x128xf32, #tpu.memory_space<hbm>>)
          tpu.yield
        }) : () -> ()
      } else {
      }
    }
    %scan3A_11 = arith.constant 4 : i32
    return
  }
}

#map = affine_map<(d0, d1) -> (0, 0)>
#map1 = affine_map<(d0, d1) -> (0)>
module attributes {stable_mosaic.version = 14 : i64} {
  func.func @sk(%arg0: i32, %arg1: i32, %arg2: memref<160000x128xf32, #tpu.memory_space<hbm>>, %arg3: memref<160000xi32, #tpu.memory_space<hbm>>, %arg4: memref<10240x128xf32, #tpu.memory_space<hbm>>, %arg5: memref<20480x128xf32, #tpu.memory_space<hbm>>, %arg6: memref<2x128xi32, #tpu.memory_space<vmem>>, %arg7: memref<2x128x128xf32, #tpu.memory_space<vmem>>, %arg8: memref<10240x128xf32, #tpu.memory_space<vmem_shared>>, %arg9: memref<!tpu.dma_semaphore, #tpu.memory_space<semaphore_mem>>, %arg10: memref<!tpu.dma_semaphore, #tpu.memory_space<semaphore_mem>>, %arg11: memref<!tpu.dma_semaphore, #tpu.memory_space<semaphore_mem>>) attributes {dimension_semantics = [#tpu.dimension_semantics<core_parallel>, #tpu.dimension_semantics<subcore_parallel>], iteration_bounds = array<i64: 2, 16>, scalar_prefetch = 0 : i64, scratch_operands = 6 : i64, tpu.core_type = #tpu.core_type<sc_vector_subcore>, window_params = [{transform_indices = #map}, {transform_indices = #map1}, {transform_indices = #map}, {transform_indices = #map}]} {
    %mul3A = arith.constant 2 : i32
    %mul3A_0 = arith.muli %arg1, %mul3A : i32
    %add3A = arith.addi %mul3A_0, %arg0 : i32
    %mul3A_1 = arith.constant 640 : i32
    %mul3A_2 = arith.muli %arg1, %mul3A_1 : i32
    %mul3A_3 = arith.constant 640 : i32
    %mul3A_4 = arith.muli %arg1, %mul3A_3 : i32
    "tpu.region"() ({
      %run_scoped3A = tpu.sem_alloc : memref<!tpu.dma_semaphore, #tpu.memory_space<semaphore_mem>>
      %dma_start3A = arith.constant 0 : i32
      %dma_start3A_24 = tpu.memref_slice %arg8[%mul3A_4, %dma_start3A] : memref<10240x128xf32, #tpu.memory_space<vmem_shared>> -> memref<640x128xf32, #tpu.memory_space<vmem_shared>>
      %dma_start3A_25 = arith.constant 0 : i32
      %dma_start3A_26 = tpu.memref_slice %arg4[%mul3A_2, %dma_start3A_25] : memref<10240x128xf32, #tpu.memory_space<hbm>> -> memref<640x128xf32, #tpu.memory_space<hbm>>
      tpu.enqueue_dma source(%dma_start3A_26 : memref<640x128xf32, #tpu.memory_space<hbm>>) target(%dma_start3A_24 : memref<640x128xf32, #tpu.memory_space<vmem_shared>>) target_semaphore(%run_scoped3A : memref<!tpu.dma_semaphore, #tpu.memory_space<semaphore_mem>>)
      %dma_wait3A = arith.constant 0 : i32
      %dma_wait3A_27 = tpu.memref_slice %arg8[%mul3A_4, %dma_wait3A] : memref<10240x128xf32, #tpu.memory_space<vmem_shared>> -> memref<640x128xf32, #tpu.memory_space<vmem_shared>>
      %dma_wait3A_28 = arith.constant 0 : i32
      %dma_wait3A_29 = tpu.memref_slice %arg4[%mul3A_2, %dma_wait3A_28] : memref<10240x128xf32, #tpu.memory_space<hbm>> -> memref<640x128xf32, #tpu.memory_space<hbm>>
      tpu.wait_dma2 semaphore(%run_scoped3A : memref<!tpu.dma_semaphore, #tpu.memory_space<semaphore_mem>>) src(%dma_wait3A_29 : memref<640x128xf32, #tpu.memory_space<hbm>>) dst(%dma_wait3A_27 : memref<640x128xf32, #tpu.memory_space<vmem_shared>>)
      tpu.yield
    }) : () -> ()
    %barrier3A = arith.constant 0 : index
    tpu.barrier barrier_id(%barrier3A)
    %scan3A = arith.constant 0 : i32
    %scan3A_5 = arith.constant 0 : i32
    %scan3A_6 = arith.constant 19 : i32
    %scan3A_7 = arith.addi %scan3A_5, %scan3A_6 : i32
    %scan3A_8 = arith.constant 1 : i32
    scf.for %scan3A_24 = %scan3A_5 to %scan3A_7 step %scan3A_8  : i32 {
      %mul3A_25 = arith.constant 2 : i32
      %mul3A_26 = arith.muli %scan3A_24, %mul3A_25 : i32
      %add3A_27 = arith.constant 0 : i32
      %add3A_28 = arith.addi %mul3A_26, %add3A_27 : i32
      %mul3A_29 = arith.constant 32 : i32
      %mul3A_30 = arith.muli %add3A_28, %mul3A_29 : i32
      %add3A_31 = arith.addi %mul3A_30, %add3A : i32
      %mul3A_32 = arith.constant 128 : i32
      %mul3A_33 = arith.muli %add3A_31, %mul3A_32 : i32
      %dma_start3A = arith.constant 0 : i32
      %dma_start3A_34 = arith.constant 0 : i32
      %dma_start3A_35 = tpu.memref_slice %arg6[%dma_start3A, %dma_start3A_34] : memref<2x128xi32, #tpu.memory_space<vmem>> -> memref<1x128xi32, #tpu.memory_space<vmem>>
      %dma_start3A_36 = tpu.memref_squeeze %dma_start3A_35 : memref<1x128xi32, #tpu.memory_space<vmem>> -> memref<128xi32, #tpu.memory_space<vmem>>
      %dma_start3A_37 = tpu.memref_slice %arg3[%mul3A_33] : memref<160000xi32, #tpu.memory_space<hbm>> -> memref<128xi32, #tpu.memory_space<hbm>>
      %dma_start3A_38 = arith.constant 0 : i32
      %dma_start3A_39 = tpu.memref_slice %arg6[%dma_start3A, %dma_start3A_38] : memref<2x128xi32, #tpu.memory_space<vmem>> -> memref<1x128xi32, #tpu.memory_space<vmem>>
      %dma_start3A_40 = tpu.memref_squeeze %dma_start3A_39 : memref<1x128xi32, #tpu.memory_space<vmem>> -> memref<128xi32, #tpu.memory_space<vmem>>
      %dma_start3A_41 = tpu.memref_slice %arg3[%mul3A_33] : memref<160000xi32, #tpu.memory_space<hbm>> -> memref<128xi32, #tpu.memory_space<hbm>>
      tpu.enqueue_dma source(%dma_start3A_41 : memref<128xi32, #tpu.memory_space<hbm>>) target(%dma_start3A_40 : memref<128xi32, #tpu.memory_space<vmem>>) target_semaphore(%arg9 : memref<!tpu.dma_semaphore, #tpu.memory_space<semaphore_mem>>)
      %add3A_42 = arith.constant 0 : i32
      %add3A_43 = arith.addi %mul3A_26, %add3A_42 : i32
      %mul3A_44 = arith.constant 32 : i32
      %mul3A_45 = arith.muli %add3A_43, %mul3A_44 : i32
      %add3A_46 = arith.addi %mul3A_45, %add3A : i32
      %mul3A_47 = arith.constant 128 : i32
      %mul3A_48 = arith.muli %add3A_46, %mul3A_47 : i32
      %dma_start3A_49 = arith.constant 0 : i32
      %dma_start3A_50 = arith.constant 0 : i32
      %dma_start3A_51 = arith.constant 0 : i32
      %dma_start3A_52 = tpu.memref_slice %arg7[%dma_start3A_49, %dma_start3A_50, %dma_start3A_51] : memref<2x128x128xf32, #tpu.memory_space<vmem>> -> memref<1x128x128xf32, #tpu.memory_space<vmem>>
      %dma_start3A_53 = tpu.memref_squeeze %dma_start3A_52 : memref<1x128x128xf32, #tpu.memory_space<vmem>> -> memref<128x128xf32, #tpu.memory_space<vmem>>
      %dma_start3A_54 = arith.constant 0 : i32
      %dma_start3A_55 = tpu.memref_slice %arg2[%mul3A_48, %dma_start3A_54] : memref<160000x128xf32, #tpu.memory_space<hbm>> -> memref<128x128xf32, #tpu.memory_space<hbm>>
      %dma_start3A_56 = arith.constant 0 : i32
      %dma_start3A_57 = arith.constant 0 : i32
      %dma_start3A_58 = tpu.memref_slice %arg7[%dma_start3A_49, %dma_start3A_56, %dma_start3A_57] : memref<2x128x128xf32, #tpu.memory_space<vmem>> -> memref<1x128x128xf32, #tpu.memory_space<vmem>>
      %dma_start3A_59 = tpu.memref_squeeze %dma_start3A_58 : memref<1x128x128xf32, #tpu.memory_space<vmem>> -> memref<128x128xf32, #tpu.memory_space<vmem>>
      %dma_start3A_60 = arith.constant 0 : i32
      %dma_start3A_61 = tpu.memref_slice %arg2[%mul3A_48, %dma_start3A_60] : memref<160000x128xf32, #tpu.memory_space<hbm>> -> memref<128x128xf32, #tpu.memory_space<hbm>>
      tpu.enqueue_dma source(%dma_start3A_61 : memref<128x128xf32, #tpu.memory_space<hbm>>) target(%dma_start3A_59 : memref<128x128xf32, #tpu.memory_space<vmem>>) target_semaphore(%arg10 : memref<!tpu.dma_semaphore, #tpu.memory_space<semaphore_mem>>)
      %add3A_62 = arith.constant 1 : i32
      %add3A_63 = arith.addi %mul3A_26, %add3A_62 : i32
      %mul3A_64 = arith.constant 32 : i32
      %mul3A_65 = arith.muli %add3A_63, %mul3A_64 : i32
      %add3A_66 = arith.addi %mul3A_65, %add3A : i32
      %mul3A_67 = arith.constant 128 : i32
      %mul3A_68 = arith.muli %add3A_66, %mul3A_67 : i32
      %dma_start3A_69 = arith.constant 1 : i32
      %dma_start3A_70 = arith.constant 0 : i32
      %dma_start3A_71 = tpu.memref_slice %arg6[%dma_start3A_69, %dma_start3A_70] : memref<2x128xi32, #tpu.memory_space<vmem>> -> memref<1x128xi32, #tpu.memory_space<vmem>>
      %dma_start3A_72 = tpu.memref_squeeze %dma_start3A_71 : memref<1x128xi32, #tpu.memory_space<vmem>> -> memref<128xi32, #tpu.memory_space<vmem>>
      %dma_start3A_73 = tpu.memref_slice %arg3[%mul3A_68] : memref<160000xi32, #tpu.memory_space<hbm>> -> memref<128xi32, #tpu.memory_space<hbm>>
      %dma_start3A_74 = arith.constant 0 : i32
      %dma_start3A_75 = tpu.memref_slice %arg6[%dma_start3A_69, %dma_start3A_74] : memref<2x128xi32, #tpu.memory_space<vmem>> -> memref<1x128xi32, #tpu.memory_space<vmem>>
      %dma_start3A_76 = tpu.memref_squeeze %dma_start3A_75 : memref<1x128xi32, #tpu.memory_space<vmem>> -> memref<128xi32, #tpu.memory_space<vmem>>
      %dma_start3A_77 = tpu.memref_slice %arg3[%mul3A_68] : memref<160000xi32, #tpu.memory_space<hbm>> -> memref<128xi32, #tpu.memory_space<hbm>>
      tpu.enqueue_dma source(%dma_start3A_77 : memref<128xi32, #tpu.memory_space<hbm>>) target(%dma_start3A_76 : memref<128xi32, #tpu.memory_space<vmem>>) target_semaphore(%arg9 : memref<!tpu.dma_semaphore, #tpu.memory_space<semaphore_mem>>)
      %add3A_78 = arith.constant 1 : i32
      %add3A_79 = arith.addi %mul3A_26, %add3A_78 : i32
      %mul3A_80 = arith.constant 32 : i32
      %mul3A_81 = arith.muli %add3A_79, %mul3A_80 : i32
      %add3A_82 = arith.addi %mul3A_81, %add3A : i32
      %mul3A_83 = arith.constant 128 : i32
      %mul3A_84 = arith.muli %add3A_82, %mul3A_83 : i32
      %dma_start3A_85 = arith.constant 1 : i32
      %dma_start3A_86 = arith.constant 0 : i32
      %dma_start3A_87 = arith.constant 0 : i32
      %dma_start3A_88 = tpu.memref_slice %arg7[%dma_start3A_85, %dma_start3A_86, %dma_start3A_87] : memref<2x128x128xf32, #tpu.memory_space<vmem>> -> memref<1x128x128xf32, #tpu.memory_space<vmem>>
      %dma_start3A_89 = tpu.memref_squeeze %dma_start3A_88 : memref<1x128x128xf32, #tpu.memory_space<vmem>> -> memref<128x128xf32, #tpu.memory_space<vmem>>
      %dma_start3A_90 = arith.constant 0 : i32
      %dma_start3A_91 = tpu.memref_slice %arg2[%mul3A_84, %dma_start3A_90] : memref<160000x128xf32, #tpu.memory_space<hbm>> -> memref<128x128xf32, #tpu.memory_space<hbm>>
      %dma_start3A_92 = arith.constant 0 : i32
      %dma_start3A_93 = arith.constant 0 : i32
      %dma_start3A_94 = tpu.memref_slice %arg7[%dma_start3A_85, %dma_start3A_92, %dma_start3A_93] : memref<2x128x128xf32, #tpu.memory_space<vmem>> -> memref<1x128x128xf32, #tpu.memory_space<vmem>>
      %dma_start3A_95 = tpu.memref_squeeze %dma_start3A_94 : memref<1x128x128xf32, #tpu.memory_space<vmem>> -> memref<128x128xf32, #tpu.memory_space<vmem>>
      %dma_start3A_96 = arith.constant 0 : i32
      %dma_start3A_97 = tpu.memref_slice %arg2[%mul3A_84, %dma_start3A_96] : memref<160000x128xf32, #tpu.memory_space<hbm>> -> memref<128x128xf32, #tpu.memory_space<hbm>>
      tpu.enqueue_dma source(%dma_start3A_97 : memref<128x128xf32, #tpu.memory_space<hbm>>) target(%dma_start3A_95 : memref<128x128xf32, #tpu.memory_space<vmem>>) target_semaphore(%arg10 : memref<!tpu.dma_semaphore, #tpu.memory_space<semaphore_mem>>)
      %add3A_98 = arith.constant 0 : i32
      %add3A_99 = arith.addi %mul3A_26, %add3A_98 : i32
      %mul3A_100 = arith.constant 32 : i32
      %mul3A_101 = arith.muli %add3A_99, %mul3A_100 : i32
      %add3A_102 = arith.addi %mul3A_101, %add3A : i32
      %mul3A_103 = arith.constant 128 : i32
      %mul3A_104 = arith.muli %add3A_102, %mul3A_103 : i32
      %dma_wait3A = arith.constant 0 : i32
      %dma_wait3A_105 = arith.constant 0 : i32
      %dma_wait3A_106 = tpu.memref_slice %arg6[%dma_wait3A, %dma_wait3A_105] : memref<2x128xi32, #tpu.memory_space<vmem>> -> memref<1x128xi32, #tpu.memory_space<vmem>>
      %dma_wait3A_107 = tpu.memref_squeeze %dma_wait3A_106 : memref<1x128xi32, #tpu.memory_space<vmem>> -> memref<128xi32, #tpu.memory_space<vmem>>
      %dma_wait3A_108 = tpu.memref_slice %arg3[%mul3A_104] : memref<160000xi32, #tpu.memory_space<hbm>> -> memref<128xi32, #tpu.memory_space<hbm>>
      %dma_wait3A_109 = arith.constant 0 : i32
      %dma_wait3A_110 = tpu.memref_slice %arg6[%dma_wait3A, %dma_wait3A_109] : memref<2x128xi32, #tpu.memory_space<vmem>> -> memref<1x128xi32, #tpu.memory_space<vmem>>
      %dma_wait3A_111 = tpu.memref_squeeze %dma_wait3A_110 : memref<1x128xi32, #tpu.memory_space<vmem>> -> memref<128xi32, #tpu.memory_space<vmem>>
      %dma_wait3A_112 = tpu.memref_slice %arg3[%mul3A_104] : memref<160000xi32, #tpu.memory_space<hbm>> -> memref<128xi32, #tpu.memory_space<hbm>>
      tpu.wait_dma2 semaphore(%arg9 : memref<!tpu.dma_semaphore, #tpu.memory_space<semaphore_mem>>) src(%dma_wait3A_112 : memref<128xi32, #tpu.memory_space<hbm>>) dst(%dma_wait3A_111 : memref<128xi32, #tpu.memory_space<vmem>>)
      %add3A_113 = arith.constant 0 : i32
      %add3A_114 = arith.addi %mul3A_26, %add3A_113 : i32
      %mul3A_115 = arith.constant 32 : i32
      %mul3A_116 = arith.muli %add3A_114, %mul3A_115 : i32
      %add3A_117 = arith.addi %mul3A_116, %add3A : i32
      %mul3A_118 = arith.constant 128 : i32
      %mul3A_119 = arith.muli %add3A_117, %mul3A_118 : i32
      %dma_wait3A_120 = arith.constant 0 : i32
      %dma_wait3A_121 = arith.constant 0 : i32
      %dma_wait3A_122 = arith.constant 0 : i32
      %dma_wait3A_123 = tpu.memref_slice %arg7[%dma_wait3A_120, %dma_wait3A_121, %dma_wait3A_122] : memref<2x128x128xf32, #tpu.memory_space<vmem>> -> memref<1x128x128xf32, #tpu.memory_space<vmem>>
      %dma_wait3A_124 = tpu.memref_squeeze %dma_wait3A_123 : memref<1x128x128xf32, #tpu.memory_space<vmem>> -> memref<128x128xf32, #tpu.memory_space<vmem>>
      %dma_wait3A_125 = arith.constant 0 : i32
      %dma_wait3A_126 = tpu.memref_slice %arg2[%mul3A_119, %dma_wait3A_125] : memref<160000x128xf32, #tpu.memory_space<hbm>> -> memref<128x128xf32, #tpu.memory_space<hbm>>
      %dma_wait3A_127 = arith.constant 0 : i32
      %dma_wait3A_128 = arith.constant 0 : i32
      %dma_wait3A_129 = tpu.memref_slice %arg7[%dma_wait3A_120, %dma_wait3A_127, %dma_wait3A_128] : memref<2x128x128xf32, #tpu.memory_space<vmem>> -> memref<1x128x128xf32, #tpu.memory_space<vmem>>
      %dma_wait3A_130 = tpu.memref_squeeze %dma_wait3A_129 : memref<1x128x128xf32, #tpu.memory_space<vmem>> -> memref<128x128xf32, #tpu.memory_space<vmem>>
      %dma_wait3A_131 = arith.constant 0 : i32
      %dma_wait3A_132 = tpu.memref_slice %arg2[%mul3A_119, %dma_wait3A_131] : memref<160000x128xf32, #tpu.memory_space<hbm>> -> memref<128x128xf32, #tpu.memory_space<hbm>>
      tpu.wait_dma2 semaphore(%arg10 : memref<!tpu.dma_semaphore, #tpu.memory_space<semaphore_mem>>) src(%dma_wait3A_132 : memref<128x128xf32, #tpu.memory_space<hbm>>) dst(%dma_wait3A_130 : memref<128x128xf32, #tpu.memory_space<vmem>>)
      %add3A_133 = arith.constant 1 : i32
      %add3A_134 = arith.addi %mul3A_26, %add3A_133 : i32
      %mul3A_135 = arith.constant 32 : i32
      %mul3A_136 = arith.muli %add3A_134, %mul3A_135 : i32
      %add3A_137 = arith.addi %mul3A_136, %add3A : i32
      %mul3A_138 = arith.constant 128 : i32
      %mul3A_139 = arith.muli %add3A_137, %mul3A_138 : i32
      %dma_wait3A_140 = arith.constant 1 : i32
      %dma_wait3A_141 = arith.constant 0 : i32
      %dma_wait3A_142 = tpu.memref_slice %arg6[%dma_wait3A_140, %dma_wait3A_141] : memref<2x128xi32, #tpu.memory_space<vmem>> -> memref<1x128xi32, #tpu.memory_space<vmem>>
      %dma_wait3A_143 = tpu.memref_squeeze %dma_wait3A_142 : memref<1x128xi32, #tpu.memory_space<vmem>> -> memref<128xi32, #tpu.memory_space<vmem>>
      %dma_wait3A_144 = tpu.memref_slice %arg3[%mul3A_139] : memref<160000xi32, #tpu.memory_space<hbm>> -> memref<128xi32, #tpu.memory_space<hbm>>
      %dma_wait3A_145 = arith.constant 0 : i32
      %dma_wait3A_146 = tpu.memref_slice %arg6[%dma_wait3A_140, %dma_wait3A_145] : memref<2x128xi32, #tpu.memory_space<vmem>> -> memref<1x128xi32, #tpu.memory_space<vmem>>
      %dma_wait3A_147 = tpu.memref_squeeze %dma_wait3A_146 : memref<1x128xi32, #tpu.memory_space<vmem>> -> memref<128xi32, #tpu.memory_space<vmem>>
      %dma_wait3A_148 = tpu.memref_slice %arg3[%mul3A_139] : memref<160000xi32, #tpu.memory_space<hbm>> -> memref<128xi32, #tpu.memory_space<hbm>>
      tpu.wait_dma2 semaphore(%arg9 : memref<!tpu.dma_semaphore, #tpu.memory_space<semaphore_mem>>) src(%dma_wait3A_148 : memref<128xi32, #tpu.memory_space<hbm>>) dst(%dma_wait3A_147 : memref<128xi32, #tpu.memory_space<vmem>>)
      %add3A_149 = arith.constant 1 : i32
      %add3A_150 = arith.addi %mul3A_26, %add3A_149 : i32
      %mul3A_151 = arith.constant 32 : i32
      %mul3A_152 = arith.muli %add3A_150, %mul3A_151 : i32
      %add3A_153 = arith.addi %mul3A_152, %add3A : i32
      %mul3A_154 = arith.constant 128 : i32
      %mul3A_155 = arith.muli %add3A_153, %mul3A_154 : i32
      %dma_wait3A_156 = arith.constant 1 : i32
      %dma_wait3A_157 = arith.constant 0 : i32
      %dma_wait3A_158 = arith.constant 0 : i32
      %dma_wait3A_159 = tpu.memref_slice %arg7[%dma_wait3A_156, %dma_wait3A_157, %dma_wait3A_158] : memref<2x128x128xf32, #tpu.memory_space<vmem>> -> memref<1x128x128xf32, #tpu.memory_space<vmem>>
      %dma_wait3A_160 = tpu.memref_squeeze %dma_wait3A_159 : memref<1x128x128xf32, #tpu.memory_space<vmem>> -> memref<128x128xf32, #tpu.memory_space<vmem>>
      %dma_wait3A_161 = arith.constant 0 : i32
      %dma_wait3A_162 = tpu.memref_slice %arg2[%mul3A_155, %dma_wait3A_161] : memref<160000x128xf32, #tpu.memory_space<hbm>> -> memref<128x128xf32, #tpu.memory_space<hbm>>
      %dma_wait3A_163 = arith.constant 0 : i32
      %dma_wait3A_164 = arith.constant 0 : i32
      %dma_wait3A_165 = tpu.memref_slice %arg7[%dma_wait3A_156, %dma_wait3A_163, %dma_wait3A_164] : memref<2x128x128xf32, #tpu.memory_space<vmem>> -> memref<1x128x128xf32, #tpu.memory_space<vmem>>
      %dma_wait3A_166 = tpu.memref_squeeze %dma_wait3A_165 : memref<1x128x128xf32, #tpu.memory_space<vmem>> -> memref<128x128xf32, #tpu.memory_space<vmem>>
      %dma_wait3A_167 = arith.constant 0 : i32
      %dma_wait3A_168 = tpu.memref_slice %arg2[%mul3A_155, %dma_wait3A_167] : memref<160000x128xf32, #tpu.memory_space<hbm>> -> memref<128x128xf32, #tpu.memory_space<hbm>>
      tpu.wait_dma2 semaphore(%arg10 : memref<!tpu.dma_semaphore, #tpu.memory_space<semaphore_mem>>) src(%dma_wait3A_168 : memref<128x128xf32, #tpu.memory_space<hbm>>) dst(%dma_wait3A_166 : memref<128x128xf32, #tpu.memory_space<vmem>>)
      %dma_start3A_169 = arith.constant 0 : i32
      %dma_start3A_170 = arith.constant 0 : i32
      %dma_start3A_171 = arith.constant 0 : i32
      %dma_start3A_172 = arith.constant 0 : i32
      %dma_start3A_173 = tpu.memref_slice %arg7[%dma_start3A_169, %dma_start3A_171, %dma_start3A_172] : memref<2x128x128xf32, #tpu.memory_space<vmem>> -> memref<1x128x128xf32, #tpu.memory_space<vmem>>
      %dma_start3A_174 = tpu.memref_squeeze %dma_start3A_173 : memref<1x128x128xf32, #tpu.memory_space<vmem>> -> memref<128x128xf32, #tpu.memory_space<vmem>>
      %dma_start3A_175 = arith.constant 0 : i32
      %dma_start3A_176 = tpu.memref_slice %arg6[%dma_start3A_170, %dma_start3A_175] : memref<2x128xi32, #tpu.memory_space<vmem>> -> memref<1x128xi32, #tpu.memory_space<vmem>>
      %dma_start3A_177 = tpu.memref_squeeze %dma_start3A_176 : memref<1x128xi32, #tpu.memory_space<vmem>> -> memref<128xi32, #tpu.memory_space<vmem>>
      %dma_start3A_178 = arith.constant 0 : i32
      %dma_start3A_179 = arith.constant 0 : i32
      %dma_start3A_180 = tpu.memref_slice %arg8[%dma_start3A_178, %dma_start3A_179] : memref<10240x128xf32, #tpu.memory_space<vmem_shared>> -> memref<10240x128xf32, #tpu.memory_space<vmem_shared>>
      tpu.enqueue_indirect_dma source(%dma_start3A_174 : memref<128x128xf32, #tpu.memory_space<vmem>>) target(%dma_start3A_180 : memref<10240x128xf32, #tpu.memory_space<vmem_shared>>) offsets(%dma_start3A_177 : memref<128xi32, #tpu.memory_space<vmem>>) semaphore(%arg11 : memref<!tpu.dma_semaphore, #tpu.memory_space<semaphore_mem>>) {add = true}
      %dma_start3A_181 = arith.constant 1 : i32
      %dma_start3A_182 = arith.constant 1 : i32
      %dma_start3A_183 = arith.constant 0 : i32
      %dma_start3A_184 = arith.constant 0 : i32
      %dma_start3A_185 = tpu.memref_slice %arg7[%dma_start3A_181, %dma_start3A_183, %dma_start3A_184] : memref<2x128x128xf32, #tpu.memory_space<vmem>> -> memref<1x128x128xf32, #tpu.memory_space<vmem>>
      %dma_start3A_186 = tpu.memref_squeeze %dma_start3A_185 : memref<1x128x128xf32, #tpu.memory_space<vmem>> -> memref<128x128xf32, #tpu.memory_space<vmem>>
      %dma_start3A_187 = arith.constant 0 : i32
      %dma_start3A_188 = tpu.memref_slice %arg6[%dma_start3A_182, %dma_start3A_187] : memref<2x128xi32, #tpu.memory_space<vmem>> -> memref<1x128xi32, #tpu.memory_space<vmem>>
      %dma_start3A_189 = tpu.memref_squeeze %dma_start3A_188 : memref<1x128xi32, #tpu.memory_space<vmem>> -> memref<128xi32, #tpu.memory_space<vmem>>
      %dma_start3A_190 = arith.constant 0 : i32
      %dma_start3A_191 = arith.constant 0 : i32
      %dma_start3A_192 = tpu.memref_slice %arg8[%dma_start3A_190, %dma_start3A_191] : memref<10240x128xf32, #tpu.memory_space<vmem_shared>> -> memref<10240x128xf32, #tpu.memory_space<vmem_shared>>
      tpu.enqueue_indirect_dma source(%dma_start3A_186 : memref<128x128xf32, #tpu.memory_space<vmem>>) target(%dma_start3A_192 : memref<10240x128xf32, #tpu.memory_space<vmem_shared>>) offsets(%dma_start3A_189 : memref<128xi32, #tpu.memory_space<vmem>>) semaphore(%arg11 : memref<!tpu.dma_semaphore, #tpu.memory_space<semaphore_mem>>) {add = true}
      %dma_wait3A_193 = arith.constant 0 : i32
      %dma_wait3A_194 = arith.constant 0 : i32
      %dma_wait3A_195 = arith.constant 0 : i32
      %dma_wait3A_196 = arith.constant 0 : i32
      %dma_wait3A_197 = tpu.memref_slice %arg7[%dma_wait3A_193, %dma_wait3A_195, %dma_wait3A_196] : memref<2x128x128xf32, #tpu.memory_space<vmem>> -> memref<1x128x128xf32, #tpu.memory_space<vmem>>
      %dma_wait3A_198 = tpu.memref_squeeze %dma_wait3A_197 : memref<1x128x128xf32, #tpu.memory_space<vmem>> -> memref<128x128xf32, #tpu.memory_space<vmem>>
      %dma_wait3A_199 = arith.constant 0 : i32
      %dma_wait3A_200 = tpu.memref_slice %arg6[%dma_wait3A_194, %dma_wait3A_199] : memref<2x128xi32, #tpu.memory_space<vmem>> -> memref<1x128xi32, #tpu.memory_space<vmem>>
      %dma_wait3A_201 = tpu.memref_squeeze %dma_wait3A_200 : memref<1x128xi32, #tpu.memory_space<vmem>> -> memref<128xi32, #tpu.memory_space<vmem>>
      %dma_wait3A_202 = arith.constant 0 : i32
      %dma_wait3A_203 = arith.constant 0 : i32
      %dma_wait3A_204 = tpu.memref_slice %arg8[%dma_wait3A_202, %dma_wait3A_203] : memref<10240x128xf32, #tpu.memory_space<vmem_shared>> -> memref<10240x128xf32, #tpu.memory_space<vmem_shared>>
      tpu.wait_indirect_dma semaphore(%arg11 : memref<!tpu.dma_semaphore, #tpu.memory_space<semaphore_mem>>) src(%dma_wait3A_198 : memref<128x128xf32, #tpu.memory_space<vmem>>) dst(%dma_wait3A_204 : memref<10240x128xf32, #tpu.memory_space<vmem_shared>>)
      %dma_wait3A_205 = arith.constant 1 : i32
      %dma_wait3A_206 = arith.constant 1 : i32
      %dma_wait3A_207 = arith.constant 0 : i32
      %dma_wait3A_208 = arith.constant 0 : i32
      %dma_wait3A_209 = tpu.memref_slice %arg7[%dma_wait3A_205, %dma_wait3A_207, %dma_wait3A_208] : memref<2x128x128xf32, #tpu.memory_space<vmem>> -> memref<1x128x128xf32, #tpu.memory_space<vmem>>
      %dma_wait3A_210 = tpu.memref_squeeze %dma_wait3A_209 : memref<1x128x128xf32, #tpu.memory_space<vmem>> -> memref<128x128xf32, #tpu.memory_space<vmem>>
      %dma_wait3A_211 = arith.constant 0 : i32
      %dma_wait3A_212 = tpu.memref_slice %arg6[%dma_wait3A_206, %dma_wait3A_211] : memref<2x128xi32, #tpu.memory_space<vmem>> -> memref<1x128xi32, #tpu.memory_space<vmem>>
      %dma_wait3A_213 = tpu.memref_squeeze %dma_wait3A_212 : memref<1x128xi32, #tpu.memory_space<vmem>> -> memref<128xi32, #tpu.memory_space<vmem>>
      %dma_wait3A_214 = arith.constant 0 : i32
      %dma_wait3A_215 = arith.constant 0 : i32
      %dma_wait3A_216 = tpu.memref_slice %arg8[%dma_wait3A_214, %dma_wait3A_215] : memref<10240x128xf32, #tpu.memory_space<vmem_shared>> -> memref<10240x128xf32, #tpu.memory_space<vmem_shared>>
      tpu.wait_indirect_dma semaphore(%arg11 : memref<!tpu.dma_semaphore, #tpu.memory_space<semaphore_mem>>) src(%dma_wait3A_210 : memref<128x128xf32, #tpu.memory_space<vmem>>) dst(%dma_wait3A_216 : memref<10240x128xf32, #tpu.memory_space<vmem_shared>>)
    }
    %scan3A_9 = arith.constant 19 : i32
    %scan3A_10 = arith.constant 0 : i32
    %scan3A_11 = arith.constant 38 : i32
    %scan3A_12 = arith.constant 2 : i32
    %scan3A_13 = arith.addi %scan3A_11, %scan3A_12 : i32
    %scan3A_14 = arith.constant 1 : i32
    scf.for %scan3A_24 = %scan3A_11 to %scan3A_13 step %scan3A_14  : i32 {
      %mul3A_25 = arith.constant 32 : i32
      %mul3A_26 = arith.muli %scan3A_24, %mul3A_25 : i32
      %add3A_27 = arith.addi %mul3A_26, %add3A : i32
      %lt3A = arith.constant 1250 : i32
      %lt3A_28 = arith.cmpi slt, %add3A_27, %lt3A : i32
      %convert_element_type3A = arith.extui %lt3A_28 : i1 to i32
      %cond3A = arith.constant 0 : i32
      %cond3A_29 = arith.cmpi ne, %convert_element_type3A, %cond3A : i32
      scf.if %cond3A_29 {
        %mul3A_30 = arith.constant 128 : i32
        %mul3A_31 = arith.muli %add3A_27, %mul3A_30 : i32
        %run_scoped3A = arith.constant 0 : i32
        "tpu.region"() ({
          %run_scoped3A_35 = tpu.sem_alloc : memref<!tpu.dma_semaphore, #tpu.memory_space<semaphore_mem>>
          %dma_start3A = arith.constant 0 : i32
          %dma_start3A_36 = tpu.memref_slice %arg6[%run_scoped3A, %dma_start3A] : memref<2x128xi32, #tpu.memory_space<vmem>> -> memref<1x128xi32, #tpu.memory_space<vmem>>
          %dma_start3A_37 = tpu.memref_squeeze %dma_start3A_36 : memref<1x128xi32, #tpu.memory_space<vmem>> -> memref<128xi32, #tpu.memory_space<vmem>>
          %dma_start3A_38 = tpu.memref_slice %arg3[%mul3A_31] : memref<160000xi32, #tpu.memory_space<hbm>> -> memref<128xi32, #tpu.memory_space<hbm>>
          %dma_start3A_39 = arith.constant 0 : i32
          %dma_start3A_40 = tpu.memref_slice %arg6[%run_scoped3A, %dma_start3A_39] : memref<2x128xi32, #tpu.memory_space<vmem>> -> memref<1x128xi32, #tpu.memory_space<vmem>>
          %dma_start3A_41 = tpu.memref_squeeze %dma_start3A_40 : memref<1x128xi32, #tpu.memory_space<vmem>> -> memref<128xi32, #tpu.memory_space<vmem>>
          %dma_start3A_42 = tpu.memref_slice %arg3[%mul3A_31] : memref<160000xi32, #tpu.memory_space<hbm>> -> memref<128xi32, #tpu.memory_space<hbm>>
          tpu.enqueue_dma source(%dma_start3A_42 : memref<128xi32, #tpu.memory_space<hbm>>) target(%dma_start3A_41 : memref<128xi32, #tpu.memory_space<vmem>>) target_semaphore(%run_scoped3A_35 : memref<!tpu.dma_semaphore, #tpu.memory_space<semaphore_mem>>)
          %dma_wait3A = arith.constant 0 : i32
          %dma_wait3A_43 = tpu.memref_slice %arg6[%run_scoped3A, %dma_wait3A] : memref<2x128xi32, #tpu.memory_space<vmem>> -> memref<1x128xi32, #tpu.memory_space<vmem>>
          %dma_wait3A_44 = tpu.memref_squeeze %dma_wait3A_43 : memref<1x128xi32, #tpu.memory_space<vmem>> -> memref<128xi32, #tpu.memory_space<vmem>>
          %dma_wait3A_45 = tpu.memref_slice %arg3[%mul3A_31] : memref<160000xi32, #tpu.memory_space<hbm>> -> memref<128xi32, #tpu.memory_space<hbm>>
          %dma_wait3A_46 = arith.constant 0 : i32
          %dma_wait3A_47 = tpu.memref_slice %arg6[%run_scoped3A, %dma_wait3A_46] : memref<2x128xi32, #tpu.memory_space<vmem>> -> memref<1x128xi32, #tpu.memory_space<vmem>>
          %dma_wait3A_48 = tpu.memref_squeeze %dma_wait3A_47 : memref<1x128xi32, #tpu.memory_space<vmem>> -> memref<128xi32, #tpu.memory_space<vmem>>
          %dma_wait3A_49 = tpu.memref_slice %arg3[%mul3A_31] : memref<160000xi32, #tpu.memory_space<hbm>> -> memref<128xi32, #tpu.memory_space<hbm>>
          tpu.wait_dma2 semaphore(%run_scoped3A_35 : memref<!tpu.dma_semaphore, #tpu.memory_space<semaphore_mem>>) src(%dma_wait3A_49 : memref<128xi32, #tpu.memory_space<hbm>>) dst(%dma_wait3A_48 : memref<128xi32, #tpu.memory_space<vmem>>)
          tpu.yield
        }) : () -> ()
        %run_scoped3A_32 = arith.constant 0 : i32
        "tpu.region"() ({
          %run_scoped3A_35 = tpu.sem_alloc : memref<!tpu.dma_semaphore, #tpu.memory_space<semaphore_mem>>
          %dma_start3A = arith.constant 0 : i32
          %dma_start3A_36 = arith.constant 0 : i32
          %dma_start3A_37 = tpu.memref_slice %arg7[%run_scoped3A_32, %dma_start3A, %dma_start3A_36] : memref<2x128x128xf32, #tpu.memory_space<vmem>> -> memref<1x128x128xf32, #tpu.memory_space<vmem>>
          %dma_start3A_38 = tpu.memref_squeeze %dma_start3A_37 : memref<1x128x128xf32, #tpu.memory_space<vmem>> -> memref<128x128xf32, #tpu.memory_space<vmem>>
          %dma_start3A_39 = arith.constant 0 : i32
          %dma_start3A_40 = tpu.memref_slice %arg2[%mul3A_31, %dma_start3A_39] : memref<160000x128xf32, #tpu.memory_space<hbm>> -> memref<128x128xf32, #tpu.memory_space<hbm>>
          %dma_start3A_41 = arith.constant 0 : i32
          %dma_start3A_42 = arith.constant 0 : i32
          %dma_start3A_43 = tpu.memref_slice %arg7[%run_scoped3A_32, %dma_start3A_41, %dma_start3A_42] : memref<2x128x128xf32, #tpu.memory_space<vmem>> -> memref<1x128x128xf32, #tpu.memory_space<vmem>>
          %dma_start3A_44 = tpu.memref_squeeze %dma_start3A_43 : memref<1x128x128xf32, #tpu.memory_space<vmem>> -> memref<128x128xf32, #tpu.memory_space<vmem>>
          %dma_start3A_45 = arith.constant 0 : i32
          %dma_start3A_46 = tpu.memref_slice %arg2[%mul3A_31, %dma_start3A_45] : memref<160000x128xf32, #tpu.memory_space<hbm>> -> memref<128x128xf32, #tpu.memory_space<hbm>>
          tpu.enqueue_dma source(%dma_start3A_46 : memref<128x128xf32, #tpu.memory_space<hbm>>) target(%dma_start3A_44 : memref<128x128xf32, #tpu.memory_space<vmem>>) target_semaphore(%run_scoped3A_35 : memref<!tpu.dma_semaphore, #tpu.memory_space<semaphore_mem>>)
          %dma_wait3A = arith.constant 0 : i32
          %dma_wait3A_47 = arith.constant 0 : i32
          %dma_wait3A_48 = tpu.memref_slice %arg7[%run_scoped3A_32, %dma_wait3A, %dma_wait3A_47] : memref<2x128x128xf32, #tpu.memory_space<vmem>> -> memref<1x128x128xf32, #tpu.memory_space<vmem>>
          %dma_wait3A_49 = tpu.memref_squeeze %dma_wait3A_48 : memref<1x128x128xf32, #tpu.memory_space<vmem>> -> memref<128x128xf32, #tpu.memory_space<vmem>>
          %dma_wait3A_50 = arith.constant 0 : i32
          %dma_wait3A_51 = tpu.memref_slice %arg2[%mul3A_31, %dma_wait3A_50] : memref<160000x128xf32, #tpu.memory_space<hbm>> -> memref<128x128xf32, #tpu.memory_space<hbm>>
          %dma_wait3A_52 = arith.constant 0 : i32
          %dma_wait3A_53 = arith.constant 0 : i32
          %dma_wait3A_54 = tpu.memref_slice %arg7[%run_scoped3A_32, %dma_wait3A_52, %dma_wait3A_53] : memref<2x128x128xf32, #tpu.memory_space<vmem>> -> memref<1x128x128xf32, #tpu.memory_space<vmem>>
          %dma_wait3A_55 = tpu.memref_squeeze %dma_wait3A_54 : memref<1x128x128xf32, #tpu.memory_space<vmem>> -> memref<128x128xf32, #tpu.memory_space<vmem>>
          %dma_wait3A_56 = arith.constant 0 : i32
          %dma_wait3A_57 = tpu.memref_slice %arg2[%mul3A_31, %dma_wait3A_56] : memref<160000x128xf32, #tpu.memory_space<hbm>> -> memref<128x128xf32, #tpu.memory_space<hbm>>
          tpu.wait_dma2 semaphore(%run_scoped3A_35 : memref<!tpu.dma_semaphore, #tpu.memory_space<semaphore_mem>>) src(%dma_wait3A_57 : memref<128x128xf32, #tpu.memory_space<hbm>>) dst(%dma_wait3A_55 : memref<128x128xf32, #tpu.memory_space<vmem>>)
          tpu.yield
        }) : () -> ()
        %run_scoped3A_33 = arith.constant 0 : i32
        %run_scoped3A_34 = arith.constant 0 : i32
        "tpu.region"() ({
          %run_scoped3A_35 = tpu.sem_alloc : memref<!tpu.dma_semaphore, #tpu.memory_space<semaphore_mem>>
          %dma_start3A = arith.constant 0 : i32
          %dma_start3A_36 = arith.constant 0 : i32
          %dma_start3A_37 = tpu.memref_slice %arg7[%run_scoped3A_33, %dma_start3A, %dma_start3A_36] : memref<2x128x128xf32, #tpu.memory_space<vmem>> -> memref<1x128x128xf32, #tpu.memory_space<vmem>>
          %dma_start3A_38 = tpu.memref_squeeze %dma_start3A_37 : memref<1x128x128xf32, #tpu.memory_space<vmem>> -> memref<128x128xf32, #tpu.memory_space<vmem>>
          %dma_start3A_39 = arith.constant 0 : i32
          %dma_start3A_40 = tpu.memref_slice %arg6[%run_scoped3A_34, %dma_start3A_39] : memref<2x128xi32, #tpu.memory_space<vmem>> -> memref<1x128xi32, #tpu.memory_space<vmem>>
          %dma_start3A_41 = tpu.memref_squeeze %dma_start3A_40 : memref<1x128xi32, #tpu.memory_space<vmem>> -> memref<128xi32, #tpu.memory_space<vmem>>
          %dma_start3A_42 = arith.constant 0 : i32
          %dma_start3A_43 = arith.constant 0 : i32
          %dma_start3A_44 = tpu.memref_slice %arg8[%dma_start3A_42, %dma_start3A_43] : memref<10240x128xf32, #tpu.memory_space<vmem_shared>> -> memref<10240x128xf32, #tpu.memory_space<vmem_shared>>
          tpu.enqueue_indirect_dma source(%dma_start3A_38 : memref<128x128xf32, #tpu.memory_space<vmem>>) target(%dma_start3A_44 : memref<10240x128xf32, #tpu.memory_space<vmem_shared>>) offsets(%dma_start3A_41 : memref<128xi32, #tpu.memory_space<vmem>>) semaphore(%run_scoped3A_35 : memref<!tpu.dma_semaphore, #tpu.memory_space<semaphore_mem>>) {add = true}
          %dma_wait3A = arith.constant 0 : i32
          %dma_wait3A_45 = arith.constant 0 : i32
          %dma_wait3A_46 = tpu.memref_slice %arg7[%run_scoped3A_33, %dma_wait3A, %dma_wait3A_45] : memref<2x128x128xf32, #tpu.memory_space<vmem>> -> memref<1x128x128xf32, #tpu.memory_space<vmem>>
          %dma_wait3A_47 = tpu.memref_squeeze %dma_wait3A_46 : memref<1x128x128xf32, #tpu.memory_space<vmem>> -> memref<128x128xf32, #tpu.memory_space<vmem>>
          %dma_wait3A_48 = arith.constant 0 : i32
          %dma_wait3A_49 = tpu.memref_slice %arg6[%run_scoped3A_34, %dma_wait3A_48] : memref<2x128xi32, #tpu.memory_space<vmem>> -> memref<1x128xi32, #tpu.memory_space<vmem>>
          %dma_wait3A_50 = tpu.memref_squeeze %dma_wait3A_49 : memref<1x128xi32, #tpu.memory_space<vmem>> -> memref<128xi32, #tpu.memory_space<vmem>>
          %dma_wait3A_51 = arith.constant 0 : i32
          %dma_wait3A_52 = arith.constant 0 : i32
          %dma_wait3A_53 = tpu.memref_slice %arg8[%dma_wait3A_51, %dma_wait3A_52] : memref<10240x128xf32, #tpu.memory_space<vmem_shared>> -> memref<10240x128xf32, #tpu.memory_space<vmem_shared>>
          tpu.wait_indirect_dma semaphore(%run_scoped3A_35 : memref<!tpu.dma_semaphore, #tpu.memory_space<semaphore_mem>>) src(%dma_wait3A_47 : memref<128x128xf32, #tpu.memory_space<vmem>>) dst(%dma_wait3A_53 : memref<10240x128xf32, #tpu.memory_space<vmem_shared>>)
          tpu.yield
        }) : () -> ()
      } else {
      }
    }
    %scan3A_15 = arith.constant 2 : i32
    %barrier3A_16 = arith.constant 0 : index
    tpu.barrier barrier_id(%barrier3A_16)
    %mul3A_17 = arith.constant 640 : i32
    %mul3A_18 = arith.muli %arg1, %mul3A_17 : i32
    %mul3A_19 = arith.constant 10240 : i32
    %mul3A_20 = arith.muli %arg0, %mul3A_19 : i32
    %mul3A_21 = arith.constant 640 : i32
    %mul3A_22 = arith.muli %arg1, %mul3A_21 : i32
    %add3A_23 = arith.addi %mul3A_20, %mul3A_22 : i32
    "tpu.region"() ({
      %run_scoped3A = tpu.sem_alloc : memref<!tpu.dma_semaphore, #tpu.memory_space<semaphore_mem>>
      %dma_start3A = arith.constant 0 : i32
      %dma_start3A_24 = tpu.memref_slice %arg5[%add3A_23, %dma_start3A] : memref<20480x128xf32, #tpu.memory_space<hbm>> -> memref<640x128xf32, #tpu.memory_space<hbm>>
      %dma_start3A_25 = arith.constant 0 : i32
      %dma_start3A_26 = tpu.memref_slice %arg8[%mul3A_18, %dma_start3A_25] : memref<10240x128xf32, #tpu.memory_space<vmem_shared>> -> memref<640x128xf32, #tpu.memory_space<vmem_shared>>
      tpu.enqueue_dma source(%dma_start3A_26 : memref<640x128xf32, #tpu.memory_space<vmem_shared>>) target(%dma_start3A_24 : memref<640x128xf32, #tpu.memory_space<hbm>>) target_semaphore(%run_scoped3A : memref<!tpu.dma_semaphore, #tpu.memory_space<semaphore_mem>>)
      %dma_wait3A = arith.constant 0 : i32
      %dma_wait3A_27 = tpu.memref_slice %arg5[%add3A_23, %dma_wait3A] : memref<20480x128xf32, #tpu.memory_space<hbm>> -> memref<640x128xf32, #tpu.memory_space<hbm>>
      %dma_wait3A_28 = arith.constant 0 : i32
      %dma_wait3A_29 = tpu.memref_slice %arg8[%mul3A_18, %dma_wait3A_28] : memref<10240x128xf32, #tpu.memory_space<vmem_shared>> -> memref<640x128xf32, #tpu.memory_space<vmem_shared>>
      tpu.wait_dma2 semaphore(%run_scoped3A : memref<!tpu.dma_semaphore, #tpu.memory_space<semaphore_mem>>) src(%dma_wait3A_29 : memref<640x128xf32, #tpu.memory_space<vmem_shared>>) dst(%dma_wait3A_27 : memref<640x128xf32, #tpu.memory_space<hbm>>)
      tpu.yield
    }) : () -> ()
    return
  }
}

module attributes {stable_mosaic.version = 14 : i64} {
  func.func @_edge1_body(%arg0: i32, %arg1: memref<1600x128xf32, #tpu.memory_space<vmem>>, %arg2: memref<1600x16xf32, #tpu.memory_space<vmem>>, %arg3: memref<16x32xf32, #tpu.memory_space<vmem>>, %arg4: memref<1x32xf32, #tpu.memory_space<vmem>>, %arg5: memref<128x528xbf16, #tpu.memory_space<vmem>>, %arg6: memref<32x528xbf16, #tpu.memory_space<vmem>>, %arg7: memref<1x528xf32, #tpu.memory_space<vmem>>, %arg8: memref<528x128xbf16, #tpu.memory_space<vmem>>, %arg9: memref<1x128xf32, #tpu.memory_space<vmem>>, %arg10: memref<1600x128xf32, #tpu.memory_space<vmem>>) attributes {dimension_semantics = [#tpu.dimension_semantics<arbitrary>], iteration_bounds = array<i64: 100>, scalar_prefetch = 0 : i64, scratch_operands = 0 : i64, tpu.core_type = #tpu.core_type<tc>, window_params = [{transform_indices = @transform_0, window_bounds = array<i64: 1600, 128>}, {transform_indices = @transform_1, window_bounds = array<i64: 1600, 16>}, {pipeline_mode = #tpu.pipeline_mode<synchronous>, transform_indices = @transform_2, window_bounds = array<i64: 16, 32>}, {pipeline_mode = #tpu.pipeline_mode<synchronous>, transform_indices = @transform_3, window_bounds = array<i64: 1, 32>}, {pipeline_mode = #tpu.pipeline_mode<synchronous>, transform_indices = @transform_4, window_bounds = array<i64: 128, 528>}, {pipeline_mode = #tpu.pipeline_mode<synchronous>, transform_indices = @transform_5, window_bounds = array<i64: 32, 528>}, {pipeline_mode = #tpu.pipeline_mode<synchronous>, transform_indices = @transform_6, window_bounds = array<i64: 1, 528>}, {pipeline_mode = #tpu.pipeline_mode<synchronous>, transform_indices = @transform_7, window_bounds = array<i64: 528, 128>}, {pipeline_mode = #tpu.pipeline_mode<synchronous>, transform_indices = @transform_8, window_bounds = array<i64: 1, 128>}, {transform_indices = @transform_9, window_bounds = array<i64: 1600, 128>}]} {
    %get3A = arith.constant 0 : index
    %get3A_0 = arith.constant 0 : index
    %get3A_1 = vector.load %arg2[%get3A, %get3A_0] : memref<1600x16xf32, #tpu.memory_space<vmem>>, vector<1600x16xf32>
    %get3A_2 = arith.constant 0 : index
    %get3A_3 = arith.constant 0 : index
    %get3A_4 = vector.load %arg3[%get3A_2, %get3A_3] : memref<16x32xf32, #tpu.memory_space<vmem>>, vector<16x32xf32>
    %dot_general3A = arith.constant dense<0.000000e+00> : vector<1600x32xf32>
    %dot_general3A_5 = tpu.matmul %get3A_1, %get3A_4, %dot_general3A {dimension_numbers = #tpu.dot_dimension_numbers<[1], [0], [0], [1], [0, 0, 1, 1], [], []>, transpose_lhs_hint = false} : vector<1600x16xf32>, vector<16x32xf32>, vector<1600x32xf32> -> vector<1600x32xf32>
    %get3A_6 = arith.constant 0 : index
    %get3A_7 = arith.constant 0 : index
    %get3A_8 = vector.load %arg4[%get3A_6, %get3A_7] : memref<1x32xf32, #tpu.memory_space<vmem>>, vector<1x32xf32>
    %add3A = vector.broadcast %get3A_8 : vector<1x32xf32> to vector<1600x32xf32>
    %add3A_9 = arith.addf %dot_general3A_5, %add3A : vector<1600x32xf32>
    %max3A = arith.constant 0.000000e+00 : f32
    %max3A_10 = vector.broadcast %max3A : f32 to vector<1600x32xf32>
    %max3A_11 = arith.maximumf %add3A_9, %max3A_10 : vector<1600x32xf32>
    %get3A_12 = arith.constant 0 : index
    %get3A_13 = arith.constant 0 : index
    %get3A_14 = vector.load %arg1[%get3A_12, %get3A_13] : memref<1600x128xf32, #tpu.memory_space<vmem>>, vector<1600x128xf32>
    %convert_element_type3A = arith.truncf %get3A_14 : vector<1600x128xf32> to vector<1600x128xbf16>
    %get3A_15 = arith.constant 0 : index
    %get3A_16 = arith.constant 0 : index
    %get3A_17 = vector.load %arg5[%get3A_15, %get3A_16] : memref<128x528xbf16, #tpu.memory_space<vmem>>, vector<128x528xbf16>
    %dot_general3A_18 = arith.constant dense<0.000000e+00> : vector<1600x528xf32>
    %dot_general3A_19 = tpu.matmul %convert_element_type3A, %get3A_17, %dot_general3A_18 {dimension_numbers = #tpu.dot_dimension_numbers<[1], [0], [0], [1], [0, 0, 1, 1], [], []>, transpose_lhs_hint = false} : vector<1600x128xbf16>, vector<128x528xbf16>, vector<1600x528xf32> -> vector<1600x528xf32>
    %convert_element_type3A_20 = arith.truncf %max3A_11 : vector<1600x32xf32> to vector<1600x32xbf16>
    %get3A_21 = arith.constant 0 : index
    %get3A_22 = arith.constant 0 : index
    %get3A_23 = vector.load %arg6[%get3A_21, %get3A_22] : memref<32x528xbf16, #tpu.memory_space<vmem>>, vector<32x528xbf16>
    %dot_general3A_24 = arith.constant dense<0.000000e+00> : vector<1600x528xf32>
    %dot_general3A_25 = tpu.matmul %convert_element_type3A_20, %get3A_23, %dot_general3A_24 {dimension_numbers = #tpu.dot_dimension_numbers<[1], [0], [0], [1], [0, 0, 1, 1], [], []>, transpose_lhs_hint = false} : vector<1600x32xbf16>, vector<32x528xbf16>, vector<1600x528xf32> -> vector<1600x528xf32>
    %get3A_26 = arith.constant 0 : index
    %get3A_27 = arith.constant 0 : index
    %get3A_28 = vector.load %arg7[%get3A_26, %get3A_27] : memref<1x528xf32, #tpu.memory_space<vmem>>, vector<1x528xf32>
    %add3A_29 = vector.broadcast %get3A_28 : vector<1x528xf32> to vector<1600x528xf32>
    %add3A_30 = arith.addf %dot_general3A_25, %add3A_29 : vector<1600x528xf32>
    %mul3A = arith.mulf %dot_general3A_19, %add3A_30 : vector<1600x528xf32>
    %convert_element_type3A_31 = arith.truncf %mul3A : vector<1600x528xf32> to vector<1600x528xbf16>
    %get3A_32 = arith.constant 0 : index
    %get3A_33 = arith.constant 0 : index
    %get3A_34 = vector.load %arg8[%get3A_32, %get3A_33] : memref<528x128xbf16, #tpu.memory_space<vmem>>, vector<528x128xbf16>
    %dot_general3A_35 = arith.constant dense<0.000000e+00> : vector<1600x128xf32>
    %dot_general3A_36 = tpu.matmul %convert_element_type3A_31, %get3A_34, %dot_general3A_35 {dimension_numbers = #tpu.dot_dimension_numbers<[1], [0], [0], [1], [0, 0, 1, 1], [], []>, transpose_lhs_hint = false} : vector<1600x528xbf16>, vector<528x128xbf16>, vector<1600x128xf32> -> vector<1600x128xf32>
    %get3A_37 = arith.constant 0 : index
    %get3A_38 = arith.constant 0 : index
    %get3A_39 = vector.load %arg9[%get3A_37, %get3A_38] : memref<1x128xf32, #tpu.memory_space<vmem>>, vector<1x128xf32>
    %add3A_40 = vector.broadcast %get3A_39 : vector<1x128xf32> to vector<1600x128xf32>
    %add3A_41 = arith.addf %dot_general3A_36, %add3A_40 : vector<1600x128xf32>
    %swap3A = arith.constant 0 : index
    %swap3A_42 = arith.constant 0 : index
    %swap3A_43 = vector.load %arg10[%swap3A, %swap3A_42] : memref<1600x128xf32, #tpu.memory_space<vmem>>, vector<1600x128xf32>
    tpu.vector_store %arg10[%swap3A, %swap3A_42], %add3A_41 {strides = array<i32>} : memref<1600x128xf32, #tpu.memory_space<vmem>>, vector<1600x128xf32>,
    return
  }
  func.func @transform_0(%arg0: i32) -> (i32, i32) {
    %c0_i32 = arith.constant 0 : i32
    %c0_i32_0 = arith.constant 0 : i32
    return %arg0, %c0_i32 : i32, i32
  }
  func.func @transform_1(%arg0: i32) -> (i32, i32) {
    %c0_i32 = arith.constant 0 : i32
    %c0_i32_0 = arith.constant 0 : i32
    return %arg0, %c0_i32 : i32, i32
  }
  func.func @transform_2(%arg0: i32) -> (i32, i32) {
    %c0_i32 = arith.constant 0 : i32
    %c0_i32_0 = arith.constant 0 : i32
    %c0_i32_1 = arith.constant 0 : i32
    return %c0_i32, %c0_i32_0 : i32, i32
  }
  func.func @transform_3(%arg0: i32) -> (i32, i32) {
    %c0_i32 = arith.constant 0 : i32
    %c0_i32_0 = arith.constant 0 : i32
    %c0_i32_1 = arith.constant 0 : i32
    return %c0_i32, %c0_i32_0 : i32, i32
  }
  func.func @transform_4(%arg0: i32) -> (i32, i32) {
    %c0_i32 = arith.constant 0 : i32
    %c0_i32_0 = arith.constant 0 : i32
    %c0_i32_1 = arith.constant 0 : i32
    return %c0_i32, %c0_i32_0 : i32, i32
  }
  func.func @transform_5(%arg0: i32) -> (i32, i32) {
    %c0_i32 = arith.constant 0 : i32
    %c0_i32_0 = arith.constant 0 : i32
    %c0_i32_1 = arith.constant 0 : i32
    return %c0_i32, %c0_i32_0 : i32, i32
  }
  func.func @transform_6(%arg0: i32) -> (i32, i32) {
    %c0_i32 = arith.constant 0 : i32
    %c0_i32_0 = arith.constant 0 : i32
    %c0_i32_1 = arith.constant 0 : i32
    return %c0_i32, %c0_i32_0 : i32, i32
  }
  func.func @transform_7(%arg0: i32) -> (i32, i32) {
    %c0_i32 = arith.constant 0 : i32
    %c0_i32_0 = arith.constant 0 : i32
    %c0_i32_1 = arith.constant 0 : i32
    return %c0_i32, %c0_i32_0 : i32, i32
  }
  func.func @transform_8(%arg0: i32) -> (i32, i32) {
    %c0_i32 = arith.constant 0 : i32
    %c0_i32_0 = arith.constant 0 : i32
    %c0_i32_1 = arith.constant 0 : i32
    return %c0_i32, %c0_i32_0 : i32, i32
  }
  func.func @transform_9(%arg0: i32) -> (i32, i32) {
    %c0_i32 = arith.constant 0 : i32
    %c0_i32_0 = arith.constant 0 : i32
    return %arg0, %c0_i32 : i32, i32
  }
}

module attributes {stable_mosaic.version = 14 : i64} {
  func.func @_node1_body(%arg0: memref<10000x128xf32, #tpu.memory_space<vmem>>, %arg1: memref<20480x128xf32, #tpu.memory_space<vmem>>, %arg2: memref<128x16xf32, #tpu.memory_space<vmem>>, %arg3: memref<1x16xf32, #tpu.memory_space<vmem>>, %arg4: memref<10000x128xf32, #tpu.memory_space<vmem>>, %arg5: memref<10000x1xf32, #tpu.memory_space<vmem>>) attributes {dimension_semantics = [], scalar_prefetch = 0 : i64, scratch_operands = 0 : i64, tpu.core_type = #tpu.core_type<tc>} {
    %get3A = arith.constant 0 : index
    %get3A_0 = arith.constant 0 : index
    %get3A_1 = vector.load %arg1[%get3A, %get3A_0] : memref<20480x128xf32, #tpu.memory_space<vmem>>, vector<10000x32xf32>
    %get3A_2 = arith.constant 10240 : index
    %get3A_3 = arith.constant 0 : index
    %get3A_4 = vector.load %arg1[%get3A_2, %get3A_3] : memref<20480x128xf32, #tpu.memory_space<vmem>>, vector<10000x32xf32>
    %add3A = arith.addf %get3A_1, %get3A_4 : vector<10000x32xf32>
    %slice3A = vector.extract_strided_slice %add3A {offsets = [0, 16], sizes = [10000, 1], strides = [1, 1]} : vector<10000x32xf32> to vector<10000x1xf32>
    %max3A = arith.constant 1.000000e+00 : f32
    %max3A_5 = vector.broadcast %max3A : f32 to vector<10000x1xf32>
    %max3A_6 = arith.maximumf %slice3A, %max3A_5 : vector<10000x1xf32>
    %slice3A_7 = vector.extract_strided_slice %add3A {offsets = [0, 0], sizes = [10000, 16], strides = [1, 1]} : vector<10000x32xf32> to vector<10000x16xf32>
    %div3A = vector.broadcast %max3A_6 : vector<10000x1xf32> to vector<10000x16xf32>
    %div3A_8 = arith.divf %slice3A_7, %div3A : vector<10000x16xf32>
    %get3A_9 = arith.constant 0 : index
    %get3A_10 = arith.constant 0 : index
    %get3A_11 = vector.load %arg0[%get3A_9, %get3A_10] : memref<10000x128xf32, #tpu.memory_space<vmem>>, vector<10000x128xf32>
    %get3A_12 = arith.constant 0 : index
    %get3A_13 = arith.constant 0 : index
    %get3A_14 = vector.load %arg2[%get3A_12, %get3A_13] : memref<128x16xf32, #tpu.memory_space<vmem>>, vector<128x16xf32>
    %dot_general3A = arith.constant dense<0.000000e+00> : vector<10000x16xf32>
    %dot_general3A_15 = tpu.matmul %get3A_11, %get3A_14, %dot_general3A {dimension_numbers = #tpu.dot_dimension_numbers<[1], [0], [0], [1], [0, 0, 1, 1], [], []>, transpose_lhs_hint = false} : vector<10000x128xf32>, vector<128x16xf32>, vector<10000x16xf32> -> vector<10000x16xf32>
    %add3A_16 = arith.addf %dot_general3A_15, %div3A_8 : vector<10000x16xf32>
    %get3A_17 = arith.constant 0 : index
    %get3A_18 = arith.constant 0 : index
    %get3A_19 = vector.load %arg3[%get3A_17, %get3A_18] : memref<1x16xf32, #tpu.memory_space<vmem>>, vector<1x16xf32>
    %add3A_20 = vector.broadcast %get3A_19 : vector<1x16xf32> to vector<10000x16xf32>
    %add3A_21 = arith.addf %add3A_16, %add3A_20 : vector<10000x16xf32>
    %max3A_22 = arith.constant 0.000000e+00 : f32
    %max3A_23 = vector.broadcast %max3A_22 : f32 to vector<10000x16xf32>
    %max3A_24 = arith.maximumf %add3A_21, %max3A_23 : vector<10000x16xf32>
    %broadcast_in_dim3A = arith.constant 0.000000e+00 : f32
    %broadcast_in_dim3A_25 = vector.broadcast %broadcast_in_dim3A : f32 to vector<10000x112xf32>
    %concatenate3A = tpu.concatenate %max3A_24, %broadcast_in_dim3A_25 in 1 : vector<10000x16xf32>, vector<10000x112xf32> -> vector<10000x128xf32>
    %swap3A = arith.constant 0 : index
    %swap3A_26 = arith.constant 0 : index
    %swap3A_27 = vector.load %arg4[%swap3A, %swap3A_26] : memref<10000x128xf32, #tpu.memory_space<vmem>>, vector<10000x128xf32>
    tpu.vector_store %arg4[%swap3A, %swap3A_26], %concatenate3A {strides = array<i32>} : memref<10000x128xf32, #tpu.memory_space<vmem>>, vector<10000x128xf32>,
    %swap3A_28 = arith.constant 0 : index
    %swap3A_29 = arith.constant 0 : index
    %swap3A_30 = vector.load %arg5[%swap3A_28, %swap3A_29] : memref<10000x1xf32, #tpu.memory_space<vmem>>, vector<10000x1xf32>
    tpu.vector_store %arg5[%swap3A_28, %swap3A_29], %max3A_6 {strides = array<i32>} : memref<10000x1xf32, #tpu.memory_space<vmem>>, vector<10000x1xf32>,
    return
  }
}

module attributes {stable_mosaic.version = 14 : i64} {
  func.func @_edge2_body(%arg0: i32, %arg1: memref<1600x128xf32, #tpu.memory_space<vmem>>, %arg2: memref<1600x16xf32, #tpu.memory_space<vmem>>, %arg3: memref<16x32xf32, #tpu.memory_space<vmem>>, %arg4: memref<1x32xf32, #tpu.memory_space<vmem>>, %arg5: memref<16x1056xbf16, #tpu.memory_space<vmem>>, %arg6: memref<32x1056xbf16, #tpu.memory_space<vmem>>, %arg7: memref<1x1056xf32, #tpu.memory_space<vmem>>, %arg8: memref<1056x128xbf16, #tpu.memory_space<vmem>>, %arg9: memref<1600x128xf32, #tpu.memory_space<vmem>>) attributes {dimension_semantics = [#tpu.dimension_semantics<arbitrary>], iteration_bounds = array<i64: 100>, scalar_prefetch = 0 : i64, scratch_operands = 0 : i64, tpu.core_type = #tpu.core_type<tc>, window_params = [{transform_indices = @transform_0, window_bounds = array<i64: 1600, 128>}, {transform_indices = @transform_1, window_bounds = array<i64: 1600, 16>}, {pipeline_mode = #tpu.pipeline_mode<synchronous>, transform_indices = @transform_2, window_bounds = array<i64: 16, 32>}, {pipeline_mode = #tpu.pipeline_mode<synchronous>, transform_indices = @transform_3, window_bounds = array<i64: 1, 32>}, {pipeline_mode = #tpu.pipeline_mode<synchronous>, transform_indices = @transform_4, window_bounds = array<i64: 16, 1056>}, {pipeline_mode = #tpu.pipeline_mode<synchronous>, transform_indices = @transform_5, window_bounds = array<i64: 32, 1056>}, {pipeline_mode = #tpu.pipeline_mode<synchronous>, transform_indices = @transform_6, window_bounds = array<i64: 1, 1056>}, {pipeline_mode = #tpu.pipeline_mode<synchronous>, transform_indices = @transform_7, window_bounds = array<i64: 1056, 128>}, {transform_indices = @transform_8, window_bounds = array<i64: 1600, 128>}]} {
    %get3A = arith.constant 0 : index
    %get3A_0 = arith.constant 0 : index
    %get3A_1 = vector.load %arg2[%get3A, %get3A_0] : memref<1600x16xf32, #tpu.memory_space<vmem>>, vector<1600x16xf32>
    %get3A_2 = arith.constant 0 : index
    %get3A_3 = arith.constant 0 : index
    %get3A_4 = vector.load %arg3[%get3A_2, %get3A_3] : memref<16x32xf32, #tpu.memory_space<vmem>>, vector<16x32xf32>
    %dot_general3A = arith.constant dense<0.000000e+00> : vector<1600x32xf32>
    %dot_general3A_5 = tpu.matmul %get3A_1, %get3A_4, %dot_general3A {dimension_numbers = #tpu.dot_dimension_numbers<[1], [0], [0], [1], [0, 0, 1, 1], [], []>, transpose_lhs_hint = false} : vector<1600x16xf32>, vector<16x32xf32>, vector<1600x32xf32> -> vector<1600x32xf32>
    %get3A_6 = arith.constant 0 : index
    %get3A_7 = arith.constant 0 : index
    %get3A_8 = vector.load %arg4[%get3A_6, %get3A_7] : memref<1x32xf32, #tpu.memory_space<vmem>>, vector<1x32xf32>
    %add3A = vector.broadcast %get3A_8 : vector<1x32xf32> to vector<1600x32xf32>
    %add3A_9 = arith.addf %dot_general3A_5, %add3A : vector<1600x32xf32>
    %max3A = arith.constant 0.000000e+00 : f32
    %max3A_10 = vector.broadcast %max3A : f32 to vector<1600x32xf32>
    %max3A_11 = arith.maximumf %add3A_9, %max3A_10 : vector<1600x32xf32>
    %get3A_12 = arith.constant 0 : index
    %get3A_13 = arith.constant 0 : index
    %get3A_14 = vector.load %arg1[%get3A_12, %get3A_13] : memref<1600x128xf32, #tpu.memory_space<vmem>>, vector<1600x16xf32>
    %convert_element_type3A = arith.truncf %get3A_14 : vector<1600x16xf32> to vector<1600x16xbf16>
    %get3A_15 = arith.constant 0 : index
    %get3A_16 = arith.constant 0 : index
    %get3A_17 = vector.load %arg5[%get3A_15, %get3A_16] : memref<16x1056xbf16, #tpu.memory_space<vmem>>, vector<16x1056xbf16>
    %dot_general3A_18 = arith.constant dense<0.000000e+00> : vector<1600x1056xf32>
    %dot_general3A_19 = tpu.matmul %convert_element_type3A, %get3A_17, %dot_general3A_18 {dimension_numbers = #tpu.dot_dimension_numbers<[1], [0], [0], [1], [0, 0, 1, 1], [], []>, transpose_lhs_hint = false} : vector<1600x16xbf16>, vector<16x1056xbf16>, vector<1600x1056xf32> -> vector<1600x1056xf32>
    %convert_element_type3A_20 = arith.truncf %max3A_11 : vector<1600x32xf32> to vector<1600x32xbf16>
    %get3A_21 = arith.constant 0 : index
    %get3A_22 = arith.constant 0 : index
    %get3A_23 = vector.load %arg6[%get3A_21, %get3A_22] : memref<32x1056xbf16, #tpu.memory_space<vmem>>, vector<32x1056xbf16>
    %dot_general3A_24 = arith.constant dense<0.000000e+00> : vector<1600x1056xf32>
    %dot_general3A_25 = tpu.matmul %convert_element_type3A_20, %get3A_23, %dot_general3A_24 {dimension_numbers = #tpu.dot_dimension_numbers<[1], [0], [0], [1], [0, 0, 1, 1], [], []>, transpose_lhs_hint = false} : vector<1600x32xbf16>, vector<32x1056xbf16>, vector<1600x1056xf32> -> vector<1600x1056xf32>
    %get3A_26 = arith.constant 0 : index
    %get3A_27 = arith.constant 0 : index
    %get3A_28 = vector.load %arg7[%get3A_26, %get3A_27] : memref<1x1056xf32, #tpu.memory_space<vmem>>, vector<1x1056xf32>
    %add3A_29 = vector.broadcast %get3A_28 : vector<1x1056xf32> to vector<1600x1056xf32>
    %add3A_30 = arith.addf %dot_general3A_25, %add3A_29 : vector<1600x1056xf32>
    %mul3A = arith.mulf %dot_general3A_19, %add3A_30 : vector<1600x1056xf32>
    %convert_element_type3A_31 = arith.truncf %mul3A : vector<1600x1056xf32> to vector<1600x1056xbf16>
    %get3A_32 = arith.constant 0 : index
    %get3A_33 = arith.constant 0 : index
    %get3A_34 = vector.load %arg8[%get3A_32, %get3A_33] : memref<1056x128xbf16, #tpu.memory_space<vmem>>, vector<1056x128xbf16>
    %dot_general3A_35 = arith.constant dense<0.000000e+00> : vector<1600x128xf32>
    %dot_general3A_36 = tpu.matmul %convert_element_type3A_31, %get3A_34, %dot_general3A_35 {dimension_numbers = #tpu.dot_dimension_numbers<[1], [0], [0], [1], [0, 0, 1, 1], [], []>, transpose_lhs_hint = false} : vector<1600x1056xbf16>, vector<1056x128xbf16>, vector<1600x128xf32> -> vector<1600x128xf32>
    %swap3A = arith.constant 0 : index
    %swap3A_37 = arith.constant 0 : index
    %swap3A_38 = vector.load %arg9[%swap3A, %swap3A_37] : memref<1600x128xf32, #tpu.memory_space<vmem>>, vector<1600x128xf32>
    tpu.vector_store %arg9[%swap3A, %swap3A_37], %dot_general3A_36 {strides = array<i32>} : memref<1600x128xf32, #tpu.memory_space<vmem>>, vector<1600x128xf32>,
    return
  }
  func.func @transform_0(%arg0: i32) -> (i32, i32) {
    %c0_i32 = arith.constant 0 : i32
    %c0_i32_0 = arith.constant 0 : i32
    return %arg0, %c0_i32 : i32, i32
  }
  func.func @transform_1(%arg0: i32) -> (i32, i32) {
    %c0_i32 = arith.constant 0 : i32
    %c0_i32_0 = arith.constant 0 : i32
    return %arg0, %c0_i32 : i32, i32
  }
  func.func @transform_2(%arg0: i32) -> (i32, i32) {
    %c0_i32 = arith.constant 0 : i32
    %c0_i32_0 = arith.constant 0 : i32
    %c0_i32_1 = arith.constant 0 : i32
    return %c0_i32, %c0_i32_0 : i32, i32
  }
  func.func @transform_3(%arg0: i32) -> (i32, i32) {
    %c0_i32 = arith.constant 0 : i32
    %c0_i32_0 = arith.constant 0 : i32
    %c0_i32_1 = arith.constant 0 : i32
    return %c0_i32, %c0_i32_0 : i32, i32
  }
  func.func @transform_4(%arg0: i32) -> (i32, i32) {
    %c0_i32 = arith.constant 0 : i32
    %c0_i32_0 = arith.constant 0 : i32
    %c0_i32_1 = arith.constant 0 : i32
    return %c0_i32, %c0_i32_0 : i32, i32
  }
  func.func @transform_5(%arg0: i32) -> (i32, i32) {
    %c0_i32 = arith.constant 0 : i32
    %c0_i32_0 = arith.constant 0 : i32
    %c0_i32_1 = arith.constant 0 : i32
    return %c0_i32, %c0_i32_0 : i32, i32
  }
  func.func @transform_6(%arg0: i32) -> (i32, i32) {
    %c0_i32 = arith.constant 0 : i32
    %c0_i32_0 = arith.constant 0 : i32
    %c0_i32_1 = arith.constant 0 : i32
    return %c0_i32, %c0_i32_0 : i32, i32
  }
  func.func @transform_7(%arg0: i32) -> (i32, i32) {
    %c0_i32 = arith.constant 0 : i32
    %c0_i32_0 = arith.constant 0 : i32
    %c0_i32_1 = arith.constant 0 : i32
    return %c0_i32, %c0_i32_0 : i32, i32
  }
  func.func @transform_8(%arg0: i32) -> (i32, i32) {
    %c0_i32 = arith.constant 0 : i32
    %c0_i32_0 = arith.constant 0 : i32
    return %arg0, %c0_i32 : i32, i32
  }
}

module attributes {stable_mosaic.version = 14 : i64} {
  func.func @_final_body(%arg0: memref<10000x128xf32, #tpu.memory_space<vmem>>, %arg1: memref<20480x128xf32, #tpu.memory_space<vmem>>, %arg2: memref<10000x1xf32, #tpu.memory_space<vmem>>, %arg3: memref<16x32xf32, #tpu.memory_space<vmem>>, %arg4: memref<1x32xf32, #tpu.memory_space<vmem>>, %arg5: memref<32x12xf32, #tpu.memory_space<vmem>>, %arg6: memref<1x12xf32, #tpu.memory_space<vmem>>, %arg7: memref<1x12xf32, #tpu.memory_space<vmem>>) attributes {dimension_semantics = [], scalar_prefetch = 0 : i64, scratch_operands = 0 : i64, tpu.core_type = #tpu.core_type<tc>} {
    %get3A = arith.constant 0 : index
    %get3A_0 = arith.constant 0 : index
    %get3A_1 = vector.load %arg1[%get3A, %get3A_0] : memref<20480x128xf32, #tpu.memory_space<vmem>>, vector<10000x32xf32>
    %get3A_2 = arith.constant 10240 : index
    %get3A_3 = arith.constant 0 : index
    %get3A_4 = vector.load %arg1[%get3A_2, %get3A_3] : memref<20480x128xf32, #tpu.memory_space<vmem>>, vector<10000x32xf32>
    %add3A = arith.addf %get3A_1, %get3A_4 : vector<10000x32xf32>
    %get3A_5 = arith.constant 0 : index
    %get3A_6 = arith.constant 0 : index
    %get3A_7 = vector.load %arg2[%get3A_5, %get3A_6] : memref<10000x1xf32, #tpu.memory_space<vmem>>, vector<10000x1xf32>
    %div3A = vector.broadcast %get3A_7 : vector<10000x1xf32> to vector<10000x32xf32>
    %div3A_8 = arith.divf %add3A, %div3A : vector<10000x32xf32>
    %get3A_9 = arith.constant 0 : index
    %get3A_10 = arith.constant 0 : index
    %get3A_11 = vector.load %arg0[%get3A_9, %get3A_10] : memref<10000x128xf32, #tpu.memory_space<vmem>>, vector<10000x16xf32>
    %get3A_12 = arith.constant 0 : index
    %get3A_13 = arith.constant 0 : index
    %get3A_14 = vector.load %arg3[%get3A_12, %get3A_13] : memref<16x32xf32, #tpu.memory_space<vmem>>, vector<16x32xf32>
    %dot_general3A = arith.constant dense<0.000000e+00> : vector<10000x32xf32>
    %dot_general3A_15 = tpu.matmul %get3A_11, %get3A_14, %dot_general3A {dimension_numbers = #tpu.dot_dimension_numbers<[1], [0], [0], [1], [0, 0, 1, 1], [], []>, transpose_lhs_hint = false} : vector<10000x16xf32>, vector<16x32xf32>, vector<10000x32xf32> -> vector<10000x32xf32>
    %add3A_16 = arith.addf %dot_general3A_15, %div3A_8 : vector<10000x32xf32>
    %get3A_17 = arith.constant 0 : index
    %get3A_18 = arith.constant 0 : index
    %get3A_19 = vector.load %arg4[%get3A_17, %get3A_18] : memref<1x32xf32, #tpu.memory_space<vmem>>, vector<1x32xf32>
    %add3A_20 = vector.broadcast %get3A_19 : vector<1x32xf32> to vector<10000x32xf32>
    %add3A_21 = arith.addf %add3A_16, %add3A_20 : vector<10000x32xf32>
    %max3A = arith.constant 0.000000e+00 : f32
    %max3A_22 = vector.broadcast %max3A : f32 to vector<10000x32xf32>
    %max3A_23 = arith.maximumf %add3A_21, %max3A_22 : vector<10000x32xf32>
    %reduce_sum3A = arith.constant dense<0.000000e+00> : vector<32xf32>
    %reduce_sum3A_24 = vector.multi_reduction <add>, %max3A_23, %reduce_sum3A [0] : vector<10000x32xf32> to vector<32xf32>
    %broadcast_in_dim3A = vector.shape_cast %reduce_sum3A_24 : vector<32xf32> to vector<1x32xf32>
    %mul3A = arith.constant 9.99999974E-5 : f32
    %mul3A_25 = vector.broadcast %mul3A : f32 to vector<1x32xf32>
    %mul3A_26 = arith.mulf %broadcast_in_dim3A, %mul3A_25 : vector<1x32xf32>
    %get3A_27 = arith.constant 0 : index
    %get3A_28 = arith.constant 0 : index
    %get3A_29 = vector.load %arg5[%get3A_27, %get3A_28] : memref<32x12xf32, #tpu.memory_space<vmem>>, vector<32x12xf32>
    %dot_general3A_30 = arith.constant dense<0.000000e+00> : vector<1x12xf32>
    %dot_general3A_31 = tpu.matmul %mul3A_26, %get3A_29, %dot_general3A_30 {dimension_numbers = #tpu.dot_dimension_numbers<[1], [0], [0], [1], [0, 0, 1, 1], [], []>, transpose_lhs_hint = false} : vector<1x32xf32>, vector<32x12xf32>, vector<1x12xf32> -> vector<1x12xf32>
    %get3A_32 = arith.constant 0 : index
    %get3A_33 = arith.constant 0 : index
    %get3A_34 = vector.load %arg6[%get3A_32, %get3A_33] : memref<1x12xf32, #tpu.memory_space<vmem>>, vector<1x12xf32>
    %add3A_35 = arith.addf %dot_general3A_31, %get3A_34 : vector<1x12xf32>
    %reduce_max3A = arith.constant dense<0xFF800000> : vector<1xf32>
    %reduce_max3A_36 = vector.multi_reduction <maximumf>, %add3A_35, %reduce_max3A [1] : vector<1x12xf32> to vector<1xf32>
    %broadcast_in_dim3A_37 = vector.shape_cast %reduce_max3A_36 : vector<1xf32> to vector<1x1xf32>
    %sub3A = vector.broadcast %broadcast_in_dim3A_37 : vector<1x1xf32> to vector<1x12xf32>
    %sub3A_38 = arith.subf %add3A_35, %sub3A : vector<1x12xf32>
    %exp3A = math.exp %sub3A_38 : vector<1x12xf32>
    %reduce_sum3A_39 = arith.constant dense<0.000000e+00> : vector<1xf32>
    %reduce_sum3A_40 = vector.multi_reduction <add>, %exp3A, %reduce_sum3A_39 [1] : vector<1x12xf32> to vector<1xf32>
    %broadcast_in_dim3A_41 = vector.shape_cast %reduce_sum3A_40 : vector<1xf32> to vector<1x1xf32>
    %log3A = math.log %broadcast_in_dim3A_41 : vector<1x1xf32>
    %add3A_42 = arith.addf %log3A, %broadcast_in_dim3A_37 : vector<1x1xf32>
    %sub3A_43 = vector.broadcast %add3A_42 : vector<1x1xf32> to vector<1x12xf32>
    %sub3A_44 = arith.subf %add3A_35, %sub3A_43 : vector<1x12xf32>
    %swap3A = arith.constant 0 : index
    %swap3A_45 = arith.constant 0 : index
    %swap3A_46 = vector.load %arg7[%swap3A, %swap3A_45] : memref<1x12xf32, #tpu.memory_space<vmem>>, vector<1x12xf32>
    tpu.vector_store %arg7[%swap3A, %swap3A_45], %sub3A_44 {strides = array<i32>} : memref<1x12xf32, #tpu.memory_space<vmem>>, vector<1x12xf32>,
    return
  }
}

</mosaic_0001>

<sc_bundles>
// kernel: kernel.10.cloned.1.call-start
scs
__scs_entry_jumppad:
0x0: {  	(pc) =	sbr.rel $0x88, $3  }
0x1: {  	(tag) =	ssettag $0x0;
	lr =	simm.s32 $0x1  }
0x2: {  	[smem:$0x3F90] =	sst lr;
	_ =	strace $0xD0000000  }
0x3: {  	_ = 	snop  }
0x4: {  	_ = 	snop  }
0x5: {  	_ = 	snop  }
0x6: {  	_ = 	snop  }
0x7: {  	_ = 	snop  }
__scs_overlays_trampoline_lowered:
0x8: {  	[smem:$0x3F9F] =	sst s0  }
0x9: {  	[smem:$0x3FA0] =	sst s1  }
0xa: {  	[smem:$0x3FA1] =	sst s2  }
0xb: {  	[smem:$0x3FA2] =	sst s3  }
0xc: {  	[smem:$0x3FA3] =	sst s4  }
0xd: {  	[smem:$0x3FA4] =	sst s5  }
0xe: {  	[smem:$0x3FA5] =	sst s6  }
0xf: {  	[smem:$0x3FA6] =	sst s7  }
0x10: {  	[smem:$0x3FA7] =	sst s8  }
0x11: {  	[smem:$0x3FA8] =	sst s9;
	s0 =	simm.s32 @!p0 $0x0  }
0x12: {  	s1 =	sld [smem:$0x3F8E];
	s0 =	simm.s32 @p0 $0x1  }
0x13: {  	[smem:$0x3FA9] =	sst s0;
	s0 =	simm.s32 @!p1 $0x0  }
0x14: {  	s2 =	sld [smem:$0x3F8D];
	s0 =	simm.s32 @p1 $0x1  }
0x15: {  	[smem:$0x3FAA] =	sst s0;
	s0 =	simm.s32 @!p2 $0x0  }
0x16: {  	s3 =	sld [smem:$0x3FDB];
	s0 =	simm.s32 @p2 $0x1  }
0x17: {  	s4 =	simm.s32 $0x1BF5;
	[smem:$0x3FAC] =	sst s0  }
0x18: {  	s0 =	sld [smem:$0x3F8F];
	_ =	swait.ge [sflag:s4], $0x0  }
0x19: {  	s7 =	sld [smem:$0x3F90]  }
0x1a: {  	s8 =	sadd.s32 $0xFFFFE003, lr  }
0x1b: {  	s9 =	sadd.s32 $0xFFFFFEF7, lr;
	s5 =	simm.s32 $0xFFFFFFFF;
	p2 =	slt.u32 s8, $0xFFFFF086  }
0x1c: {  	p1 =	slt.u32 s9, $0xF7A;
	s5 =	simm.s32 @!p2 $0x0  }
0x1d: {  	s5 =	simm.s32 @p1 $0x1;
	p0 =	seq.s32 s7, s2  }
0x1e: {  	s7 =	smul.u32 @!p0 $0xF7A, s2;
	p2 =	seq.s32 @!p0 s5, $0x0  }
0x1f: {  	s9 =	smul.u32 $0xF7A, s1;
	s8 =	simm.s32 @!p0 $0x1BF5;
	p2 =	por !p2, p0  }
0x20: {  	[sflag:s8] =	ssyncset.s32 @!p0 $0xFFFFF086;
	s6 =	sadd.s32 @!p0 s3, s7;
	s7 =	simm.s32 @!p0 $0x108  }
0x21: {  	s3 =	sadd.s32 s3, s9;
	s6 =	sadd.s32 @!p0 $0x88, s6;
	s7 =	simm.s32 @p2 $0x1082  }
0x22: {  	[simem:s7], [sflag:s8] =	dma.local @!p0 [hbm:s6], $0xF7A  }
0x23: {  	s9 =	sor.u32 $0xD0000000, s2;
	s6 =	simm.s32 $0x108;
	_ =	swait.ge @!p0 [sflag:s8], $0x0  }
0x24: {  	s3 =	sadd.s32 $0x88, s3;
	s6 =	simm.s32 @!p1 $0x1082;
	[sflag:s4] =	ssyncset.s32 $0xFFFFF086  }
0x25: {  	[simem:s6], [sflag:s4] =	dma.local [hbm:s3], $0xF7A  }
0x26: {  	[smem:$0x3F90] =	sst s1;
	(tag) =	ssettag s2;
	_ =	strace s9  }
0x27: {  	s1 =	sld [smem:$0x3FA0]  }
0x28: {  	s2 =	sld [smem:$0x3FA1]  }
0x29: {  	s4 =	sld [smem:$0x3FA3]  }
0x2a: {  	p0 =	seq.s32 s5, $0x0;
	s5 =	sld [smem:$0x3FA4]  }
0x2b: {  	s6 =	sld [smem:$0x3FA5]  }
0x2c: {  	s7 =	sld [smem:$0x3FA6]  }
0x2d: {  	s3 =	simm.s32 $0x108;
	s8 =	sld [smem:$0x3FA7]  }
0x2e: {  	s3 =	simm.s32 @!p0 $0x1082;
	s9 =	sld [smem:$0x3FA8]  }
0x2f: {  	lr =	sadd.s32 s0, s3;
	s0 =	sld [smem:$0x3F9F]  }
0x30: {  	s3 =	sld [smem:$0x3FA2]  }
0x31: {  	[smem:$0x3FAB] =	sst s10  }
0x32: {  	s10 =	sld [smem:$0x3FA9];
	_ =	sdelay $0x3  }
0x33: {  	p0 =	seq.s32 s10, $0x1;
	s10 =	sld [smem:$0x3FAB];
	_ =	sdelay $0x3  }
0x34: {  	[smem:$0x3FAB] =	sst s10  }
0x35: {  	s10 =	sld [smem:$0x3FAA];
	_ =	sdelay $0x3  }
0x36: {  	p1 =	seq.s32 s10, $0x1;
	s10 =	sld [smem:$0x3FAB];
	_ =	sdelay $0x3  }
0x37: {  	[smem:$0x3FAB] =	sst s10  }
0x38: {  	s10 =	sld [smem:$0x3FAC]  }
0x39: {  	_ = 	snop;
	(pc) =	sbr.ind lr, $3  }
0x3a: {  	_ = 	snop  }
0x3b: {  	_ = 	snop  }
0x3c: {  	p2 =	seq.s32 s10, $0x1;
	s10 =	sld [smem:$0x3FAB]  }
0x3d: {  	_ =	shalt  }
0x3e: {  	_ =	shalt  }
0x3f: {  	_ =	shalt  }
0x40: {  	_ =	shalt  }
0x41: {  	_ =	shalt  }
0x42: {  	_ =	shalt  }
0x43: {  	_ =	shalt  }
0x44: {  	_ =	shalt  }
0x45: {  	_ =	shalt  }
0x46: {  	_ =	shalt  }
0x47: {  	_ =	shalt  }
0x48: {  	_ =	shalt  }
0x49: {  	_ =	shalt  }
0x4a: {  	_ =	shalt  }
0x4b: {  	_ =	shalt  }
0x4c: {  	_ =	shalt  }
0x4d: {  	_ =	shalt  }
0x4e: {  	_ =	shalt  }
0x4f: {  	_ =	shalt  }
0x50: {  	_ =	shalt  }
0x51: {  	_ =	shalt  }
0x52: {  	_ =	shalt  }
0x53: {  	_ =	shalt  }
0x54: {  	_ =	shalt  }
0x55: {  	_ =	shalt  }
0x56: {  	_ =	shalt  }
0x57: {  	_ =	shalt  }
0x58: {  	_ =	shalt  }
0x59: {  	_ =	shalt  }
0x5a: {  	_ =	shalt  }
0x5b: {  	_ =	shalt  }
0x5c: {  	_ =	shalt  }
0x5d: {  	_ =	shalt  }
0x5e: {  	_ =	shalt  }
0x5f: {  	_ =	shalt  }
0x60: {  	_ =	shalt  }
0x61: {  	_ =	shalt  }
0x62: {  	_ =	shalt  }
0x63: {  	_ =	shalt  }
0x64: {  	_ =	shalt  }
0x65: {  	_ =	shalt  }
0x66: {  	_ =	shalt  }
0x67: {  	_ =	shalt  }
0x68: {  	_ =	shalt  }
0x69: {  	_ =	shalt  }
0x6a: {  	_ =	shalt  }
0x6b: {  	_ =	shalt  }
0x6c: {  	_ =	shalt  }
0x6d: {  	_ =	shalt  }
0x6e: {  	_ =	shalt  }
0x6f: {  	_ =	shalt  }
0x70: {  	_ =	shalt  }
0x71: {  	_ =	shalt  }
0x72: {  	_ =	shalt  }
0x73: {  	_ =	shalt  }
0x74: {  	_ =	shalt  }
0x75: {  	_ =	shalt  }
0x76: {  	_ =	shalt  }
0x77: {  	_ =	shalt  }
0x78: {  	_ =	shalt  }
0x79: {  	_ =	shalt  }
0x7a: {  	_ =	shalt  }
0x7b: {  	_ =	shalt  }
0x7c: {  	_ =	shalt  }
0x7d: {  	_ =	shalt  }
0x7e: {  	_ =	shalt  }
0x7f: {  	_ =	shalt  }
0x80: {  	_ =	shalt  }
0x81: {  	_ =	shalt  }
0x82: {  	_ =	shalt  }
0x83: {  	_ =	shalt  }
0x84: {  	_ =	shalt  }
0x85: {  	_ =	shalt  }
0x86: {  	_ =	shalt  }
0x87: {  	_ =	shalt  }
.Lfunc_end0:
.L_simem_size_0:
called_computation_lowered:
.L_overlay_start_0:
0x88: {  	s2 =	sld [smem:$0x3FD9]  }
0x89: {  	s3 =	sld [smem:$0x3FFE];
	_ =	sdelay $0x1  }
0x8a: {  	s1 =	srdreg.scid  }
0x8b: {  	s0 =	sand.u32 $0x1, s1  }
0x8c: {  	s17 =	sshll.u32 s0, $0xA;
	s2 =	sadd.s32 s3, s2  }
0x8d: {  	s2 =	sadd.s32 s2, s17  }
0x8e: {  	[smem:$0x3FB7] =	sst s2  }
0x8f: {  	_ = 	snop  }
0x90: {  	s2 =	sld [smem:$0x3FC9];
	(tm) =	ssettm $0x1  }
0x91: {  	s18 =	sld [smem:$0x3FFB];
	_ =	sdelay $0x3  }
0x92: {  	_ =	strace s18  }
0x93: {  	s3 =	sld [smem:$0x3FFC];
	_ =	sdelay $0x3  }
0x94: {  	_ =	strace s3  }
0x95: {  	s3 =	sld [smem:$0x3FFD];
	_ =	sdelay $0x3  }
0x96: {  	_ =	strace s3  }
0x97: {  	_ =	strace $0x8FFFFFFF  }
0x98: {  	s19 =	sld [smem:$0x3FDB];
	_ =	sdelay $0x1  }
0x99: {  	s4 =	simm.s32 $_scs_section_size  }
0x9a: {  	s5 =	simm.s32 $_size__tile_overlayer_lowered;
	s6 =	simm.s32 $_tile_overlayer_lowered  }
0x9b: {  	s22 =	simm.s32 $0x1BFF;
	s21 =	sshll.u32 s6, $0x1;
	s3 =	sadd.s32 s4, s19  }
0x9c: {  	s7 =	simm.s32 $0x0;
	s20 =	sshll.u32 s5, $0x1;
	s5 =	sadd.s32 s21, s3  }
0x9d: {  	[timem:s7], [sflag:s22] =	dma.local [hbm:s5], s20  }
0x9e: {  	_ =	swait.ge [sflag:s22], s20  }
0x9f: {  	s4 =	ssub.s32 $0x0, s20;
	[sflag:s22] =	ssyncset.done $0x0  }
0xa0: {  	[sflag:s22] =	ssyncadd.s32 s4;
	_ =	sdelay $0x1  }
0xa1: {  	s23 =	simm.s32 $0x1B8B  }
0xa2: {  	_ =	swait.ge [sflag:s23], $0x1  }
0xa3: {  	[sflag:s23] =	ssyncset.done $0x0  }
0xa4: {  	s25 =	simm.s32 $0x1B8E;
	s24 =	sld [smem:$0x3FFE];
	[sflag:s23] =	ssyncadd.s32 $0xFFFFFFFF  }
0xa5: {  	s26 =	simm.s32 $execute0_lowered;
	[smem:$0x3FD2] =	sst s25  }
0xa6: {  	s5 =	sshll.u32 s26, $0x1;
	_ =	strace $0x80000046;
	[dreg:$0x1] =	wrdreg $0xFFFFFFFF  }
0xa7: {  	s28 =	simm.s32 $_size_execute0_lowered;
	s3 =	sadd.s32 s3, s5;
	[dreg:$0x0] =	wrdreg $0x0  }
0xa8: {  	s5 =	sshll.u32 s28, $0x1;
	[dreg:$0x2] =	wrdreg s3  }
0xa9: {  	[dreg:$0x3] =	wrdreg s5  }
0xaa: {  	[dreg:$0x4] =	wrdreg $0xC0  }
0xab: {  	_ =	task [dreg:s7], $0x5FFFF  }
0xac: {  	[dreg:$0x1] =	wrdreg $0xFFFFFFFF  }
0xad: {  	[dreg:$0x0] =	wrdreg $0x60  }
0xae: {  	[dreg:$0x2] =	wrdreg s2  }
0xaf: {  	[dreg:$0x3] =	wrdreg s24  }
0xb0: {  	[dreg:$0x4] =	wrdreg $0x9  }
0xb1: {  	_ =	task.clear_ibuf [dreg:s7], $0x5FFFF;
	_ =	strace $0x90000046  }
0xb2: {  	s29 =	simm.s32 $0x9;
	_ =	strace $0x80000048  }
0xb3: {  	_ =	swait.ge [sflag:s29], $0x1  }
0xb4: {  	[sflag:s29] =	ssyncadd.s32 $0xFFFFFFFF  }
0xb5: {  	_ =	strace $0x90000048  }
0xb6: {  	_ =	sfence  }
0xb7: {  	s30 =	sld [smem:$0x0];
	_ =	sdelay $0x2  }
0xb8: {  	s31 =	sshll.u32 s1, $0xD;
	s1 =	sshrl.u32 s1, $0x2  }
0xb9: {  	s3 =	sand.u32 $0x4000, s31;
	s1 =	sadd.s32 s1, s30  }
0xba: {  	s0 =	sor.u32 s3, s0;
	s1 =	sshll.u32 s1, $0x11  }
0xbb: {  	s0 =	sor.u32 s1, s0  }
0xbc: {  	s0 =	sadd.s32 $0x8F2B, s0  }
0xbd: {  	[sflag:s0] =	ssyncadd.remote.s32 $0x1  }
0xbe: {  	_ =	sfence.sel $0xFFFF  }
0xbf: {  	[dreg:$0x0] =	wrdreg $0xFFFFFFFF;
	(pc) =	sbr.abs _section_cstart, $3  }
0xc0: {  	[dreg:$0x1] =	wrdreg $0xFFFFFFFF  }
0xc1: {  	_ =	task.clear_ibuf [dreg:s7], $0x2FFFF;
	_ =	strace $0x9FFFFFFF  }
0xc2: {  	(tm) =	ssettm $0x7FFFFFFF  }
0xc3: {  	_ =	shalt  }
tec
execute0_lowered:
.L_overlay_start_1:
0x0: {  	(tag) =	ssettag $0x1  }
0x1: {  	s1 =	rddreg [dreg:$0x0]  }
0x2: {  	s0 =	rddreg [dreg:$0x1];
	s2 =	srdreg.scid;
	s3 =	simm.s32 $0x0  }
0x3: {  	s10 =	stileid.u32;
	s28 =	simm.s32 $0x8200;
	s29 =	simm.s32 $0xC200  }
0x4: {  	s30 =	simm.s32 $0x2;
	s31 =	simm.s32 $0x3;
	s2 =	sand.u32 $0x1, s2  }
0x5: {  	[smem:$0x7FF] =	sst s3;
	s6 =	sshll.u32 s10, $0x1;
	s7 =	sadd.s32 $0x4800, s0  }
0x6: {  	s0 =	sadd.s32 $0xE800, s0;
	s22 =	sshll.u32 s10, $0xC;
	s25 =	sshll.u32 s10, $0x8  }
0x7: {  	s10 =	sshll.u32 s10, $0x5;
	s4 =	ssub.s32 $0x2, s2;
	_ =	strace $0x80000047  }
0x8: {  	s12 =	sor.u32 s2, s6;
	s24 =	sadd.s32 s22, s0;
	s9 =	sshll.u32 s2, $0xB  }
0x9: {  	s26 =	sshll.u32 s2, $0x7;
	s2 =	sshll.u32 s2, $0x4;
	s5 =	sshrl.u32 s4, $0x1  }
0xa: {  	s13 =	sor.u32 $0x480, s12;
	s8 =	sor.u32 $0x4A0, s12;
	s17 =	sor.u32 $0x4C0, s12  }
0xb: {  	s2 =	sor.u32 s2, s10;
	s4 =	ssub.s32 s4, s5;
	s14 =	sshll.u32 s13, $0x4  }
0xc: {  	s15 =	sshll.u32 s8, $0x4;
	s16 =	sshll.u32 s8, $0xB;
	s18 =	sshll.u32 s17, $0x4  }
0xd: {  	s5 =	sor.u32 $0x4E0, s12;
	s19 =	sshll.u32 s17, $0xB;
	s2 =	sadd.s32 s2, s7  }
0xe: {  	s4 =	smax.u32 s4, $0x1;
	s6 =	sadd.s32 s7, s14;
	s20 =	sshll.u32 s5, $0x4  }
0xf: {  	s23 =	sshll.u32 s5, $0xB;
	p0 =	sgt.u32 s5, $0x4E1;
	[dreg:$0x3] =	wrdreg s4  }
0x10: {  	s4 =	sshll.u32 s13, $0xB;
	[dreg:$0x4] =	wrdreg s6;
	s21 =	sadd.s32 s7, s20  }
0x11: {  	s12 =	sadd.s32 s0, s23;
	s13 =	sadd.s32 s9, s24;
	s6 =	sor.u32 s26, s25  }
0x12: {  	s20 =	sadd.s32 $0x200, s2;
	s23 =	simm.s32 $0x180;
	s24 =	simm.s32 $0x1  }
0x13: {  	s25 =	simm.s32 $0x200;
	s4 =	sadd.s32 s0, s4;
	[dreg:$0xa] =	wrdreg s21  }
0x14: {  	s26 =	simm.s32 $0x4200;
	[dreg:$0x5] =	wrdreg s4;
	s4 =	sadd.s32 s7, s15  }
0x15: {  	s6 =	sshrl.u32 s6, $0x3;
	[dreg:$0x6] =	wrdreg s4;
	s4 =	sadd.s32 s0, s16  }
0x16: {  	s21 =	simm.s32 $0x80;
	[dreg:$0x7] =	wrdreg s4;
	s4 =	sadd.s32 s7, s18  }
0x17: {  	s8 =	sadd.s32 s6, s7;
	[dreg:$0x8] =	wrdreg s4;
	s4 =	sadd.s32 s0, s19  }
0x18: {  	s18 =	sadd.s32 $0x400, s2;
	[dreg:$0x9] =	wrdreg s4;
	s4 =	sor.u32 s9, s22  }
0x19: {  	s9 =	sadd.s32 $0x600, s2;
	s22 =	simm.s32 $0x100;
	s0 =	sadd.s32 s4, s0  }
0x1a: {  	s2 =	simm.s32 $0x4;
	s4 =	simm.s32 $0x0;
	s15 =	sadd.s32 $0x30000, s0  }
0x1b: {  	s17 =	sadd.s32 $0x20000, s0;
	s19 =	sadd.s32 $0x10000, s0;
	s0 =	simm.s32 $0x5  }
.LBB2_1:
0x1c: {  	[tilespmem:s3], [sflag:$0x1] =	stream.linear.gather [hbm4b:s8+s3], $0x80, $0x38;
	[tilespmem:$0x10200] =	vst v63  }
0x1d: {  	_ = 	snop  }
0x1e: {  	[tilespmem:s21], [sflag:$0x1] =	stream.linear.gather [hbm4b:s20+s3], $0x80, $0x38;
	[tilespmem:$0x10200] =	vst v63  }
0x1f: {  	_ = 	snop  }
0x20: {  	[tilespmem:s22], [sflag:$0x1] =	stream.linear.gather [hbm4b:s18+s3], $0x80, $0x38;
	[tilespmem:$0x10200] =	vst v63  }
0x21: {  	_ = 	snop  }
0x22: {  	[tilespmem:s23], [sflag:$0x1] =	stream.linear.gather [hbm4b:s9+s3], $0x80, $0x38;
	[tilespmem:$0x10200] =	vst v63  }
0x23: {  	_ =	swait.ge [sflag:s24], $0x80  }
0x24: {  	[sflag:s24] =	ssyncset.done $0x0  }
0x25: {  	[sflag:s24] =	ssyncadd.s32 $0xFFFFFF80  }
0x26: {  	_ =	swait.ge [sflag:s24], $0x80  }
0x27: {  	[sflag:s24] =	ssyncset.done $0x0  }
0x28: {  	[sflag:s24] =	ssyncadd.s32 $0xFFFFFF80  }
0x29: {  	_ =	swait.ge [sflag:s24], $0x80  }
0x2a: {  	[sflag:s24] =	ssyncset.done $0x0  }
0x2b: {  	[sflag:s24] =	ssyncadd.s32 $0xFFFFFF80  }
0x2c: {  	_ =	swait.ge [sflag:s24], $0x80  }
0x2d: {  	[sflag:s24] =	ssyncset.done $0x0  }
0x2e: {  	[sflag:s24] =	ssyncadd.s32 $0xFFFFFF80  }
0x2f: {  	[tilespmem:s25], [sflag:$0x2] =	stream.indirect.gather [hbm4b:s1+s21], $0x80, s3, s21, $0xb8;
	[tilespmem:$0x10200] =	vst v63  }
0x30: {  	_ = 	snop  }
0x31: {  	[tilespmem:s26], [sflag:$0x2] =	stream.indirect.gather [hbm4b:s1+s21], $0x80, s21, s21, $0xb8;
	[tilespmem:$0x10200] =	vst v63  }
0x32: {  	_ = 	snop  }
0x33: {  	[tilespmem:s28], [sflag:$0x2] =	stream.indirect.gather [hbm4b:s1+s21], $0x80, s22, s21, $0xb8;
	[tilespmem:$0x10200] =	vst v63  }
0x34: {  	_ = 	snop  }
0x35: {  	[tilespmem:s29], [sflag:$0x2] =	stream.indirect.gather [hbm4b:s1+s21], $0x80, s23, s21, $0xb8;
	[tilespmem:$0x10200] =	vst v63  }
0x36: {  	_ =	swait.ge [sflag:s30], $0x4000  }
0x37: {  	[sflag:s30] =	ssyncset.done $0x0  }
0x38: {  	[sflag:s30] =	ssyncadd.s32 $0xFFFFC000  }
0x39: {  	_ =	swait.ge [sflag:s30], $0x4000  }
0x3a: {  	[sflag:s30] =	ssyncset.done $0x0  }
0x3b: {  	[sflag:s30] =	ssyncadd.s32 $0xFFFFC000  }
0x3c: {  	_ =	swait.ge [sflag:s30], $0x4000  }
0x3d: {  	[sflag:s30] =	ssyncset.done $0x0  }
0x3e: {  	[sflag:s30] =	ssyncadd.s32 $0xFFFFC000  }
0x3f: {  	_ =	swait.ge [sflag:s30], $0x4000  }
0x40: {  	[sflag:s30] =	ssyncset.done $0x0  }
0x41: {  	s5 =	sadd.s32 $0x0, s13;
	[sflag:s30] =	ssyncadd.s32 $0xFFFFC000  }
0x42: {  	[hbm4b:s5+s3] =	stream.linear.scatter [tilespmem:s25], [sflag:$0x3], $0x4000, $0x38;
	[tilespmem:$0x10200] =	vst v63  }
0x43: {  	s11 =	sadd.s32 $0x0, s19  }
0x44: {  	[hbm4b:s11+s3] =	stream.linear.scatter [tilespmem:s26], [sflag:$0x3], $0x4000, $0x38;
	[tilespmem:$0x10200] =	vst v63  }
0x45: {  	s14 =	sadd.s32 $0x0, s17  }
0x46: {  	[hbm4b:s14+s3] =	stream.linear.scatter [tilespmem:s28], [sflag:$0x3], $0x4000, $0x38;
	[tilespmem:$0x10200] =	vst v63  }
0x47: {  	s16 =	sadd.s32 $0x0, s15  }
0x48: {  	[hbm4b:s16+s3] =	stream.linear.scatter [tilespmem:s29], [sflag:$0x3], $0x4000, $0x38;
	[tilespmem:$0x10200] =	vst v63  }
0x49: {  	_ =	swait.ge [sflag:s31], $0x4000  }
0x4a: {  	[sflag:s31] =	ssyncset.done $0x0  }
0x4b: {  	[sflag:s31] =	ssyncadd.s32 $0xFFFFC000  }
0x4c: {  	_ =	swait.ge [sflag:s31], $0x4000  }
0x4d: {  	[sflag:s31] =	ssyncset.done $0x0  }
0x4e: {  	[sflag:s31] =	ssyncadd.s32 $0xFFFFC000  }
0x4f: {  	_ =	swait.ge [sflag:s31], $0x4000  }
0x50: {  	[sflag:s31] =	ssyncset.done $0x0  }
0x51: {  	s6 =	sadd.s32 $0x800, s18;
	[sflag:s31] =	ssyncadd.s32 $0xFFFFC000  }
0x52: {  	s7 =	sadd.s32 $0x800, s20;
	s5 =	simm.s32 $0x40000;
	_ =	swait.ge [sflag:s31], $0x4000  }
0x53: {  	s14 =	smov.u32 s8;
	s16 =	smov.u32 s9;
	[sflag:s31] =	ssyncset.done $0x0  }
.LBB2_2:
0x54: {  	[sflag:s31] =	ssyncadd.s32 $0xFFFFC000;
	s14 =	sadd.s32 $0x800, s14;
	s16 =	sadd.s32 $0x800, s16  }
0x55: {  	[tilespmem:s3], [sflag:$0x1] =	stream.linear.gather [hbm4b:s14+s3], $0x80, $0x38;
	[tilespmem:$0x10200] =	vst v63  }
0x56: {  	p1 =	sne.s32 s5, $0x200000;
	s10 =	smov.u32 s5;
	s5 =	sadd.s32 $0x40000, s5  }
0x57: {  	[tilespmem:s21], [sflag:$0x1] =	stream.linear.gather [hbm4b:s7+s3], $0x80, $0x38;
	[tilespmem:$0x10200] =	vst v63  }
0x58: {  	_ = 	snop  }
0x59: {  	[tilespmem:s22], [sflag:$0x1] =	stream.linear.gather [hbm4b:s6+s3], $0x80, $0x38;
	[tilespmem:$0x10200] =	vst v63  }
0x5a: {  	_ = 	snop  }
0x5b: {  	[tilespmem:s23], [sflag:$0x1] =	stream.linear.gather [hbm4b:s16+s3], $0x80, $0x38;
	[tilespmem:$0x10200] =	vst v63  }
0x5c: {  	_ =	swait.ge [sflag:s24], $0x80  }
0x5d: {  	[sflag:s24] =	ssyncset.done $0x0  }
0x5e: {  	[sflag:s24] =	ssyncadd.s32 $0xFFFFFF80  }
0x5f: {  	_ =	swait.ge [sflag:s24], $0x80  }
0x60: {  	[sflag:s24] =	ssyncset.done $0x0  }
0x61: {  	[sflag:s24] =	ssyncadd.s32 $0xFFFFFF80  }
0x62: {  	_ =	swait.ge [sflag:s24], $0x80  }
0x63: {  	[sflag:s24] =	ssyncset.done $0x0  }
0x64: {  	[sflag:s24] =	ssyncadd.s32 $0xFFFFFF80  }
0x65: {  	_ =	swait.ge [sflag:s24], $0x80  }
0x66: {  	[sflag:s24] =	ssyncset.done $0x0  }
0x67: {  	[sflag:s24] =	ssyncadd.s32 $0xFFFFFF80  }
0x68: {  	[tilespmem:s25], [sflag:$0x2] =	stream.indirect.gather [hbm4b:s1+s21], $0x80, s3, s21, $0xb8;
	[tilespmem:$0x10200] =	vst v63  }
0x69: {  	_ = 	snop  }
0x6a: {  	[tilespmem:s26], [sflag:$0x2] =	stream.indirect.gather [hbm4b:s1+s21], $0x80, s21, s21, $0xb8;
	[tilespmem:$0x10200] =	vst v63  }
0x6b: {  	_ = 	snop  }
0x6c: {  	[tilespmem:s28], [sflag:$0x2] =	stream.indirect.gather [hbm4b:s1+s21], $0x80, s22, s21, $0xb8;
	[tilespmem:$0x10200] =	vst v63  }
0x6d: {  	_ = 	snop  }
0x6e: {  	[tilespmem:s29], [sflag:$0x2] =	stream.indirect.gather [hbm4b:s1+s21], $0x80, s23, s21, $0xb8;
	[tilespmem:$0x10200] =	vst v63  }
0x6f: {  	_ =	swait.ge [sflag:s30], $0x4000  }
0x70: {  	[sflag:s30] =	ssyncset.done $0x0  }
0x71: {  	[sflag:s30] =	ssyncadd.s32 $0xFFFFC000  }
0x72: {  	_ =	swait.ge [sflag:s30], $0x4000  }
0x73: {  	[sflag:s30] =	ssyncset.done $0x0  }
0x74: {  	[sflag:s30] =	ssyncadd.s32 $0xFFFFC000  }
0x75: {  	_ =	swait.ge [sflag:s30], $0x4000  }
0x76: {  	[sflag:s30] =	ssyncset.done $0x0  }
0x77: {  	[sflag:s30] =	ssyncadd.s32 $0xFFFFC000  }
0x78: {  	_ =	swait.ge [sflag:s30], $0x4000  }
0x79: {  	[sflag:s30] =	ssyncset.done $0x0  }
0x7a: {  	s11 =	sadd.s32 s10, s13;
	[sflag:s30] =	ssyncadd.s32 $0xFFFFC000  }
0x7b: {  	[hbm4b:s11+s3] =	stream.linear.scatter [tilespmem:s25], [sflag:$0x3], $0x4000, $0x38;
	[tilespmem:$0x10200] =	vst v63  }
0x7c: {  	s11 =	sadd.s32 s10, s19  }
0x7d: {  	[hbm4b:s11+s3] =	stream.linear.scatter [tilespmem:s26], [sflag:$0x3], $0x4000, $0x38;
	[tilespmem:$0x10200] =	vst v63  }
0x7e: {  	s11 =	sadd.s32 s10, s17  }
0x7f: {  	[hbm4b:s11+s3] =	stream.linear.scatter [tilespmem:s28], [sflag:$0x3], $0x4000, $0x38;
	[tilespmem:$0x10200] =	vst v63  }
0x80: {  	s10 =	sadd.s32 s10, s15  }
0x81: {  	[hbm4b:s10+s3] =	stream.linear.scatter [tilespmem:s29], [sflag:$0x3], $0x4000, $0x38;
	[tilespmem:$0x10200] =	vst v63  }
0x82: {  	_ =	swait.ge [sflag:s31], $0x4000  }
0x83: {  	[sflag:s31] =	ssyncset.done $0x0  }
0x84: {  	[sflag:s31] =	ssyncadd.s32 $0xFFFFC000  }
0x85: {  	_ =	swait.ge [sflag:s31], $0x4000  }
0x86: {  	[sflag:s31] =	ssyncset.done $0x0  }
0x87: {  	[sflag:s31] =	ssyncadd.s32 $0xFFFFC000  }
.Ltmp0:
0x88: {  	_ =	swait.ge [sflag:s31], $0x4000;
	(pc) =	sbr.rel @p1 .LBB2_2-.Ltmp0, $4  }
0x89: {  	[sflag:s31] =	ssyncset.done $0x0  }
0x8a: {  	[sflag:s31] =	ssyncadd.s32 $0xFFFFC000  }
0x8b: {  	_ =	swait.ge [sflag:s31], $0x4000  }
0x8c: {  	s7 =	sadd.s32 $0x800, s7;
	s6 =	sadd.s32 $0x800, s6;
	[sflag:s31] =	ssyncset.done $0x0  }
0x8d: {  	[sflag:s31] =	ssyncadd.s32 $0xFFFFC000;
	s5 =	rddreg [dreg:$0x4]  }
0x8e: {  	[tilespmem:s3], [sflag:$0x5] =	stream.linear.gather [hbm4b:s5+s3], $0x80, $0x38;
	[tilespmem:$0x10200] =	vst v63  }
0x8f: {  	_ =	swait.ge [sflag:s0], $0x80  }
0x90: {  	[sflag:s0] =	ssyncset.done $0x0  }
0x91: {  	[sflag:s0] =	ssyncadd.s32 $0xFFFFFF80  }
0x92: {  	[tilespmem:s25], [sflag:$0x2] =	stream.indirect.gather [hbm4b:s1+s21], $0x80, s3, s21, $0xb8;
	[tilespmem:$0x10200] =	vst v63  }
0x93: {  	_ =	swait.ge [sflag:s30], $0x4000  }
0x94: {  	[sflag:s30] =	ssyncset.done $0x0  }
0x95: {  	s6 =	rddreg [dreg:$0x5];
	[sflag:s30] =	ssyncadd.s32 $0xFFFFC000  }
0x96: {  	[hbm4b:s6+s3] =	stream.linear.scatter [tilespmem:s25], [sflag:$0x4], $0x4000, $0x38;
	[tilespmem:$0x10200] =	vst v63  }
0x97: {  	_ =	swait.ge [sflag:s2], $0x4000  }
0x98: {  	[sflag:s2] =	ssyncset.done $0x0  }
0x99: {  	s7 =	rddreg [dreg:$0x6];
	[sflag:s2] =	ssyncadd.s32 $0xFFFFC000  }
0x9a: {  	[tilespmem:s3], [sflag:$0x5] =	stream.linear.gather [hbm4b:s7+s3], $0x80, $0x38;
	[tilespmem:$0x10200] =	vst v63  }
0x9b: {  	_ =	swait.ge [sflag:s0], $0x80  }
0x9c: {  	[sflag:s0] =	ssyncset.done $0x0  }
0x9d: {  	[sflag:s0] =	ssyncadd.s32 $0xFFFFFF80  }
0x9e: {  	[tilespmem:s25], [sflag:$0x2] =	stream.indirect.gather [hbm4b:s1+s21], $0x80, s3, s21, $0xb8;
	[tilespmem:$0x10200] =	vst v63  }
0x9f: {  	_ =	swait.ge [sflag:s30], $0x4000  }
0xa0: {  	[sflag:s30] =	ssyncset.done $0x0  }
0xa1: {  	s10 =	rddreg [dreg:$0x7];
	[sflag:s30] =	ssyncadd.s32 $0xFFFFC000  }
0xa2: {  	[hbm4b:s10+s3] =	stream.linear.scatter [tilespmem:s25], [sflag:$0x4], $0x4000, $0x38;
	[tilespmem:$0x10200] =	vst v63  }
0xa3: {  	_ =	swait.ge [sflag:s2], $0x4000  }
0xa4: {  	[sflag:s2] =	ssyncset.done $0x0  }
0xa5: {  	s11 =	rddreg [dreg:$0x8];
	[sflag:s2] =	ssyncadd.s32 $0xFFFFC000  }
0xa6: {  	[tilespmem:s3], [sflag:$0x5] =	stream.linear.gather [hbm4b:s11+s3], $0x80, $0x38;
	[tilespmem:$0x10200] =	vst v63  }
0xa7: {  	_ =	swait.ge [sflag:s0], $0x80  }
0xa8: {  	[sflag:s0] =	ssyncset.done $0x0  }
0xa9: {  	[sflag:s0] =	ssyncadd.s32 $0xFFFFFF80  }
0xaa: {  	[tilespmem:s25], [sflag:$0x2] =	stream.indirect.gather [hbm4b:s1+s21], $0x80, s3, s21, $0xb8;
	[tilespmem:$0x10200] =	vst v63  }
0xab: {  	_ =	swait.ge [sflag:s30], $0x4000  }
0xac: {  	[sflag:s30] =	ssyncset.done $0x0  }
0xad: {  	s14 =	rddreg [dreg:$0x9];
	[sflag:s30] =	ssyncadd.s32 $0xFFFFC000  }
0xae: {  	[hbm4b:s14+s3] =	stream.linear.scatter [tilespmem:s25], [sflag:$0x4], $0x4000, $0x38;
	[tilespmem:$0x10200] =	vst v63  }
0xaf: {  	_ =	swait.ge [sflag:s2], $0x4000  }
0xb0: {  	[sflag:s2] =	ssyncset.done $0x0  }
0xb1: {  	s5 =	simm.s32 @!p0 $0x0;
	s6 =	rddreg [dreg:$0xa];
	[sflag:s2] =	ssyncadd.s32 $0xFFFFC000  }
0xb2: {  	[tilespmem:s5], [sflag:$0x5] =	stream.linear.gather @!p0 [hbm4b:s6+s5], $0x80, $0x38;
	[tilespmem:$0x10200] =	vst v63  }
0xb3: {  	s6 =	simm.s32 @!p0 $0x5  }
0xb4: {  	_ =	swait.ge @!p0 [sflag:s6], $0x80  }
0xb5: {  	[sflag:s6] =	ssyncset.done @!p0 $0x0  }
0xb6: {  	s7 =	simm.s32 @!p0 $0x200;
	[sflag:s6] =	ssyncadd.s32 @!p0 $0xFFFFFF80;
	s6 =	simm.s32 @!p0 $0x80  }
0xb7: {  	[tilespmem:s7], [sflag:$0x2] =	stream.indirect.gather @!p0 [hbm4b:s1+s6], $0x80, s5, s6, $0xb8;
	[tilespmem:$0x10200] =	vst v63  }
0xb8: {  	s6 =	simm.s32 @!p0 $0x2  }
0xb9: {  	_ =	swait.ge @!p0 [sflag:s6], $0x4000  }
0xba: {  	[sflag:s6] =	ssyncset.done @!p0 $0x0  }
0xbb: {  	[sflag:s6] =	ssyncadd.s32 @!p0 $0xFFFFC000  }
0xbc: {  	[hbm4b:s12+s5] =	stream.linear.scatter @!p0 [tilespmem:s7], [sflag:$0x4], $0x4000, $0x38;
	[tilespmem:$0x10200] =	vst v63  }
0xbd: {  	s5 =	simm.s32 @!p0 $0x4  }
0xbe: {  	_ =	swait.ge @!p0 [sflag:s5], $0x4000  }
0xbf: {  	s4 =	sadd.s32 $0x1, s4;
	s16 =	rddreg [dreg:$0x3]  }
0xc0: {  	p1 =	sne.s32 s4, s16  }
.Ltmp1:
0xc1: {  	_ = 	snop;
	(pc) =	sbr.rel @p1 .LBB2_1-.Ltmp1, $3  }
0xc2: {  	_ =	sdelay $0x1  }
0xc3: {  	[sflag:s5] =	ssyncset.done @!p0 $0x0  }
0xc4: {  	[sflag:s5] =	ssyncadd.s32 @!p0 $0xFFFFC000  }
0xc5: {  	_ =	sfence.sel $0x180000  }
0xc6: {  	[bflag:$0x0] =	sbarrier.arrive $0xFFFF  }
0xc7: {  	_ =	strace $0x90000047  }
0xc8: {  	s0 =	stileid.u32;
	[bflag:$0x2] =	sbarrier.arrive $0xFFFF  }
0xc9: {  	p0 =	sne.s32 s0, $0x0;
	s0 =	rddreg [dreg:$0x2]  }
0xca: {  	s0 =	sadd.s32 @!p0 $0x100000, s0  }
0xcb: {  	[sflag:s0] =	ssyncadd.tile.s32 @!p0 $0x1;
	_ =	shalt  }
.Lfunc_end2:
_tile_overlayer_lowered:
.L_overlay_start_2:
0xcc: {  	(tag) =	ssettag $0x2  }
0xcd: {  	s0 =	rddreg [dreg:$0x0];
	s2 =	stileid.u32  }
0xce: {  	s1 =	rddreg [dreg:$0x1];
	p0 =	sne.s32 s2, $0x0  }
0xcf: {  	s3 =	rddreg [dreg:$0x2];
	[bflag:$0x3] =	sbarrier.arrive $0xFFFF;
	s2 =	simm.s32 @!p0 $0x1C04  }
0xd0: {  	[timem:s3], [sflag:s2] =	dma.local @!p0 [hbm:s0], s1  }
0xd1: {  	s0 =	simm.s32 @!p0 $0x4  }
0xd2: {  	_ =	swait.ge @!p0 [sflag:s0], s1  }
0xd3: {  	s1 =	ssub.s32 @!p0 $0x0, s1;
	[sflag:s0] =	ssyncset.done @!p0 $0x0  }
0xd4: {  	[sflag:s0] =	ssyncadd.s32 @!p0 s1  }
0xd5: {  	[bflag:$0x3] =	sbarrier.arrive $0xFFFF  }
0xd6: {  	_ =	shalt  }

// kernel: kernel.13.cloned.1.call-start
scs
__scs_entry_jumppad:
0x0: {  	(pc) =	sbr.rel $0x88, $3  }
0x1: {  	(tag) =	ssettag $0x0;
	lr =	simm.s32 $0x1  }
0x2: {  	[smem:$0x3F90] =	sst lr;
	_ =	strace $0xD0000000  }
0x3: {  	_ = 	snop  }
0x4: {  	_ = 	snop  }
0x5: {  	_ = 	snop  }
0x6: {  	_ = 	snop  }
0x7: {  	_ = 	snop  }
__scs_overlays_trampoline_lowered:
0x8: {  	[smem:$0x3F9F] =	sst s0  }
0x9: {  	[smem:$0x3FA0] =	sst s1  }
0xa: {  	[smem:$0x3FA1] =	sst s2  }
0xb: {  	[smem:$0x3FA2] =	sst s3  }
0xc: {  	[smem:$0x3FA3] =	sst s4  }
0xd: {  	[smem:$0x3FA4] =	sst s5  }
0xe: {  	[smem:$0x3FA5] =	sst s6  }
0xf: {  	[smem:$0x3FA6] =	sst s7  }
0x10: {  	[smem:$0x3FA7] =	sst s8  }
0x11: {  	[smem:$0x3FA8] =	sst s9;
	s0 =	simm.s32 @!p0 $0x0  }
0x12: {  	s1 =	sld [smem:$0x3F8E];
	s0 =	simm.s32 @p0 $0x1  }
0x13: {  	[smem:$0x3FA9] =	sst s0;
	s0 =	simm.s32 @!p1 $0x0  }
0x14: {  	s2 =	sld [smem:$0x3F8D];
	s0 =	simm.s32 @p1 $0x1  }
0x15: {  	[smem:$0x3FAA] =	sst s0;
	s0 =	simm.s32 @!p2 $0x0  }
0x16: {  	s3 =	sld [smem:$0x3FDB];
	s0 =	simm.s32 @p2 $0x1  }
0x17: {  	s4 =	simm.s32 $0x1BF5;
	[smem:$0x3FAC] =	sst s0  }
0x18: {  	s0 =	sld [smem:$0x3F8F];
	_ =	swait.ge [sflag:s4], $0x0  }
0x19: {  	s7 =	sld [smem:$0x3F90]  }
0x1a: {  	s8 =	sadd.s32 $0xFFFFE003, lr  }
0x1b: {  	s9 =	sadd.s32 $0xFFFFFEF7, lr;
	s5 =	simm.s32 $0xFFFFFFFF;
	p2 =	slt.u32 s8, $0xFFFFF086  }
0x1c: {  	p1 =	slt.u32 s9, $0xF7A;
	s5 =	simm.s32 @!p2 $0x0  }
0x1d: {  	s5 =	simm.s32 @p1 $0x1;
	p0 =	seq.s32 s7, s2  }
0x1e: {  	s7 =	smul.u32 @!p0 $0xF7A, s2;
	p2 =	seq.s32 @!p0 s5, $0x0  }
0x1f: {  	s9 =	smul.u32 $0xF7A, s1;
	s8 =	simm.s32 @!p0 $0x1BF5;
	p2 =	por !p2, p0  }
0x20: {  	[sflag:s8] =	ssyncset.s32 @!p0 $0xFFFFF086;
	s6 =	sadd.s32 @!p0 s3, s7;
	s7 =	simm.s32 @!p0 $0x108  }
0x21: {  	s3 =	sadd.s32 s3, s9;
	s6 =	sadd.s32 @!p0 $0x88, s6;
	s7 =	simm.s32 @p2 $0x1082  }
0x22: {  	[simem:s7], [sflag:s8] =	dma.local @!p0 [hbm:s6], $0xF7A  }
0x23: {  	s9 =	sor.u32 $0xD0000000, s2;
	s6 =	simm.s32 $0x108;
	_ =	swait.ge @!p0 [sflag:s8], $0x0  }
0x24: {  	s3 =	sadd.s32 $0x88, s3;
	s6 =	simm.s32 @!p1 $0x1082;
	[sflag:s4] =	ssyncset.s32 $0xFFFFF086  }
0x25: {  	[simem:s6], [sflag:s4] =	dma.local [hbm:s3], $0xF7A  }
0x26: {  	[smem:$0x3F90] =	sst s1;
	(tag) =	ssettag s2;
	_ =	strace s9  }
0x27: {  	s1 =	sld [smem:$0x3FA0]  }
0x28: {  	s2 =	sld [smem:$0x3FA1]  }
0x29: {  	s4 =	sld [smem:$0x3FA3]  }
0x2a: {  	p0 =	seq.s32 s5, $0x0;
	s5 =	sld [smem:$0x3FA4]  }
0x2b: {  	s6 =	sld [smem:$0x3FA5]  }
0x2c: {  	s7 =	sld [smem:$0x3FA6]  }
0x2d: {  	s3 =	simm.s32 $0x108;
	s8 =	sld [smem:$0x3FA7]  }
0x2e: {  	s3 =	simm.s32 @!p0 $0x1082;
	s9 =	sld [smem:$0x3FA8]  }
0x2f: {  	lr =	sadd.s32 s0, s3;
	s0 =	sld [smem:$0x3F9F]  }
0x30: {  	s3 =	sld [smem:$0x3FA2]  }
0x31: {  	[smem:$0x3FAB] =	sst s10  }
0x32: {  	s10 =	sld [smem:$0x3FA9];
	_ =	sdelay $0x3  }
0x33: {  	p0 =	seq.s32 s10, $0x1;
	s10 =	sld [smem:$0x3FAB];
	_ =	sdelay $0x3  }
0x34: {  	[smem:$0x3FAB] =	sst s10  }
0x35: {  	s10 =	sld [smem:$0x3FAA];
	_ =	sdelay $0x3  }
0x36: {  	p1 =	seq.s32 s10, $0x1;
	s10 =	sld [smem:$0x3FAB];
	_ =	sdelay $0x3  }
0x37: {  	[smem:$0x3FAB] =	sst s10  }
0x38: {  	s10 =	sld [smem:$0x3FAC]  }
0x39: {  	_ = 	snop;
	(pc) =	sbr.ind lr, $3  }
0x3a: {  	_ = 	snop  }
0x3b: {  	_ = 	snop  }
0x3c: {  	p2 =	seq.s32 s10, $0x1;
	s10 =	sld [smem:$0x3FAB]  }
0x3d: {  	_ =	shalt  }
0x3e: {  	_ =	shalt  }
0x3f: {  	_ =	shalt  }
0x40: {  	_ =	shalt  }
0x41: {  	_ =	shalt  }
0x42: {  	_ =	shalt  }
0x43: {  	_ =	shalt  }
0x44: {  	_ =	shalt  }
0x45: {  	_ =	shalt  }
0x46: {  	_ =	shalt  }
0x47: {  	_ =	shalt  }
0x48: {  	_ =	shalt  }
0x49: {  	_ =	shalt  }
0x4a: {  	_ =	shalt  }
0x4b: {  	_ =	shalt  }
0x4c: {  	_ =	shalt  }
0x4d: {  	_ =	shalt  }
0x4e: {  	_ =	shalt  }
0x4f: {  	_ =	shalt  }
0x50: {  	_ =	shalt  }
0x51: {  	_ =	shalt  }
0x52: {  	_ =	shalt  }
0x53: {  	_ =	shalt  }
0x54: {  	_ =	shalt  }
0x55: {  	_ =	shalt  }
0x56: {  	_ =	shalt  }
0x57: {  	_ =	shalt  }
0x58: {  	_ =	shalt  }
0x59: {  	_ =	shalt  }
0x5a: {  	_ =	shalt  }
0x5b: {  	_ =	shalt  }
0x5c: {  	_ =	shalt  }
0x5d: {  	_ =	shalt  }
0x5e: {  	_ =	shalt  }
0x5f: {  	_ =	shalt  }
0x60: {  	_ =	shalt  }
0x61: {  	_ =	shalt  }
0x62: {  	_ =	shalt  }
0x63: {  	_ =	shalt  }
0x64: {  	_ =	shalt  }
0x65: {  	_ =	shalt  }
0x66: {  	_ =	shalt  }
0x67: {  	_ =	shalt  }
0x68: {  	_ =	shalt  }
0x69: {  	_ =	shalt  }
0x6a: {  	_ =	shalt  }
0x6b: {  	_ =	shalt  }
0x6c: {  	_ =	shalt  }
0x6d: {  	_ =	shalt  }
0x6e: {  	_ =	shalt  }
0x6f: {  	_ =	shalt  }
0x70: {  	_ =	shalt  }
0x71: {  	_ =	shalt  }
0x72: {  	_ =	shalt  }
0x73: {  	_ =	shalt  }
0x74: {  	_ =	shalt  }
0x75: {  	_ =	shalt  }
0x76: {  	_ =	shalt  }
0x77: {  	_ =	shalt  }
0x78: {  	_ =	shalt  }
0x79: {  	_ =	shalt  }
0x7a: {  	_ =	shalt  }
0x7b: {  	_ =	shalt  }
0x7c: {  	_ =	shalt  }
0x7d: {  	_ =	shalt  }
0x7e: {  	_ =	shalt  }
0x7f: {  	_ =	shalt  }
0x80: {  	_ =	shalt  }
0x81: {  	_ =	shalt  }
0x82: {  	_ =	shalt  }
0x83: {  	_ =	shalt  }
0x84: {  	_ =	shalt  }
0x85: {  	_ =	shalt  }
0x86: {  	_ =	shalt  }
0x87: {  	_ =	shalt  }
.Lfunc_end0:
.L_simem_size_0:
called_computation.1_lowered:
.L_overlay_start_0:
0x88: {  	s2 =	sld [smem:$0x3FD9]  }
0x89: {  	s3 =	sld [smem:$0x3FFE];
	_ =	sdelay $0x1  }
0x8a: {  	s1 =	srdreg.scid  }
0x8b: {  	s0 =	sand.u32 $0x1, s1  }
0x8c: {  	s16 =	sshll.u32 s0, $0xA;
	s2 =	sadd.s32 s3, s2  }
0x8d: {  	s2 =	sadd.s32 s2, s16  }
0x8e: {  	[smem:$0x3FB7] =	sst s2  }
0x8f: {  	_ = 	snop  }
0x90: {  	(tm) =	ssettm $0x1  }
0x91: {  	s17 =	sld [smem:$0x3FFB];
	_ =	sdelay $0x3  }
0x92: {  	_ =	strace s17  }
0x93: {  	s2 =	sld [smem:$0x3FFC];
	_ =	sdelay $0x3  }
0x94: {  	_ =	strace s2  }
0x95: {  	s2 =	sld [smem:$0x3FFD];
	_ =	sdelay $0x3  }
0x96: {  	_ =	strace s2  }
0x97: {  	_ =	strace $0x8FFFFFFF  }
0x98: {  	s18 =	sld [smem:$0x3FDB];
	_ =	sdelay $0x1  }
0x99: {  	s19 =	simm.s32 $_scs_section_size  }
0x9a: {  	s4 =	simm.s32 $_size__tile_overlayer_lowered;
	s5 =	simm.s32 $_tile_overlayer_lowered  }
0x9b: {  	s22 =	simm.s32 $0x1BFF;
	s21 =	sshll.u32 s5, $0x1;
	s2 =	sadd.s32 s19, s18  }
0x9c: {  	s6 =	simm.s32 $0x0;
	s20 =	sshll.u32 s4, $0x1;
	s4 =	sadd.s32 s21, s2  }
0x9d: {  	[timem:s6], [sflag:s22] =	dma.local [hbm:s4], s20  }
0x9e: {  	_ =	swait.ge [sflag:s22], s20  }
0x9f: {  	s3 =	ssub.s32 $0x0, s20;
	[sflag:s22] =	ssyncset.done $0x0  }
0xa0: {  	[sflag:s22] =	ssyncadd.s32 s3;
	_ =	sdelay $0x1  }
0xa1: {  	s23 =	simm.s32 $0x1B8B  }
0xa2: {  	_ =	swait.ge [sflag:s23], $0x1  }
0xa3: {  	[sflag:s23] =	ssyncset.done $0x0  }
0xa4: {  	s25 =	simm.s32 $0x1B8E;
	s24 =	sld [smem:$0x3FFE];
	[sflag:s23] =	ssyncadd.s32 $0xFFFFFFFF  }
0xa5: {  	s26 =	simm.s32 $execute0_lowered;
	[smem:$0x3FD2] =	sst s25  }
0xa6: {  	s4 =	sshll.u32 s26, $0x1;
	_ =	strace $0x80000049;
	[dreg:$0x1] =	wrdreg $0xFFFFFFFF  }
0xa7: {  	s28 =	simm.s32 $_size_execute0_lowered;
	s2 =	sadd.s32 s2, s4;
	[dreg:$0x0] =	wrdreg $0x0  }
0xa8: {  	s4 =	sshll.u32 s28, $0x1;
	[dreg:$0x2] =	wrdreg s2  }
0xa9: {  	[dreg:$0x3] =	wrdreg s4  }
0xaa: {  	[dreg:$0x4] =	wrdreg $0xC0  }
0xab: {  	_ =	task [dreg:s6], $0x5FFFF  }
0xac: {  	[dreg:$0x1] =	wrdreg $0xFFFFFFFF  }
0xad: {  	[dreg:$0x0] =	wrdreg $0x60  }
0xae: {  	[dreg:$0x2] =	wrdreg s24  }
0xaf: {  	[dreg:$0x3] =	wrdreg $0x81000  }
0xb0: {  	[dreg:$0x4] =	wrdreg $0x9  }
0xb1: {  	_ =	task.clear_ibuf [dreg:s6], $0x5FFFF;
	_ =	strace $0x90000049  }
0xb2: {  	s29 =	simm.s32 $0x9;
	_ =	strace $0x8000004B  }
0xb3: {  	_ =	swait.ge [sflag:s29], $0x1  }
0xb4: {  	[sflag:s29] =	ssyncadd.s32 $0xFFFFFFFF  }
0xb5: {  	_ =	strace $0x9000004B  }
0xb6: {  	_ =	sfence  }
0xb7: {  	s30 =	sld [smem:$0x0];
	_ =	sdelay $0x2  }
0xb8: {  	s31 =	sshll.u32 s1, $0xD;
	s1 =	sshrl.u32 s1, $0x2  }
0xb9: {  	s3 =	sand.u32 $0x4000, s31;
	s1 =	sadd.s32 s1, s30  }
0xba: {  	s0 =	sor.u32 s3, s0;
	s1 =	sshll.u32 s1, $0x11  }
0xbb: {  	s0 =	sor.u32 s1, s0  }
0xbc: {  	s0 =	sadd.s32 $0x8F2B, s0  }
0xbd: {  	[sflag:s0] =	ssyncadd.remote.s32 $0x1  }
0xbe: {  	_ =	sfence.sel $0xFFFF  }
0xbf: {  	[dreg:$0x0] =	wrdreg $0xFFFFFFFF;
	(pc) =	sbr.abs _section_cstart, $3  }
0xc0: {  	[dreg:$0x1] =	wrdreg $0xFFFFFFFF  }
0xc1: {  	_ =	task.clear_ibuf [dreg:s6], $0x2FFFF;
	_ =	strace $0x9FFFFFFF  }
0xc2: {  	(tm) =	ssettm $0x7FFFFFFF  }
0xc3: {  	_ =	shalt  }
tec
execute0_lowered:
.L_overlay_start_1:
0x0: {  	(tag) =	ssettag $0x1  }
0x1: {  	s4 =	rddreg [dreg:$0x0]  }
0x2: {  	s2 =	rddreg [dreg:$0x1];
	s3 =	simm.s32 $0x0;
	s0 =	stileid.u32  }
0x3: {  	s5 =	srdreg.scid;
	[smem:$0x7FF] =	sst s3  }
0x4: {  	s6 =	smul.u32 $0x2800, s0;
	s12 =	sand.u32 $0x1, s5;
	s15 =	sadd.s32 $0x4F0800, s4  }
0x5: {  	s13 =	sadd.s32 $0x9800, s4;
	s8 =	smul.u32 $0x50000, s0;
	s23 =	sshll.u32 s0, $0x1  }
0x6: {  	s25 =	sshll.u32 s0, $0x6;
	s14 =	sshll.u32 s0, $0xC;
	s19 =	sshll.u32 s0, $0x8  }
0x7: {  	s21 =	sshll.u32 s0, $0x5;
	_ =	strace $0x8000004A;
	s5 =	smul.u32 $0x28000, s12  }
0x8: {  	s7 =	ssub.s32 $0x2, s12;
	s10 =	sor.u32 s12, s23;
	s17 =	sadd.s32 s14, s15  }
0x9: {  	s18 =	sshll.u32 s12, $0xB;
	s20 =	sshll.u32 s12, $0x7;
	s23 =	simm.s32 $0x3  }
0xa: {  	s22 =	sshrl.u32 s7, $0x1;
	s24 =	sshrl.u32 s8, $0x2;
	s11 =	sor.u32 $0x4C0, s10  }
0xb: {  	s30 =	sor.u32 s20, s19;
	s20 =	simm.s32 $0x4100;
	s5 =	sadd.s32 s6, s5  }
0xc: {  	s6 =	sadd.s32 s6, s4;
	s7 =	ssub.s32 s7, s22;
	s16 =	sadd.s32 s24, s2  }
0xd: {  	s26 =	sshll.u32 s11, $0x4;
	s28 =	sshll.u32 s11, $0xB;
	s24 =	sor.u32 $0x4E0, s10  }
0xe: {  	s22 =	sshll.u32 s12, $0x4;
	s12 =	sadd.s32 s18, s17;
	s17 =	sshrl.u32 s30, $0x3  }
0xf: {  	s18 =	sor.u32 s18, s14;
	s9 =	sadd.s32 s5, s4;
	s4 =	sadd.s32 $0xE800, s6  }
0x10: {  	s5 =	sor.u32 $0x1C04, s25;
	s7 =	smax.u32 s7, $0x1;
	s8 =	sadd.s32 s13, s26  }
0x11: {  	s10 =	sshll.u32 s24, $0x4;
	s29 =	sshll.u32 s24, $0xB;
	s31 =	sor.u32 s22, s21  }
0x12: {  	s16 =	sshrl.u32 s16, $0x3;
	s21 =	simm.s32 $0x1;
	s22 =	simm.s32 $0x2  }
0x13: {  	p0 =	sgt.u32 s24, $0x4E1;
	s24 =	simm.s32 $0x5;
	s25 =	simm.s32 $0x0  }
0x14: {  	s6 =	sadd.s32 $0x36800, s9;
	s9 =	sadd.s32 s15, s28;
	s10 =	sadd.s32 s13, s10  }
0x15: {  	s11 =	sadd.s32 s15, s29;
	s19 =	sadd.s32 s31, s13;
	s13 =	sadd.s32 s17, s13  }
0x16: {  	s15 =	sadd.s32 s18, s15;
	s17 =	simm.s32 $0x4;
	s18 =	simm.s32 $0x100  }
0x17: {  	s14 =	sadd.s32 $0x200, s19;
	s15 =	sadd.s32 $0x10000, s15;
	s19 =	simm.s32 $0x80  }
.LBB2_1:
0x18: {  	[spmem:s16], [sflag:s5] =	dma.local [hbm:s4], $0x2800  }
0x19: {  	_ =	swait.ge [sflag:s17], $0x2800  }
0x1a: {  	[sflag:s17] =	ssyncset.done $0x0  }
0x1b: {  	[sflag:s17] =	ssyncadd.s32 $0xFFFFD800  }
0x1c: {  	s26 =	sadd.s32 $0x0, s13;
	[bflag:$0x0] =	sbarrier.arrive $0xFFFF  }
0x1d: {  	[tilespmem:s3], [sflag:$0x1] =	stream.linear.gather [hbm4b:s26+s3], $0x80, $0x38;
	[tilespmem:$0x1C100] =	vst v63  }
0x1e: {  	_ = 	snop  }
0x1f: {  	[tilespmem:s18], [sflag:$0x2] =	stream.linear.gather [hbm4b:s12+s3], $0x4000, $0x38;
	[tilespmem:$0x1C100] =	vst v63  }
0x20: {  	s31 =	sadd.s32 $0x0, s14  }
0x21: {  	[tilespmem:s19], [sflag:$0x1] =	stream.linear.gather [hbm4b:s31+s3], $0x80, $0x38;
	[tilespmem:$0x1C100] =	vst v63  }
0x22: {  	_ = 	snop  }
0x23: {  	[tilespmem:s20], [sflag:$0x2] =	stream.linear.gather [hbm4b:s15+s3], $0x4000, $0x38;
	[tilespmem:$0x1C100] =	vst v63  }
0x24: {  	_ =	swait.ge [sflag:s21], $0x80  }
0x25: {  	[sflag:s21] =	ssyncset.done $0x0  }
0x26: {  	[sflag:s21] =	ssyncadd.s32 $0xFFFFFF80  }
0x27: {  	_ =	swait.ge [sflag:s22], $0x4000  }
0x28: {  	[sflag:s22] =	ssyncset.done $0x0  }
0x29: {  	[sflag:s22] =	ssyncadd.s32 $0xFFFFC000  }
0x2a: {  	_ =	swait.ge [sflag:s21], $0x80  }
0x2b: {  	[sflag:s21] =	ssyncset.done $0x0  }
0x2c: {  	[sflag:s21] =	ssyncadd.s32 $0xFFFFFF80  }
0x2d: {  	_ =	swait.ge [sflag:s22], $0x4000  }
0x2e: {  	[sflag:s22] =	ssyncset.done $0x0  }
0x2f: {  	[sflag:s22] =	ssyncadd.s32 $0xFFFFC000  }
0x30: {  	[spmem:s2] =	stream.indirect.scatter.add.f32 [tilespmem:s18], [sflag:$0x3], $0x80, s3, s19, $0xb8;
	[tilespmem:$0x1C100] =	vst v63  }
0x31: {  	_ = 	snop  }
0x32: {  	[spmem:s2] =	stream.indirect.scatter.add.f32 [tilespmem:s20], [sflag:$0x3], $0x80, s19, s19, $0xb8;
	[tilespmem:$0x1C100] =	vst v63  }
0x33: {  	_ =	swait.ge [sflag:s23], $0x4000  }
0x34: {  	[sflag:s23] =	ssyncset.done $0x0  }
0x35: {  	[sflag:s23] =	ssyncadd.s32 $0xFFFFC000  }
0x36: {  	s30 =	simm.s32 $0x800;
	s29 =	sadd.s32 $0x20000, s12;
	_ =	swait.ge [sflag:s23], $0x4000  }
0x37: {  	s28 =	sadd.s32 $0x20000, s15;
	s26 =	simm.s32 $0x400;
	[sflag:s23] =	ssyncset.done $0x0  }
.LBB2_2:
0x38: {  	s31 =	sadd.s32 s26, s13  }
0x39: {  	[sflag:s23] =	ssyncadd.s32 $0xFFFFC000;
	s0 =	smov.u32 s30;
	s1 =	sadd.s32 $0x400, s30  }
0x3a: {  	[tilespmem:s3], [sflag:$0x1] =	stream.linear.gather [hbm4b:s31+s3], $0x80, $0x38;
	[tilespmem:$0x1C100] =	vst v63  }
0x3b: {  	p1 =	sne.s32 s30, $0x4800  }
0x3c: {  	[tilespmem:s18], [sflag:$0x2] =	stream.linear.gather [hbm4b:s29+s3], $0x4000, $0x38;
	[tilespmem:$0x1C100] =	vst v63  }
0x3d: {  	s30 =	sadd.s32 s26, s14;
	s26 =	smov.u32 s0  }
0x3e: {  	[tilespmem:s19], [sflag:$0x1] =	stream.linear.gather [hbm4b:s30+s3], $0x80, $0x38;
	[tilespmem:$0x1C100] =	vst v63  }
0x3f: {  	_ = 	snop  }
0x40: {  	[tilespmem:s20], [sflag:$0x2] =	stream.linear.gather [hbm4b:s28+s3], $0x4000, $0x38;
	[tilespmem:$0x1C100] =	vst v63  }
0x41: {  	_ =	swait.ge [sflag:s21], $0x80  }
0x42: {  	[sflag:s21] =	ssyncset.done $0x0  }
0x43: {  	[sflag:s21] =	ssyncadd.s32 $0xFFFFFF80  }
0x44: {  	_ =	swait.ge [sflag:s22], $0x4000  }
0x45: {  	[sflag:s22] =	ssyncset.done $0x0  }
0x46: {  	[sflag:s22] =	ssyncadd.s32 $0xFFFFC000  }
0x47: {  	_ =	swait.ge [sflag:s21], $0x80  }
0x48: {  	[sflag:s21] =	ssyncset.done $0x0  }
0x49: {  	[sflag:s21] =	ssyncadd.s32 $0xFFFFFF80  }
0x4a: {  	_ =	swait.ge [sflag:s22], $0x4000  }
0x4b: {  	[sflag:s22] =	ssyncset.done $0x0  }
0x4c: {  	[sflag:s22] =	ssyncadd.s32 $0xFFFFC000  }
0x4d: {  	[spmem:s2] =	stream.indirect.scatter.add.f32 [tilespmem:s18], [sflag:$0x3], $0x80, s3, s19, $0xb8;
	[tilespmem:$0x1C100] =	vst v63  }
0x4e: {  	_ = 	snop  }
0x4f: {  	[spmem:s2] =	stream.indirect.scatter.add.f32 [tilespmem:s20], [sflag:$0x3], $0x80, s19, s19, $0xb8;
	[tilespmem:$0x1C100] =	vst v63  }
.Ltmp0:
0x50: {  	_ =	swait.ge [sflag:s23], $0x4000;
	(pc) =	sbr.rel @p1 .LBB2_2-.Ltmp0, $4  }
0x51: {  	[sflag:s23] =	ssyncset.done $0x0  }
0x52: {  	[sflag:s23] =	ssyncadd.s32 $0xFFFFC000  }
0x53: {  	s29 =	sadd.s32 $0x20000, s29;
	_ =	swait.ge [sflag:s23], $0x4000  }
0x54: {  	s30 =	smov.u32 s1;
	s28 =	sadd.s32 $0x20000, s28;
	[sflag:s23] =	ssyncset.done $0x0  }
0x55: {  	s0 =	sadd.s32 s26, s13;
	[sflag:s23] =	ssyncadd.s32 $0xFFFFC000  }
0x56: {  	[tilespmem:s3], [sflag:$0x1] =	stream.linear.gather [hbm4b:s0+s3], $0x80, $0x38;
	[tilespmem:$0x1C100] =	vst v63  }
0x57: {  	_ = 	snop  }
0x58: {  	[tilespmem:s18], [sflag:$0x2] =	stream.linear.gather [hbm4b:s29+s3], $0x4000, $0x38;
	[tilespmem:$0x1C100] =	vst v63  }
0x59: {  	s31 =	sadd.s32 s26, s14  }
0x5a: {  	[tilespmem:s19], [sflag:$0x1] =	stream.linear.gather [hbm4b:s31+s3], $0x80, $0x38;
	[tilespmem:$0x1C100] =	vst v63  }
0x5b: {  	_ = 	snop  }
0x5c: {  	[tilespmem:s20], [sflag:$0x2] =	stream.linear.gather [hbm4b:s28+s3], $0x4000, $0x38;
	[tilespmem:$0x1C100] =	vst v63  }
0x5d: {  	_ =	swait.ge [sflag:s21], $0x80  }
0x5e: {  	[sflag:s21] =	ssyncset.done $0x0  }
0x5f: {  	[sflag:s21] =	ssyncadd.s32 $0xFFFFFF80  }
0x60: {  	_ =	swait.ge [sflag:s22], $0x4000  }
0x61: {  	[sflag:s22] =	ssyncset.done $0x0  }
0x62: {  	[sflag:s22] =	ssyncadd.s32 $0xFFFFC000  }
0x63: {  	_ =	swait.ge [sflag:s21], $0x80  }
0x64: {  	[sflag:s21] =	ssyncset.done $0x0  }
0x65: {  	[sflag:s21] =	ssyncadd.s32 $0xFFFFFF80  }
0x66: {  	_ =	swait.ge [sflag:s22], $0x4000  }
0x67: {  	[sflag:s22] =	ssyncset.done $0x0  }
0x68: {  	[sflag:s22] =	ssyncadd.s32 $0xFFFFC000  }
0x69: {  	[spmem:s2] =	stream.indirect.scatter.add.f32 [tilespmem:s18], [sflag:$0x3], $0x80, s3, s19, $0xb8;
	[tilespmem:$0x1C100] =	vst v63  }
0x6a: {  	_ = 	snop  }
0x6b: {  	[spmem:s2] =	stream.indirect.scatter.add.f32 [tilespmem:s20], [sflag:$0x3], $0x80, s19, s19, $0xb8;
	[tilespmem:$0x1C100] =	vst v63  }
0x6c: {  	_ =	swait.ge [sflag:s23], $0x4000  }
0x6d: {  	[sflag:s23] =	ssyncset.done $0x0  }
0x6e: {  	[sflag:s23] =	ssyncadd.s32 $0xFFFFC000  }
0x6f: {  	_ =	swait.ge [sflag:s23], $0x4000  }
0x70: {  	[sflag:s23] =	ssyncset.done $0x0  }
0x71: {  	[sflag:s23] =	ssyncadd.s32 $0xFFFFC000  }
0x72: {  	[tilespmem:s3], [sflag:$0x5] =	stream.linear.gather [hbm4b:s8+s3], $0x80, $0x38;
	[tilespmem:$0x1C100] =	vst v63  }
0x73: {  	_ =	swait.ge [sflag:s24], $0x80  }
0x74: {  	[sflag:s24] =	ssyncset.done $0x0  }
0x75: {  	[sflag:s24] =	ssyncadd.s32 $0xFFFFFF80  }
0x76: {  	[tilespmem:s18], [sflag:$0x5] =	stream.linear.gather [hbm4b:s9+s3], $0x4000, $0x38;
	[tilespmem:$0x1C100] =	vst v63  }
0x77: {  	_ =	swait.ge [sflag:s24], $0x4000  }
0x78: {  	[sflag:s24] =	ssyncset.done $0x0  }
0x79: {  	[sflag:s24] =	ssyncadd.s32 $0xFFFFC000  }
0x7a: {  	[spmem:s2] =	stream.indirect.scatter.add.f32 [tilespmem:s18], [sflag:$0x4], $0x80, s3, s19, $0xb8;
	[tilespmem:$0x1C100] =	vst v63  }
0x7b: {  	_ =	swait.ge [sflag:s17], $0x4000  }
0x7c: {  	[sflag:s17] =	ssyncset.done $0x0  }
0x7d: {  	s1 =	simm.s32 @!p0 $0x5;
	s0 =	simm.s32 @!p0 $0x0;
	[sflag:s17] =	ssyncadd.s32 $0xFFFFC000  }
0x7e: {  	[tilespmem:s0], [sflag:$0x5] =	stream.linear.gather @!p0 [hbm4b:s10+s0], $0x80, $0x38;
	[tilespmem:$0x1C100] =	vst v63  }
0x7f: {  	_ =	swait.ge @!p0 [sflag:s1], $0x80  }
0x80: {  	[sflag:s1] =	ssyncset.done @!p0 $0x0  }
0x81: {  	s26 =	simm.s32 @!p0 $0x100;
	[sflag:s1] =	ssyncadd.s32 @!p0 $0xFFFFFF80  }
0x82: {  	[tilespmem:s26], [sflag:$0x5] =	stream.linear.gather @!p0 [hbm4b:s11+s0], $0x4000, $0x38;
	[tilespmem:$0x1C100] =	vst v63  }
0x83: {  	_ =	swait.ge @!p0 [sflag:s1], $0x4000  }
0x84: {  	[sflag:s1] =	ssyncset.done @!p0 $0x0  }
0x85: {  	[sflag:s1] =	ssyncadd.s32 @!p0 $0xFFFFC000;
	s1 =	simm.s32 @!p0 $0x80  }
0x86: {  	[spmem:s2] =	stream.indirect.scatter.add.f32 @!p0 [tilespmem:s26], [sflag:$0x4], $0x80, s0, s1, $0xb8;
	[tilespmem:$0x1C100] =	vst v63  }
0x87: {  	s0 =	simm.s32 @!p0 $0x4  }
0x88: {  	_ =	swait.ge @!p0 [sflag:s0], $0x4000  }
0x89: {  	s25 =	sadd.s32 $0x1, s25;
	[sflag:s0] =	ssyncset.done @!p0 $0x0  }
0x8a: {  	p1 =	sne.s32 s25, s7;
	[sflag:s0] =	ssyncadd.s32 @!p0 $0xFFFFC000  }
.Ltmp1:
0x8b: {  	[bflag:$0x0] =	sbarrier.arrive $0xFFFF;
	(pc) =	sbr.rel @p1 .LBB2_1-.Ltmp1, $4  }
0x8c: {  	[hbm:s6], [sflag:s5] =	dma.local [spmem:s16], $0x2800  }
0x8d: {  	_ =	swait.ge [sflag:s17], $0x2800  }
0x8e: {  	[sflag:s17] =	ssyncset.done $0x0  }
0x8f: {  	[sflag:s17] =	ssyncadd.s32 $0xFFFFD800  }
0x90: {  	_ =	sfence.sel $0x180000  }
0x91: {  	[bflag:$0x0] =	sbarrier.arrive $0xFFFF  }
0x92: {  	_ =	strace $0x9000004A  }
0x93: {  	s0 =	stileid.u32;
	[bflag:$0x2] =	sbarrier.arrive $0xFFFF  }
0x94: {  	p0 =	sne.s32 s0, $0x0;
	s0 =	rddreg [dreg:$0x2]  }
0x95: {  	s0 =	sadd.s32 @!p0 $0x100000, s0  }
0x96: {  	[sflag:s0] =	ssyncadd.tile.s32 @!p0 $0x1;
	_ =	shalt  }
.Lfunc_end2:
_tile_overlayer_lowered:
.L_overlay_start_2:
0x97: {  	(tag) =	ssettag $0x2  }
0x98: {  	s0 =	rddreg [dreg:$0x0];
	s2 =	stileid.u32  }
0x99: {  	s1 =	rddreg [dreg:$0x1];
	p0 =	sne.s32 s2, $0x0  }
0x9a: {  	s3 =	rddreg [dreg:$0x2];
	[bflag:$0x3] =	sbarrier.arrive $0xFFFF;
	s2 =	simm.s32 @!p0 $0x1C04  }
0x9b: {  	[timem:s3], [sflag:s2] =	dma.local @!p0 [hbm:s0], s1  }
0x9c: {  	s0 =	simm.s32 @!p0 $0x4  }
0x9d: {  	_ =	swait.ge @!p0 [sflag:s0], s1  }
0x9e: {  	s1 =	ssub.s32 @!p0 $0x0, s1;
	[sflag:s0] =	ssyncset.done @!p0 $0x0  }
0x9f: {  	[sflag:s0] =	ssyncadd.s32 @!p0 s1  }
0xa0: {  	[bflag:$0x3] =	sbarrier.arrive $0xFFFF  }
0xa1: {  	_ =	shalt  }

// kernel: kernel.16.cloned.1.call-start
scs
__scs_entry_jumppad:
0x0: {  	(pc) =	sbr.rel $0x88, $3  }
0x1: {  	(tag) =	ssettag $0x0;
	lr =	simm.s32 $0x1  }
0x2: {  	[smem:$0x3F90] =	sst lr;
	_ =	strace $0xD0000000  }
0x3: {  	_ = 	snop  }
0x4: {  	_ = 	snop  }
0x5: {  	_ = 	snop  }
0x6: {  	_ = 	snop  }
0x7: {  	_ = 	snop  }
__scs_overlays_trampoline_lowered:
0x8: {  	[smem:$0x3F9F] =	sst s0  }
0x9: {  	[smem:$0x3FA0] =	sst s1  }
0xa: {  	[smem:$0x3FA1] =	sst s2  }
0xb: {  	[smem:$0x3FA2] =	sst s3  }
0xc: {  	[smem:$0x3FA3] =	sst s4  }
0xd: {  	[smem:$0x3FA4] =	sst s5  }
0xe: {  	[smem:$0x3FA5] =	sst s6  }
0xf: {  	[smem:$0x3FA6] =	sst s7  }
0x10: {  	[smem:$0x3FA7] =	sst s8  }
0x11: {  	[smem:$0x3FA8] =	sst s9;
	s0 =	simm.s32 @!p0 $0x0  }
0x12: {  	s1 =	sld [smem:$0x3F8E];
	s0 =	simm.s32 @p0 $0x1  }
0x13: {  	[smem:$0x3FA9] =	sst s0;
	s0 =	simm.s32 @!p1 $0x0  }
0x14: {  	s2 =	sld [smem:$0x3F8D];
	s0 =	simm.s32 @p1 $0x1  }
0x15: {  	[smem:$0x3FAA] =	sst s0;
	s0 =	simm.s32 @!p2 $0x0  }
0x16: {  	s3 =	sld [smem:$0x3FDB];
	s0 =	simm.s32 @p2 $0x1  }
0x17: {  	s4 =	simm.s32 $0x1BF5;
	[smem:$0x3FAC] =	sst s0  }
0x18: {  	s0 =	sld [smem:$0x3F8F];
	_ =	swait.ge [sflag:s4], $0x0  }
0x19: {  	s7 =	sld [smem:$0x3F90]  }
0x1a: {  	s8 =	sadd.s32 $0xFFFFE003, lr  }
0x1b: {  	s9 =	sadd.s32 $0xFFFFFEF7, lr;
	s5 =	simm.s32 $0xFFFFFFFF;
	p2 =	slt.u32 s8, $0xFFFFF086  }
0x1c: {  	p1 =	slt.u32 s9, $0xF7A;
	s5 =	simm.s32 @!p2 $0x0  }
0x1d: {  	s5 =	simm.s32 @p1 $0x1;
	p0 =	seq.s32 s7, s2  }
0x1e: {  	s7 =	smul.u32 @!p0 $0xF7A, s2;
	p2 =	seq.s32 @!p0 s5, $0x0  }
0x1f: {  	s9 =	smul.u32 $0xF7A, s1;
	s8 =	simm.s32 @!p0 $0x1BF5;
	p2 =	por !p2, p0  }
0x20: {  	[sflag:s8] =	ssyncset.s32 @!p0 $0xFFFFF086;
	s6 =	sadd.s32 @!p0 s3, s7;
	s7 =	simm.s32 @!p0 $0x108  }
0x21: {  	s3 =	sadd.s32 s3, s9;
	s6 =	sadd.s32 @!p0 $0x88, s6;
	s7 =	simm.s32 @p2 $0x1082  }
0x22: {  	[simem:s7], [sflag:s8] =	dma.local @!p0 [hbm:s6], $0xF7A  }
0x23: {  	s9 =	sor.u32 $0xD0000000, s2;
	s6 =	simm.s32 $0x108;
	_ =	swait.ge @!p0 [sflag:s8], $0x0  }
0x24: {  	s3 =	sadd.s32 $0x88, s3;
	s6 =	simm.s32 @!p1 $0x1082;
	[sflag:s4] =	ssyncset.s32 $0xFFFFF086  }
0x25: {  	[simem:s6], [sflag:s4] =	dma.local [hbm:s3], $0xF7A  }
0x26: {  	[smem:$0x3F90] =	sst s1;
	(tag) =	ssettag s2;
	_ =	strace s9  }
0x27: {  	s1 =	sld [smem:$0x3FA0]  }
0x28: {  	s2 =	sld [smem:$0x3FA1]  }
0x29: {  	s4 =	sld [smem:$0x3FA3]  }
0x2a: {  	p0 =	seq.s32 s5, $0x0;
	s5 =	sld [smem:$0x3FA4]  }
0x2b: {  	s6 =	sld [smem:$0x3FA5]  }
0x2c: {  	s7 =	sld [smem:$0x3FA6]  }
0x2d: {  	s3 =	simm.s32 $0x108;
	s8 =	sld [smem:$0x3FA7]  }
0x2e: {  	s3 =	simm.s32 @!p0 $0x1082;
	s9 =	sld [smem:$0x3FA8]  }
0x2f: {  	lr =	sadd.s32 s0, s3;
	s0 =	sld [smem:$0x3F9F]  }
0x30: {  	s3 =	sld [smem:$0x3FA2]  }
0x31: {  	[smem:$0x3FAB] =	sst s10  }
0x32: {  	s10 =	sld [smem:$0x3FA9];
	_ =	sdelay $0x3  }
0x33: {  	p0 =	seq.s32 s10, $0x1;
	s10 =	sld [smem:$0x3FAB];
	_ =	sdelay $0x3  }
0x34: {  	[smem:$0x3FAB] =	sst s10  }
0x35: {  	s10 =	sld [smem:$0x3FAA];
	_ =	sdelay $0x3  }
0x36: {  	p1 =	seq.s32 s10, $0x1;
	s10 =	sld [smem:$0x3FAB];
	_ =	sdelay $0x3  }
0x37: {  	[smem:$0x3FAB] =	sst s10  }
0x38: {  	s10 =	sld [smem:$0x3FAC]  }
0x39: {  	_ = 	snop;
	(pc) =	sbr.ind lr, $3  }
0x3a: {  	_ = 	snop  }
0x3b: {  	_ = 	snop  }
0x3c: {  	p2 =	seq.s32 s10, $0x1;
	s10 =	sld [smem:$0x3FAB]  }
0x3d: {  	_ =	shalt  }
0x3e: {  	_ =	shalt  }
0x3f: {  	_ =	shalt  }
0x40: {  	_ =	shalt  }
0x41: {  	_ =	shalt  }
0x42: {  	_ =	shalt  }
0x43: {  	_ =	shalt  }
0x44: {  	_ =	shalt  }
0x45: {  	_ =	shalt  }
0x46: {  	_ =	shalt  }
0x47: {  	_ =	shalt  }
0x48: {  	_ =	shalt  }
0x49: {  	_ =	shalt  }
0x4a: {  	_ =	shalt  }
0x4b: {  	_ =	shalt  }
0x4c: {  	_ =	shalt  }
0x4d: {  	_ =	shalt  }
0x4e: {  	_ =	shalt  }
0x4f: {  	_ =	shalt  }
0x50: {  	_ =	shalt  }
0x51: {  	_ =	shalt  }
0x52: {  	_ =	shalt  }
0x53: {  	_ =	shalt  }
0x54: {  	_ =	shalt  }
0x55: {  	_ =	shalt  }
0x56: {  	_ =	shalt  }
0x57: {  	_ =	shalt  }
0x58: {  	_ =	shalt  }
0x59: {  	_ =	shalt  }
0x5a: {  	_ =	shalt  }
0x5b: {  	_ =	shalt  }
0x5c: {  	_ =	shalt  }
0x5d: {  	_ =	shalt  }
0x5e: {  	_ =	shalt  }
0x5f: {  	_ =	shalt  }
0x60: {  	_ =	shalt  }
0x61: {  	_ =	shalt  }
0x62: {  	_ =	shalt  }
0x63: {  	_ =	shalt  }
0x64: {  	_ =	shalt  }
0x65: {  	_ =	shalt  }
0x66: {  	_ =	shalt  }
0x67: {  	_ =	shalt  }
0x68: {  	_ =	shalt  }
0x69: {  	_ =	shalt  }
0x6a: {  	_ =	shalt  }
0x6b: {  	_ =	shalt  }
0x6c: {  	_ =	shalt  }
0x6d: {  	_ =	shalt  }
0x6e: {  	_ =	shalt  }
0x6f: {  	_ =	shalt  }
0x70: {  	_ =	shalt  }
0x71: {  	_ =	shalt  }
0x72: {  	_ =	shalt  }
0x73: {  	_ =	shalt  }
0x74: {  	_ =	shalt  }
0x75: {  	_ =	shalt  }
0x76: {  	_ =	shalt  }
0x77: {  	_ =	shalt  }
0x78: {  	_ =	shalt  }
0x79: {  	_ =	shalt  }
0x7a: {  	_ =	shalt  }
0x7b: {  	_ =	shalt  }
0x7c: {  	_ =	shalt  }
0x7d: {  	_ =	shalt  }
0x7e: {  	_ =	shalt  }
0x7f: {  	_ =	shalt  }
0x80: {  	_ =	shalt  }
0x81: {  	_ =	shalt  }
0x82: {  	_ =	shalt  }
0x83: {  	_ =	shalt  }
0x84: {  	_ =	shalt  }
0x85: {  	_ =	shalt  }
0x86: {  	_ =	shalt  }
0x87: {  	_ =	shalt  }
.Lfunc_end0:
.L_simem_size_0:
called_computation.2_lowered:
.L_overlay_start_0:
0x88: {  	s2 =	sld [smem:$0x3FD9]  }
0x89: {  	s3 =	sld [smem:$0x3FFE];
	_ =	sdelay $0x1  }
0x8a: {  	s1 =	srdreg.scid  }
0x8b: {  	s0 =	sand.u32 $0x1, s1  }
0x8c: {  	s16 =	sshll.u32 s0, $0xA;
	s2 =	sadd.s32 s3, s2  }
0x8d: {  	s2 =	sadd.s32 s2, s16  }
0x8e: {  	[smem:$0x3FB7] =	sst s2  }
0x8f: {  	_ = 	snop  }
0x90: {  	(tm) =	ssettm $0x1  }
0x91: {  	s17 =	sld [smem:$0x3FFB];
	_ =	sdelay $0x3  }
0x92: {  	_ =	strace s17  }
0x93: {  	s2 =	sld [smem:$0x3FFC];
	_ =	sdelay $0x3  }
0x94: {  	_ =	strace s2  }
0x95: {  	s2 =	sld [smem:$0x3FFD];
	_ =	sdelay $0x3  }
0x96: {  	_ =	strace s2  }
0x97: {  	_ =	strace $0x8FFFFFFF  }
0x98: {  	s18 =	sld [smem:$0x3FDB];
	_ =	sdelay $0x1  }
0x99: {  	s19 =	simm.s32 $_scs_section_size  }
0x9a: {  	s4 =	simm.s32 $_size__tile_overlayer_lowered;
	s5 =	simm.s32 $_tile_overlayer_lowered  }
0x9b: {  	s22 =	simm.s32 $0x1BFF;
	s21 =	sshll.u32 s5, $0x1;
	s2 =	sadd.s32 s19, s18  }
0x9c: {  	s6 =	simm.s32 $0x0;
	s20 =	sshll.u32 s4, $0x1;
	s4 =	sadd.s32 s21, s2  }
0x9d: {  	[timem:s6], [sflag:s22] =	dma.local [hbm:s4], s20  }
0x9e: {  	_ =	swait.ge [sflag:s22], s20  }
0x9f: {  	s3 =	ssub.s32 $0x0, s20;
	[sflag:s22] =	ssyncset.done $0x0  }
0xa0: {  	[sflag:s22] =	ssyncadd.s32 s3;
	_ =	sdelay $0x1  }
0xa1: {  	s23 =	simm.s32 $0x1B8B  }
0xa2: {  	_ =	swait.ge [sflag:s23], $0x1  }
0xa3: {  	[sflag:s23] =	ssyncset.done $0x0  }
0xa4: {  	s25 =	simm.s32 $0x1B8E;
	s24 =	sld [smem:$0x3FFE];
	[sflag:s23] =	ssyncadd.s32 $0xFFFFFFFF  }
0xa5: {  	s26 =	simm.s32 $execute0_lowered;
	[smem:$0x3FD2] =	sst s25  }
0xa6: {  	s4 =	sshll.u32 s26, $0x1;
	_ =	strace $0x8000004C;
	[dreg:$0x1] =	wrdreg $0xFFFFFFFF  }
0xa7: {  	s28 =	simm.s32 $_size_execute0_lowered;
	s2 =	sadd.s32 s2, s4;
	[dreg:$0x0] =	wrdreg $0x0  }
0xa8: {  	s4 =	sshll.u32 s28, $0x1;
	[dreg:$0x2] =	wrdreg s2  }
0xa9: {  	[dreg:$0x3] =	wrdreg s4  }
0xaa: {  	[dreg:$0x4] =	wrdreg $0xC0  }
0xab: {  	_ =	task [dreg:s6], $0x5FFFF  }
0xac: {  	[dreg:$0x1] =	wrdreg $0xFFFFFFFF  }
0xad: {  	[dreg:$0x0] =	wrdreg $0x60  }
0xae: {  	[dreg:$0x2] =	wrdreg s24  }
0xaf: {  	[dreg:$0x3] =	wrdreg $0x9  }
0xb0: {  	_ =	task.clear_ibuf [dreg:s6], $0x4FFFF;
	_ =	strace $0x9000004C  }
0xb1: {  	s29 =	simm.s32 $0x9;
	_ =	strace $0x8000004E  }
0xb2: {  	_ =	swait.ge [sflag:s29], $0x1  }
0xb3: {  	[sflag:s29] =	ssyncadd.s32 $0xFFFFFFFF  }
0xb4: {  	_ =	strace $0x9000004E  }
0xb5: {  	_ =	sfence  }
0xb6: {  	s30 =	sld [smem:$0x0];
	_ =	sdelay $0x2  }
0xb7: {  	s31 =	sshll.u32 s1, $0xD;
	s1 =	sshrl.u32 s1, $0x2  }
0xb8: {  	s3 =	sand.u32 $0x4000, s31;
	s1 =	sadd.s32 s1, s30  }
0xb9: {  	s0 =	sor.u32 s3, s0;
	s1 =	sshll.u32 s1, $0x11  }
0xba: {  	s0 =	sor.u32 s1, s0  }
0xbb: {  	s0 =	sadd.s32 $0x8F2B, s0  }
0xbc: {  	[sflag:s0] =	ssyncadd.remote.s32 $0x1  }
0xbd: {  	_ =	sfence.sel $0xFFFF  }
0xbe: {  	[dreg:$0x0] =	wrdreg $0xFFFFFFFF;
	(pc) =	sbr.abs _section_cstart, $3  }
0xbf: {  	[dreg:$0x1] =	wrdreg $0xFFFFFFFF  }
0xc0: {  	_ =	task.clear_ibuf [dreg:s6], $0x2FFFF;
	_ =	strace $0x9FFFFFFF  }
0xc1: {  	(tm) =	ssettm $0x7FFFFFFF  }
tec
execute0_lowered:
.L_overlay_start_1:
0x0: {  	(tag) =	ssettag $0x1  }
0x1: {  	s0 =	rddreg [dreg:$0x0]  }
0x2: {  	s1 =	simm.s32 $0x0;
	s2 =	srdreg.scid;
	s10 =	stileid.u32  }
0x3: {  	s28 =	simm.s32 $0x8200;
	s29 =	simm.s32 $0xC200;
	s30 =	simm.s32 $0x2  }
0x4: {  	s31 =	simm.s32 $0x3;
	[smem:$0x7FF] =	sst s1;
	s2 =	sand.u32 $0x1, s2  }
0x5: {  	s3 =	sadd.s32 $0x36800, s0;
	s6 =	sshll.u32 s10, $0x1;
	s7 =	sadd.s32 $0x4800, s0  }
0x6: {  	s0 =	sadd.s32 $0x4F0800, s0;
	s22 =	sshll.u32 s10, $0xC;
	s25 =	sshll.u32 s10, $0x8  }
0x7: {  	s10 =	sshll.u32 s10, $0x5;
	_ =	strace $0x8000004D;
	s4 =	ssub.s32 $0x2, s2  }
0x8: {  	s12 =	sor.u32 s2, s6;
	s24 =	sadd.s32 s22, s0;
	s9 =	sshll.u32 s2, $0xB  }
0x9: {  	s26 =	sshll.u32 s2, $0x7;
	s2 =	sshll.u32 s2, $0x4;
	s5 =	sshrl.u32 s4, $0x1  }
0xa: {  	s13 =	sor.u32 $0x480, s12;
	s8 =	sor.u32 $0x4A0, s12;
	s17 =	sor.u32 $0x4C0, s12  }
0xb: {  	s2 =	sor.u32 s2, s10;
	s4 =	ssub.s32 s4, s5;
	s14 =	sshll.u32 s13, $0x4  }
0xc: {  	s15 =	sshll.u32 s8, $0x4;
	s16 =	sshll.u32 s8, $0xB;
	s18 =	sshll.u32 s17, $0x4  }
0xd: {  	s5 =	sor.u32 $0x4E0, s12;
	s19 =	sshll.u32 s17, $0xB;
	s2 =	sadd.s32 s2, s7  }
0xe: {  	s4 =	smax.u32 s4, $0x1;
	s6 =	sadd.s32 s7, s14;
	s20 =	sshll.u32 s5, $0x4  }
0xf: {  	s23 =	sshll.u32 s5, $0xB;
	p0 =	sgt.u32 s5, $0x4E1;
	[dreg:$0x2] =	wrdreg s4  }
0x10: {  	s4 =	sshll.u32 s13, $0xB;
	[dreg:$0x3] =	wrdreg s6;
	s21 =	sadd.s32 s7, s20  }
0x11: {  	s12 =	sadd.s32 s0, s23;
	s13 =	sadd.s32 s9, s24;
	s6 =	sor.u32 s26, s25  }
0x12: {  	s20 =	sadd.s32 $0x200, s2;
	s23 =	simm.s32 $0x180;
	s24 =	simm.s32 $0x1  }
0x13: {  	s25 =	simm.s32 $0x200;
	s4 =	sadd.s32 s0, s4;
	[dreg:$0x9] =	wrdreg s21  }
0x14: {  	s26 =	simm.s32 $0x4200;
	[dreg:$0x4] =	wrdreg s4;
	s4 =	sadd.s32 s7, s15  }
0x15: {  	s6 =	sshrl.u32 s6, $0x3;
	[dreg:$0x5] =	wrdreg s4;
	s4 =	sadd.s32 s0, s16  }
0x16: {  	s21 =	simm.s32 $0x80;
	[dreg:$0x6] =	wrdreg s4;
	s4 =	sadd.s32 s7, s18  }
0x17: {  	s8 =	sadd.s32 s6, s7;
	[dreg:$0x7] =	wrdreg s4;
	s4 =	sadd.s32 s0, s19  }
0x18: {  	s18 =	sadd.s32 $0x400, s2;
	[dreg:$0x8] =	wrdreg s4;
	s4 =	sor.u32 s9, s22  }
0x19: {  	s9 =	sadd.s32 $0x600, s2;
	s22 =	simm.s32 $0x100;
	s0 =	sadd.s32 s4, s0  }
0x1a: {  	s2 =	simm.s32 $0x4;
	s4 =	simm.s32 $0x0;
	s15 =	sadd.s32 $0x30000, s0  }
0x1b: {  	s17 =	sadd.s32 $0x20000, s0;
	s19 =	sadd.s32 $0x10000, s0;
	s0 =	simm.s32 $0x5  }
.LBB2_1:
0x1c: {  	[tilespmem:s1], [sflag:$0x1] =	stream.linear.gather [hbm4b:s8+s1], $0x80, $0x38;
	[tilespmem:$0x10200] =	vst v63  }
0x1d: {  	_ = 	snop  }
0x1e: {  	[tilespmem:s21], [sflag:$0x1] =	stream.linear.gather [hbm4b:s20+s1], $0x80, $0x38;
	[tilespmem:$0x10200] =	vst v63  }
0x1f: {  	_ = 	snop  }
0x20: {  	[tilespmem:s22], [sflag:$0x1] =	stream.linear.gather [hbm4b:s18+s1], $0x80, $0x38;
	[tilespmem:$0x10200] =	vst v63  }
0x21: {  	_ = 	snop  }
0x22: {  	[tilespmem:s23], [sflag:$0x1] =	stream.linear.gather [hbm4b:s9+s1], $0x80, $0x38;
	[tilespmem:$0x10200] =	vst v63  }
0x23: {  	_ =	swait.ge [sflag:s24], $0x80  }
0x24: {  	[sflag:s24] =	ssyncset.done $0x0  }
0x25: {  	[sflag:s24] =	ssyncadd.s32 $0xFFFFFF80  }
0x26: {  	_ =	swait.ge [sflag:s24], $0x80  }
0x27: {  	[sflag:s24] =	ssyncset.done $0x0  }
0x28: {  	[sflag:s24] =	ssyncadd.s32 $0xFFFFFF80  }
0x29: {  	_ =	swait.ge [sflag:s24], $0x80  }
0x2a: {  	[sflag:s24] =	ssyncset.done $0x0  }
0x2b: {  	[sflag:s24] =	ssyncadd.s32 $0xFFFFFF80  }
0x2c: {  	_ =	swait.ge [sflag:s24], $0x80  }
0x2d: {  	[sflag:s24] =	ssyncset.done $0x0  }
0x2e: {  	[sflag:s24] =	ssyncadd.s32 $0xFFFFFF80  }
0x2f: {  	[tilespmem:s25], [sflag:$0x2] =	stream.indirect.gather [hbm4b:s3+s21], $0x80, s1, s21, $0xb8;
	[tilespmem:$0x10200] =	vst v63  }
0x30: {  	_ = 	snop  }
0x31: {  	[tilespmem:s26], [sflag:$0x2] =	stream.indirect.gather [hbm4b:s3+s21], $0x80, s21, s21, $0xb8;
	[tilespmem:$0x10200] =	vst v63  }
0x32: {  	_ = 	snop  }
0x33: {  	[tilespmem:s28], [sflag:$0x2] =	stream.indirect.gather [hbm4b:s3+s21], $0x80, s22, s21, $0xb8;
	[tilespmem:$0x10200] =	vst v63  }
0x34: {  	_ = 	snop  }
0x35: {  	[tilespmem:s29], [sflag:$0x2] =	stream.indirect.gather [hbm4b:s3+s21], $0x80, s23, s21, $0xb8;
	[tilespmem:$0x10200] =	vst v63  }
0x36: {  	_ =	swait.ge [sflag:s30], $0x4000  }
0x37: {  	[sflag:s30] =	ssyncset.done $0x0  }
0x38: {  	[sflag:s30] =	ssyncadd.s32 $0xFFFFC000  }
0x39: {  	_ =	swait.ge [sflag:s30], $0x4000  }
0x3a: {  	[sflag:s30] =	ssyncset.done $0x0  }
0x3b: {  	[sflag:s30] =	ssyncadd.s32 $0xFFFFC000  }
0x3c: {  	_ =	swait.ge [sflag:s30], $0x4000  }
0x3d: {  	[sflag:s30] =	ssyncset.done $0x0  }
0x3e: {  	[sflag:s30] =	ssyncadd.s32 $0xFFFFC000  }
0x3f: {  	_ =	swait.ge [sflag:s30], $0x4000  }
0x40: {  	[sflag:s30] =	ssyncset.done $0x0  }
0x41: {  	s5 =	sadd.s32 $0x0, s13;
	[sflag:s30] =	ssyncadd.s32 $0xFFFFC000  }
0x42: {  	[hbm4b:s5+s1] =	stream.linear.scatter [tilespmem:s25], [sflag:$0x3], $0x4000, $0x38;
	[tilespmem:$0x10200] =	vst v63  }
0x43: {  	s11 =	sadd.s32 $0x0, s19  }
0x44: {  	[hbm4b:s11+s1] =	stream.linear.scatter [tilespmem:s26], [sflag:$0x3], $0x4000, $0x38;
	[tilespmem:$0x10200] =	vst v63  }
0x45: {  	s14 =	sadd.s32 $0x0, s17  }
0x46: {  	[hbm4b:s14+s1] =	stream.linear.scatter [tilespmem:s28], [sflag:$0x3], $0x4000, $0x38;
	[tilespmem:$0x10200] =	vst v63  }
0x47: {  	s16 =	sadd.s32 $0x0, s15  }
0x48: {  	[hbm4b:s16+s1] =	stream.linear.scatter [tilespmem:s29], [sflag:$0x3], $0x4000, $0x38;
	[tilespmem:$0x10200] =	vst v63  }
0x49: {  	_ =	swait.ge [sflag:s31], $0x4000  }
0x4a: {  	[sflag:s31] =	ssyncset.done $0x0  }
0x4b: {  	[sflag:s31] =	ssyncadd.s32 $0xFFFFC000  }
0x4c: {  	_ =	swait.ge [sflag:s31], $0x4000  }
0x4d: {  	[sflag:s31] =	ssyncset.done $0x0  }
0x4e: {  	[sflag:s31] =	ssyncadd.s32 $0xFFFFC000  }
0x4f: {  	_ =	swait.ge [sflag:s31], $0x4000  }
0x50: {  	[sflag:s31] =	ssyncset.done $0x0  }
0x51: {  	s6 =	sadd.s32 $0x800, s18;
	[sflag:s31] =	ssyncadd.s32 $0xFFFFC000  }
0x52: {  	s7 =	sadd.s32 $0x800, s20;
	s5 =	simm.s32 $0x40000;
	_ =	swait.ge [sflag:s31], $0x4000  }
0x53: {  	s14 =	smov.u32 s8;
	s16 =	smov.u32 s9;
	[sflag:s31] =	ssyncset.done $0x0  }
.LBB2_2:
0x54: {  	[sflag:s31] =	ssyncadd.s32 $0xFFFFC000;
	s14 =	sadd.s32 $0x800, s14;
	s16 =	sadd.s32 $0x800, s16  }
0x55: {  	[tilespmem:s1], [sflag:$0x1] =	stream.linear.gather [hbm4b:s14+s1], $0x80, $0x38;
	[tilespmem:$0x10200] =	vst v63  }
0x56: {  	p1 =	sne.s32 s5, $0x200000;
	s10 =	smov.u32 s5;
	s5 =	sadd.s32 $0x40000, s5  }
0x57: {  	[tilespmem:s21], [sflag:$0x1] =	stream.linear.gather [hbm4b:s7+s1], $0x80, $0x38;
	[tilespmem:$0x10200] =	vst v63  }
0x58: {  	_ = 	snop  }
0x59: {  	[tilespmem:s22], [sflag:$0x1] =	stream.linear.gather [hbm4b:s6+s1], $0x80, $0x38;
	[tilespmem:$0x10200] =	vst v63  }
0x5a: {  	_ = 	snop  }
0x5b: {  	[tilespmem:s23], [sflag:$0x1] =	stream.linear.gather [hbm4b:s16+s1], $0x80, $0x38;
	[tilespmem:$0x10200] =	vst v63  }
0x5c: {  	_ =	swait.ge [sflag:s24], $0x80  }
0x5d: {  	[sflag:s24] =	ssyncset.done $0x0  }
0x5e: {  	[sflag:s24] =	ssyncadd.s32 $0xFFFFFF80  }
0x5f: {  	_ =	swait.ge [sflag:s24], $0x80  }
0x60: {  	[sflag:s24] =	ssyncset.done $0x0  }
0x61: {  	[sflag:s24] =	ssyncadd.s32 $0xFFFFFF80  }
0x62: {  	_ =	swait.ge [sflag:s24], $0x80  }
0x63: {  	[sflag:s24] =	ssyncset.done $0x0  }
0x64: {  	[sflag:s24] =	ssyncadd.s32 $0xFFFFFF80  }
0x65: {  	_ =	swait.ge [sflag:s24], $0x80  }
0x66: {  	[sflag:s24] =	ssyncset.done $0x0  }
0x67: {  	[sflag:s24] =	ssyncadd.s32 $0xFFFFFF80  }
0x68: {  	[tilespmem:s25], [sflag:$0x2] =	stream.indirect.gather [hbm4b:s3+s21], $0x80, s1, s21, $0xb8;
	[tilespmem:$0x10200] =	vst v63  }
0x69: {  	_ = 	snop  }
0x6a: {  	[tilespmem:s26], [sflag:$0x2] =	stream.indirect.gather [hbm4b:s3+s21], $0x80, s21, s21, $0xb8;
	[tilespmem:$0x10200] =	vst v63  }
0x6b: {  	_ = 	snop  }
0x6c: {  	[tilespmem:s28], [sflag:$0x2] =	stream.indirect.gather [hbm4b:s3+s21], $0x80, s22, s21, $0xb8;
	[tilespmem:$0x10200] =	vst v63  }
0x6d: {  	_ = 	snop  }
0x6e: {  	[tilespmem:s29], [sflag:$0x2] =	stream.indirect.gather [hbm4b:s3+s21], $0x80, s23, s21, $0xb8;
	[tilespmem:$0x10200] =	vst v63  }
0x6f: {  	_ =	swait.ge [sflag:s30], $0x4000  }
0x70: {  	[sflag:s30] =	ssyncset.done $0x0  }
0x71: {  	[sflag:s30] =	ssyncadd.s32 $0xFFFFC000  }
0x72: {  	_ =	swait.ge [sflag:s30], $0x4000  }
0x73: {  	[sflag:s30] =	ssyncset.done $0x0  }
0x74: {  	[sflag:s30] =	ssyncadd.s32 $0xFFFFC000  }
0x75: {  	_ =	swait.ge [sflag:s30], $0x4000  }
0x76: {  	[sflag:s30] =	ssyncset.done $0x0  }
0x77: {  	[sflag:s30] =	ssyncadd.s32 $0xFFFFC000  }
0x78: {  	_ =	swait.ge [sflag:s30], $0x4000  }
0x79: {  	[sflag:s30] =	ssyncset.done $0x0  }
0x7a: {  	s11 =	sadd.s32 s10, s13;
	[sflag:s30] =	ssyncadd.s32 $0xFFFFC000  }
0x7b: {  	[hbm4b:s11+s1] =	stream.linear.scatter [tilespmem:s25], [sflag:$0x3], $0x4000, $0x38;
	[tilespmem:$0x10200] =	vst v63  }
0x7c: {  	s11 =	sadd.s32 s10, s19  }
0x7d: {  	[hbm4b:s11+s1] =	stream.linear.scatter [tilespmem:s26], [sflag:$0x3], $0x4000, $0x38;
	[tilespmem:$0x10200] =	vst v63  }
0x7e: {  	s11 =	sadd.s32 s10, s17  }
0x7f: {  	[hbm4b:s11+s1] =	stream.linear.scatter [tilespmem:s28], [sflag:$0x3], $0x4000, $0x38;
	[tilespmem:$0x10200] =	vst v63  }
0x80: {  	s10 =	sadd.s32 s10, s15  }
0x81: {  	[hbm4b:s10+s1] =	stream.linear.scatter [tilespmem:s29], [sflag:$0x3], $0x4000, $0x38;
	[tilespmem:$0x10200] =	vst v63  }
0x82: {  	_ =	swait.ge [sflag:s31], $0x4000  }
0x83: {  	[sflag:s31] =	ssyncset.done $0x0  }
0x84: {  	[sflag:s31] =	ssyncadd.s32 $0xFFFFC000  }
0x85: {  	_ =	swait.ge [sflag:s31], $0x4000  }
0x86: {  	[sflag:s31] =	ssyncset.done $0x0  }
0x87: {  	[sflag:s31] =	ssyncadd.s32 $0xFFFFC000  }
.Ltmp0:
0x88: {  	_ =	swait.ge [sflag:s31], $0x4000;
	(pc) =	sbr.rel @p1 .LBB2_2-.Ltmp0, $4  }
0x89: {  	[sflag:s31] =	ssyncset.done $0x0  }
0x8a: {  	[sflag:s31] =	ssyncadd.s32 $0xFFFFC000  }
0x8b: {  	_ =	swait.ge [sflag:s31], $0x4000  }
0x8c: {  	s7 =	sadd.s32 $0x800, s7;
	s6 =	sadd.s32 $0x800, s6;
	[sflag:s31] =	ssyncset.done $0x0  }
0x8d: {  	[sflag:s31] =	ssyncadd.s32 $0xFFFFC000;
	s5 =	rddreg [dreg:$0x3]  }
0x8e: {  	[tilespmem:s1], [sflag:$0x5] =	stream.linear.gather [hbm4b:s5+s1], $0x80, $0x38;
	[tilespmem:$0x10200] =	vst v63  }
0x8f: {  	_ =	swait.ge [sflag:s0], $0x80  }
0x90: {  	[sflag:s0] =	ssyncset.done $0x0  }
0x91: {  	[sflag:s0] =	ssyncadd.s32 $0xFFFFFF80  }
0x92: {  	[tilespmem:s25], [sflag:$0x2] =	stream.indirect.gather [hbm4b:s3+s21], $0x80, s1, s21, $0xb8;
	[tilespmem:$0x10200] =	vst v63  }
0x93: {  	_ =	swait.ge [sflag:s30], $0x4000  }
0x94: {  	[sflag:s30] =	ssyncset.done $0x0  }
0x95: {  	s6 =	rddreg [dreg:$0x4];
	[sflag:s30] =	ssyncadd.s32 $0xFFFFC000  }
0x96: {  	[hbm4b:s6+s1] =	stream.linear.scatter [tilespmem:s25], [sflag:$0x4], $0x4000, $0x38;
	[tilespmem:$0x10200] =	vst v63  }
0x97: {  	_ =	swait.ge [sflag:s2], $0x4000  }
0x98: {  	[sflag:s2] =	ssyncset.done $0x0  }
0x99: {  	s7 =	rddreg [dreg:$0x5];
	[sflag:s2] =	ssyncadd.s32 $0xFFFFC000  }
0x9a: {  	[tilespmem:s1], [sflag:$0x5] =	stream.linear.gather [hbm4b:s7+s1], $0x80, $0x38;
	[tilespmem:$0x10200] =	vst v63  }
0x9b: {  	_ =	swait.ge [sflag:s0], $0x80  }
0x9c: {  	[sflag:s0] =	ssyncset.done $0x0  }
0x9d: {  	[sflag:s0] =	ssyncadd.s32 $0xFFFFFF80  }
0x9e: {  	[tilespmem:s25], [sflag:$0x2] =	stream.indirect.gather [hbm4b:s3+s21], $0x80, s1, s21, $0xb8;
	[tilespmem:$0x10200] =	vst v63  }
0x9f: {  	_ =	swait.ge [sflag:s30], $0x4000  }
0xa0: {  	[sflag:s30] =	ssyncset.done $0x0  }
0xa1: {  	s10 =	rddreg [dreg:$0x6];
	[sflag:s30] =	ssyncadd.s32 $0xFFFFC000  }
0xa2: {  	[hbm4b:s10+s1] =	stream.linear.scatter [tilespmem:s25], [sflag:$0x4], $0x4000, $0x38;
	[tilespmem:$0x10200] =	vst v63  }
0xa3: {  	_ =	swait.ge [sflag:s2], $0x4000  }
0xa4: {  	[sflag:s2] =	ssyncset.done $0x0  }
0xa5: {  	s11 =	rddreg [dreg:$0x7];
	[sflag:s2] =	ssyncadd.s32 $0xFFFFC000  }
0xa6: {  	[tilespmem:s1], [sflag:$0x5] =	stream.linear.gather [hbm4b:s11+s1], $0x80, $0x38;
	[tilespmem:$0x10200] =	vst v63  }
0xa7: {  	_ =	swait.ge [sflag:s0], $0x80  }
0xa8: {  	[sflag:s0] =	ssyncset.done $0x0  }
0xa9: {  	[sflag:s0] =	ssyncadd.s32 $0xFFFFFF80  }
0xaa: {  	[tilespmem:s25], [sflag:$0x2] =	stream.indirect.gather [hbm4b:s3+s21], $0x80, s1, s21, $0xb8;
	[tilespmem:$0x10200] =	vst v63  }
0xab: {  	_ =	swait.ge [sflag:s30], $0x4000  }
0xac: {  	[sflag:s30] =	ssyncset.done $0x0  }
0xad: {  	s14 =	rddreg [dreg:$0x8];
	[sflag:s30] =	ssyncadd.s32 $0xFFFFC000  }
0xae: {  	[hbm4b:s14+s1] =	stream.linear.scatter [tilespmem:s25], [sflag:$0x4], $0x4000, $0x38;
	[tilespmem:$0x10200] =	vst v63  }
0xaf: {  	_ =	swait.ge [sflag:s2], $0x4000  }
0xb0: {  	[sflag:s2] =	ssyncset.done $0x0  }
0xb1: {  	s5 =	simm.s32 @!p0 $0x0;
	s6 =	rddreg [dreg:$0x9];
	[sflag:s2] =	ssyncadd.s32 $0xFFFFC000  }
0xb2: {  	[tilespmem:s5], [sflag:$0x5] =	stream.linear.gather @!p0 [hbm4b:s6+s5], $0x80, $0x38;
	[tilespmem:$0x10200] =	vst v63  }
0xb3: {  	s6 =	simm.s32 @!p0 $0x5  }
0xb4: {  	_ =	swait.ge @!p0 [sflag:s6], $0x80  }
0xb5: {  	[sflag:s6] =	ssyncset.done @!p0 $0x0  }
0xb6: {  	s7 =	simm.s32 @!p0 $0x200;
	[sflag:s6] =	ssyncadd.s32 @!p0 $0xFFFFFF80;
	s6 =	simm.s32 @!p0 $0x80  }
0xb7: {  	[tilespmem:s7], [sflag:$0x2] =	stream.indirect.gather @!p0 [hbm4b:s3+s6], $0x80, s5, s6, $0xb8;
	[tilespmem:$0x10200] =	vst v63  }
0xb8: {  	s6 =	simm.s32 @!p0 $0x2  }
0xb9: {  	_ =	swait.ge @!p0 [sflag:s6], $0x4000  }
0xba: {  	[sflag:s6] =	ssyncset.done @!p0 $0x0  }
0xbb: {  	[sflag:s6] =	ssyncadd.s32 @!p0 $0xFFFFC000  }
0xbc: {  	[hbm4b:s12+s5] =	stream.linear.scatter @!p0 [tilespmem:s7], [sflag:$0x4], $0x4000, $0x38;
	[tilespmem:$0x10200] =	vst v63  }
0xbd: {  	s5 =	simm.s32 @!p0 $0x4  }
0xbe: {  	_ =	swait.ge @!p0 [sflag:s5], $0x4000  }
0xbf: {  	s4 =	sadd.s32 $0x1, s4;
	s16 =	rddreg [dreg:$0x2]  }
0xc0: {  	p1 =	sne.s32 s4, s16  }
.Ltmp1:
0xc1: {  	_ = 	snop;
	(pc) =	sbr.rel @p1 .LBB2_1-.Ltmp1, $3  }
0xc2: {  	_ =	sdelay $0x1  }
0xc3: {  	[sflag:s5] =	ssyncset.done @!p0 $0x0  }
0xc4: {  	[sflag:s5] =	ssyncadd.s32 @!p0 $0xFFFFC000  }
0xc5: {  	_ =	sfence.sel $0x180000  }
0xc6: {  	[bflag:$0x0] =	sbarrier.arrive $0xFFFF  }
0xc7: {  	_ =	strace $0x9000004D  }
0xc8: {  	s0 =	stileid.u32;
	[bflag:$0x2] =	sbarrier.arrive $0xFFFF  }
0xc9: {  	p0 =	sne.s32 s0, $0x0;
	s0 =	rddreg [dreg:$0x1]  }
0xca: {  	s0 =	sadd.s32 @!p0 $0x100000, s0  }
0xcb: {  	[sflag:s0] =	ssyncadd.tile.s32 @!p0 $0x1;
	_ =	shalt  }
.Lfunc_end2:
_tile_overlayer_lowered:
.L_overlay_start_2:
0xcc: {  	(tag) =	ssettag $0x2  }
0xcd: {  	s0 =	rddreg [dreg:$0x0];
	s2 =	stileid.u32  }
0xce: {  	s1 =	rddreg [dreg:$0x1];
	p0 =	sne.s32 s2, $0x0  }
0xcf: {  	s3 =	rddreg [dreg:$0x2];
	[bflag:$0x3] =	sbarrier.arrive $0xFFFF;
	s2 =	simm.s32 @!p0 $0x1C04  }
0xd0: {  	[timem:s3], [sflag:s2] =	dma.local @!p0 [hbm:s0], s1  }
0xd1: {  	s0 =	simm.s32 @!p0 $0x4  }
0xd2: {  	_ =	swait.ge @!p0 [sflag:s0], s1  }
0xd3: {  	s1 =	ssub.s32 @!p0 $0x0, s1;
	[sflag:s0] =	ssyncset.done @!p0 $0x0  }
0xd4: {  	[sflag:s0] =	ssyncadd.s32 @!p0 s1  }
0xd5: {  	[bflag:$0x3] =	sbarrier.arrive $0xFFFF  }
0xd6: {  	_ =	shalt  }

// kernel: kernel.19.cloned.1.call-start
scs
__scs_entry_jumppad:
0x0: {  	(pc) =	sbr.rel $0x88, $3  }
0x1: {  	(tag) =	ssettag $0x0;
	lr =	simm.s32 $0x1  }
0x2: {  	[smem:$0x3F90] =	sst lr;
	_ =	strace $0xD0000000  }
0x3: {  	_ = 	snop  }
0x4: {  	_ = 	snop  }
0x5: {  	_ = 	snop  }
0x6: {  	_ = 	snop  }
0x7: {  	_ = 	snop  }
__scs_overlays_trampoline_lowered:
0x8: {  	[smem:$0x3F9F] =	sst s0  }
0x9: {  	[smem:$0x3FA0] =	sst s1  }
0xa: {  	[smem:$0x3FA1] =	sst s2  }
0xb: {  	[smem:$0x3FA2] =	sst s3  }
0xc: {  	[smem:$0x3FA3] =	sst s4  }
0xd: {  	[smem:$0x3FA4] =	sst s5  }
0xe: {  	[smem:$0x3FA5] =	sst s6  }
0xf: {  	[smem:$0x3FA6] =	sst s7  }
0x10: {  	[smem:$0x3FA7] =	sst s8  }
0x11: {  	[smem:$0x3FA8] =	sst s9;
	s0 =	simm.s32 @!p0 $0x0  }
0x12: {  	s1 =	sld [smem:$0x3F8E];
	s0 =	simm.s32 @p0 $0x1  }
0x13: {  	[smem:$0x3FA9] =	sst s0;
	s0 =	simm.s32 @!p1 $0x0  }
0x14: {  	s2 =	sld [smem:$0x3F8D];
	s0 =	simm.s32 @p1 $0x1  }
0x15: {  	[smem:$0x3FAA] =	sst s0;
	s0 =	simm.s32 @!p2 $0x0  }
0x16: {  	s3 =	sld [smem:$0x3FDB];
	s0 =	simm.s32 @p2 $0x1  }
0x17: {  	s4 =	simm.s32 $0x1BF5;
	[smem:$0x3FAC] =	sst s0  }
0x18: {  	s0 =	sld [smem:$0x3F8F];
	_ =	swait.ge [sflag:s4], $0x0  }
0x19: {  	s7 =	sld [smem:$0x3F90]  }
0x1a: {  	s8 =	sadd.s32 $0xFFFFE003, lr  }
0x1b: {  	s9 =	sadd.s32 $0xFFFFFEF7, lr;
	s5 =	simm.s32 $0xFFFFFFFF;
	p2 =	slt.u32 s8, $0xFFFFF086  }
0x1c: {  	p1 =	slt.u32 s9, $0xF7A;
	s5 =	simm.s32 @!p2 $0x0  }
0x1d: {  	s5 =	simm.s32 @p1 $0x1;
	p0 =	seq.s32 s7, s2  }
0x1e: {  	s7 =	smul.u32 @!p0 $0xF7A, s2;
	p2 =	seq.s32 @!p0 s5, $0x0  }
0x1f: {  	s9 =	smul.u32 $0xF7A, s1;
	s8 =	simm.s32 @!p0 $0x1BF5;
	p2 =	por !p2, p0  }
0x20: {  	[sflag:s8] =	ssyncset.s32 @!p0 $0xFFFFF086;
	s6 =	sadd.s32 @!p0 s3, s7;
	s7 =	simm.s32 @!p0 $0x108  }
0x21: {  	s3 =	sadd.s32 s3, s9;
	s6 =	sadd.s32 @!p0 $0x88, s6;
	s7 =	simm.s32 @p2 $0x1082  }
0x22: {  	[simem:s7], [sflag:s8] =	dma.local @!p0 [hbm:s6], $0xF7A  }
0x23: {  	s9 =	sor.u32 $0xD0000000, s2;
	s6 =	simm.s32 $0x108;
	_ =	swait.ge @!p0 [sflag:s8], $0x0  }
0x24: {  	s3 =	sadd.s32 $0x88, s3;
	s6 =	simm.s32 @!p1 $0x1082;
	[sflag:s4] =	ssyncset.s32 $0xFFFFF086  }
0x25: {  	[simem:s6], [sflag:s4] =	dma.local [hbm:s3], $0xF7A  }
0x26: {  	[smem:$0x3F90] =	sst s1;
	(tag) =	ssettag s2;
	_ =	strace s9  }
0x27: {  	s1 =	sld [smem:$0x3FA0]  }
0x28: {  	s2 =	sld [smem:$0x3FA1]  }
0x29: {  	s4 =	sld [smem:$0x3FA3]  }
0x2a: {  	p0 =	seq.s32 s5, $0x0;
	s5 =	sld [smem:$0x3FA4]  }
0x2b: {  	s6 =	sld [smem:$0x3FA5]  }
0x2c: {  	s7 =	sld [smem:$0x3FA6]  }
0x2d: {  	s3 =	simm.s32 $0x108;
	s8 =	sld [smem:$0x3FA7]  }
0x2e: {  	s3 =	simm.s32 @!p0 $0x1082;
	s9 =	sld [smem:$0x3FA8]  }
0x2f: {  	lr =	sadd.s32 s0, s3;
	s0 =	sld [smem:$0x3F9F]  }
0x30: {  	s3 =	sld [smem:$0x3FA2]  }
0x31: {  	[smem:$0x3FAB] =	sst s10  }
0x32: {  	s10 =	sld [smem:$0x3FA9];
	_ =	sdelay $0x3  }
0x33: {  	p0 =	seq.s32 s10, $0x1;
	s10 =	sld [smem:$0x3FAB];
	_ =	sdelay $0x3  }
0x34: {  	[smem:$0x3FAB] =	sst s10  }
0x35: {  	s10 =	sld [smem:$0x3FAA];
	_ =	sdelay $0x3  }
0x36: {  	p1 =	seq.s32 s10, $0x1;
	s10 =	sld [smem:$0x3FAB];
	_ =	sdelay $0x3  }
0x37: {  	[smem:$0x3FAB] =	sst s10  }
0x38: {  	s10 =	sld [smem:$0x3FAC]  }
0x39: {  	_ = 	snop;
	(pc) =	sbr.ind lr, $3  }
0x3a: {  	_ = 	snop  }
0x3b: {  	_ = 	snop  }
0x3c: {  	p2 =	seq.s32 s10, $0x1;
	s10 =	sld [smem:$0x3FAB]  }
0x3d: {  	_ =	shalt  }
0x3e: {  	_ =	shalt  }
0x3f: {  	_ =	shalt  }
0x40: {  	_ =	shalt  }
0x41: {  	_ =	shalt  }
0x42: {  	_ =	shalt  }
0x43: {  	_ =	shalt  }
0x44: {  	_ =	shalt  }
0x45: {  	_ =	shalt  }
0x46: {  	_ =	shalt  }
0x47: {  	_ =	shalt  }
0x48: {  	_ =	shalt  }
0x49: {  	_ =	shalt  }
0x4a: {  	_ =	shalt  }
0x4b: {  	_ =	shalt  }
0x4c: {  	_ =	shalt  }
0x4d: {  	_ =	shalt  }
0x4e: {  	_ =	shalt  }
0x4f: {  	_ =	shalt  }
0x50: {  	_ =	shalt  }
0x51: {  	_ =	shalt  }
0x52: {  	_ =	shalt  }
0x53: {  	_ =	shalt  }
0x54: {  	_ =	shalt  }
0x55: {  	_ =	shalt  }
0x56: {  	_ =	shalt  }
0x57: {  	_ =	shalt  }
0x58: {  	_ =	shalt  }
0x59: {  	_ =	shalt  }
0x5a: {  	_ =	shalt  }
0x5b: {  	_ =	shalt  }
0x5c: {  	_ =	shalt  }
0x5d: {  	_ =	shalt  }
0x5e: {  	_ =	shalt  }
0x5f: {  	_ =	shalt  }
0x60: {  	_ =	shalt  }
0x61: {  	_ =	shalt  }
0x62: {  	_ =	shalt  }
0x63: {  	_ =	shalt  }
0x64: {  	_ =	shalt  }
0x65: {  	_ =	shalt  }
0x66: {  	_ =	shalt  }
0x67: {  	_ =	shalt  }
0x68: {  	_ =	shalt  }
0x69: {  	_ =	shalt  }
0x6a: {  	_ =	shalt  }
0x6b: {  	_ =	shalt  }
0x6c: {  	_ =	shalt  }
0x6d: {  	_ =	shalt  }
0x6e: {  	_ =	shalt  }
0x6f: {  	_ =	shalt  }
0x70: {  	_ =	shalt  }
0x71: {  	_ =	shalt  }
0x72: {  	_ =	shalt  }
0x73: {  	_ =	shalt  }
0x74: {  	_ =	shalt  }
0x75: {  	_ =	shalt  }
0x76: {  	_ =	shalt  }
0x77: {  	_ =	shalt  }
0x78: {  	_ =	shalt  }
0x79: {  	_ =	shalt  }
0x7a: {  	_ =	shalt  }
0x7b: {  	_ =	shalt  }
0x7c: {  	_ =	shalt  }
0x7d: {  	_ =	shalt  }
0x7e: {  	_ =	shalt  }
0x7f: {  	_ =	shalt  }
0x80: {  	_ =	shalt  }
0x81: {  	_ =	shalt  }
0x82: {  	_ =	shalt  }
0x83: {  	_ =	shalt  }
0x84: {  	_ =	shalt  }
0x85: {  	_ =	shalt  }
0x86: {  	_ =	shalt  }
0x87: {  	_ =	shalt  }
.Lfunc_end0:
.L_simem_size_0:
called_computation.3_lowered:
.L_overlay_start_0:
0x88: {  	s2 =	sld [smem:$0x3FD9]  }
0x89: {  	s3 =	sld [smem:$0x3FFE];
	_ =	sdelay $0x1  }
0x8a: {  	s1 =	srdreg.scid  }
0x8b: {  	s0 =	sand.u32 $0x1, s1  }
0x8c: {  	s16 =	sshll.u32 s0, $0xA;
	s2 =	sadd.s32 s3, s2  }
0x8d: {  	s2 =	sadd.s32 s2, s16  }
0x8e: {  	[smem:$0x3FB7] =	sst s2  }
0x8f: {  	_ = 	snop  }
0x90: {  	(tm) =	ssettm $0x1  }
0x91: {  	s17 =	sld [smem:$0x3FFB];
	_ =	sdelay $0x3  }
0x92: {  	_ =	strace s17  }
0x93: {  	s2 =	sld [smem:$0x3FFC];
	_ =	sdelay $0x3  }
0x94: {  	_ =	strace s2  }
0x95: {  	s2 =	sld [smem:$0x3FFD];
	_ =	sdelay $0x3  }
0x96: {  	_ =	strace s2  }
0x97: {  	_ =	strace $0x8FFFFFFF  }
0x98: {  	s18 =	sld [smem:$0x3FDB];
	_ =	sdelay $0x1  }
0x99: {  	s19 =	simm.s32 $_scs_section_size  }
0x9a: {  	s4 =	simm.s32 $_size__tile_overlayer_lowered;
	s5 =	simm.s32 $_tile_overlayer_lowered  }
0x9b: {  	s22 =	simm.s32 $0x1BFF;
	s21 =	sshll.u32 s5, $0x1;
	s2 =	sadd.s32 s19, s18  }
0x9c: {  	s6 =	simm.s32 $0x0;
	s20 =	sshll.u32 s4, $0x1;
	s4 =	sadd.s32 s21, s2  }
0x9d: {  	[timem:s6], [sflag:s22] =	dma.local [hbm:s4], s20  }
0x9e: {  	_ =	swait.ge [sflag:s22], s20  }
0x9f: {  	s3 =	ssub.s32 $0x0, s20;
	[sflag:s22] =	ssyncset.done $0x0  }
0xa0: {  	[sflag:s22] =	ssyncadd.s32 s3;
	_ =	sdelay $0x1  }
0xa1: {  	s23 =	simm.s32 $0x1B8B  }
0xa2: {  	_ =	swait.ge [sflag:s23], $0x1  }
0xa3: {  	[sflag:s23] =	ssyncset.done $0x0  }
0xa4: {  	s25 =	simm.s32 $0x1B8E;
	s24 =	sld [smem:$0x3FFE];
	[sflag:s23] =	ssyncadd.s32 $0xFFFFFFFF  }
0xa5: {  	s26 =	simm.s32 $execute0_lowered;
	[smem:$0x3FD2] =	sst s25  }
0xa6: {  	s4 =	sshll.u32 s26, $0x1;
	_ =	strace $0x8000004F;
	[dreg:$0x1] =	wrdreg $0xFFFFFFFF  }
0xa7: {  	s28 =	simm.s32 $_size_execute0_lowered;
	s2 =	sadd.s32 s2, s4;
	[dreg:$0x0] =	wrdreg $0x0  }
0xa8: {  	s4 =	sshll.u32 s28, $0x1;
	[dreg:$0x2] =	wrdreg s2  }
0xa9: {  	[dreg:$0x3] =	wrdreg s4  }
0xaa: {  	[dreg:$0x4] =	wrdreg $0xC0  }
0xab: {  	_ =	task [dreg:s6], $0x5FFFF  }
0xac: {  	[dreg:$0x1] =	wrdreg $0xFFFFFFFF  }
0xad: {  	[dreg:$0x0] =	wrdreg $0x60  }
0xae: {  	[dreg:$0x2] =	wrdreg s24  }
0xaf: {  	[dreg:$0x3] =	wrdreg $0x81000  }
0xb0: {  	[dreg:$0x4] =	wrdreg $0x9  }
0xb1: {  	_ =	task.clear_ibuf [dreg:s6], $0x5FFFF;
	_ =	strace $0x9000004F  }
0xb2: {  	s29 =	simm.s32 $0x9;
	_ =	strace $0x80000051  }
0xb3: {  	_ =	swait.ge [sflag:s29], $0x1  }
0xb4: {  	[sflag:s29] =	ssyncadd.s32 $0xFFFFFFFF  }
0xb5: {  	_ =	strace $0x90000051  }
0xb6: {  	_ =	sfence  }
0xb7: {  	s30 =	sld [smem:$0x0];
	_ =	sdelay $0x2  }
0xb8: {  	s31 =	sshll.u32 s1, $0xD;
	s1 =	sshrl.u32 s1, $0x2  }
0xb9: {  	s3 =	sand.u32 $0x4000, s31;
	s1 =	sadd.s32 s1, s30  }
0xba: {  	s0 =	sor.u32 s3, s0;
	s1 =	sshll.u32 s1, $0x11  }
0xbb: {  	s0 =	sor.u32 s1, s0  }
0xbc: {  	s0 =	sadd.s32 $0x8F2B, s0  }
0xbd: {  	[sflag:s0] =	ssyncadd.remote.s32 $0x1  }
0xbe: {  	_ =	sfence.sel $0xFFFF  }
0xbf: {  	[dreg:$0x0] =	wrdreg $0xFFFFFFFF;
	(pc) =	sbr.abs _section_cstart, $3  }
0xc0: {  	[dreg:$0x1] =	wrdreg $0xFFFFFFFF  }
0xc1: {  	_ =	task.clear_ibuf [dreg:s6], $0x2FFFF;
	_ =	strace $0x9FFFFFFF  }
0xc2: {  	(tm) =	ssettm $0x7FFFFFFF  }
0xc3: {  	_ =	shalt  }
tec
execute0_lowered:
.L_overlay_start_1:
0x0: {  	(tag) =	ssettag $0x1  }
0x1: {  	s4 =	rddreg [dreg:$0x0]  }
0x2: {  	s2 =	rddreg [dreg:$0x1];
	s3 =	simm.s32 $0x0;
	s0 =	stileid.u32  }
0x3: {  	s5 =	srdreg.scid;
	[smem:$0x7FF] =	sst s3  }
0x4: {  	s6 =	smul.u32 $0x2800, s0;
	s12 =	sand.u32 $0x1, s5;
	s15 =	sadd.s32 $0x761800, s4  }
0x5: {  	s13 =	sadd.s32 $0x9800, s4;
	s8 =	smul.u32 $0x50000, s0;
	s23 =	sshll.u32 s0, $0x1  }
0x6: {  	s25 =	sshll.u32 s0, $0x6;
	s14 =	sshll.u32 s0, $0xC;
	s19 =	sshll.u32 s0, $0x8  }
0x7: {  	s21 =	sshll.u32 s0, $0x5;
	_ =	strace $0x80000050;
	s5 =	smul.u32 $0x28000, s12  }
0x8: {  	s7 =	ssub.s32 $0x2, s12;
	s10 =	sor.u32 s12, s23;
	s17 =	sadd.s32 s14, s15  }
0x9: {  	s18 =	sshll.u32 s12, $0xB;
	s20 =	sshll.u32 s12, $0x7;
	s23 =	simm.s32 $0x3  }
0xa: {  	s22 =	sshrl.u32 s7, $0x1;
	s24 =	sshrl.u32 s8, $0x2;
	s11 =	sor.u32 $0x4C0, s10  }
0xb: {  	s30 =	sor.u32 s20, s19;
	s20 =	simm.s32 $0x4100;
	s5 =	sadd.s32 s6, s5  }
0xc: {  	s6 =	sadd.s32 s6, s4;
	s7 =	ssub.s32 s7, s22;
	s16 =	sadd.s32 s24, s2  }
0xd: {  	s26 =	sshll.u32 s11, $0x4;
	s28 =	sshll.u32 s11, $0xB;
	s24 =	sor.u32 $0x4E0, s10  }
0xe: {  	s22 =	sshll.u32 s12, $0x4;
	s12 =	sadd.s32 s18, s17;
	s17 =	sshrl.u32 s30, $0x3  }
0xf: {  	s18 =	sor.u32 s18, s14;
	s9 =	sadd.s32 s5, s4;
	s4 =	sadd.s32 $0xE800, s6  }
0x10: {  	s5 =	sor.u32 $0x1C04, s25;
	s7 =	smax.u32 s7, $0x1;
	s8 =	sadd.s32 s13, s26  }
0x11: {  	s10 =	sshll.u32 s24, $0x4;
	s29 =	sshll.u32 s24, $0xB;
	s31 =	sor.u32 s22, s21  }
0x12: {  	s16 =	sshrl.u32 s16, $0x3;
	s21 =	simm.s32 $0x1;
	s22 =	simm.s32 $0x2  }
0x13: {  	p0 =	sgt.u32 s24, $0x4E1;
	s24 =	simm.s32 $0x5;
	s25 =	simm.s32 $0x0  }
0x14: {  	s6 =	sadd.s32 $0x84C00, s9;
	s9 =	sadd.s32 s15, s28;
	s10 =	sadd.s32 s13, s10  }
0x15: {  	s11 =	sadd.s32 s15, s29;
	s19 =	sadd.s32 s31, s13;
	s13 =	sadd.s32 s17, s13  }
0x16: {  	s15 =	sadd.s32 s18, s15;
	s17 =	simm.s32 $0x4;
	s18 =	simm.s32 $0x100  }
0x17: {  	s14 =	sadd.s32 $0x200, s19;
	s15 =	sadd.s32 $0x10000, s15;
	s19 =	simm.s32 $0x80  }
.LBB2_1:
0x18: {  	[spmem:s16], [sflag:s5] =	dma.local [hbm:s4], $0x2800  }
0x19: {  	_ =	swait.ge [sflag:s17], $0x2800  }
0x1a: {  	[sflag:s17] =	ssyncset.done $0x0  }
0x1b: {  	[sflag:s17] =	ssyncadd.s32 $0xFFFFD800  }
0x1c: {  	s26 =	sadd.s32 $0x0, s13;
	[bflag:$0x0] =	sbarrier.arrive $0xFFFF  }
0x1d: {  	[tilespmem:s3], [sflag:$0x1] =	stream.linear.gather [hbm4b:s26+s3], $0x80, $0x38;
	[tilespmem:$0x1C100] =	vst v63  }
0x1e: {  	_ = 	snop  }
0x1f: {  	[tilespmem:s18], [sflag:$0x2] =	stream.linear.gather [hbm4b:s12+s3], $0x4000, $0x38;
	[tilespmem:$0x1C100] =	vst v63  }
0x20: {  	s31 =	sadd.s32 $0x0, s14  }
0x21: {  	[tilespmem:s19], [sflag:$0x1] =	stream.linear.gather [hbm4b:s31+s3], $0x80, $0x38;
	[tilespmem:$0x1C100] =	vst v63  }
0x22: {  	_ = 	snop  }
0x23: {  	[tilespmem:s20], [sflag:$0x2] =	stream.linear.gather [hbm4b:s15+s3], $0x4000, $0x38;
	[tilespmem:$0x1C100] =	vst v63  }
0x24: {  	_ =	swait.ge [sflag:s21], $0x80  }
0x25: {  	[sflag:s21] =	ssyncset.done $0x0  }
0x26: {  	[sflag:s21] =	ssyncadd.s32 $0xFFFFFF80  }
0x27: {  	_ =	swait.ge [sflag:s22], $0x4000  }
0x28: {  	[sflag:s22] =	ssyncset.done $0x0  }
0x29: {  	[sflag:s22] =	ssyncadd.s32 $0xFFFFC000  }
0x2a: {  	_ =	swait.ge [sflag:s21], $0x80  }
0x2b: {  	[sflag:s21] =	ssyncset.done $0x0  }
0x2c: {  	[sflag:s21] =	ssyncadd.s32 $0xFFFFFF80  }
0x2d: {  	_ =	swait.ge [sflag:s22], $0x4000  }
0x2e: {  	[sflag:s22] =	ssyncset.done $0x0  }
0x2f: {  	[sflag:s22] =	ssyncadd.s32 $0xFFFFC000  }
0x30: {  	[spmem:s2] =	stream.indirect.scatter.add.f32 [tilespmem:s18], [sflag:$0x3], $0x80, s3, s19, $0xb8;
	[tilespmem:$0x1C100] =	vst v63  }
0x31: {  	_ = 	snop  }
0x32: {  	[spmem:s2] =	stream.indirect.scatter.add.f32 [tilespmem:s20], [sflag:$0x3], $0x80, s19, s19, $0xb8;
	[tilespmem:$0x1C100] =	vst v63  }
0x33: {  	_ =	swait.ge [sflag:s23], $0x4000  }
0x34: {  	[sflag:s23] =	ssyncset.done $0x0  }
0x35: {  	[sflag:s23] =	ssyncadd.s32 $0xFFFFC000  }
0x36: {  	s30 =	simm.s32 $0x800;
	s29 =	sadd.s32 $0x20000, s12;
	_ =	swait.ge [sflag:s23], $0x4000  }
0x37: {  	s28 =	sadd.s32 $0x20000, s15;
	s26 =	simm.s32 $0x400;
	[sflag:s23] =	ssyncset.done $0x0  }
.LBB2_2:
0x38: {  	s31 =	sadd.s32 s26, s13  }
0x39: {  	[sflag:s23] =	ssyncadd.s32 $0xFFFFC000;
	s0 =	smov.u32 s30;
	s1 =	sadd.s32 $0x400, s30  }
0x3a: {  	[tilespmem:s3], [sflag:$0x1] =	stream.linear.gather [hbm4b:s31+s3], $0x80, $0x38;
	[tilespmem:$0x1C100] =	vst v63  }
0x3b: {  	p1 =	sne.s32 s30, $0x4800  }
0x3c: {  	[tilespmem:s18], [sflag:$0x2] =	stream.linear.gather [hbm4b:s29+s3], $0x4000, $0x38;
	[tilespmem:$0x1C100] =	vst v63  }
0x3d: {  	s30 =	sadd.s32 s26, s14;
	s26 =	smov.u32 s0  }
0x3e: {  	[tilespmem:s19], [sflag:$0x1] =	stream.linear.gather [hbm4b:s30+s3], $0x80, $0x38;
	[tilespmem:$0x1C100] =	vst v63  }
0x3f: {  	_ = 	snop  }
0x40: {  	[tilespmem:s20], [sflag:$0x2] =	stream.linear.gather [hbm4b:s28+s3], $0x4000, $0x38;
	[tilespmem:$0x1C100] =	vst v63  }
0x41: {  	_ =	swait.ge [sflag:s21], $0x80  }
0x42: {  	[sflag:s21] =	ssyncset.done $0x0  }
0x43: {  	[sflag:s21] =	ssyncadd.s32 $0xFFFFFF80  }
0x44: {  	_ =	swait.ge [sflag:s22], $0x4000  }
0x45: {  	[sflag:s22] =	ssyncset.done $0x0  }
0x46: {  	[sflag:s22] =	ssyncadd.s32 $0xFFFFC000  }
0x47: {  	_ =	swait.ge [sflag:s21], $0x80  }
0x48: {  	[sflag:s21] =	ssyncset.done $0x0  }
0x49: {  	[sflag:s21] =	ssyncadd.s32 $0xFFFFFF80  }
0x4a: {  	_ =	swait.ge [sflag:s22], $0x4000  }
0x4b: {  	[sflag:s22] =	ssyncset.done $0x0  }
0x4c: {  	[sflag:s22] =	ssyncadd.s32 $0xFFFFC000  }
0x4d: {  	[spmem:s2] =	stream.indirect.scatter.add.f32 [tilespmem:s18], [sflag:$0x3], $0x80, s3, s19, $0xb8;
	[tilespmem:$0x1C100] =	vst v63  }
0x4e: {  	_ = 	snop  }
0x4f: {  	[spmem:s2] =	stream.indirect.scatter.add.f32 [tilespmem:s20], [sflag:$0x3], $0x80, s19, s19, $0xb8;
	[tilespmem:$0x1C100] =	vst v63  }
.Ltmp0:
0x50: {  	_ =	swait.ge [sflag:s23], $0x4000;
	(pc) =	sbr.rel @p1 .LBB2_2-.Ltmp0, $4  }
0x51: {  	[sflag:s23] =	ssyncset.done $0x0  }
0x52: {  	[sflag:s23] =	ssyncadd.s32 $0xFFFFC000  }
0x53: {  	s29 =	sadd.s32 $0x20000, s29;
	_ =	swait.ge [sflag:s23], $0x4000  }
0x54: {  	s30 =	smov.u32 s1;
	s28 =	sadd.s32 $0x20000, s28;
	[sflag:s23] =	ssyncset.done $0x0  }
0x55: {  	s0 =	sadd.s32 s26, s13;
	[sflag:s23] =	ssyncadd.s32 $0xFFFFC000  }
0x56: {  	[tilespmem:s3], [sflag:$0x1] =	stream.linear.gather [hbm4b:s0+s3], $0x80, $0x38;
	[tilespmem:$0x1C100] =	vst v63  }
0x57: {  	_ = 	snop  }
0x58: {  	[tilespmem:s18], [sflag:$0x2] =	stream.linear.gather [hbm4b:s29+s3], $0x4000, $0x38;
	[tilespmem:$0x1C100] =	vst v63  }
0x59: {  	s31 =	sadd.s32 s26, s14  }
0x5a: {  	[tilespmem:s19], [sflag:$0x1] =	stream.linear.gather [hbm4b:s31+s3], $0x80, $0x38;
	[tilespmem:$0x1C100] =	vst v63  }
0x5b: {  	_ = 	snop  }
0x5c: {  	[tilespmem:s20], [sflag:$0x2] =	stream.linear.gather [hbm4b:s28+s3], $0x4000, $0x38;
	[tilespmem:$0x1C100] =	vst v63  }
0x5d: {  	_ =	swait.ge [sflag:s21], $0x80  }
0x5e: {  	[sflag:s21] =	ssyncset.done $0x0  }
0x5f: {  	[sflag:s21] =	ssyncadd.s32 $0xFFFFFF80  }
0x60: {  	_ =	swait.ge [sflag:s22], $0x4000  }
0x61: {  	[sflag:s22] =	ssyncset.done $0x0  }
0x62: {  	[sflag:s22] =	ssyncadd.s32 $0xFFFFC000  }
0x63: {  	_ =	swait.ge [sflag:s21], $0x80  }
0x64: {  	[sflag:s21] =	ssyncset.done $0x0  }
0x65: {  	[sflag:s21] =	ssyncadd.s32 $0xFFFFFF80  }
0x66: {  	_ =	swait.ge [sflag:s22], $0x4000  }
0x67: {  	[sflag:s22] =	ssyncset.done $0x0  }
0x68: {  	[sflag:s22] =	ssyncadd.s32 $0xFFFFC000  }
0x69: {  	[spmem:s2] =	stream.indirect.scatter.add.f32 [tilespmem:s18], [sflag:$0x3], $0x80, s3, s19, $0xb8;
	[tilespmem:$0x1C100] =	vst v63  }
0x6a: {  	_ = 	snop  }
0x6b: {  	[spmem:s2] =	stream.indirect.scatter.add.f32 [tilespmem:s20], [sflag:$0x3], $0x80, s19, s19, $0xb8;
	[tilespmem:$0x1C100] =	vst v63  }
0x6c: {  	_ =	swait.ge [sflag:s23], $0x4000  }
0x6d: {  	[sflag:s23] =	ssyncset.done $0x0  }
0x6e: {  	[sflag:s23] =	ssyncadd.s32 $0xFFFFC000  }
0x6f: {  	_ =	swait.ge [sflag:s23], $0x4000  }
0x70: {  	[sflag:s23] =	ssyncset.done $0x0  }
0x71: {  	[sflag:s23] =	ssyncadd.s32 $0xFFFFC000  }
0x72: {  	[tilespmem:s3], [sflag:$0x5] =	stream.linear.gather [hbm4b:s8+s3], $0x80, $0x38;
	[tilespmem:$0x1C100] =	vst v63  }
0x73: {  	_ =	swait.ge [sflag:s24], $0x80  }
0x74: {  	[sflag:s24] =	ssyncset.done $0x0  }
0x75: {  	[sflag:s24] =	ssyncadd.s32 $0xFFFFFF80  }
0x76: {  	[tilespmem:s18], [sflag:$0x5] =	stream.linear.gather [hbm4b:s9+s3], $0x4000, $0x38;
	[tilespmem:$0x1C100] =	vst v63  }
0x77: {  	_ =	swait.ge [sflag:s24], $0x4000  }
0x78: {  	[sflag:s24] =	ssyncset.done $0x0  }
0x79: {  	[sflag:s24] =	ssyncadd.s32 $0xFFFFC000  }
0x7a: {  	[spmem:s2] =	stream.indirect.scatter.add.f32 [tilespmem:s18], [sflag:$0x4], $0x80, s3, s19, $0xb8;
	[tilespmem:$0x1C100] =	vst v63  }
0x7b: {  	_ =	swait.ge [sflag:s17], $0x4000  }
0x7c: {  	[sflag:s17] =	ssyncset.done $0x0  }
0x7d: {  	s1 =	simm.s32 @!p0 $0x5;
	s0 =	simm.s32 @!p0 $0x0;
	[sflag:s17] =	ssyncadd.s32 $0xFFFFC000  }
0x7e: {  	[tilespmem:s0], [sflag:$0x5] =	stream.linear.gather @!p0 [hbm4b:s10+s0], $0x80, $0x38;
	[tilespmem:$0x1C100] =	vst v63  }
0x7f: {  	_ =	swait.ge @!p0 [sflag:s1], $0x80  }
0x80: {  	[sflag:s1] =	ssyncset.done @!p0 $0x0  }
0x81: {  	s26 =	simm.s32 @!p0 $0x100;
	[sflag:s1] =	ssyncadd.s32 @!p0 $0xFFFFFF80  }
0x82: {  	[tilespmem:s26], [sflag:$0x5] =	stream.linear.gather @!p0 [hbm4b:s11+s0], $0x4000, $0x38;
	[tilespmem:$0x1C100] =	vst v63  }
0x83: {  	_ =	swait.ge @!p0 [sflag:s1], $0x4000  }
0x84: {  	[sflag:s1] =	ssyncset.done @!p0 $0x0  }
0x85: {  	[sflag:s1] =	ssyncadd.s32 @!p0 $0xFFFFC000;
	s1 =	simm.s32 @!p0 $0x80  }
0x86: {  	[spmem:s2] =	stream.indirect.scatter.add.f32 @!p0 [tilespmem:s26], [sflag:$0x4], $0x80, s0, s1, $0xb8;
	[tilespmem:$0x1C100] =	vst v63  }
0x87: {  	s0 =	simm.s32 @!p0 $0x4  }
0x88: {  	_ =	swait.ge @!p0 [sflag:s0], $0x4000  }
0x89: {  	s25 =	sadd.s32 $0x1, s25;
	[sflag:s0] =	ssyncset.done @!p0 $0x0  }
0x8a: {  	p1 =	sne.s32 s25, s7;
	[sflag:s0] =	ssyncadd.s32 @!p0 $0xFFFFC000  }
.Ltmp1:
0x8b: {  	[bflag:$0x0] =	sbarrier.arrive $0xFFFF;
	(pc) =	sbr.rel @p1 .LBB2_1-.Ltmp1, $4  }
0x8c: {  	[hbm:s6], [sflag:s5] =	dma.local [spmem:s16], $0x2800  }
0x8d: {  	_ =	swait.ge [sflag:s17], $0x2800  }
0x8e: {  	[sflag:s17] =	ssyncset.done $0x0  }
0x8f: {  	[sflag:s17] =	ssyncadd.s32 $0xFFFFD800  }
0x90: {  	_ =	sfence.sel $0x180000  }
0x91: {  	[bflag:$0x0] =	sbarrier.arrive $0xFFFF  }
0x92: {  	_ =	strace $0x90000050  }
0x93: {  	s0 =	stileid.u32;
	[bflag:$0x2] =	sbarrier.arrive $0xFFFF  }
0x94: {  	p0 =	sne.s32 s0, $0x0;
	s0 =	rddreg [dreg:$0x2]  }
0x95: {  	s0 =	sadd.s32 @!p0 $0x100000, s0  }
0x96: {  	[sflag:s0] =	ssyncadd.tile.s32 @!p0 $0x1;
	_ =	shalt  }
.Lfunc_end2:
_tile_overlayer_lowered:
.L_overlay_start_2:
0x97: {  	(tag) =	ssettag $0x2  }
0x98: {  	s0 =	rddreg [dreg:$0x0];
	s2 =	stileid.u32  }
0x99: {  	s1 =	rddreg [dreg:$0x1];
	p0 =	sne.s32 s2, $0x0  }
0x9a: {  	s3 =	rddreg [dreg:$0x2];
	[bflag:$0x3] =	sbarrier.arrive $0xFFFF;
	s2 =	simm.s32 @!p0 $0x1C04  }
0x9b: {  	[timem:s3], [sflag:s2] =	dma.local @!p0 [hbm:s0], s1  }
0x9c: {  	s0 =	simm.s32 @!p0 $0x4  }
0x9d: {  	_ =	swait.ge @!p0 [sflag:s0], s1  }
0x9e: {  	s1 =	ssub.s32 @!p0 $0x0, s1;
	[sflag:s0] =	ssyncset.done @!p0 $0x0  }
0x9f: {  	[sflag:s0] =	ssyncadd.s32 @!p0 s1  }
0xa0: {  	[bflag:$0x3] =	sbarrier.arrive $0xFFFF  }
0xa1: {  	_ =	shalt  }

</sc_bundles>
